<compile_context>
chip_gen: v7x
topology: tpu7x:2x2x1
jax: 0.10.2.dev20260603
libtpu: 0.0.44.dev20260713+nightly
codegen_flags: <defaults>
</compile_context>

<pallas_src>
import functools

import jax
import jax.numpy as jnp
from jax import lax
from jax.experimental import pallas as pl
from jax.experimental.pallas import tpu as pltpu
from jax.experimental.pallas import tpu_sc as plsc

FUDGE = 1e-07

B = 320000
D = 128
DW = D // 2
NC = 2
NS = 16
L = 16
NW = NC * NS
BPW = B // NW
G = 80
NSTEPS = BPW // G
QOFFS = (0, 16, 32, 48, 64)


def _dots_for_chunk(s_ref, d_ref, out_ref, out_base):
    row_iota = lax.iota(jnp.int32, L)
    one = jnp.full((L,), 1.0, dtype=jnp.float32)
    scale = jnp.full((L,), 1.0 - 2.0 * FUDGE, dtype=jnp.float32)
    fudge = jnp.full((L,), FUDGE, dtype=jnp.float32)
    for q in QOFFS:
        rows = row_iota + q

        def dbody(t, carry):
            acc0, acc1, cols = carry
            for _ in range(8):
                sv = plsc.load_gather(s_ref, [rows, cols])
                dv = plsc.load_gather(d_ref, [rows, cols])
                p = plsc.bitcast(sv, jnp.bfloat16) * plsc.bitcast(
                    dv, jnp.bfloat16)
                p0, p1 = plsc.unpack(p, format=plsc.PackFormat.INTERLEAVED)
                acc0 = acc0 + p0
                acc1 = acc1 + p1
                cols = jnp.bitwise_and(cols + 1, DW - 1)
            return acc0, acc1, cols

        acc0, acc1, _ = lax.fori_loop(
            0, DW // 8, dbody,
            (jnp.zeros((L,), dtype=jnp.float32),
             jnp.zeros((L,), dtype=jnp.float32), row_iota),
        )
        acc = acc0 + acc1
        sig = one / (one + jnp.exp(-acc))
        out_ref[pl.ds(out_base + q, L)] = (sig + fudge) * scale


def _decode_kernel(z_hbm, sidx_hbm, didx_hbm, out_hbm,
                   z_sp, siA, diA, siB, diB, sA, dA, sB, dB, out_v,
                   sem_ia, sem_ib, sem_sa, sem_da, sem_sb, sem_db):
    sid = lax.axis_index("s")
    wid = sid * NC + lax.axis_index("c")

    @pl.when(sid < 10)
    def _():
        pltpu.sync_copy(z_hbm.at[pl.ds(sid * 1000, 1000)],
                        z_sp.at[pl.ds(sid * 1000, 1000)])

    def start_idx(g, si_b, di_b, sem):
        pltpu.make_async_copy(sidx_hbm.at[wid, g], si_b, sem).start()
        pltpu.make_async_copy(didx_hbm.at[wid, g], di_b, sem).start()

    def wait_idx(g, si_b, di_b, sem):
        pltpu.make_async_copy(sidx_hbm.at[wid, g], si_b, sem).wait()
        pltpu.make_async_copy(didx_hbm.at[wid, g], di_b, sem).wait()

    def start_rows(si_b, di_b, s_buf, d_buf, s_sem, d_sem):
        pltpu.make_async_copy(z_sp.at[si_b], s_buf, s_sem).start()
        pltpu.make_async_copy(z_sp.at[di_b], d_buf, d_sem).start()

    def wait_rows(si_b, di_b, s_buf, d_buf, s_sem, d_sem):
        pltpu.make_async_copy(z_sp.at[si_b], s_buf, s_sem).wait()
        pltpu.make_async_copy(z_sp.at[di_b], d_buf, d_sem).wait()

    start_idx(0, siA, diA, sem_ia)
    start_idx(1, siB, diB, sem_ib)

    plsc.subcore_barrier()

    wait_idx(0, siA, diA, sem_ia)
    start_rows(siA, diA, sA, dA, sem_sa, sem_da)

    def gbody(t, carry):
        gA = t * 2
        gB = gA + 1

        wait_rows(siA, diA, sA, dA, sem_sa, sem_da)

        @pl.when(gA + 2 < NSTEPS)
        def _():
            start_idx(gA + 2, siA, diA, sem_ia)

        wait_idx(gB, siB, diB, sem_ib)
        start_rows(siB, diB, sB, dB, sem_sb, sem_db)
        _dots_for_chunk(sA, dA, out_v, gA * G)

        wait_rows(siB, diB, sB, dB, sem_sb, sem_db)

        @pl.when(gB + 2 < NSTEPS)
        def _():
            start_idx(gB + 2, siB, diB, sem_ib)

        @pl.when(gA + 2 < NSTEPS)
        def _():
            wait_idx(gA + 2, siA, diA, sem_ia)
            start_rows(siA, diA, sA, dA, sem_sa, sem_da)

        _dots_for_chunk(sB, dB, out_v, gB * G)
        return carry

    lax.fori_loop(0, NSTEPS // 2, gbody, 0)

    wait_rows(siA, diA, sA, dA, sem_sa, sem_da)
    _dots_for_chunk(sA, dA, out_v, (NSTEPS - 1) * G)

    pltpu.sync_copy(out_v, out_hbm.at[wid])


@jax.jit
def _decode(z32, sidx, didx):
    mesh = plsc.VectorSubcoreMesh(
        core_axis_name="c", subcore_axis_name="s",
        num_cores=NC, num_subcores=NS,
    )
    f = pl.kernel(
        _decode_kernel,
        out_type=jax.ShapeDtypeStruct((NW, BPW), jnp.float32),
        mesh=mesh,
        scratch_types=[
            pltpu.VMEM_SHARED((10000, DW), jnp.int32),
            pltpu.VMEM((G,), jnp.int32),
            pltpu.VMEM((G,), jnp.int32),
            pltpu.VMEM((G,), jnp.int32),
            pltpu.VMEM((G,), jnp.int32),
            pltpu.VMEM((G, DW), jnp.int32),
            pltpu.VMEM((G, DW), jnp.int32),
            pltpu.VMEM((G, DW), jnp.int32),
            pltpu.VMEM((G, DW), jnp.int32),
            pltpu.VMEM((BPW,), jnp.float32),
            pltpu.SemaphoreType.DMA,
            pltpu.SemaphoreType.DMA,
            pltpu.SemaphoreType.DMA,
            pltpu.SemaphoreType.DMA,
            pltpu.SemaphoreType.DMA,
            pltpu.SemaphoreType.DMA,
        ],
        compiler_params=pltpu.CompilerParams(
            needs_layout_passes=False, use_tc_tiling_on_sc=False,
        ),
    )
    return f(z32, sidx, didx)


def kernel(z, rand_inds):
    z32 = lax.bitcast_convert_type(
        z.astype(jnp.bfloat16).reshape(10000, DW, 2), jnp.int32
    )
    ri = rand_inds.astype(jnp.int32)
    sidx = ri[0].reshape(NW, NSTEPS, G)
    didx = ri[1].reshape(NW, NSTEPS, G)
    out = _decode(z32, sidx, didx)
    return out.reshape(B)

# --- scband reference (transcript-rebuilt; emitter-appended) ---
"""Pipeline reference for scband-inner-product-decoder-52364241273312 (READ-ONLY COPY).

The authoritative reference and input builder live on the scoring server;
editing this copy changes nothing except your own understanding.
"""

import jax, jax.numpy as jnp
import numpy as np

FUDGE = 1e-07

def setup_inputs(seed: int = 0) -> dict:
    key = jax.random.key(seed)
    k1, k2 = jax.random.split(key)
    z = jax.random.normal(k1, (10000, 128), dtype=jnp.float32)
    rand_inds = jax.random.randint(k2, (2, 320000), 0, 10000, dtype=jnp.int64)
    return {"z": z, "rand_inds": rand_inds}

def reference(z, rand_inds):
    # gather rows for src and dst of each sampled pair
    src = jnp.take(z, rand_inds[0], axis=0)
    dst = jnp.take(z, rand_inds[1], axis=0)
    s = jnp.sum(src * dst, axis=1)
    return (jax.nn.sigmoid(s) + FUDGE) * (1.0 - 2.0 * FUDGE)

if __name__ == "__main__":
    import jax
    _d = setup_inputs()
    print(jax.jit(kernel)(*tuple(_d.values())))

</pallas_src>

<mosaic_0001>
#map = affine_map<(d0, d1) -> (0, 0)>
#map1 = affine_map<(d0, d1) -> (0, 0, 0)>
module attributes {stable_mosaic.version = 14 : i64} {
  func.func @_decode_kernel(%arg0: i32, %arg1: i32, %arg2: memref<10000x64xi32, #tpu.memory_space<hbm>>, %arg3: memref<32x125x80xi32, #tpu.memory_space<hbm>>, %arg4: memref<32x125x80xi32, #tpu.memory_space<hbm>>, %arg5: memref<32x10000xf32, #tpu.memory_space<hbm>>, %arg6: memref<10000x64xi32, #tpu.memory_space<vmem_shared>>, %arg7: memref<80xi32, #tpu.memory_space<vmem>>, %arg8: memref<80xi32, #tpu.memory_space<vmem>>, %arg9: memref<80xi32, #tpu.memory_space<vmem>>, %arg10: memref<80xi32, #tpu.memory_space<vmem>>, %arg11: memref<80x64xi32, #tpu.memory_space<vmem>>, %arg12: memref<80x64xi32, #tpu.memory_space<vmem>>, %arg13: memref<80x64xi32, #tpu.memory_space<vmem>>, %arg14: memref<80x64xi32, #tpu.memory_space<vmem>>, %arg15: memref<10000xf32, #tpu.memory_space<vmem>>, %arg16: memref<!tpu.dma_semaphore, #tpu.memory_space<semaphore_mem>>, %arg17: memref<!tpu.dma_semaphore, #tpu.memory_space<semaphore_mem>>, %arg18: memref<!tpu.dma_semaphore, #tpu.memory_space<semaphore_mem>>, %arg19: memref<!tpu.dma_semaphore, #tpu.memory_space<semaphore_mem>>, %arg20: memref<!tpu.dma_semaphore, #tpu.memory_space<semaphore_mem>>, %arg21: memref<!tpu.dma_semaphore, #tpu.memory_space<semaphore_mem>>) attributes {dimension_semantics = [#tpu.dimension_semantics<core_parallel>, #tpu.dimension_semantics<subcore_parallel>], iteration_bounds = array<i64: 2, 16>, scalar_prefetch = 0 : i64, scratch_operands = 16 : i64, tpu.core_type = #tpu.core_type<sc_vector_subcore>, window_params = [{transform_indices = #map}, {transform_indices = #map1}, {transform_indices = #map1}, {transform_indices = #map}]} {
    %mul3A = arith.constant 2 : i32
    %mul3A_0 = arith.muli %arg1, %mul3A : i32
    %add3A = arith.addi %mul3A_0, %arg0 : i32
    %lt3A = arith.constant 10 : i32
    %lt3A_1 = arith.cmpi slt, %arg1, %lt3A : i32
    %convert_element_type3A = arith.extui %lt3A_1 : i1 to i32
    %cond3A = arith.constant 0 : i32
    %cond3A_2 = arith.cmpi ne, %convert_element_type3A, %cond3A : i32
    scf.if %cond3A_2 {
      %mul3A_181 = arith.constant 1000 : i32
      %mul3A_182 = arith.muli %arg1, %mul3A_181 : i32
      %mul3A_183 = arith.constant 1000 : i32
      %mul3A_184 = arith.muli %arg1, %mul3A_183 : i32
      "tpu.region"() ({
        %run_scoped3A = tpu.sem_alloc : memref<!tpu.dma_semaphore, #tpu.memory_space<semaphore_mem>>
        %dma_start3A_185 = arith.constant 0 : i32
        %dma_start3A_186 = tpu.memref_slice %arg6[%mul3A_184, %dma_start3A_185] : memref<10000x64xi32, #tpu.memory_space<vmem_shared>> -> memref<1000x64xi32, #tpu.memory_space<vmem_shared>>
        %dma_start3A_187 = arith.constant 0 : i32
        %dma_start3A_188 = tpu.memref_slice %arg2[%mul3A_182, %dma_start3A_187] : memref<10000x64xi32, #tpu.memory_space<hbm>> -> memref<1000x64xi32, #tpu.memory_space<hbm>>
        tpu.enqueue_dma source(%dma_start3A_188 : memref<1000x64xi32, #tpu.memory_space<hbm>>) target(%dma_start3A_186 : memref<1000x64xi32, #tpu.memory_space<vmem_shared>>) target_semaphore(%run_scoped3A : memref<!tpu.dma_semaphore, #tpu.memory_space<semaphore_mem>>)
        %dma_wait3A_189 = arith.constant 0 : i32
        %dma_wait3A_190 = tpu.memref_slice %arg6[%mul3A_184, %dma_wait3A_189] : memref<10000x64xi32, #tpu.memory_space<vmem_shared>> -> memref<1000x64xi32, #tpu.memory_space<vmem_shared>>
        %dma_wait3A_191 = arith.constant 0 : i32
        %dma_wait3A_192 = tpu.memref_slice %arg2[%mul3A_182, %dma_wait3A_191] : memref<10000x64xi32, #tpu.memory_space<hbm>> -> memref<1000x64xi32, #tpu.memory_space<hbm>>
        tpu.wait_dma2 semaphore(%run_scoped3A : memref<!tpu.dma_semaphore, #tpu.memory_space<semaphore_mem>>) src(%dma_wait3A_192 : memref<1000x64xi32, #tpu.memory_space<hbm>>) dst(%dma_wait3A_190 : memref<1000x64xi32, #tpu.memory_space<vmem_shared>>)
        tpu.yield
      }) : () -> ()
    } else {
    }
    %dma_start3A = arith.constant 0 : i32
    %dma_start3A_3 = arith.constant 0 : i32
    %dma_start3A_4 = tpu.memref_slice %arg3[%add3A, %dma_start3A, %dma_start3A_3] : memref<32x125x80xi32, #tpu.memory_space<hbm>> -> memref<1x1x80xi32, #tpu.memory_space<hbm>>
    %dma_start3A_5 = tpu.memref_squeeze %dma_start3A_4 : memref<1x1x80xi32, #tpu.memory_space<hbm>> -> memref<80xi32, #tpu.memory_space<hbm>>
    %dma_start3A_6 = arith.constant 0 : i32
    %dma_start3A_7 = tpu.memref_slice %arg3[%add3A, %dma_start3A, %dma_start3A_6] : memref<32x125x80xi32, #tpu.memory_space<hbm>> -> memref<1x1x80xi32, #tpu.memory_space<hbm>>
    %dma_start3A_8 = tpu.memref_squeeze %dma_start3A_7 : memref<1x1x80xi32, #tpu.memory_space<hbm>> -> memref<80xi32, #tpu.memory_space<hbm>>
    tpu.enqueue_dma source(%dma_start3A_8 : memref<80xi32, #tpu.memory_space<hbm>>) target(%arg7 : memref<80xi32, #tpu.memory_space<vmem>>) target_semaphore(%arg16 : memref<!tpu.dma_semaphore, #tpu.memory_space<semaphore_mem>>)
    %dma_start3A_9 = arith.constant 0 : i32
    %dma_start3A_10 = arith.constant 0 : i32
    %dma_start3A_11 = tpu.memref_slice %arg4[%add3A, %dma_start3A_9, %dma_start3A_10] : memref<32x125x80xi32, #tpu.memory_space<hbm>> -> memref<1x1x80xi32, #tpu.memory_space<hbm>>
    %dma_start3A_12 = tpu.memref_squeeze %dma_start3A_11 : memref<1x1x80xi32, #tpu.memory_space<hbm>> -> memref<80xi32, #tpu.memory_space<hbm>>
    %dma_start3A_13 = arith.constant 0 : i32
    %dma_start3A_14 = tpu.memref_slice %arg4[%add3A, %dma_start3A_9, %dma_start3A_13] : memref<32x125x80xi32, #tpu.memory_space<hbm>> -> memref<1x1x80xi32, #tpu.memory_space<hbm>>
    %dma_start3A_15 = tpu.memref_squeeze %dma_start3A_14 : memref<1x1x80xi32, #tpu.memory_space<hbm>> -> memref<80xi32, #tpu.memory_space<hbm>>
    tpu.enqueue_dma source(%dma_start3A_15 : memref<80xi32, #tpu.memory_space<hbm>>) target(%arg8 : memref<80xi32, #tpu.memory_space<vmem>>) target_semaphore(%arg16 : memref<!tpu.dma_semaphore, #tpu.memory_space<semaphore_mem>>)
    %dma_start3A_16 = arith.constant 1 : i32
    %dma_start3A_17 = arith.constant 0 : i32
    %dma_start3A_18 = tpu.memref_slice %arg3[%add3A, %dma_start3A_16, %dma_start3A_17] : memref<32x125x80xi32, #tpu.memory_space<hbm>> -> memref<1x1x80xi32, #tpu.memory_space<hbm>>
    %dma_start3A_19 = tpu.memref_squeeze %dma_start3A_18 : memref<1x1x80xi32, #tpu.memory_space<hbm>> -> memref<80xi32, #tpu.memory_space<hbm>>
    %dma_start3A_20 = arith.constant 0 : i32
    %dma_start3A_21 = tpu.memref_slice %arg3[%add3A, %dma_start3A_16, %dma_start3A_20] : memref<32x125x80xi32, #tpu.memory_space<hbm>> -> memref<1x1x80xi32, #tpu.memory_space<hbm>>
    %dma_start3A_22 = tpu.memref_squeeze %dma_start3A_21 : memref<1x1x80xi32, #tpu.memory_space<hbm>> -> memref<80xi32, #tpu.memory_space<hbm>>
    tpu.enqueue_dma source(%dma_start3A_22 : memref<80xi32, #tpu.memory_space<hbm>>) target(%arg9 : memref<80xi32, #tpu.memory_space<vmem>>) target_semaphore(%arg17 : memref<!tpu.dma_semaphore, #tpu.memory_space<semaphore_mem>>)
    %dma_start3A_23 = arith.constant 1 : i32
    %dma_start3A_24 = arith.constant 0 : i32
    %dma_start3A_25 = tpu.memref_slice %arg4[%add3A, %dma_start3A_23, %dma_start3A_24] : memref<32x125x80xi32, #tpu.memory_space<hbm>> -> memref<1x1x80xi32, #tpu.memory_space<hbm>>
    %dma_start3A_26 = tpu.memref_squeeze %dma_start3A_25 : memref<1x1x80xi32, #tpu.memory_space<hbm>> -> memref<80xi32, #tpu.memory_space<hbm>>
    %dma_start3A_27 = arith.constant 0 : i32
    %dma_start3A_28 = tpu.memref_slice %arg4[%add3A, %dma_start3A_23, %dma_start3A_27] : memref<32x125x80xi32, #tpu.memory_space<hbm>> -> memref<1x1x80xi32, #tpu.memory_space<hbm>>
    %dma_start3A_29 = tpu.memref_squeeze %dma_start3A_28 : memref<1x1x80xi32, #tpu.memory_space<hbm>> -> memref<80xi32, #tpu.memory_space<hbm>>
    tpu.enqueue_dma source(%dma_start3A_29 : memref<80xi32, #tpu.memory_space<hbm>>) target(%arg10 : memref<80xi32, #tpu.memory_space<vmem>>) target_semaphore(%arg17 : memref<!tpu.dma_semaphore, #tpu.memory_space<semaphore_mem>>)
    %barrier3A = arith.constant 0 : index
    tpu.barrier barrier_id(%barrier3A)
    %dma_wait3A = arith.constant 0 : i32
    %dma_wait3A_30 = arith.constant 0 : i32
    %dma_wait3A_31 = tpu.memref_slice %arg3[%add3A, %dma_wait3A, %dma_wait3A_30] : memref<32x125x80xi32, #tpu.memory_space<hbm>> -> memref<1x1x80xi32, #tpu.memory_space<hbm>>
    %dma_wait3A_32 = tpu.memref_squeeze %dma_wait3A_31 : memref<1x1x80xi32, #tpu.memory_space<hbm>> -> memref<80xi32, #tpu.memory_space<hbm>>
    %dma_wait3A_33 = arith.constant 0 : i32
    %dma_wait3A_34 = tpu.memref_slice %arg3[%add3A, %dma_wait3A, %dma_wait3A_33] : memref<32x125x80xi32, #tpu.memory_space<hbm>> -> memref<1x1x80xi32, #tpu.memory_space<hbm>>
    %dma_wait3A_35 = tpu.memref_squeeze %dma_wait3A_34 : memref<1x1x80xi32, #tpu.memory_space<hbm>> -> memref<80xi32, #tpu.memory_space<hbm>>
    tpu.wait_dma2 semaphore(%arg16 : memref<!tpu.dma_semaphore, #tpu.memory_space<semaphore_mem>>) src(%dma_wait3A_35 : memref<80xi32, #tpu.memory_space<hbm>>) dst(%arg7 : memref<80xi32, #tpu.memory_space<vmem>>)
    %dma_wait3A_36 = arith.constant 0 : i32
    %dma_wait3A_37 = arith.constant 0 : i32
    %dma_wait3A_38 = tpu.memref_slice %arg4[%add3A, %dma_wait3A_36, %dma_wait3A_37] : memref<32x125x80xi32, #tpu.memory_space<hbm>> -> memref<1x1x80xi32, #tpu.memory_space<hbm>>
    %dma_wait3A_39 = tpu.memref_squeeze %dma_wait3A_38 : memref<1x1x80xi32, #tpu.memory_space<hbm>> -> memref<80xi32, #tpu.memory_space<hbm>>
    %dma_wait3A_40 = arith.constant 0 : i32
    %dma_wait3A_41 = tpu.memref_slice %arg4[%add3A, %dma_wait3A_36, %dma_wait3A_40] : memref<32x125x80xi32, #tpu.memory_space<hbm>> -> memref<1x1x80xi32, #tpu.memory_space<hbm>>
    %dma_wait3A_42 = tpu.memref_squeeze %dma_wait3A_41 : memref<1x1x80xi32, #tpu.memory_space<hbm>> -> memref<80xi32, #tpu.memory_space<hbm>>
    tpu.wait_dma2 semaphore(%arg16 : memref<!tpu.dma_semaphore, #tpu.memory_space<semaphore_mem>>) src(%dma_wait3A_42 : memref<80xi32, #tpu.memory_space<hbm>>) dst(%arg8 : memref<80xi32, #tpu.memory_space<vmem>>)
    %dma_start3A_43 = arith.constant 0 : i32
    %dma_start3A_44 = arith.constant 0 : i32
    %dma_start3A_45 = tpu.memref_slice %arg6[%dma_start3A_43, %dma_start3A_44] : memref<10000x64xi32, #tpu.memory_space<vmem_shared>> -> memref<10000x64xi32, #tpu.memory_space<vmem_shared>>
    tpu.enqueue_indirect_dma source(%dma_start3A_45 : memref<10000x64xi32, #tpu.memory_space<vmem_shared>>) target(%arg11 : memref<80x64xi32, #tpu.memory_space<vmem>>) offsets(%arg7 : memref<80xi32, #tpu.memory_space<vmem>>) semaphore(%arg18 : memref<!tpu.dma_semaphore, #tpu.memory_space<semaphore_mem>>)
    %dma_start3A_46 = arith.constant 0 : i32
    %dma_start3A_47 = arith.constant 0 : i32
    %dma_start3A_48 = tpu.memref_slice %arg6[%dma_start3A_46, %dma_start3A_47] : memref<10000x64xi32, #tpu.memory_space<vmem_shared>> -> memref<10000x64xi32, #tpu.memory_space<vmem_shared>>
    tpu.enqueue_indirect_dma source(%dma_start3A_48 : memref<10000x64xi32, #tpu.memory_space<vmem_shared>>) target(%arg12 : memref<80x64xi32, #tpu.memory_space<vmem>>) offsets(%arg8 : memref<80xi32, #tpu.memory_space<vmem>>) semaphore(%arg19 : memref<!tpu.dma_semaphore, #tpu.memory_space<semaphore_mem>>)
    %scan3A = arith.constant 0 : i32
    %scan3A_49 = arith.constant 0 : i32
    %scan3A_50 = arith.constant 62 : i32
    %scan3A_51 = arith.addi %scan3A_49, %scan3A_50 : i32
    %scan3A_52 = arith.constant 1 : i32
    scf.for %scan3A_181 = %scan3A_49 to %scan3A_51 step %scan3A_52  : i32 {
      %mul3A_182 = arith.constant 2 : i32
      %mul3A_183 = arith.muli %scan3A_181, %mul3A_182 : i32
      %add3A_184 = arith.constant 1 : i32
      %add3A_185 = arith.addi %mul3A_183, %add3A_184 : i32
      %dma_wait3A_186 = arith.constant 0 : i32
      %dma_wait3A_187 = arith.constant 0 : i32
      %dma_wait3A_188 = tpu.memref_slice %arg6[%dma_wait3A_186, %dma_wait3A_187] : memref<10000x64xi32, #tpu.memory_space<vmem_shared>> -> memref<10000x64xi32, #tpu.memory_space<vmem_shared>>
      tpu.wait_indirect_dma semaphore(%arg18 : memref<!tpu.dma_semaphore, #tpu.memory_space<semaphore_mem>>) src(%dma_wait3A_188 : memref<10000x64xi32, #tpu.memory_space<vmem_shared>>) dst(%arg11 : memref<80x64xi32, #tpu.memory_space<vmem>>)
      %dma_wait3A_189 = arith.constant 0 : i32
      %dma_wait3A_190 = arith.constant 0 : i32
      %dma_wait3A_191 = tpu.memref_slice %arg6[%dma_wait3A_189, %dma_wait3A_190] : memref<10000x64xi32, #tpu.memory_space<vmem_shared>> -> memref<10000x64xi32, #tpu.memory_space<vmem_shared>>
      tpu.wait_indirect_dma semaphore(%arg19 : memref<!tpu.dma_semaphore, #tpu.memory_space<semaphore_mem>>) src(%dma_wait3A_191 : memref<10000x64xi32, #tpu.memory_space<vmem_shared>>) dst(%arg12 : memref<80x64xi32, #tpu.memory_space<vmem>>)
      %add3A_192 = arith.constant 2 : i32
      %add3A_193 = arith.addi %mul3A_183, %add3A_192 : i32
      %lt3A_194 = arith.constant 125 : i32
      %lt3A_195 = arith.cmpi slt, %add3A_193, %lt3A_194 : i32
      %convert_element_type3A_196 = arith.extui %lt3A_195 : i1 to i32
      %cond3A_197 = arith.constant 0 : i32
      %cond3A_198 = arith.cmpi ne, %convert_element_type3A_196, %cond3A_197 : i32
      scf.if %cond3A_198 {
        %add3A_515 = arith.constant 2 : i32
        %add3A_516 = arith.addi %mul3A_183, %add3A_515 : i32
        %dma_start3A_517 = arith.constant 0 : i32
        %dma_start3A_518 = tpu.memref_slice %arg3[%add3A, %add3A_516, %dma_start3A_517] : memref<32x125x80xi32, #tpu.memory_space<hbm>> -> memref<1x1x80xi32, #tpu.memory_space<hbm>>
        %dma_start3A_519 = tpu.memref_squeeze %dma_start3A_518 : memref<1x1x80xi32, #tpu.memory_space<hbm>> -> memref<80xi32, #tpu.memory_space<hbm>>
        %dma_start3A_520 = arith.constant 0 : i32
        %dma_start3A_521 = tpu.memref_slice %arg3[%add3A, %add3A_516, %dma_start3A_520] : memref<32x125x80xi32, #tpu.memory_space<hbm>> -> memref<1x1x80xi32, #tpu.memory_space<hbm>>
        %dma_start3A_522 = tpu.memref_squeeze %dma_start3A_521 : memref<1x1x80xi32, #tpu.memory_space<hbm>> -> memref<80xi32, #tpu.memory_space<hbm>>
        tpu.enqueue_dma source(%dma_start3A_522 : memref<80xi32, #tpu.memory_space<hbm>>) target(%arg7 : memref<80xi32, #tpu.memory_space<vmem>>) target_semaphore(%arg16 : memref<!tpu.dma_semaphore, #tpu.memory_space<semaphore_mem>>)
        %dma_start3A_523 = arith.constant 0 : i32
        %dma_start3A_524 = tpu.memref_slice %arg4[%add3A, %add3A_516, %dma_start3A_523] : memref<32x125x80xi32, #tpu.memory_space<hbm>> -> memref<1x1x80xi32, #tpu.memory_space<hbm>>
        %dma_start3A_525 = tpu.memref_squeeze %dma_start3A_524 : memref<1x1x80xi32, #tpu.memory_space<hbm>> -> memref<80xi32, #tpu.memory_space<hbm>>
        %dma_start3A_526 = arith.constant 0 : i32
        %dma_start3A_527 = tpu.memref_slice %arg4[%add3A, %add3A_516, %dma_start3A_526] : memref<32x125x80xi32, #tpu.memory_space<hbm>> -> memref<1x1x80xi32, #tpu.memory_space<hbm>>
        %dma_start3A_528 = tpu.memref_squeeze %dma_start3A_527 : memref<1x1x80xi32, #tpu.memory_space<hbm>> -> memref<80xi32, #tpu.memory_space<hbm>>
        tpu.enqueue_dma source(%dma_start3A_528 : memref<80xi32, #tpu.memory_space<hbm>>) target(%arg8 : memref<80xi32, #tpu.memory_space<vmem>>) target_semaphore(%arg16 : memref<!tpu.dma_semaphore, #tpu.memory_space<semaphore_mem>>)
      } else {
      }
      %dma_wait3A_199 = arith.constant 0 : i32
      %dma_wait3A_200 = tpu.memref_slice %arg3[%add3A, %add3A_185, %dma_wait3A_199] : memref<32x125x80xi32, #tpu.memory_space<hbm>> -> memref<1x1x80xi32, #tpu.memory_space<hbm>>
      %dma_wait3A_201 = tpu.memref_squeeze %dma_wait3A_200 : memref<1x1x80xi32, #tpu.memory_space<hbm>> -> memref<80xi32, #tpu.memory_space<hbm>>
      %dma_wait3A_202 = arith.constant 0 : i32
      %dma_wait3A_203 = tpu.memref_slice %arg3[%add3A, %add3A_185, %dma_wait3A_202] : memref<32x125x80xi32, #tpu.memory_space<hbm>> -> memref<1x1x80xi32, #tpu.memory_space<hbm>>
      %dma_wait3A_204 = tpu.memref_squeeze %dma_wait3A_203 : memref<1x1x80xi32, #tpu.memory_space<hbm>> -> memref<80xi32, #tpu.memory_space<hbm>>
      tpu.wait_dma2 semaphore(%arg17 : memref<!tpu.dma_semaphore, #tpu.memory_space<semaphore_mem>>) src(%dma_wait3A_204 : memref<80xi32, #tpu.memory_space<hbm>>) dst(%arg9 : memref<80xi32, #tpu.memory_space<vmem>>)
      %dma_wait3A_205 = arith.constant 0 : i32
      %dma_wait3A_206 = tpu.memref_slice %arg4[%add3A, %add3A_185, %dma_wait3A_205] : memref<32x125x80xi32, #tpu.memory_space<hbm>> -> memref<1x1x80xi32, #tpu.memory_space<hbm>>
      %dma_wait3A_207 = tpu.memref_squeeze %dma_wait3A_206 : memref<1x1x80xi32, #tpu.memory_space<hbm>> -> memref<80xi32, #tpu.memory_space<hbm>>
      %dma_wait3A_208 = arith.constant 0 : i32
      %dma_wait3A_209 = tpu.memref_slice %arg4[%add3A, %add3A_185, %dma_wait3A_208] : memref<32x125x80xi32, #tpu.memory_space<hbm>> -> memref<1x1x80xi32, #tpu.memory_space<hbm>>
      %dma_wait3A_210 = tpu.memref_squeeze %dma_wait3A_209 : memref<1x1x80xi32, #tpu.memory_space<hbm>> -> memref<80xi32, #tpu.memory_space<hbm>>
      tpu.wait_dma2 semaphore(%arg17 : memref<!tpu.dma_semaphore, #tpu.memory_space<semaphore_mem>>) src(%dma_wait3A_210 : memref<80xi32, #tpu.memory_space<hbm>>) dst(%arg10 : memref<80xi32, #tpu.memory_space<vmem>>)
      %dma_start3A_211 = arith.constant 0 : i32
      %dma_start3A_212 = arith.constant 0 : i32
      %dma_start3A_213 = tpu.memref_slice %arg6[%dma_start3A_211, %dma_start3A_212] : memref<10000x64xi32, #tpu.memory_space<vmem_shared>> -> memref<10000x64xi32, #tpu.memory_space<vmem_shared>>
      tpu.enqueue_indirect_dma source(%dma_start3A_213 : memref<10000x64xi32, #tpu.memory_space<vmem_shared>>) target(%arg13 : memref<80x64xi32, #tpu.memory_space<vmem>>) offsets(%arg9 : memref<80xi32, #tpu.memory_space<vmem>>) semaphore(%arg20 : memref<!tpu.dma_semaphore, #tpu.memory_space<semaphore_mem>>)
      %dma_start3A_214 = arith.constant 0 : i32
      %dma_start3A_215 = arith.constant 0 : i32
      %dma_start3A_216 = tpu.memref_slice %arg6[%dma_start3A_214, %dma_start3A_215] : memref<10000x64xi32, #tpu.memory_space<vmem_shared>> -> memref<10000x64xi32, #tpu.memory_space<vmem_shared>>
      tpu.enqueue_indirect_dma source(%dma_start3A_216 : memref<10000x64xi32, #tpu.memory_space<vmem_shared>>) target(%arg14 : memref<80x64xi32, #tpu.memory_space<vmem>>) offsets(%arg10 : memref<80xi32, #tpu.memory_space<vmem>>) semaphore(%arg21 : memref<!tpu.dma_semaphore, #tpu.memory_space<semaphore_mem>>)
      %mul3A_217 = arith.constant 80 : i32
      %mul3A_218 = arith.muli %mul3A_183, %mul3A_217 : i32
      %iota3A_219 = tpu.iota {dimensions = array<i32: 0>} : vector<16xi32>
      %broadcast_in_dim3A_220 = arith.constant 1.000000e+00 : f32
      %broadcast_in_dim3A_221 = vector.broadcast %broadcast_in_dim3A_220 : f32 to vector<16xf32>
      %broadcast_in_dim3A_222 = arith.constant 0.999999821 : f32
      %broadcast_in_dim3A_223 = vector.broadcast %broadcast_in_dim3A_222 : f32 to vector<16xf32>
      %broadcast_in_dim3A_224 = arith.constant 1.000000e-07 : f32
      %broadcast_in_dim3A_225 = vector.broadcast %broadcast_in_dim3A_224 : f32 to vector<16xf32>
      %add3A_226 = arith.constant 0 : i32
      %add3A_227 = vector.broadcast %add3A_226 : i32 to vector<16xi32>
      %add3A_228 = arith.addi %iota3A_219, %add3A_227 : vector<16xi32>
      %broadcast_in_dim3A_229 = arith.constant 0.000000e+00 : f32
      %broadcast_in_dim3A_230 = vector.broadcast %broadcast_in_dim3A_229 : f32 to vector<16xf32>
      %broadcast_in_dim3A_231 = arith.constant 0.000000e+00 : f32
      %broadcast_in_dim3A_232 = vector.broadcast %broadcast_in_dim3A_231 : f32 to vector<16xf32>
      %scan3A_233 = arith.constant 0 : i32
      %scan3A_234 = arith.constant 8 : i32
      %scan3A_235 = arith.addi %scan3A_233, %scan3A_234 : i32
      %scan3A_236 = arith.constant 1 : i32
      %scan3A_237:3 = scf.for %scan3A_515 = %scan3A_233 to %scan3A_235 step %scan3A_236 iter_args(%scan3A_516 = %broadcast_in_dim3A_230, %scan3A_517 = %broadcast_in_dim3A_232, %scan3A_518 = %iota3A_219) -> (vector<16xf32>, vector<16xf32>, vector<16xi32>)  : i32 {
        %gather3A = tpu.vector_load_idx %arg11[%add3A_228, %scan3A_518] : memref<80x64xi32, #tpu.memory_space<vmem>>[vector<16xi32>, vector<16xi32>], vector<16xi32>,
        %gather3A_519 = tpu.vector_load_idx %arg12[%add3A_228, %scan3A_518] : memref<80x64xi32, #tpu.memory_space<vmem>>[vector<16xi32>, vector<16xi32>], vector<16xi32>,
        %bitcast3A = vector.bitcast %gather3A : vector<16xi32> to vector<32xbf16>
        %bitcast3A_520 = vector.bitcast %gather3A_519 : vector<16xi32> to vector<32xbf16>
        %mul3A_521 = arith.mulf %bitcast3A, %bitcast3A_520 : vector<32xbf16>
        %unpack3A = tpu.unpack_subelements %mul3A_521, 0 {pack_format = #tpu.pack_format<interleaved>} : vector<32xbf16> -> vector<16xf32>
        %unpack3A_522 = tpu.unpack_subelements %mul3A_521, 1 {pack_format = #tpu.pack_format<interleaved>} : vector<32xbf16> -> vector<16xf32>
        %add3A_523 = arith.addf %scan3A_516, %unpack3A : vector<16xf32>
        %add3A_524 = arith.addf %scan3A_517, %unpack3A_522 : vector<16xf32>
        %add3A_525 = arith.constant 1 : i32
        %add3A_526 = vector.broadcast %add3A_525 : i32 to vector<16xi32>
        %add3A_527 = arith.addi %scan3A_518, %add3A_526 : vector<16xi32>
        %and3A = arith.constant 63 : i32
        %and3A_528 = vector.broadcast %and3A : i32 to vector<16xi32>
        %and3A_529 = arith.andi %add3A_527, %and3A_528 : vector<16xi32>
        %gather3A_530 = tpu.vector_load_idx %arg11[%add3A_228, %and3A_529] : memref<80x64xi32, #tpu.memory_space<vmem>>[vector<16xi32>, vector<16xi32>], vector<16xi32>,
        %gather3A_531 = tpu.vector_load_idx %arg12[%add3A_228, %and3A_529] : memref<80x64xi32, #tpu.memory_space<vmem>>[vector<16xi32>, vector<16xi32>], vector<16xi32>,
        %bitcast3A_532 = vector.bitcast %gather3A_530 : vector<16xi32> to vector<32xbf16>
        %bitcast3A_533 = vector.bitcast %gather3A_531 : vector<16xi32> to vector<32xbf16>
        %mul3A_534 = arith.mulf %bitcast3A_532, %bitcast3A_533 : vector<32xbf16>
        %unpack3A_535 = tpu.unpack_subelements %mul3A_534, 0 {pack_format = #tpu.pack_format<interleaved>} : vector<32xbf16> -> vector<16xf32>
        %unpack3A_536 = tpu.unpack_subelements %mul3A_534, 1 {pack_format = #tpu.pack_format<interleaved>} : vector<32xbf16> -> vector<16xf32>
        %add3A_537 = arith.addf %add3A_523, %unpack3A_535 : vector<16xf32>
        %add3A_538 = arith.addf %add3A_524, %unpack3A_536 : vector<16xf32>
        %add3A_539 = arith.constant 1 : i32
        %add3A_540 = vector.broadcast %add3A_539 : i32 to vector<16xi32>
        %add3A_541 = arith.addi %and3A_529, %add3A_540 : vector<16xi32>
        %and3A_542 = arith.constant 63 : i32
        %and3A_543 = vector.broadcast %and3A_542 : i32 to vector<16xi32>
        %and3A_544 = arith.andi %add3A_541, %and3A_543 : vector<16xi32>
        %gather3A_545 = tpu.vector_load_idx %arg11[%add3A_228, %and3A_544] : memref<80x64xi32, #tpu.memory_space<vmem>>[vector<16xi32>, vector<16xi32>], vector<16xi32>,
        %gather3A_546 = tpu.vector_load_idx %arg12[%add3A_228, %and3A_544] : memref<80x64xi32, #tpu.memory_space<vmem>>[vector<16xi32>, vector<16xi32>], vector<16xi32>,
        %bitcast3A_547 = vector.bitcast %gather3A_545 : vector<16xi32> to vector<32xbf16>
        %bitcast3A_548 = vector.bitcast %gather3A_546 : vector<16xi32> to vector<32xbf16>
        %mul3A_549 = arith.mulf %bitcast3A_547, %bitcast3A_548 : vector<32xbf16>
        %unpack3A_550 = tpu.unpack_subelements %mul3A_549, 0 {pack_format = #tpu.pack_format<interleaved>} : vector<32xbf16> -> vector<16xf32>
        %unpack3A_551 = tpu.unpack_subelements %mul3A_549, 1 {pack_format = #tpu.pack_format<interleaved>} : vector<32xbf16> -> vector<16xf32>
        %add3A_552 = arith.addf %add3A_537, %unpack3A_550 : vector<16xf32>
        %add3A_553 = arith.addf %add3A_538, %unpack3A_551 : vector<16xf32>
        %add3A_554 = arith.constant 1 : i32
        %add3A_555 = vector.broadcast %add3A_554 : i32 to vector<16xi32>
        %add3A_556 = arith.addi %and3A_544, %add3A_555 : vector<16xi32>
        %and3A_557 = arith.constant 63 : i32
        %and3A_558 = vector.broadcast %and3A_557 : i32 to vector<16xi32>
        %and3A_559 = arith.andi %add3A_556, %and3A_558 : vector<16xi32>
        %gather3A_560 = tpu.vector_load_idx %arg11[%add3A_228, %and3A_559] : memref<80x64xi32, #tpu.memory_space<vmem>>[vector<16xi32>, vector<16xi32>], vector<16xi32>,
        %gather3A_561 = tpu.vector_load_idx %arg12[%add3A_228, %and3A_559] : memref<80x64xi32, #tpu.memory_space<vmem>>[vector<16xi32>, vector<16xi32>], vector<16xi32>,
        %bitcast3A_562 = vector.bitcast %gather3A_560 : vector<16xi32> to vector<32xbf16>
        %bitcast3A_563 = vector.bitcast %gather3A_561 : vector<16xi32> to vector<32xbf16>
        %mul3A_564 = arith.mulf %bitcast3A_562, %bitcast3A_563 : vector<32xbf16>
        %unpack3A_565 = tpu.unpack_subelements %mul3A_564, 0 {pack_format = #tpu.pack_format<interleaved>} : vector<32xbf16> -> vector<16xf32>
        %unpack3A_566 = tpu.unpack_subelements %mul3A_564, 1 {pack_format = #tpu.pack_format<interleaved>} : vector<32xbf16> -> vector<16xf32>
        %add3A_567 = arith.addf %add3A_552, %unpack3A_565 : vector<16xf32>
        %add3A_568 = arith.addf %add3A_553, %unpack3A_566 : vector<16xf32>
        %add3A_569 = arith.constant 1 : i32
        %add3A_570 = vector.broadcast %add3A_569 : i32 to vector<16xi32>
        %add3A_571 = arith.addi %and3A_559, %add3A_570 : vector<16xi32>
        %and3A_572 = arith.constant 63 : i32
        %and3A_573 = vector.broadcast %and3A_572 : i32 to vector<16xi32>
        %and3A_574 = arith.andi %add3A_571, %and3A_573 : vector<16xi32>
        %gather3A_575 = tpu.vector_load_idx %arg11[%add3A_228, %and3A_574] : memref<80x64xi32, #tpu.memory_space<vmem>>[vector<16xi32>, vector<16xi32>], vector<16xi32>,
        %gather3A_576 = tpu.vector_load_idx %arg12[%add3A_228, %and3A_574] : memref<80x64xi32, #tpu.memory_space<vmem>>[vector<16xi32>, vector<16xi32>], vector<16xi32>,
        %bitcast3A_577 = vector.bitcast %gather3A_575 : vector<16xi32> to vector<32xbf16>
        %bitcast3A_578 = vector.bitcast %gather3A_576 : vector<16xi32> to vector<32xbf16>
        %mul3A_579 = arith.mulf %bitcast3A_577, %bitcast3A_578 : vector<32xbf16>
        %unpack3A_580 = tpu.unpack_subelements %mul3A_579, 0 {pack_format = #tpu.pack_format<interleaved>} : vector<32xbf16> -> vector<16xf32>
        %unpack3A_581 = tpu.unpack_subelements %mul3A_579, 1 {pack_format = #tpu.pack_format<interleaved>} : vector<32xbf16> -> vector<16xf32>
        %add3A_582 = arith.addf %add3A_567, %unpack3A_580 : vector<16xf32>
        %add3A_583 = arith.addf %add3A_568, %unpack3A_581 : vector<16xf32>
        %add3A_584 = arith.constant 1 : i32
        %add3A_585 = vector.broadcast %add3A_584 : i32 to vector<16xi32>
        %add3A_586 = arith.addi %and3A_574, %add3A_585 : vector<16xi32>
        %and3A_587 = arith.constant 63 : i32
        %and3A_588 = vector.broadcast %and3A_587 : i32 to vector<16xi32>
        %and3A_589 = arith.andi %add3A_586, %and3A_588 : vector<16xi32>
        %gather3A_590 = tpu.vector_load_idx %arg11[%add3A_228, %and3A_589] : memref<80x64xi32, #tpu.memory_space<vmem>>[vector<16xi32>, vector<16xi32>], vector<16xi32>,
        %gather3A_591 = tpu.vector_load_idx %arg12[%add3A_228, %and3A_589] : memref<80x64xi32, #tpu.memory_space<vmem>>[vector<16xi32>, vector<16xi32>], vector<16xi32>,
        %bitcast3A_592 = vector.bitcast %gather3A_590 : vector<16xi32> to vector<32xbf16>
        %bitcast3A_593 = vector.bitcast %gather3A_591 : vector<16xi32> to vector<32xbf16>
        %mul3A_594 = arith.mulf %bitcast3A_592, %bitcast3A_593 : vector<32xbf16>
        %unpack3A_595 = tpu.unpack_subelements %mul3A_594, 0 {pack_format = #tpu.pack_format<interleaved>} : vector<32xbf16> -> vector<16xf32>
        %unpack3A_596 = tpu.unpack_subelements %mul3A_594, 1 {pack_format = #tpu.pack_format<interleaved>} : vector<32xbf16> -> vector<16xf32>
        %add3A_597 = arith.addf %add3A_582, %unpack3A_595 : vector<16xf32>
        %add3A_598 = arith.addf %add3A_583, %unpack3A_596 : vector<16xf32>
        %add3A_599 = arith.constant 1 : i32
        %add3A_600 = vector.broadcast %add3A_599 : i32 to vector<16xi32>
        %add3A_601 = arith.addi %and3A_589, %add3A_600 : vector<16xi32>
        %and3A_602 = arith.constant 63 : i32
        %and3A_603 = vector.broadcast %and3A_602 : i32 to vector<16xi32>
        %and3A_604 = arith.andi %add3A_601, %and3A_603 : vector<16xi32>
        %gather3A_605 = tpu.vector_load_idx %arg11[%add3A_228, %and3A_604] : memref<80x64xi32, #tpu.memory_space<vmem>>[vector<16xi32>, vector<16xi32>], vector<16xi32>,
        %gather3A_606 = tpu.vector_load_idx %arg12[%add3A_228, %and3A_604] : memref<80x64xi32, #tpu.memory_space<vmem>>[vector<16xi32>, vector<16xi32>], vector<16xi32>,
        %bitcast3A_607 = vector.bitcast %gather3A_605 : vector<16xi32> to vector<32xbf16>
        %bitcast3A_608 = vector.bitcast %gather3A_606 : vector<16xi32> to vector<32xbf16>
        %mul3A_609 = arith.mulf %bitcast3A_607, %bitcast3A_608 : vector<32xbf16>
        %unpack3A_610 = tpu.unpack_subelements %mul3A_609, 0 {pack_format = #tpu.pack_format<interleaved>} : vector<32xbf16> -> vector<16xf32>
        %unpack3A_611 = tpu.unpack_subelements %mul3A_609, 1 {pack_format = #tpu.pack_format<interleaved>} : vector<32xbf16> -> vector<16xf32>
        %add3A_612 = arith.addf %add3A_597, %unpack3A_610 : vector<16xf32>
        %add3A_613 = arith.addf %add3A_598, %unpack3A_611 : vector<16xf32>
        %add3A_614 = arith.constant 1 : i32
        %add3A_615 = vector.broadcast %add3A_614 : i32 to vector<16xi32>
        %add3A_616 = arith.addi %and3A_604, %add3A_615 : vector<16xi32>
        %and3A_617 = arith.constant 63 : i32
        %and3A_618 = vector.broadcast %and3A_617 : i32 to vector<16xi32>
        %and3A_619 = arith.andi %add3A_616, %and3A_618 : vector<16xi32>
        %gather3A_620 = tpu.vector_load_idx %arg11[%add3A_228, %and3A_619] : memref<80x64xi32, #tpu.memory_space<vmem>>[vector<16xi32>, vector<16xi32>], vector<16xi32>,
        %gather3A_621 = tpu.vector_load_idx %arg12[%add3A_228, %and3A_619] : memref<80x64xi32, #tpu.memory_space<vmem>>[vector<16xi32>, vector<16xi32>], vector<16xi32>,
        %bitcast3A_622 = vector.bitcast %gather3A_620 : vector<16xi32> to vector<32xbf16>
        %bitcast3A_623 = vector.bitcast %gather3A_621 : vector<16xi32> to vector<32xbf16>
        %mul3A_624 = arith.mulf %bitcast3A_622, %bitcast3A_623 : vector<32xbf16>
        %unpack3A_625 = tpu.unpack_subelements %mul3A_624, 0 {pack_format = #tpu.pack_format<interleaved>} : vector<32xbf16> -> vector<16xf32>
        %unpack3A_626 = tpu.unpack_subelements %mul3A_624, 1 {pack_format = #tpu.pack_format<interleaved>} : vector<32xbf16> -> vector<16xf32>
        %add3A_627 = arith.addf %add3A_612, %unpack3A_625 : vector<16xf32>
        %add3A_628 = arith.addf %add3A_613, %unpack3A_626 : vector<16xf32>
        %add3A_629 = arith.constant 1 : i32
        %add3A_630 = vector.broadcast %add3A_629 : i32 to vector<16xi32>
        %add3A_631 = arith.addi %and3A_619, %add3A_630 : vector<16xi32>
        %and3A_632 = arith.constant 63 : i32
        %and3A_633 = vector.broadcast %and3A_632 : i32 to vector<16xi32>
        %and3A_634 = arith.andi %add3A_631, %and3A_633 : vector<16xi32>
        scf.yield %add3A_627, %add3A_628, %and3A_634 : vector<16xf32>, vector<16xf32>, vector<16xi32>
      }
      %scan3A_238 = arith.constant 8 : i32
      %add3A_239 = arith.addf %scan3A_237#0, %scan3A_237#1 : vector<16xf32>
      %neg3A_240 = arith.constant 0.000000e+00 : f32
      %neg3A_241 = vector.broadcast %neg3A_240 : f32 to vector<16xf32>
      %neg3A_242 = arith.subf %neg3A_241, %add3A_239 : vector<16xf32>
      %exp3A_243 = math.exp %neg3A_242 : vector<16xf32>
      %add3A_244 = arith.addf %broadcast_in_dim3A_221, %exp3A_243 : vector<16xf32>
      %div3A_245 = arith.divf %broadcast_in_dim3A_221, %add3A_244 : vector<16xf32>
      %add3A_246 = arith.addf %div3A_245, %broadcast_in_dim3A_225 : vector<16xf32>
      %mul3A_247 = arith.mulf %add3A_246, %broadcast_in_dim3A_223 : vector<16xf32>
      %add3A_248 = arith.constant 0 : i32
      %add3A_249 = arith.addi %mul3A_218, %add3A_248 : i32
      %swap3A_250 = arith.index_cast %add3A_249 : i32 to index
      %swap3A_251 = tpu.vector_load %arg15[%swap3A_250] {strides = array<i32>} : memref<10000xf32, #tpu.memory_space<vmem>>, vector<16xf32>,
      tpu.vector_store %arg15[%swap3A_250], %mul3A_247 {strides = array<i32>} : memref<10000xf32, #tpu.memory_space<vmem>>, vector<16xf32>,
      %add3A_252 = arith.constant 16 : i32
      %add3A_253 = vector.broadcast %add3A_252 : i32 to vector<16xi32>
      %add3A_254 = arith.addi %iota3A_219, %add3A_253 : vector<16xi32>
      %broadcast_in_dim3A_255 = arith.constant 0.000000e+00 : f32
      %broadcast_in_dim3A_256 = vector.broadcast %broadcast_in_dim3A_255 : f32 to vector<16xf32>
      %broadcast_in_dim3A_257 = arith.constant 0.000000e+00 : f32
      %broadcast_in_dim3A_258 = vector.broadcast %broadcast_in_dim3A_257 : f32 to vector<16xf32>
      %scan3A_259 = arith.constant 0 : i32
      %scan3A_260 = arith.constant 8 : i32
      %scan3A_261 = arith.addi %scan3A_259, %scan3A_260 : i32
      %scan3A_262 = arith.constant 1 : i32
      %scan3A_263:3 = scf.for %scan3A_515 = %scan3A_259 to %scan3A_261 step %scan3A_262 iter_args(%scan3A_516 = %broadcast_in_dim3A_256, %scan3A_517 = %broadcast_in_dim3A_258, %scan3A_518 = %iota3A_219) -> (vector<16xf32>, vector<16xf32>, vector<16xi32>)  : i32 {
        %gather3A = tpu.vector_load_idx %arg11[%add3A_254, %scan3A_518] : memref<80x64xi32, #tpu.memory_space<vmem>>[vector<16xi32>, vector<16xi32>], vector<16xi32>,
        %gather3A_519 = tpu.vector_load_idx %arg12[%add3A_254, %scan3A_518] : memref<80x64xi32, #tpu.memory_space<vmem>>[vector<16xi32>, vector<16xi32>], vector<16xi32>,
        %bitcast3A = vector.bitcast %gather3A : vector<16xi32> to vector<32xbf16>
        %bitcast3A_520 = vector.bitcast %gather3A_519 : vector<16xi32> to vector<32xbf16>
        %mul3A_521 = arith.mulf %bitcast3A, %bitcast3A_520 : vector<32xbf16>
        %unpack3A = tpu.unpack_subelements %mul3A_521, 0 {pack_format = #tpu.pack_format<interleaved>} : vector<32xbf16> -> vector<16xf32>
        %unpack3A_522 = tpu.unpack_subelements %mul3A_521, 1 {pack_format = #tpu.pack_format<interleaved>} : vector<32xbf16> -> vector<16xf32>
        %add3A_523 = arith.addf %scan3A_516, %unpack3A : vector<16xf32>
        %add3A_524 = arith.addf %scan3A_517, %unpack3A_522 : vector<16xf32>
        %add3A_525 = arith.constant 1 : i32
        %add3A_526 = vector.broadcast %add3A_525 : i32 to vector<16xi32>
        %add3A_527 = arith.addi %scan3A_518, %add3A_526 : vector<16xi32>
        %and3A = arith.constant 63 : i32
        %and3A_528 = vector.broadcast %and3A : i32 to vector<16xi32>
        %and3A_529 = arith.andi %add3A_527, %and3A_528 : vector<16xi32>
        %gather3A_530 = tpu.vector_load_idx %arg11[%add3A_254, %and3A_529] : memref<80x64xi32, #tpu.memory_space<vmem>>[vector<16xi32>, vector<16xi32>], vector<16xi32>,
        %gather3A_531 = tpu.vector_load_idx %arg12[%add3A_254, %and3A_529] : memref<80x64xi32, #tpu.memory_space<vmem>>[vector<16xi32>, vector<16xi32>], vector<16xi32>,
        %bitcast3A_532 = vector.bitcast %gather3A_530 : vector<16xi32> to vector<32xbf16>
        %bitcast3A_533 = vector.bitcast %gather3A_531 : vector<16xi32> to vector<32xbf16>
        %mul3A_534 = arith.mulf %bitcast3A_532, %bitcast3A_533 : vector<32xbf16>
        %unpack3A_535 = tpu.unpack_subelements %mul3A_534, 0 {pack_format = #tpu.pack_format<interleaved>} : vector<32xbf16> -> vector<16xf32>
        %unpack3A_536 = tpu.unpack_subelements %mul3A_534, 1 {pack_format = #tpu.pack_format<interleaved>} : vector<32xbf16> -> vector<16xf32>
        %add3A_537 = arith.addf %add3A_523, %unpack3A_535 : vector<16xf32>
        %add3A_538 = arith.addf %add3A_524, %unpack3A_536 : vector<16xf32>
        %add3A_539 = arith.constant 1 : i32
        %add3A_540 = vector.broadcast %add3A_539 : i32 to vector<16xi32>
        %add3A_541 = arith.addi %and3A_529, %add3A_540 : vector<16xi32>
        %and3A_542 = arith.constant 63 : i32
        %and3A_543 = vector.broadcast %and3A_542 : i32 to vector<16xi32>
        %and3A_544 = arith.andi %add3A_541, %and3A_543 : vector<16xi32>
        %gather3A_545 = tpu.vector_load_idx %arg11[%add3A_254, %and3A_544] : memref<80x64xi32, #tpu.memory_space<vmem>>[vector<16xi32>, vector<16xi32>], vector<16xi32>,
        %gather3A_546 = tpu.vector_load_idx %arg12[%add3A_254, %and3A_544] : memref<80x64xi32, #tpu.memory_space<vmem>>[vector<16xi32>, vector<16xi32>], vector<16xi32>,
        %bitcast3A_547 = vector.bitcast %gather3A_545 : vector<16xi32> to vector<32xbf16>
        %bitcast3A_548 = vector.bitcast %gather3A_546 : vector<16xi32> to vector<32xbf16>
        %mul3A_549 = arith.mulf %bitcast3A_547, %bitcast3A_548 : vector<32xbf16>
        %unpack3A_550 = tpu.unpack_subelements %mul3A_549, 0 {pack_format = #tpu.pack_format<interleaved>} : vector<32xbf16> -> vector<16xf32>
        %unpack3A_551 = tpu.unpack_subelements %mul3A_549, 1 {pack_format = #tpu.pack_format<interleaved>} : vector<32xbf16> -> vector<16xf32>
        %add3A_552 = arith.addf %add3A_537, %unpack3A_550 : vector<16xf32>
        %add3A_553 = arith.addf %add3A_538, %unpack3A_551 : vector<16xf32>
        %add3A_554 = arith.constant 1 : i32
        %add3A_555 = vector.broadcast %add3A_554 : i32 to vector<16xi32>
        %add3A_556 = arith.addi %and3A_544, %add3A_555 : vector<16xi32>
        %and3A_557 = arith.constant 63 : i32
        %and3A_558 = vector.broadcast %and3A_557 : i32 to vector<16xi32>
        %and3A_559 = arith.andi %add3A_556, %and3A_558 : vector<16xi32>
        %gather3A_560 = tpu.vector_load_idx %arg11[%add3A_254, %and3A_559] : memref<80x64xi32, #tpu.memory_space<vmem>>[vector<16xi32>, vector<16xi32>], vector<16xi32>,
        %gather3A_561 = tpu.vector_load_idx %arg12[%add3A_254, %and3A_559] : memref<80x64xi32, #tpu.memory_space<vmem>>[vector<16xi32>, vector<16xi32>], vector<16xi32>,
        %bitcast3A_562 = vector.bitcast %gather3A_560 : vector<16xi32> to vector<32xbf16>
        %bitcast3A_563 = vector.bitcast %gather3A_561 : vector<16xi32> to vector<32xbf16>
        %mul3A_564 = arith.mulf %bitcast3A_562, %bitcast3A_563 : vector<32xbf16>
        %unpack3A_565 = tpu.unpack_subelements %mul3A_564, 0 {pack_format = #tpu.pack_format<interleaved>} : vector<32xbf16> -> vector<16xf32>
        %unpack3A_566 = tpu.unpack_subelements %mul3A_564, 1 {pack_format = #tpu.pack_format<interleaved>} : vector<32xbf16> -> vector<16xf32>
        %add3A_567 = arith.addf %add3A_552, %unpack3A_565 : vector<16xf32>
        %add3A_568 = arith.addf %add3A_553, %unpack3A_566 : vector<16xf32>
        %add3A_569 = arith.constant 1 : i32
        %add3A_570 = vector.broadcast %add3A_569 : i32 to vector<16xi32>
        %add3A_571 = arith.addi %and3A_559, %add3A_570 : vector<16xi32>
        %and3A_572 = arith.constant 63 : i32
        %and3A_573 = vector.broadcast %and3A_572 : i32 to vector<16xi32>
        %and3A_574 = arith.andi %add3A_571, %and3A_573 : vector<16xi32>
        %gather3A_575 = tpu.vector_load_idx %arg11[%add3A_254, %and3A_574] : memref<80x64xi32, #tpu.memory_space<vmem>>[vector<16xi32>, vector<16xi32>], vector<16xi32>,
        %gather3A_576 = tpu.vector_load_idx %arg12[%add3A_254, %and3A_574] : memref<80x64xi32, #tpu.memory_space<vmem>>[vector<16xi32>, vector<16xi32>], vector<16xi32>,
        %bitcast3A_577 = vector.bitcast %gather3A_575 : vector<16xi32> to vector<32xbf16>
        %bitcast3A_578 = vector.bitcast %gather3A_576 : vector<16xi32> to vector<32xbf16>
        %mul3A_579 = arith.mulf %bitcast3A_577, %bitcast3A_578 : vector<32xbf16>
        %unpack3A_580 = tpu.unpack_subelements %mul3A_579, 0 {pack_format = #tpu.pack_format<interleaved>} : vector<32xbf16> -> vector<16xf32>
        %unpack3A_581 = tpu.unpack_subelements %mul3A_579, 1 {pack_format = #tpu.pack_format<interleaved>} : vector<32xbf16> -> vector<16xf32>
        %add3A_582 = arith.addf %add3A_567, %unpack3A_580 : vector<16xf32>
        %add3A_583 = arith.addf %add3A_568, %unpack3A_581 : vector<16xf32>
        %add3A_584 = arith.constant 1 : i32
        %add3A_585 = vector.broadcast %add3A_584 : i32 to vector<16xi32>
        %add3A_586 = arith.addi %and3A_574, %add3A_585 : vector<16xi32>
        %and3A_587 = arith.constant 63 : i32
        %and3A_588 = vector.broadcast %and3A_587 : i32 to vector<16xi32>
        %and3A_589 = arith.andi %add3A_586, %and3A_588 : vector<16xi32>
        %gather3A_590 = tpu.vector_load_idx %arg11[%add3A_254, %and3A_589] : memref<80x64xi32, #tpu.memory_space<vmem>>[vector<16xi32>, vector<16xi32>], vector<16xi32>,
        %gather3A_591 = tpu.vector_load_idx %arg12[%add3A_254, %and3A_589] : memref<80x64xi32, #tpu.memory_space<vmem>>[vector<16xi32>, vector<16xi32>], vector<16xi32>,
        %bitcast3A_592 = vector.bitcast %gather3A_590 : vector<16xi32> to vector<32xbf16>
        %bitcast3A_593 = vector.bitcast %gather3A_591 : vector<16xi32> to vector<32xbf16>
        %mul3A_594 = arith.mulf %bitcast3A_592, %bitcast3A_593 : vector<32xbf16>
        %unpack3A_595 = tpu.unpack_subelements %mul3A_594, 0 {pack_format = #tpu.pack_format<interleaved>} : vector<32xbf16> -> vector<16xf32>
        %unpack3A_596 = tpu.unpack_subelements %mul3A_594, 1 {pack_format = #tpu.pack_format<interleaved>} : vector<32xbf16> -> vector<16xf32>
        %add3A_597 = arith.addf %add3A_582, %unpack3A_595 : vector<16xf32>
        %add3A_598 = arith.addf %add3A_583, %unpack3A_596 : vector<16xf32>
        %add3A_599 = arith.constant 1 : i32
        %add3A_600 = vector.broadcast %add3A_599 : i32 to vector<16xi32>
        %add3A_601 = arith.addi %and3A_589, %add3A_600 : vector<16xi32>
        %and3A_602 = arith.constant 63 : i32
        %and3A_603 = vector.broadcast %and3A_602 : i32 to vector<16xi32>
        %and3A_604 = arith.andi %add3A_601, %and3A_603 : vector<16xi32>
        %gather3A_605 = tpu.vector_load_idx %arg11[%add3A_254, %and3A_604] : memref<80x64xi32, #tpu.memory_space<vmem>>[vector<16xi32>, vector<16xi32>], vector<16xi32>,
        %gather3A_606 = tpu.vector_load_idx %arg12[%add3A_254, %and3A_604] : memref<80x64xi32, #tpu.memory_space<vmem>>[vector<16xi32>, vector<16xi32>], vector<16xi32>,
        %bitcast3A_607 = vector.bitcast %gather3A_605 : vector<16xi32> to vector<32xbf16>
        %bitcast3A_608 = vector.bitcast %gather3A_606 : vector<16xi32> to vector<32xbf16>
        %mul3A_609 = arith.mulf %bitcast3A_607, %bitcast3A_608 : vector<32xbf16>
        %unpack3A_610 = tpu.unpack_subelements %mul3A_609, 0 {pack_format = #tpu.pack_format<interleaved>} : vector<32xbf16> -> vector<16xf32>
        %unpack3A_611 = tpu.unpack_subelements %mul3A_609, 1 {pack_format = #tpu.pack_format<interleaved>} : vector<32xbf16> -> vector<16xf32>
        %add3A_612 = arith.addf %add3A_597, %unpack3A_610 : vector<16xf32>
        %add3A_613 = arith.addf %add3A_598, %unpack3A_611 : vector<16xf32>
        %add3A_614 = arith.constant 1 : i32
        %add3A_615 = vector.broadcast %add3A_614 : i32 to vector<16xi32>
        %add3A_616 = arith.addi %and3A_604, %add3A_615 : vector<16xi32>
        %and3A_617 = arith.constant 63 : i32
        %and3A_618 = vector.broadcast %and3A_617 : i32 to vector<16xi32>
        %and3A_619 = arith.andi %add3A_616, %and3A_618 : vector<16xi32>
        %gather3A_620 = tpu.vector_load_idx %arg11[%add3A_254, %and3A_619] : memref<80x64xi32, #tpu.memory_space<vmem>>[vector<16xi32>, vector<16xi32>], vector<16xi32>,
        %gather3A_621 = tpu.vector_load_idx %arg12[%add3A_254, %and3A_619] : memref<80x64xi32, #tpu.memory_space<vmem>>[vector<16xi32>, vector<16xi32>], vector<16xi32>,
        %bitcast3A_622 = vector.bitcast %gather3A_620 : vector<16xi32> to vector<32xbf16>
        %bitcast3A_623 = vector.bitcast %gather3A_621 : vector<16xi32> to vector<32xbf16>
        %mul3A_624 = arith.mulf %bitcast3A_622, %bitcast3A_623 : vector<32xbf16>
        %unpack3A_625 = tpu.unpack_subelements %mul3A_624, 0 {pack_format = #tpu.pack_format<interleaved>} : vector<32xbf16> -> vector<16xf32>
        %unpack3A_626 = tpu.unpack_subelements %mul3A_624, 1 {pack_format = #tpu.pack_format<interleaved>} : vector<32xbf16> -> vector<16xf32>
        %add3A_627 = arith.addf %add3A_612, %unpack3A_625 : vector<16xf32>
        %add3A_628 = arith.addf %add3A_613, %unpack3A_626 : vector<16xf32>
        %add3A_629 = arith.constant 1 : i32
        %add3A_630 = vector.broadcast %add3A_629 : i32 to vector<16xi32>
        %add3A_631 = arith.addi %and3A_619, %add3A_630 : vector<16xi32>
        %and3A_632 = arith.constant 63 : i32
        %and3A_633 = vector.broadcast %and3A_632 : i32 to vector<16xi32>
        %and3A_634 = arith.andi %add3A_631, %and3A_633 : vector<16xi32>
        scf.yield %add3A_627, %add3A_628, %and3A_634 : vector<16xf32>, vector<16xf32>, vector<16xi32>
      }
      %scan3A_264 = arith.constant 8 : i32
      %add3A_265 = arith.addf %scan3A_263#0, %scan3A_263#1 : vector<16xf32>
      %neg3A_266 = arith.constant 0.000000e+00 : f32
      %neg3A_267 = vector.broadcast %neg3A_266 : f32 to vector<16xf32>
      %neg3A_268 = arith.subf %neg3A_267, %add3A_265 : vector<16xf32>
      %exp3A_269 = math.exp %neg3A_268 : vector<16xf32>
      %add3A_270 = arith.addf %broadcast_in_dim3A_221, %exp3A_269 : vector<16xf32>
      %div3A_271 = arith.divf %broadcast_in_dim3A_221, %add3A_270 : vector<16xf32>
      %add3A_272 = arith.addf %div3A_271, %broadcast_in_dim3A_225 : vector<16xf32>
      %mul3A_273 = arith.mulf %add3A_272, %broadcast_in_dim3A_223 : vector<16xf32>
      %add3A_274 = arith.constant 16 : i32
      %add3A_275 = arith.addi %mul3A_218, %add3A_274 : i32
      %swap3A_276 = arith.index_cast %add3A_275 : i32 to index
      %swap3A_277 = tpu.vector_load %arg15[%swap3A_276] {strides = array<i32>} : memref<10000xf32, #tpu.memory_space<vmem>>, vector<16xf32>,
      tpu.vector_store %arg15[%swap3A_276], %mul3A_273 {strides = array<i32>} : memref<10000xf32, #tpu.memory_space<vmem>>, vector<16xf32>,
      %add3A_278 = arith.constant 32 : i32
      %add3A_279 = vector.broadcast %add3A_278 : i32 to vector<16xi32>
      %add3A_280 = arith.addi %iota3A_219, %add3A_279 : vector<16xi32>
      %broadcast_in_dim3A_281 = arith.constant 0.000000e+00 : f32
      %broadcast_in_dim3A_282 = vector.broadcast %broadcast_in_dim3A_281 : f32 to vector<16xf32>
      %broadcast_in_dim3A_283 = arith.constant 0.000000e+00 : f32
      %broadcast_in_dim3A_284 = vector.broadcast %broadcast_in_dim3A_283 : f32 to vector<16xf32>
      %scan3A_285 = arith.constant 0 : i32
      %scan3A_286 = arith.constant 8 : i32
      %scan3A_287 = arith.addi %scan3A_285, %scan3A_286 : i32
      %scan3A_288 = arith.constant 1 : i32
      %scan3A_289:3 = scf.for %scan3A_515 = %scan3A_285 to %scan3A_287 step %scan3A_288 iter_args(%scan3A_516 = %broadcast_in_dim3A_282, %scan3A_517 = %broadcast_in_dim3A_284, %scan3A_518 = %iota3A_219) -> (vector<16xf32>, vector<16xf32>, vector<16xi32>)  : i32 {
        %gather3A = tpu.vector_load_idx %arg11[%add3A_280, %scan3A_518] : memref<80x64xi32, #tpu.memory_space<vmem>>[vector<16xi32>, vector<16xi32>], vector<16xi32>,
        %gather3A_519 = tpu.vector_load_idx %arg12[%add3A_280, %scan3A_518] : memref<80x64xi32, #tpu.memory_space<vmem>>[vector<16xi32>, vector<16xi32>], vector<16xi32>,
        %bitcast3A = vector.bitcast %gather3A : vector<16xi32> to vector<32xbf16>
        %bitcast3A_520 = vector.bitcast %gather3A_519 : vector<16xi32> to vector<32xbf16>
        %mul3A_521 = arith.mulf %bitcast3A, %bitcast3A_520 : vector<32xbf16>
        %unpack3A = tpu.unpack_subelements %mul3A_521, 0 {pack_format = #tpu.pack_format<interleaved>} : vector<32xbf16> -> vector<16xf32>
        %unpack3A_522 = tpu.unpack_subelements %mul3A_521, 1 {pack_format = #tpu.pack_format<interleaved>} : vector<32xbf16> -> vector<16xf32>
        %add3A_523 = arith.addf %scan3A_516, %unpack3A : vector<16xf32>
        %add3A_524 = arith.addf %scan3A_517, %unpack3A_522 : vector<16xf32>
        %add3A_525 = arith.constant 1 : i32
        %add3A_526 = vector.broadcast %add3A_525 : i32 to vector<16xi32>
        %add3A_527 = arith.addi %scan3A_518, %add3A_526 : vector<16xi32>
        %and3A = arith.constant 63 : i32
        %and3A_528 = vector.broadcast %and3A : i32 to vector<16xi32>
        %and3A_529 = arith.andi %add3A_527, %and3A_528 : vector<16xi32>
        %gather3A_530 = tpu.vector_load_idx %arg11[%add3A_280, %and3A_529] : memref<80x64xi32, #tpu.memory_space<vmem>>[vector<16xi32>, vector<16xi32>], vector<16xi32>,
        %gather3A_531 = tpu.vector_load_idx %arg12[%add3A_280, %and3A_529] : memref<80x64xi32, #tpu.memory_space<vmem>>[vector<16xi32>, vector<16xi32>], vector<16xi32>,
        %bitcast3A_532 = vector.bitcast %gather3A_530 : vector<16xi32> to vector<32xbf16>
        %bitcast3A_533 = vector.bitcast %gather3A_531 : vector<16xi32> to vector<32xbf16>
        %mul3A_534 = arith.mulf %bitcast3A_532, %bitcast3A_533 : vector<32xbf16>
        %unpack3A_535 = tpu.unpack_subelements %mul3A_534, 0 {pack_format = #tpu.pack_format<interleaved>} : vector<32xbf16> -> vector<16xf32>
        %unpack3A_536 = tpu.unpack_subelements %mul3A_534, 1 {pack_format = #tpu.pack_format<interleaved>} : vector<32xbf16> -> vector<16xf32>
        %add3A_537 = arith.addf %add3A_523, %unpack3A_535 : vector<16xf32>
        %add3A_538 = arith.addf %add3A_524, %unpack3A_536 : vector<16xf32>
        %add3A_539 = arith.constant 1 : i32
        %add3A_540 = vector.broadcast %add3A_539 : i32 to vector<16xi32>
        %add3A_541 = arith.addi %and3A_529, %add3A_540 : vector<16xi32>
        %and3A_542 = arith.constant 63 : i32
        %and3A_543 = vector.broadcast %and3A_542 : i32 to vector<16xi32>
        %and3A_544 = arith.andi %add3A_541, %and3A_543 : vector<16xi32>
        %gather3A_545 = tpu.vector_load_idx %arg11[%add3A_280, %and3A_544] : memref<80x64xi32, #tpu.memory_space<vmem>>[vector<16xi32>, vector<16xi32>], vector<16xi32>,
        %gather3A_546 = tpu.vector_load_idx %arg12[%add3A_280, %and3A_544] : memref<80x64xi32, #tpu.memory_space<vmem>>[vector<16xi32>, vector<16xi32>], vector<16xi32>,
        %bitcast3A_547 = vector.bitcast %gather3A_545 : vector<16xi32> to vector<32xbf16>
        %bitcast3A_548 = vector.bitcast %gather3A_546 : vector<16xi32> to vector<32xbf16>
        %mul3A_549 = arith.mulf %bitcast3A_547, %bitcast3A_548 : vector<32xbf16>
        %unpack3A_550 = tpu.unpack_subelements %mul3A_549, 0 {pack_format = #tpu.pack_format<interleaved>} : vector<32xbf16> -> vector<16xf32>
        %unpack3A_551 = tpu.unpack_subelements %mul3A_549, 1 {pack_format = #tpu.pack_format<interleaved>} : vector<32xbf16> -> vector<16xf32>
        %add3A_552 = arith.addf %add3A_537, %unpack3A_550 : vector<16xf32>
        %add3A_553 = arith.addf %add3A_538, %unpack3A_551 : vector<16xf32>
        %add3A_554 = arith.constant 1 : i32
        %add3A_555 = vector.broadcast %add3A_554 : i32 to vector<16xi32>
        %add3A_556 = arith.addi %and3A_544, %add3A_555 : vector<16xi32>
        %and3A_557 = arith.constant 63 : i32
        %and3A_558 = vector.broadcast %and3A_557 : i32 to vector<16xi32>
        %and3A_559 = arith.andi %add3A_556, %and3A_558 : vector<16xi32>
        %gather3A_560 = tpu.vector_load_idx %arg11[%add3A_280, %and3A_559] : memref<80x64xi32, #tpu.memory_space<vmem>>[vector<16xi32>, vector<16xi32>], vector<16xi32>,
        %gather3A_561 = tpu.vector_load_idx %arg12[%add3A_280, %and3A_559] : memref<80x64xi32, #tpu.memory_space<vmem>>[vector<16xi32>, vector<16xi32>], vector<16xi32>,
        %bitcast3A_562 = vector.bitcast %gather3A_560 : vector<16xi32> to vector<32xbf16>
        %bitcast3A_563 = vector.bitcast %gather3A_561 : vector<16xi32> to vector<32xbf16>
        %mul3A_564 = arith.mulf %bitcast3A_562, %bitcast3A_563 : vector<32xbf16>
        %unpack3A_565 = tpu.unpack_subelements %mul3A_564, 0 {pack_format = #tpu.pack_format<interleaved>} : vector<32xbf16> -> vector<16xf32>
        %unpack3A_566 = tpu.unpack_subelements %mul3A_564, 1 {pack_format = #tpu.pack_format<interleaved>} : vector<32xbf16> -> vector<16xf32>
        %add3A_567 = arith.addf %add3A_552, %unpack3A_565 : vector<16xf32>
        %add3A_568 = arith.addf %add3A_553, %unpack3A_566 : vector<16xf32>
        %add3A_569 = arith.constant 1 : i32
        %add3A_570 = vector.broadcast %add3A_569 : i32 to vector<16xi32>
        %add3A_571 = arith.addi %and3A_559, %add3A_570 : vector<16xi32>
        %and3A_572 = arith.constant 63 : i32
        %and3A_573 = vector.broadcast %and3A_572 : i32 to vector<16xi32>
        %and3A_574 = arith.andi %add3A_571, %and3A_573 : vector<16xi32>
        %gather3A_575 = tpu.vector_load_idx %arg11[%add3A_280, %and3A_574] : memref<80x64xi32, #tpu.memory_space<vmem>>[vector<16xi32>, vector<16xi32>], vector<16xi32>,
        %gather3A_576 = tpu.vector_load_idx %arg12[%add3A_280, %and3A_574] : memref<80x64xi32, #tpu.memory_space<vmem>>[vector<16xi32>, vector<16xi32>], vector<16xi32>,
        %bitcast3A_577 = vector.bitcast %gather3A_575 : vector<16xi32> to vector<32xbf16>
        %bitcast3A_578 = vector.bitcast %gather3A_576 : vector<16xi32> to vector<32xbf16>
        %mul3A_579 = arith.mulf %bitcast3A_577, %bitcast3A_578 : vector<32xbf16>
        %unpack3A_580 = tpu.unpack_subelements %mul3A_579, 0 {pack_format = #tpu.pack_format<interleaved>} : vector<32xbf16> -> vector<16xf32>
        %unpack3A_581 = tpu.unpack_subelements %mul3A_579, 1 {pack_format = #tpu.pack_format<interleaved>} : vector<32xbf16> -> vector<16xf32>
        %add3A_582 = arith.addf %add3A_567, %unpack3A_580 : vector<16xf32>
        %add3A_583 = arith.addf %add3A_568, %unpack3A_581 : vector<16xf32>
        %add3A_584 = arith.constant 1 : i32
        %add3A_585 = vector.broadcast %add3A_584 : i32 to vector<16xi32>
        %add3A_586 = arith.addi %and3A_574, %add3A_585 : vector<16xi32>
        %and3A_587 = arith.constant 63 : i32
        %and3A_588 = vector.broadcast %and3A_587 : i32 to vector<16xi32>
        %and3A_589 = arith.andi %add3A_586, %and3A_588 : vector<16xi32>
        %gather3A_590 = tpu.vector_load_idx %arg11[%add3A_280, %and3A_589] : memref<80x64xi32, #tpu.memory_space<vmem>>[vector<16xi32>, vector<16xi32>], vector<16xi32>,
        %gather3A_591 = tpu.vector_load_idx %arg12[%add3A_280, %and3A_589] : memref<80x64xi32, #tpu.memory_space<vmem>>[vector<16xi32>, vector<16xi32>], vector<16xi32>,
        %bitcast3A_592 = vector.bitcast %gather3A_590 : vector<16xi32> to vector<32xbf16>
        %bitcast3A_593 = vector.bitcast %gather3A_591 : vector<16xi32> to vector<32xbf16>
        %mul3A_594 = arith.mulf %bitcast3A_592, %bitcast3A_593 : vector<32xbf16>
        %unpack3A_595 = tpu.unpack_subelements %mul3A_594, 0 {pack_format = #tpu.pack_format<interleaved>} : vector<32xbf16> -> vector<16xf32>
        %unpack3A_596 = tpu.unpack_subelements %mul3A_594, 1 {pack_format = #tpu.pack_format<interleaved>} : vector<32xbf16> -> vector<16xf32>
        %add3A_597 = arith.addf %add3A_582, %unpack3A_595 : vector<16xf32>
        %add3A_598 = arith.addf %add3A_583, %unpack3A_596 : vector<16xf32>
        %add3A_599 = arith.constant 1 : i32
        %add3A_600 = vector.broadcast %add3A_599 : i32 to vector<16xi32>
        %add3A_601 = arith.addi %and3A_589, %add3A_600 : vector<16xi32>
        %and3A_602 = arith.constant 63 : i32
        %and3A_603 = vector.broadcast %and3A_602 : i32 to vector<16xi32>
        %and3A_604 = arith.andi %add3A_601, %and3A_603 : vector<16xi32>
        %gather3A_605 = tpu.vector_load_idx %arg11[%add3A_280, %and3A_604] : memref<80x64xi32, #tpu.memory_space<vmem>>[vector<16xi32>, vector<16xi32>], vector<16xi32>,
        %gather3A_606 = tpu.vector_load_idx %arg12[%add3A_280, %and3A_604] : memref<80x64xi32, #tpu.memory_space<vmem>>[vector<16xi32>, vector<16xi32>], vector<16xi32>,
        %bitcast3A_607 = vector.bitcast %gather3A_605 : vector<16xi32> to vector<32xbf16>
        %bitcast3A_608 = vector.bitcast %gather3A_606 : vector<16xi32> to vector<32xbf16>
        %mul3A_609 = arith.mulf %bitcast3A_607, %bitcast3A_608 : vector<32xbf16>
        %unpack3A_610 = tpu.unpack_subelements %mul3A_609, 0 {pack_format = #tpu.pack_format<interleaved>} : vector<32xbf16> -> vector<16xf32>
        %unpack3A_611 = tpu.unpack_subelements %mul3A_609, 1 {pack_format = #tpu.pack_format<interleaved>} : vector<32xbf16> -> vector<16xf32>
        %add3A_612 = arith.addf %add3A_597, %unpack3A_610 : vector<16xf32>
        %add3A_613 = arith.addf %add3A_598, %unpack3A_611 : vector<16xf32>
        %add3A_614 = arith.constant 1 : i32
        %add3A_615 = vector.broadcast %add3A_614 : i32 to vector<16xi32>
        %add3A_616 = arith.addi %and3A_604, %add3A_615 : vector<16xi32>
        %and3A_617 = arith.constant 63 : i32
        %and3A_618 = vector.broadcast %and3A_617 : i32 to vector<16xi32>
        %and3A_619 = arith.andi %add3A_616, %and3A_618 : vector<16xi32>
        %gather3A_620 = tpu.vector_load_idx %arg11[%add3A_280, %and3A_619] : memref<80x64xi32, #tpu.memory_space<vmem>>[vector<16xi32>, vector<16xi32>], vector<16xi32>,
        %gather3A_621 = tpu.vector_load_idx %arg12[%add3A_280, %and3A_619] : memref<80x64xi32, #tpu.memory_space<vmem>>[vector<16xi32>, vector<16xi32>], vector<16xi32>,
        %bitcast3A_622 = vector.bitcast %gather3A_620 : vector<16xi32> to vector<32xbf16>
        %bitcast3A_623 = vector.bitcast %gather3A_621 : vector<16xi32> to vector<32xbf16>
        %mul3A_624 = arith.mulf %bitcast3A_622, %bitcast3A_623 : vector<32xbf16>
        %unpack3A_625 = tpu.unpack_subelements %mul3A_624, 0 {pack_format = #tpu.pack_format<interleaved>} : vector<32xbf16> -> vector<16xf32>
        %unpack3A_626 = tpu.unpack_subelements %mul3A_624, 1 {pack_format = #tpu.pack_format<interleaved>} : vector<32xbf16> -> vector<16xf32>
        %add3A_627 = arith.addf %add3A_612, %unpack3A_625 : vector<16xf32>
        %add3A_628 = arith.addf %add3A_613, %unpack3A_626 : vector<16xf32>
        %add3A_629 = arith.constant 1 : i32
        %add3A_630 = vector.broadcast %add3A_629 : i32 to vector<16xi32>
        %add3A_631 = arith.addi %and3A_619, %add3A_630 : vector<16xi32>
        %and3A_632 = arith.constant 63 : i32
        %and3A_633 = vector.broadcast %and3A_632 : i32 to vector<16xi32>
        %and3A_634 = arith.andi %add3A_631, %and3A_633 : vector<16xi32>
        scf.yield %add3A_627, %add3A_628, %and3A_634 : vector<16xf32>, vector<16xf32>, vector<16xi32>
      }
      %scan3A_290 = arith.constant 8 : i32
      %add3A_291 = arith.addf %scan3A_289#0, %scan3A_289#1 : vector<16xf32>
      %neg3A_292 = arith.constant 0.000000e+00 : f32
      %neg3A_293 = vector.broadcast %neg3A_292 : f32 to vector<16xf32>
      %neg3A_294 = arith.subf %neg3A_293, %add3A_291 : vector<16xf32>
      %exp3A_295 = math.exp %neg3A_294 : vector<16xf32>
      %add3A_296 = arith.addf %broadcast_in_dim3A_221, %exp3A_295 : vector<16xf32>
      %div3A_297 = arith.divf %broadcast_in_dim3A_221, %add3A_296 : vector<16xf32>
      %add3A_298 = arith.addf %div3A_297, %broadcast_in_dim3A_225 : vector<16xf32>
      %mul3A_299 = arith.mulf %add3A_298, %broadcast_in_dim3A_223 : vector<16xf32>
      %add3A_300 = arith.constant 32 : i32
      %add3A_301 = arith.addi %mul3A_218, %add3A_300 : i32
      %swap3A_302 = arith.index_cast %add3A_301 : i32 to index
      %swap3A_303 = tpu.vector_load %arg15[%swap3A_302] {strides = array<i32>} : memref<10000xf32, #tpu.memory_space<vmem>>, vector<16xf32>,
      tpu.vector_store %arg15[%swap3A_302], %mul3A_299 {strides = array<i32>} : memref<10000xf32, #tpu.memory_space<vmem>>, vector<16xf32>,
      %add3A_304 = arith.constant 48 : i32
      %add3A_305 = vector.broadcast %add3A_304 : i32 to vector<16xi32>
      %add3A_306 = arith.addi %iota3A_219, %add3A_305 : vector<16xi32>
      %broadcast_in_dim3A_307 = arith.constant 0.000000e+00 : f32
      %broadcast_in_dim3A_308 = vector.broadcast %broadcast_in_dim3A_307 : f32 to vector<16xf32>
      %broadcast_in_dim3A_309 = arith.constant 0.000000e+00 : f32
      %broadcast_in_dim3A_310 = vector.broadcast %broadcast_in_dim3A_309 : f32 to vector<16xf32>
      %scan3A_311 = arith.constant 0 : i32
      %scan3A_312 = arith.constant 8 : i32
      %scan3A_313 = arith.addi %scan3A_311, %scan3A_312 : i32
      %scan3A_314 = arith.constant 1 : i32
      %scan3A_315:3 = scf.for %scan3A_515 = %scan3A_311 to %scan3A_313 step %scan3A_314 iter_args(%scan3A_516 = %broadcast_in_dim3A_308, %scan3A_517 = %broadcast_in_dim3A_310, %scan3A_518 = %iota3A_219) -> (vector<16xf32>, vector<16xf32>, vector<16xi32>)  : i32 {
        %gather3A = tpu.vector_load_idx %arg11[%add3A_306, %scan3A_518] : memref<80x64xi32, #tpu.memory_space<vmem>>[vector<16xi32>, vector<16xi32>], vector<16xi32>,
        %gather3A_519 = tpu.vector_load_idx %arg12[%add3A_306, %scan3A_518] : memref<80x64xi32, #tpu.memory_space<vmem>>[vector<16xi32>, vector<16xi32>], vector<16xi32>,
        %bitcast3A = vector.bitcast %gather3A : vector<16xi32> to vector<32xbf16>
        %bitcast3A_520 = vector.bitcast %gather3A_519 : vector<16xi32> to vector<32xbf16>
        %mul3A_521 = arith.mulf %bitcast3A, %bitcast3A_520 : vector<32xbf16>
        %unpack3A = tpu.unpack_subelements %mul3A_521, 0 {pack_format = #tpu.pack_format<interleaved>} : vector<32xbf16> -> vector<16xf32>
        %unpack3A_522 = tpu.unpack_subelements %mul3A_521, 1 {pack_format = #tpu.pack_format<interleaved>} : vector<32xbf16> -> vector<16xf32>
        %add3A_523 = arith.addf %scan3A_516, %unpack3A : vector<16xf32>
        %add3A_524 = arith.addf %scan3A_517, %unpack3A_522 : vector<16xf32>
        %add3A_525 = arith.constant 1 : i32
        %add3A_526 = vector.broadcast %add3A_525 : i32 to vector<16xi32>
        %add3A_527 = arith.addi %scan3A_518, %add3A_526 : vector<16xi32>
        %and3A = arith.constant 63 : i32
        %and3A_528 = vector.broadcast %and3A : i32 to vector<16xi32>
        %and3A_529 = arith.andi %add3A_527, %and3A_528 : vector<16xi32>
        %gather3A_530 = tpu.vector_load_idx %arg11[%add3A_306, %and3A_529] : memref<80x64xi32, #tpu.memory_space<vmem>>[vector<16xi32>, vector<16xi32>], vector<16xi32>,
        %gather3A_531 = tpu.vector_load_idx %arg12[%add3A_306, %and3A_529] : memref<80x64xi32, #tpu.memory_space<vmem>>[vector<16xi32>, vector<16xi32>], vector<16xi32>,
        %bitcast3A_532 = vector.bitcast %gather3A_530 : vector<16xi32> to vector<32xbf16>
        %bitcast3A_533 = vector.bitcast %gather3A_531 : vector<16xi32> to vector<32xbf16>
        %mul3A_534 = arith.mulf %bitcast3A_532, %bitcast3A_533 : vector<32xbf16>
        %unpack3A_535 = tpu.unpack_subelements %mul3A_534, 0 {pack_format = #tpu.pack_format<interleaved>} : vector<32xbf16> -> vector<16xf32>
        %unpack3A_536 = tpu.unpack_subelements %mul3A_534, 1 {pack_format = #tpu.pack_format<interleaved>} : vector<32xbf16> -> vector<16xf32>
        %add3A_537 = arith.addf %add3A_523, %unpack3A_535 : vector<16xf32>
        %add3A_538 = arith.addf %add3A_524, %unpack3A_536 : vector<16xf32>
        %add3A_539 = arith.constant 1 : i32
        %add3A_540 = vector.broadcast %add3A_539 : i32 to vector<16xi32>
        %add3A_541 = arith.addi %and3A_529, %add3A_540 : vector<16xi32>
        %and3A_542 = arith.constant 63 : i32
        %and3A_543 = vector.broadcast %and3A_542 : i32 to vector<16xi32>
        %and3A_544 = arith.andi %add3A_541, %and3A_543 : vector<16xi32>
        %gather3A_545 = tpu.vector_load_idx %arg11[%add3A_306, %and3A_544] : memref<80x64xi32, #tpu.memory_space<vmem>>[vector<16xi32>, vector<16xi32>], vector<16xi32>,
        %gather3A_546 = tpu.vector_load_idx %arg12[%add3A_306, %and3A_544] : memref<80x64xi32, #tpu.memory_space<vmem>>[vector<16xi32>, vector<16xi32>], vector<16xi32>,
        %bitcast3A_547 = vector.bitcast %gather3A_545 : vector<16xi32> to vector<32xbf16>
        %bitcast3A_548 = vector.bitcast %gather3A_546 : vector<16xi32> to vector<32xbf16>
        %mul3A_549 = arith.mulf %bitcast3A_547, %bitcast3A_548 : vector<32xbf16>
        %unpack3A_550 = tpu.unpack_subelements %mul3A_549, 0 {pack_format = #tpu.pack_format<interleaved>} : vector<32xbf16> -> vector<16xf32>
        %unpack3A_551 = tpu.unpack_subelements %mul3A_549, 1 {pack_format = #tpu.pack_format<interleaved>} : vector<32xbf16> -> vector<16xf32>
        %add3A_552 = arith.addf %add3A_537, %unpack3A_550 : vector<16xf32>
        %add3A_553 = arith.addf %add3A_538, %unpack3A_551 : vector<16xf32>
        %add3A_554 = arith.constant 1 : i32
        %add3A_555 = vector.broadcast %add3A_554 : i32 to vector<16xi32>
        %add3A_556 = arith.addi %and3A_544, %add3A_555 : vector<16xi32>
        %and3A_557 = arith.constant 63 : i32
        %and3A_558 = vector.broadcast %and3A_557 : i32 to vector<16xi32>
        %and3A_559 = arith.andi %add3A_556, %and3A_558 : vector<16xi32>
        %gather3A_560 = tpu.vector_load_idx %arg11[%add3A_306, %and3A_559] : memref<80x64xi32, #tpu.memory_space<vmem>>[vector<16xi32>, vector<16xi32>], vector<16xi32>,
        %gather3A_561 = tpu.vector_load_idx %arg12[%add3A_306, %and3A_559] : memref<80x64xi32, #tpu.memory_space<vmem>>[vector<16xi32>, vector<16xi32>], vector<16xi32>,
        %bitcast3A_562 = vector.bitcast %gather3A_560 : vector<16xi32> to vector<32xbf16>
        %bitcast3A_563 = vector.bitcast %gather3A_561 : vector<16xi32> to vector<32xbf16>
        %mul3A_564 = arith.mulf %bitcast3A_562, %bitcast3A_563 : vector<32xbf16>
        %unpack3A_565 = tpu.unpack_subelements %mul3A_564, 0 {pack_format = #tpu.pack_format<interleaved>} : vector<32xbf16> -> vector<16xf32>
        %unpack3A_566 = tpu.unpack_subelements %mul3A_564, 1 {pack_format = #tpu.pack_format<interleaved>} : vector<32xbf16> -> vector<16xf32>
        %add3A_567 = arith.addf %add3A_552, %unpack3A_565 : vector<16xf32>
        %add3A_568 = arith.addf %add3A_553, %unpack3A_566 : vector<16xf32>
        %add3A_569 = arith.constant 1 : i32
        %add3A_570 = vector.broadcast %add3A_569 : i32 to vector<16xi32>
        %add3A_571 = arith.addi %and3A_559, %add3A_570 : vector<16xi32>
        %and3A_572 = arith.constant 63 : i32
        %and3A_573 = vector.broadcast %and3A_572 : i32 to vector<16xi32>
        %and3A_574 = arith.andi %add3A_571, %and3A_573 : vector<16xi32>
        %gather3A_575 = tpu.vector_load_idx %arg11[%add3A_306, %and3A_574] : memref<80x64xi32, #tpu.memory_space<vmem>>[vector<16xi32>, vector<16xi32>], vector<16xi32>,
        %gather3A_576 = tpu.vector_load_idx %arg12[%add3A_306, %and3A_574] : memref<80x64xi32, #tpu.memory_space<vmem>>[vector<16xi32>, vector<16xi32>], vector<16xi32>,
        %bitcast3A_577 = vector.bitcast %gather3A_575 : vector<16xi32> to vector<32xbf16>
        %bitcast3A_578 = vector.bitcast %gather3A_576 : vector<16xi32> to vector<32xbf16>
        %mul3A_579 = arith.mulf %bitcast3A_577, %bitcast3A_578 : vector<32xbf16>
        %unpack3A_580 = tpu.unpack_subelements %mul3A_579, 0 {pack_format = #tpu.pack_format<interleaved>} : vector<32xbf16> -> vector<16xf32>
        %unpack3A_581 = tpu.unpack_subelements %mul3A_579, 1 {pack_format = #tpu.pack_format<interleaved>} : vector<32xbf16> -> vector<16xf32>
        %add3A_582 = arith.addf %add3A_567, %unpack3A_580 : vector<16xf32>
        %add3A_583 = arith.addf %add3A_568, %unpack3A_581 : vector<16xf32>
        %add3A_584 = arith.constant 1 : i32
        %add3A_585 = vector.broadcast %add3A_584 : i32 to vector<16xi32>
        %add3A_586 = arith.addi %and3A_574, %add3A_585 : vector<16xi32>
        %and3A_587 = arith.constant 63 : i32
        %and3A_588 = vector.broadcast %and3A_587 : i32 to vector<16xi32>
        %and3A_589 = arith.andi %add3A_586, %and3A_588 : vector<16xi32>
        %gather3A_590 = tpu.vector_load_idx %arg11[%add3A_306, %and3A_589] : memref<80x64xi32, #tpu.memory_space<vmem>>[vector<16xi32>, vector<16xi32>], vector<16xi32>,
        %gather3A_591 = tpu.vector_load_idx %arg12[%add3A_306, %and3A_589] : memref<80x64xi32, #tpu.memory_space<vmem>>[vector<16xi32>, vector<16xi32>], vector<16xi32>,
        %bitcast3A_592 = vector.bitcast %gather3A_590 : vector<16xi32> to vector<32xbf16>
        %bitcast3A_593 = vector.bitcast %gather3A_591 : vector<16xi32> to vector<32xbf16>
        %mul3A_594 = arith.mulf %bitcast3A_592, %bitcast3A_593 : vector<32xbf16>
        %unpack3A_595 = tpu.unpack_subelements %mul3A_594, 0 {pack_format = #tpu.pack_format<interleaved>} : vector<32xbf16> -> vector<16xf32>
        %unpack3A_596 = tpu.unpack_subelements %mul3A_594, 1 {pack_format = #tpu.pack_format<interleaved>} : vector<32xbf16> -> vector<16xf32>
        %add3A_597 = arith.addf %add3A_582, %unpack3A_595 : vector<16xf32>
        %add3A_598 = arith.addf %add3A_583, %unpack3A_596 : vector<16xf32>
        %add3A_599 = arith.constant 1 : i32
        %add3A_600 = vector.broadcast %add3A_599 : i32 to vector<16xi32>
        %add3A_601 = arith.addi %and3A_589, %add3A_600 : vector<16xi32>
        %and3A_602 = arith.constant 63 : i32
        %and3A_603 = vector.broadcast %and3A_602 : i32 to vector<16xi32>
        %and3A_604 = arith.andi %add3A_601, %and3A_603 : vector<16xi32>
        %gather3A_605 = tpu.vector_load_idx %arg11[%add3A_306, %and3A_604] : memref<80x64xi32, #tpu.memory_space<vmem>>[vector<16xi32>, vector<16xi32>], vector<16xi32>,
        %gather3A_606 = tpu.vector_load_idx %arg12[%add3A_306, %and3A_604] : memref<80x64xi32, #tpu.memory_space<vmem>>[vector<16xi32>, vector<16xi32>], vector<16xi32>,
        %bitcast3A_607 = vector.bitcast %gather3A_605 : vector<16xi32> to vector<32xbf16>
        %bitcast3A_608 = vector.bitcast %gather3A_606 : vector<16xi32> to vector<32xbf16>
        %mul3A_609 = arith.mulf %bitcast3A_607, %bitcast3A_608 : vector<32xbf16>
        %unpack3A_610 = tpu.unpack_subelements %mul3A_609, 0 {pack_format = #tpu.pack_format<interleaved>} : vector<32xbf16> -> vector<16xf32>
        %unpack3A_611 = tpu.unpack_subelements %mul3A_609, 1 {pack_format = #tpu.pack_format<interleaved>} : vector<32xbf16> -> vector<16xf32>
        %add3A_612 = arith.addf %add3A_597, %unpack3A_610 : vector<16xf32>
        %add3A_613 = arith.addf %add3A_598, %unpack3A_611 : vector<16xf32>
        %add3A_614 = arith.constant 1 : i32
        %add3A_615 = vector.broadcast %add3A_614 : i32 to vector<16xi32>
        %add3A_616 = arith.addi %and3A_604, %add3A_615 : vector<16xi32>
        %and3A_617 = arith.constant 63 : i32
        %and3A_618 = vector.broadcast %and3A_617 : i32 to vector<16xi32>
        %and3A_619 = arith.andi %add3A_616, %and3A_618 : vector<16xi32>
        %gather3A_620 = tpu.vector_load_idx %arg11[%add3A_306, %and3A_619] : memref<80x64xi32, #tpu.memory_space<vmem>>[vector<16xi32>, vector<16xi32>], vector<16xi32>,
        %gather3A_621 = tpu.vector_load_idx %arg12[%add3A_306, %and3A_619] : memref<80x64xi32, #tpu.memory_space<vmem>>[vector<16xi32>, vector<16xi32>], vector<16xi32>,
        %bitcast3A_622 = vector.bitcast %gather3A_620 : vector<16xi32> to vector<32xbf16>
        %bitcast3A_623 = vector.bitcast %gather3A_621 : vector<16xi32> to vector<32xbf16>
        %mul3A_624 = arith.mulf %bitcast3A_622, %bitcast3A_623 : vector<32xbf16>
        %unpack3A_625 = tpu.unpack_subelements %mul3A_624, 0 {pack_format = #tpu.pack_format<interleaved>} : vector<32xbf16> -> vector<16xf32>
        %unpack3A_626 = tpu.unpack_subelements %mul3A_624, 1 {pack_format = #tpu.pack_format<interleaved>} : vector<32xbf16> -> vector<16xf32>
        %add3A_627 = arith.addf %add3A_612, %unpack3A_625 : vector<16xf32>
        %add3A_628 = arith.addf %add3A_613, %unpack3A_626 : vector<16xf32>
        %add3A_629 = arith.constant 1 : i32
        %add3A_630 = vector.broadcast %add3A_629 : i32 to vector<16xi32>
        %add3A_631 = arith.addi %and3A_619, %add3A_630 : vector<16xi32>
        %and3A_632 = arith.constant 63 : i32
        %and3A_633 = vector.broadcast %and3A_632 : i32 to vector<16xi32>
        %and3A_634 = arith.andi %add3A_631, %and3A_633 : vector<16xi32>
        scf.yield %add3A_627, %add3A_628, %and3A_634 : vector<16xf32>, vector<16xf32>, vector<16xi32>
      }
      %scan3A_316 = arith.constant 8 : i32
      %add3A_317 = arith.addf %scan3A_315#0, %scan3A_315#1 : vector<16xf32>
      %neg3A_318 = arith.constant 0.000000e+00 : f32
      %neg3A_319 = vector.broadcast %neg3A_318 : f32 to vector<16xf32>
      %neg3A_320 = arith.subf %neg3A_319, %add3A_317 : vector<16xf32>
      %exp3A_321 = math.exp %neg3A_320 : vector<16xf32>
      %add3A_322 = arith.addf %broadcast_in_dim3A_221, %exp3A_321 : vector<16xf32>
      %div3A_323 = arith.divf %broadcast_in_dim3A_221, %add3A_322 : vector<16xf32>
      %add3A_324 = arith.addf %div3A_323, %broadcast_in_dim3A_225 : vector<16xf32>
      %mul3A_325 = arith.mulf %add3A_324, %broadcast_in_dim3A_223 : vector<16xf32>
      %add3A_326 = arith.constant 48 : i32
      %add3A_327 = arith.addi %mul3A_218, %add3A_326 : i32
      %swap3A_328 = arith.index_cast %add3A_327 : i32 to index
      %swap3A_329 = tpu.vector_load %arg15[%swap3A_328] {strides = array<i32>} : memref<10000xf32, #tpu.memory_space<vmem>>, vector<16xf32>,
      tpu.vector_store %arg15[%swap3A_328], %mul3A_325 {strides = array<i32>} : memref<10000xf32, #tpu.memory_space<vmem>>, vector<16xf32>,
      %add3A_330 = arith.constant 64 : i32
      %add3A_331 = vector.broadcast %add3A_330 : i32 to vector<16xi32>
      %add3A_332 = arith.addi %iota3A_219, %add3A_331 : vector<16xi32>
      %broadcast_in_dim3A_333 = arith.constant 0.000000e+00 : f32
      %broadcast_in_dim3A_334 = vector.broadcast %broadcast_in_dim3A_333 : f32 to vector<16xf32>
      %broadcast_in_dim3A_335 = arith.constant 0.000000e+00 : f32
      %broadcast_in_dim3A_336 = vector.broadcast %broadcast_in_dim3A_335 : f32 to vector<16xf32>
      %scan3A_337 = arith.constant 0 : i32
      %scan3A_338 = arith.constant 8 : i32
      %scan3A_339 = arith.addi %scan3A_337, %scan3A_338 : i32
      %scan3A_340 = arith.constant 1 : i32
      %scan3A_341:3 = scf.for %scan3A_515 = %scan3A_337 to %scan3A_339 step %scan3A_340 iter_args(%scan3A_516 = %broadcast_in_dim3A_334, %scan3A_517 = %broadcast_in_dim3A_336, %scan3A_518 = %iota3A_219) -> (vector<16xf32>, vector<16xf32>, vector<16xi32>)  : i32 {
        %gather3A = tpu.vector_load_idx %arg11[%add3A_332, %scan3A_518] : memref<80x64xi32, #tpu.memory_space<vmem>>[vector<16xi32>, vector<16xi32>], vector<16xi32>,
        %gather3A_519 = tpu.vector_load_idx %arg12[%add3A_332, %scan3A_518] : memref<80x64xi32, #tpu.memory_space<vmem>>[vector<16xi32>, vector<16xi32>], vector<16xi32>,
        %bitcast3A = vector.bitcast %gather3A : vector<16xi32> to vector<32xbf16>
        %bitcast3A_520 = vector.bitcast %gather3A_519 : vector<16xi32> to vector<32xbf16>
        %mul3A_521 = arith.mulf %bitcast3A, %bitcast3A_520 : vector<32xbf16>
        %unpack3A = tpu.unpack_subelements %mul3A_521, 0 {pack_format = #tpu.pack_format<interleaved>} : vector<32xbf16> -> vector<16xf32>
        %unpack3A_522 = tpu.unpack_subelements %mul3A_521, 1 {pack_format = #tpu.pack_format<interleaved>} : vector<32xbf16> -> vector<16xf32>
        %add3A_523 = arith.addf %scan3A_516, %unpack3A : vector<16xf32>
        %add3A_524 = arith.addf %scan3A_517, %unpack3A_522 : vector<16xf32>
        %add3A_525 = arith.constant 1 : i32
        %add3A_526 = vector.broadcast %add3A_525 : i32 to vector<16xi32>
        %add3A_527 = arith.addi %scan3A_518, %add3A_526 : vector<16xi32>
        %and3A = arith.constant 63 : i32
        %and3A_528 = vector.broadcast %and3A : i32 to vector<16xi32>
        %and3A_529 = arith.andi %add3A_527, %and3A_528 : vector<16xi32>
        %gather3A_530 = tpu.vector_load_idx %arg11[%add3A_332, %and3A_529] : memref<80x64xi32, #tpu.memory_space<vmem>>[vector<16xi32>, vector<16xi32>], vector<16xi32>,
        %gather3A_531 = tpu.vector_load_idx %arg12[%add3A_332, %and3A_529] : memref<80x64xi32, #tpu.memory_space<vmem>>[vector<16xi32>, vector<16xi32>], vector<16xi32>,
        %bitcast3A_532 = vector.bitcast %gather3A_530 : vector<16xi32> to vector<32xbf16>
        %bitcast3A_533 = vector.bitcast %gather3A_531 : vector<16xi32> to vector<32xbf16>
        %mul3A_534 = arith.mulf %bitcast3A_532, %bitcast3A_533 : vector<32xbf16>
        %unpack3A_535 = tpu.unpack_subelements %mul3A_534, 0 {pack_format = #tpu.pack_format<interleaved>} : vector<32xbf16> -> vector<16xf32>
        %unpack3A_536 = tpu.unpack_subelements %mul3A_534, 1 {pack_format = #tpu.pack_format<interleaved>} : vector<32xbf16> -> vector<16xf32>
        %add3A_537 = arith.addf %add3A_523, %unpack3A_535 : vector<16xf32>
        %add3A_538 = arith.addf %add3A_524, %unpack3A_536 : vector<16xf32>
        %add3A_539 = arith.constant 1 : i32
        %add3A_540 = vector.broadcast %add3A_539 : i32 to vector<16xi32>
        %add3A_541 = arith.addi %and3A_529, %add3A_540 : vector<16xi32>
        %and3A_542 = arith.constant 63 : i32
        %and3A_543 = vector.broadcast %and3A_542 : i32 to vector<16xi32>
        %and3A_544 = arith.andi %add3A_541, %and3A_543 : vector<16xi32>
        %gather3A_545 = tpu.vector_load_idx %arg11[%add3A_332, %and3A_544] : memref<80x64xi32, #tpu.memory_space<vmem>>[vector<16xi32>, vector<16xi32>], vector<16xi32>,
        %gather3A_546 = tpu.vector_load_idx %arg12[%add3A_332, %and3A_544] : memref<80x64xi32, #tpu.memory_space<vmem>>[vector<16xi32>, vector<16xi32>], vector<16xi32>,
        %bitcast3A_547 = vector.bitcast %gather3A_545 : vector<16xi32> to vector<32xbf16>
        %bitcast3A_548 = vector.bitcast %gather3A_546 : vector<16xi32> to vector<32xbf16>
        %mul3A_549 = arith.mulf %bitcast3A_547, %bitcast3A_548 : vector<32xbf16>
        %unpack3A_550 = tpu.unpack_subelements %mul3A_549, 0 {pack_format = #tpu.pack_format<interleaved>} : vector<32xbf16> -> vector<16xf32>
        %unpack3A_551 = tpu.unpack_subelements %mul3A_549, 1 {pack_format = #tpu.pack_format<interleaved>} : vector<32xbf16> -> vector<16xf32>
        %add3A_552 = arith.addf %add3A_537, %unpack3A_550 : vector<16xf32>
        %add3A_553 = arith.addf %add3A_538, %unpack3A_551 : vector<16xf32>
        %add3A_554 = arith.constant 1 : i32
        %add3A_555 = vector.broadcast %add3A_554 : i32 to vector<16xi32>
        %add3A_556 = arith.addi %and3A_544, %add3A_555 : vector<16xi32>
        %and3A_557 = arith.constant 63 : i32
        %and3A_558 = vector.broadcast %and3A_557 : i32 to vector<16xi32>
        %and3A_559 = arith.andi %add3A_556, %and3A_558 : vector<16xi32>
        %gather3A_560 = tpu.vector_load_idx %arg11[%add3A_332, %and3A_559] : memref<80x64xi32, #tpu.memory_space<vmem>>[vector<16xi32>, vector<16xi32>], vector<16xi32>,
        %gather3A_561 = tpu.vector_load_idx %arg12[%add3A_332, %and3A_559] : memref<80x64xi32, #tpu.memory_space<vmem>>[vector<16xi32>, vector<16xi32>], vector<16xi32>,
        %bitcast3A_562 = vector.bitcast %gather3A_560 : vector<16xi32> to vector<32xbf16>
        %bitcast3A_563 = vector.bitcast %gather3A_561 : vector<16xi32> to vector<32xbf16>
        %mul3A_564 = arith.mulf %bitcast3A_562, %bitcast3A_563 : vector<32xbf16>
        %unpack3A_565 = tpu.unpack_subelements %mul3A_564, 0 {pack_format = #tpu.pack_format<interleaved>} : vector<32xbf16> -> vector<16xf32>
        %unpack3A_566 = tpu.unpack_subelements %mul3A_564, 1 {pack_format = #tpu.pack_format<interleaved>} : vector<32xbf16> -> vector<16xf32>
        %add3A_567 = arith.addf %add3A_552, %unpack3A_565 : vector<16xf32>
        %add3A_568 = arith.addf %add3A_553, %unpack3A_566 : vector<16xf32>
        %add3A_569 = arith.constant 1 : i32
        %add3A_570 = vector.broadcast %add3A_569 : i32 to vector<16xi32>
        %add3A_571 = arith.addi %and3A_559, %add3A_570 : vector<16xi32>
        %and3A_572 = arith.constant 63 : i32
        %and3A_573 = vector.broadcast %and3A_572 : i32 to vector<16xi32>
        %and3A_574 = arith.andi %add3A_571, %and3A_573 : vector<16xi32>
        %gather3A_575 = tpu.vector_load_idx %arg11[%add3A_332, %and3A_574] : memref<80x64xi32, #tpu.memory_space<vmem>>[vector<16xi32>, vector<16xi32>], vector<16xi32>,
        %gather3A_576 = tpu.vector_load_idx %arg12[%add3A_332, %and3A_574] : memref<80x64xi32, #tpu.memory_space<vmem>>[vector<16xi32>, vector<16xi32>], vector<16xi32>,
        %bitcast3A_577 = vector.bitcast %gather3A_575 : vector<16xi32> to vector<32xbf16>
        %bitcast3A_578 = vector.bitcast %gather3A_576 : vector<16xi32> to vector<32xbf16>
        %mul3A_579 = arith.mulf %bitcast3A_577, %bitcast3A_578 : vector<32xbf16>
        %unpack3A_580 = tpu.unpack_subelements %mul3A_579, 0 {pack_format = #tpu.pack_format<interleaved>} : vector<32xbf16> -> vector<16xf32>
        %unpack3A_581 = tpu.unpack_subelements %mul3A_579, 1 {pack_format = #tpu.pack_format<interleaved>} : vector<32xbf16> -> vector<16xf32>
        %add3A_582 = arith.addf %add3A_567, %unpack3A_580 : vector<16xf32>
        %add3A_583 = arith.addf %add3A_568, %unpack3A_581 : vector<16xf32>
        %add3A_584 = arith.constant 1 : i32
        %add3A_585 = vector.broadcast %add3A_584 : i32 to vector<16xi32>
        %add3A_586 = arith.addi %and3A_574, %add3A_585 : vector<16xi32>
        %and3A_587 = arith.constant 63 : i32
        %and3A_588 = vector.broadcast %and3A_587 : i32 to vector<16xi32>
        %and3A_589 = arith.andi %add3A_586, %and3A_588 : vector<16xi32>
        %gather3A_590 = tpu.vector_load_idx %arg11[%add3A_332, %and3A_589] : memref<80x64xi32, #tpu.memory_space<vmem>>[vector<16xi32>, vector<16xi32>], vector<16xi32>,
        %gather3A_591 = tpu.vector_load_idx %arg12[%add3A_332, %and3A_589] : memref<80x64xi32, #tpu.memory_space<vmem>>[vector<16xi32>, vector<16xi32>], vector<16xi32>,
        %bitcast3A_592 = vector.bitcast %gather3A_590 : vector<16xi32> to vector<32xbf16>
        %bitcast3A_593 = vector.bitcast %gather3A_591 : vector<16xi32> to vector<32xbf16>
        %mul3A_594 = arith.mulf %bitcast3A_592, %bitcast3A_593 : vector<32xbf16>
        %unpack3A_595 = tpu.unpack_subelements %mul3A_594, 0 {pack_format = #tpu.pack_format<interleaved>} : vector<32xbf16> -> vector<16xf32>
        %unpack3A_596 = tpu.unpack_subelements %mul3A_594, 1 {pack_format = #tpu.pack_format<interleaved>} : vector<32xbf16> -> vector<16xf32>
        %add3A_597 = arith.addf %add3A_582, %unpack3A_595 : vector<16xf32>
        %add3A_598 = arith.addf %add3A_583, %unpack3A_596 : vector<16xf32>
        %add3A_599 = arith.constant 1 : i32
        %add3A_600 = vector.broadcast %add3A_599 : i32 to vector<16xi32>
        %add3A_601 = arith.addi %and3A_589, %add3A_600 : vector<16xi32>
        %and3A_602 = arith.constant 63 : i32
        %and3A_603 = vector.broadcast %and3A_602 : i32 to vector<16xi32>
        %and3A_604 = arith.andi %add3A_601, %and3A_603 : vector<16xi32>
        %gather3A_605 = tpu.vector_load_idx %arg11[%add3A_332, %and3A_604] : memref<80x64xi32, #tpu.memory_space<vmem>>[vector<16xi32>, vector<16xi32>], vector<16xi32>,
        %gather3A_606 = tpu.vector_load_idx %arg12[%add3A_332, %and3A_604] : memref<80x64xi32, #tpu.memory_space<vmem>>[vector<16xi32>, vector<16xi32>], vector<16xi32>,
        %bitcast3A_607 = vector.bitcast %gather3A_605 : vector<16xi32> to vector<32xbf16>
        %bitcast3A_608 = vector.bitcast %gather3A_606 : vector<16xi32> to vector<32xbf16>
        %mul3A_609 = arith.mulf %bitcast3A_607, %bitcast3A_608 : vector<32xbf16>
        %unpack3A_610 = tpu.unpack_subelements %mul3A_609, 0 {pack_format = #tpu.pack_format<interleaved>} : vector<32xbf16> -> vector<16xf32>
        %unpack3A_611 = tpu.unpack_subelements %mul3A_609, 1 {pack_format = #tpu.pack_format<interleaved>} : vector<32xbf16> -> vector<16xf32>
        %add3A_612 = arith.addf %add3A_597, %unpack3A_610 : vector<16xf32>
        %add3A_613 = arith.addf %add3A_598, %unpack3A_611 : vector<16xf32>
        %add3A_614 = arith.constant 1 : i32
        %add3A_615 = vector.broadcast %add3A_614 : i32 to vector<16xi32>
        %add3A_616 = arith.addi %and3A_604, %add3A_615 : vector<16xi32>
        %and3A_617 = arith.constant 63 : i32
        %and3A_618 = vector.broadcast %and3A_617 : i32 to vector<16xi32>
        %and3A_619 = arith.andi %add3A_616, %and3A_618 : vector<16xi32>
        %gather3A_620 = tpu.vector_load_idx %arg11[%add3A_332, %and3A_619] : memref<80x64xi32, #tpu.memory_space<vmem>>[vector<16xi32>, vector<16xi32>], vector<16xi32>,
        %gather3A_621 = tpu.vector_load_idx %arg12[%add3A_332, %and3A_619] : memref<80x64xi32, #tpu.memory_space<vmem>>[vector<16xi32>, vector<16xi32>], vector<16xi32>,
        %bitcast3A_622 = vector.bitcast %gather3A_620 : vector<16xi32> to vector<32xbf16>
        %bitcast3A_623 = vector.bitcast %gather3A_621 : vector<16xi32> to vector<32xbf16>
        %mul3A_624 = arith.mulf %bitcast3A_622, %bitcast3A_623 : vector<32xbf16>
        %unpack3A_625 = tpu.unpack_subelements %mul3A_624, 0 {pack_format = #tpu.pack_format<interleaved>} : vector<32xbf16> -> vector<16xf32>
        %unpack3A_626 = tpu.unpack_subelements %mul3A_624, 1 {pack_format = #tpu.pack_format<interleaved>} : vector<32xbf16> -> vector<16xf32>
        %add3A_627 = arith.addf %add3A_612, %unpack3A_625 : vector<16xf32>
        %add3A_628 = arith.addf %add3A_613, %unpack3A_626 : vector<16xf32>
        %add3A_629 = arith.constant 1 : i32
        %add3A_630 = vector.broadcast %add3A_629 : i32 to vector<16xi32>
        %add3A_631 = arith.addi %and3A_619, %add3A_630 : vector<16xi32>
        %and3A_632 = arith.constant 63 : i32
        %and3A_633 = vector.broadcast %and3A_632 : i32 to vector<16xi32>
        %and3A_634 = arith.andi %add3A_631, %and3A_633 : vector<16xi32>
        scf.yield %add3A_627, %add3A_628, %and3A_634 : vector<16xf32>, vector<16xf32>, vector<16xi32>
      }
      %scan3A_342 = arith.constant 8 : i32
      %add3A_343 = arith.addf %scan3A_341#0, %scan3A_341#1 : vector<16xf32>
      %neg3A_344 = arith.constant 0.000000e+00 : f32
      %neg3A_345 = vector.broadcast %neg3A_344 : f32 to vector<16xf32>
      %neg3A_346 = arith.subf %neg3A_345, %add3A_343 : vector<16xf32>
      %exp3A_347 = math.exp %neg3A_346 : vector<16xf32>
      %add3A_348 = arith.addf %broadcast_in_dim3A_221, %exp3A_347 : vector<16xf32>
      %div3A_349 = arith.divf %broadcast_in_dim3A_221, %add3A_348 : vector<16xf32>
      %add3A_350 = arith.addf %div3A_349, %broadcast_in_dim3A_225 : vector<16xf32>
      %mul3A_351 = arith.mulf %add3A_350, %broadcast_in_dim3A_223 : vector<16xf32>
      %add3A_352 = arith.constant 64 : i32
      %add3A_353 = arith.addi %mul3A_218, %add3A_352 : i32
      %swap3A_354 = arith.index_cast %add3A_353 : i32 to index
      %swap3A_355 = tpu.vector_load %arg15[%swap3A_354] {strides = array<i32>} : memref<10000xf32, #tpu.memory_space<vmem>>, vector<16xf32>,
      tpu.vector_store %arg15[%swap3A_354], %mul3A_351 {strides = array<i32>} : memref<10000xf32, #tpu.memory_space<vmem>>, vector<16xf32>,
      %dma_wait3A_356 = arith.constant 0 : i32
      %dma_wait3A_357 = arith.constant 0 : i32
      %dma_wait3A_358 = tpu.memref_slice %arg6[%dma_wait3A_356, %dma_wait3A_357] : memref<10000x64xi32, #tpu.memory_space<vmem_shared>> -> memref<10000x64xi32, #tpu.memory_space<vmem_shared>>
      tpu.wait_indirect_dma semaphore(%arg20 : memref<!tpu.dma_semaphore, #tpu.memory_space<semaphore_mem>>) src(%dma_wait3A_358 : memref<10000x64xi32, #tpu.memory_space<vmem_shared>>) dst(%arg13 : memref<80x64xi32, #tpu.memory_space<vmem>>)
      %dma_wait3A_359 = arith.constant 0 : i32
      %dma_wait3A_360 = arith.constant 0 : i32
      %dma_wait3A_361 = tpu.memref_slice %arg6[%dma_wait3A_359, %dma_wait3A_360] : memref<10000x64xi32, #tpu.memory_space<vmem_shared>> -> memref<10000x64xi32, #tpu.memory_space<vmem_shared>>
      tpu.wait_indirect_dma semaphore(%arg21 : memref<!tpu.dma_semaphore, #tpu.memory_space<semaphore_mem>>) src(%dma_wait3A_361 : memref<10000x64xi32, #tpu.memory_space<vmem_shared>>) dst(%arg14 : memref<80x64xi32, #tpu.memory_space<vmem>>)
      %add3A_362 = arith.constant 2 : i32
      %add3A_363 = arith.addi %add3A_185, %add3A_362 : i32
      %lt3A_364 = arith.constant 125 : i32
      %lt3A_365 = arith.cmpi slt, %add3A_363, %lt3A_364 : i32
      %convert_element_type3A_366 = arith.extui %lt3A_365 : i1 to i32
      %cond3A_367 = arith.constant 0 : i32
      %cond3A_368 = arith.cmpi ne, %convert_element_type3A_366, %cond3A_367 : i32
      scf.if %cond3A_368 {
        %add3A_515 = arith.constant 2 : i32
        %add3A_516 = arith.addi %add3A_185, %add3A_515 : i32
        %dma_start3A_517 = arith.constant 0 : i32
        %dma_start3A_518 = tpu.memref_slice %arg3[%add3A, %add3A_516, %dma_start3A_517] : memref<32x125x80xi32, #tpu.memory_space<hbm>> -> memref<1x1x80xi32, #tpu.memory_space<hbm>>
        %dma_start3A_519 = tpu.memref_squeeze %dma_start3A_518 : memref<1x1x80xi32, #tpu.memory_space<hbm>> -> memref<80xi32, #tpu.memory_space<hbm>>
        %dma_start3A_520 = arith.constant 0 : i32
        %dma_start3A_521 = tpu.memref_slice %arg3[%add3A, %add3A_516, %dma_start3A_520] : memref<32x125x80xi32, #tpu.memory_space<hbm>> -> memref<1x1x80xi32, #tpu.memory_space<hbm>>
        %dma_start3A_522 = tpu.memref_squeeze %dma_start3A_521 : memref<1x1x80xi32, #tpu.memory_space<hbm>> -> memref<80xi32, #tpu.memory_space<hbm>>
        tpu.enqueue_dma source(%dma_start3A_522 : memref<80xi32, #tpu.memory_space<hbm>>) target(%arg9 : memref<80xi32, #tpu.memory_space<vmem>>) target_semaphore(%arg17 : memref<!tpu.dma_semaphore, #tpu.memory_space<semaphore_mem>>)
        %dma_start3A_523 = arith.constant 0 : i32
        %dma_start3A_524 = tpu.memref_slice %arg4[%add3A, %add3A_516, %dma_start3A_523] : memref<32x125x80xi32, #tpu.memory_space<hbm>> -> memref<1x1x80xi32, #tpu.memory_space<hbm>>
        %dma_start3A_525 = tpu.memref_squeeze %dma_start3A_524 : memref<1x1x80xi32, #tpu.memory_space<hbm>> -> memref<80xi32, #tpu.memory_space<hbm>>
        %dma_start3A_526 = arith.constant 0 : i32
        %dma_start3A_527 = tpu.memref_slice %arg4[%add3A, %add3A_516, %dma_start3A_526] : memref<32x125x80xi32, #tpu.memory_space<hbm>> -> memref<1x1x80xi32, #tpu.memory_space<hbm>>
        %dma_start3A_528 = tpu.memref_squeeze %dma_start3A_527 : memref<1x1x80xi32, #tpu.memory_space<hbm>> -> memref<80xi32, #tpu.memory_space<hbm>>
        tpu.enqueue_dma source(%dma_start3A_528 : memref<80xi32, #tpu.memory_space<hbm>>) target(%arg10 : memref<80xi32, #tpu.memory_space<vmem>>) target_semaphore(%arg17 : memref<!tpu.dma_semaphore, #tpu.memory_space<semaphore_mem>>)
      } else {
      }
      %add3A_369 = arith.constant 2 : i32
      %add3A_370 = arith.addi %mul3A_183, %add3A_369 : i32
      %lt3A_371 = arith.constant 125 : i32
      %lt3A_372 = arith.cmpi slt, %add3A_370, %lt3A_371 : i32
      %convert_element_type3A_373 = arith.extui %lt3A_372 : i1 to i32
      %cond3A_374 = arith.constant 0 : i32
      %cond3A_375 = arith.cmpi ne, %convert_element_type3A_373, %cond3A_374 : i32
      scf.if %cond3A_375 {
        %add3A_515 = arith.constant 2 : i32
        %add3A_516 = arith.addi %mul3A_183, %add3A_515 : i32
        %dma_wait3A_517 = arith.constant 0 : i32
        %dma_wait3A_518 = tpu.memref_slice %arg3[%add3A, %add3A_516, %dma_wait3A_517] : memref<32x125x80xi32, #tpu.memory_space<hbm>> -> memref<1x1x80xi32, #tpu.memory_space<hbm>>
        %dma_wait3A_519 = tpu.memref_squeeze %dma_wait3A_518 : memref<1x1x80xi32, #tpu.memory_space<hbm>> -> memref<80xi32, #tpu.memory_space<hbm>>
        %dma_wait3A_520 = arith.constant 0 : i32
        %dma_wait3A_521 = tpu.memref_slice %arg3[%add3A, %add3A_516, %dma_wait3A_520] : memref<32x125x80xi32, #tpu.memory_space<hbm>> -> memref<1x1x80xi32, #tpu.memory_space<hbm>>
        %dma_wait3A_522 = tpu.memref_squeeze %dma_wait3A_521 : memref<1x1x80xi32, #tpu.memory_space<hbm>> -> memref<80xi32, #tpu.memory_space<hbm>>
        tpu.wait_dma2 semaphore(%arg16 : memref<!tpu.dma_semaphore, #tpu.memory_space<semaphore_mem>>) src(%dma_wait3A_522 : memref<80xi32, #tpu.memory_space<hbm>>) dst(%arg7 : memref<80xi32, #tpu.memory_space<vmem>>)
        %dma_wait3A_523 = arith.constant 0 : i32
        %dma_wait3A_524 = tpu.memref_slice %arg4[%add3A, %add3A_516, %dma_wait3A_523] : memref<32x125x80xi32, #tpu.memory_space<hbm>> -> memref<1x1x80xi32, #tpu.memory_space<hbm>>
        %dma_wait3A_525 = tpu.memref_squeeze %dma_wait3A_524 : memref<1x1x80xi32, #tpu.memory_space<hbm>> -> memref<80xi32, #tpu.memory_space<hbm>>
        %dma_wait3A_526 = arith.constant 0 : i32
        %dma_wait3A_527 = tpu.memref_slice %arg4[%add3A, %add3A_516, %dma_wait3A_526] : memref<32x125x80xi32, #tpu.memory_space<hbm>> -> memref<1x1x80xi32, #tpu.memory_space<hbm>>
        %dma_wait3A_528 = tpu.memref_squeeze %dma_wait3A_527 : memref<1x1x80xi32, #tpu.memory_space<hbm>> -> memref<80xi32, #tpu.memory_space<hbm>>
        tpu.wait_dma2 semaphore(%arg16 : memref<!tpu.dma_semaphore, #tpu.memory_space<semaphore_mem>>) src(%dma_wait3A_528 : memref<80xi32, #tpu.memory_space<hbm>>) dst(%arg8 : memref<80xi32, #tpu.memory_space<vmem>>)
        %dma_start3A_529 = arith.constant 0 : i32
        %dma_start3A_530 = arith.constant 0 : i32
        %dma_start3A_531 = tpu.memref_slice %arg6[%dma_start3A_529, %dma_start3A_530] : memref<10000x64xi32, #tpu.memory_space<vmem_shared>> -> memref<10000x64xi32, #tpu.memory_space<vmem_shared>>
        tpu.enqueue_indirect_dma source(%dma_start3A_531 : memref<10000x64xi32, #tpu.memory_space<vmem_shared>>) target(%arg11 : memref<80x64xi32, #tpu.memory_space<vmem>>) offsets(%arg7 : memref<80xi32, #tpu.memory_space<vmem>>) semaphore(%arg18 : memref<!tpu.dma_semaphore, #tpu.memory_space<semaphore_mem>>)
        %dma_start3A_532 = arith.constant 0 : i32
        %dma_start3A_533 = arith.constant 0 : i32
        %dma_start3A_534 = tpu.memref_slice %arg6[%dma_start3A_532, %dma_start3A_533] : memref<10000x64xi32, #tpu.memory_space<vmem_shared>> -> memref<10000x64xi32, #tpu.memory_space<vmem_shared>>
        tpu.enqueue_indirect_dma source(%dma_start3A_534 : memref<10000x64xi32, #tpu.memory_space<vmem_shared>>) target(%arg12 : memref<80x64xi32, #tpu.memory_space<vmem>>) offsets(%arg8 : memref<80xi32, #tpu.memory_space<vmem>>) semaphore(%arg19 : memref<!tpu.dma_semaphore, #tpu.memory_space<semaphore_mem>>)
      } else {
      }
      %mul3A_376 = arith.constant 80 : i32
      %mul3A_377 = arith.muli %add3A_185, %mul3A_376 : i32
      %iota3A_378 = tpu.iota {dimensions = array<i32: 0>} : vector<16xi32>
      %broadcast_in_dim3A_379 = arith.constant 1.000000e+00 : f32
      %broadcast_in_dim3A_380 = vector.broadcast %broadcast_in_dim3A_379 : f32 to vector<16xf32>
      %broadcast_in_dim3A_381 = arith.constant 0.999999821 : f32
      %broadcast_in_dim3A_382 = vector.broadcast %broadcast_in_dim3A_381 : f32 to vector<16xf32>
      %broadcast_in_dim3A_383 = arith.constant 1.000000e-07 : f32
      %broadcast_in_dim3A_384 = vector.broadcast %broadcast_in_dim3A_383 : f32 to vector<16xf32>
      %add3A_385 = arith.constant 0 : i32
      %add3A_386 = vector.broadcast %add3A_385 : i32 to vector<16xi32>
      %add3A_387 = arith.addi %iota3A_378, %add3A_386 : vector<16xi32>
      %broadcast_in_dim3A_388 = arith.constant 0.000000e+00 : f32
      %broadcast_in_dim3A_389 = vector.broadcast %broadcast_in_dim3A_388 : f32 to vector<16xf32>
      %broadcast_in_dim3A_390 = arith.constant 0.000000e+00 : f32
      %broadcast_in_dim3A_391 = vector.broadcast %broadcast_in_dim3A_390 : f32 to vector<16xf32>
      %scan3A_392 = arith.constant 0 : i32
      %scan3A_393 = arith.constant 8 : i32
      %scan3A_394 = arith.addi %scan3A_392, %scan3A_393 : i32
      %scan3A_395 = arith.constant 1 : i32
      %scan3A_396:3 = scf.for %scan3A_515 = %scan3A_392 to %scan3A_394 step %scan3A_395 iter_args(%scan3A_516 = %broadcast_in_dim3A_389, %scan3A_517 = %broadcast_in_dim3A_391, %scan3A_518 = %iota3A_378) -> (vector<16xf32>, vector<16xf32>, vector<16xi32>)  : i32 {
        %gather3A = tpu.vector_load_idx %arg13[%add3A_387, %scan3A_518] : memref<80x64xi32, #tpu.memory_space<vmem>>[vector<16xi32>, vector<16xi32>], vector<16xi32>,
        %gather3A_519 = tpu.vector_load_idx %arg14[%add3A_387, %scan3A_518] : memref<80x64xi32, #tpu.memory_space<vmem>>[vector<16xi32>, vector<16xi32>], vector<16xi32>,
        %bitcast3A = vector.bitcast %gather3A : vector<16xi32> to vector<32xbf16>
        %bitcast3A_520 = vector.bitcast %gather3A_519 : vector<16xi32> to vector<32xbf16>
        %mul3A_521 = arith.mulf %bitcast3A, %bitcast3A_520 : vector<32xbf16>
        %unpack3A = tpu.unpack_subelements %mul3A_521, 0 {pack_format = #tpu.pack_format<interleaved>} : vector<32xbf16> -> vector<16xf32>
        %unpack3A_522 = tpu.unpack_subelements %mul3A_521, 1 {pack_format = #tpu.pack_format<interleaved>} : vector<32xbf16> -> vector<16xf32>
        %add3A_523 = arith.addf %scan3A_516, %unpack3A : vector<16xf32>
        %add3A_524 = arith.addf %scan3A_517, %unpack3A_522 : vector<16xf32>
        %add3A_525 = arith.constant 1 : i32
        %add3A_526 = vector.broadcast %add3A_525 : i32 to vector<16xi32>
        %add3A_527 = arith.addi %scan3A_518, %add3A_526 : vector<16xi32>
        %and3A = arith.constant 63 : i32
        %and3A_528 = vector.broadcast %and3A : i32 to vector<16xi32>
        %and3A_529 = arith.andi %add3A_527, %and3A_528 : vector<16xi32>
        %gather3A_530 = tpu.vector_load_idx %arg13[%add3A_387, %and3A_529] : memref<80x64xi32, #tpu.memory_space<vmem>>[vector<16xi32>, vector<16xi32>], vector<16xi32>,
        %gather3A_531 = tpu.vector_load_idx %arg14[%add3A_387, %and3A_529] : memref<80x64xi32, #tpu.memory_space<vmem>>[vector<16xi32>, vector<16xi32>], vector<16xi32>,
        %bitcast3A_532 = vector.bitcast %gather3A_530 : vector<16xi32> to vector<32xbf16>
        %bitcast3A_533 = vector.bitcast %gather3A_531 : vector<16xi32> to vector<32xbf16>
        %mul3A_534 = arith.mulf %bitcast3A_532, %bitcast3A_533 : vector<32xbf16>
        %unpack3A_535 = tpu.unpack_subelements %mul3A_534, 0 {pack_format = #tpu.pack_format<interleaved>} : vector<32xbf16> -> vector<16xf32>
        %unpack3A_536 = tpu.unpack_subelements %mul3A_534, 1 {pack_format = #tpu.pack_format<interleaved>} : vector<32xbf16> -> vector<16xf32>
        %add3A_537 = arith.addf %add3A_523, %unpack3A_535 : vector<16xf32>
        %add3A_538 = arith.addf %add3A_524, %unpack3A_536 : vector<16xf32>
        %add3A_539 = arith.constant 1 : i32
        %add3A_540 = vector.broadcast %add3A_539 : i32 to vector<16xi32>
        %add3A_541 = arith.addi %and3A_529, %add3A_540 : vector<16xi32>
        %and3A_542 = arith.constant 63 : i32
        %and3A_543 = vector.broadcast %and3A_542 : i32 to vector<16xi32>
        %and3A_544 = arith.andi %add3A_541, %and3A_543 : vector<16xi32>
        %gather3A_545 = tpu.vector_load_idx %arg13[%add3A_387, %and3A_544] : memref<80x64xi32, #tpu.memory_space<vmem>>[vector<16xi32>, vector<16xi32>], vector<16xi32>,
        %gather3A_546 = tpu.vector_load_idx %arg14[%add3A_387, %and3A_544] : memref<80x64xi32, #tpu.memory_space<vmem>>[vector<16xi32>, vector<16xi32>], vector<16xi32>,
        %bitcast3A_547 = vector.bitcast %gather3A_545 : vector<16xi32> to vector<32xbf16>
        %bitcast3A_548 = vector.bitcast %gather3A_546 : vector<16xi32> to vector<32xbf16>
        %mul3A_549 = arith.mulf %bitcast3A_547, %bitcast3A_548 : vector<32xbf16>
        %unpack3A_550 = tpu.unpack_subelements %mul3A_549, 0 {pack_format = #tpu.pack_format<interleaved>} : vector<32xbf16> -> vector<16xf32>
        %unpack3A_551 = tpu.unpack_subelements %mul3A_549, 1 {pack_format = #tpu.pack_format<interleaved>} : vector<32xbf16> -> vector<16xf32>
        %add3A_552 = arith.addf %add3A_537, %unpack3A_550 : vector<16xf32>
        %add3A_553 = arith.addf %add3A_538, %unpack3A_551 : vector<16xf32>
        %add3A_554 = arith.constant 1 : i32
        %add3A_555 = vector.broadcast %add3A_554 : i32 to vector<16xi32>
        %add3A_556 = arith.addi %and3A_544, %add3A_555 : vector<16xi32>
        %and3A_557 = arith.constant 63 : i32
        %and3A_558 = vector.broadcast %and3A_557 : i32 to vector<16xi32>
        %and3A_559 = arith.andi %add3A_556, %and3A_558 : vector<16xi32>
        %gather3A_560 = tpu.vector_load_idx %arg13[%add3A_387, %and3A_559] : memref<80x64xi32, #tpu.memory_space<vmem>>[vector<16xi32>, vector<16xi32>], vector<16xi32>,
        %gather3A_561 = tpu.vector_load_idx %arg14[%add3A_387, %and3A_559] : memref<80x64xi32, #tpu.memory_space<vmem>>[vector<16xi32>, vector<16xi32>], vector<16xi32>,
        %bitcast3A_562 = vector.bitcast %gather3A_560 : vector<16xi32> to vector<32xbf16>
        %bitcast3A_563 = vector.bitcast %gather3A_561 : vector<16xi32> to vector<32xbf16>
        %mul3A_564 = arith.mulf %bitcast3A_562, %bitcast3A_563 : vector<32xbf16>
        %unpack3A_565 = tpu.unpack_subelements %mul3A_564, 0 {pack_format = #tpu.pack_format<interleaved>} : vector<32xbf16> -> vector<16xf32>
        %unpack3A_566 = tpu.unpack_subelements %mul3A_564, 1 {pack_format = #tpu.pack_format<interleaved>} : vector<32xbf16> -> vector<16xf32>
        %add3A_567 = arith.addf %add3A_552, %unpack3A_565 : vector<16xf32>
        %add3A_568 = arith.addf %add3A_553, %unpack3A_566 : vector<16xf32>
        %add3A_569 = arith.constant 1 : i32
        %add3A_570 = vector.broadcast %add3A_569 : i32 to vector<16xi32>
        %add3A_571 = arith.addi %and3A_559, %add3A_570 : vector<16xi32>
        %and3A_572 = arith.constant 63 : i32
        %and3A_573 = vector.broadcast %and3A_572 : i32 to vector<16xi32>
        %and3A_574 = arith.andi %add3A_571, %and3A_573 : vector<16xi32>
        %gather3A_575 = tpu.vector_load_idx %arg13[%add3A_387, %and3A_574] : memref<80x64xi32, #tpu.memory_space<vmem>>[vector<16xi32>, vector<16xi32>], vector<16xi32>,
        %gather3A_576 = tpu.vector_load_idx %arg14[%add3A_387, %and3A_574] : memref<80x64xi32, #tpu.memory_space<vmem>>[vector<16xi32>, vector<16xi32>], vector<16xi32>,
        %bitcast3A_577 = vector.bitcast %gather3A_575 : vector<16xi32> to vector<32xbf16>
        %bitcast3A_578 = vector.bitcast %gather3A_576 : vector<16xi32> to vector<32xbf16>
        %mul3A_579 = arith.mulf %bitcast3A_577, %bitcast3A_578 : vector<32xbf16>
        %unpack3A_580 = tpu.unpack_subelements %mul3A_579, 0 {pack_format = #tpu.pack_format<interleaved>} : vector<32xbf16> -> vector<16xf32>
        %unpack3A_581 = tpu.unpack_subelements %mul3A_579, 1 {pack_format = #tpu.pack_format<interleaved>} : vector<32xbf16> -> vector<16xf32>
        %add3A_582 = arith.addf %add3A_567, %unpack3A_580 : vector<16xf32>
        %add3A_583 = arith.addf %add3A_568, %unpack3A_581 : vector<16xf32>
        %add3A_584 = arith.constant 1 : i32
        %add3A_585 = vector.broadcast %add3A_584 : i32 to vector<16xi32>
        %add3A_586 = arith.addi %and3A_574, %add3A_585 : vector<16xi32>
        %and3A_587 = arith.constant 63 : i32
        %and3A_588 = vector.broadcast %and3A_587 : i32 to vector<16xi32>
        %and3A_589 = arith.andi %add3A_586, %and3A_588 : vector<16xi32>
        %gather3A_590 = tpu.vector_load_idx %arg13[%add3A_387, %and3A_589] : memref<80x64xi32, #tpu.memory_space<vmem>>[vector<16xi32>, vector<16xi32>], vector<16xi32>,
        %gather3A_591 = tpu.vector_load_idx %arg14[%add3A_387, %and3A_589] : memref<80x64xi32, #tpu.memory_space<vmem>>[vector<16xi32>, vector<16xi32>], vector<16xi32>,
        %bitcast3A_592 = vector.bitcast %gather3A_590 : vector<16xi32> to vector<32xbf16>
        %bitcast3A_593 = vector.bitcast %gather3A_591 : vector<16xi32> to vector<32xbf16>
        %mul3A_594 = arith.mulf %bitcast3A_592, %bitcast3A_593 : vector<32xbf16>
        %unpack3A_595 = tpu.unpack_subelements %mul3A_594, 0 {pack_format = #tpu.pack_format<interleaved>} : vector<32xbf16> -> vector<16xf32>
        %unpack3A_596 = tpu.unpack_subelements %mul3A_594, 1 {pack_format = #tpu.pack_format<interleaved>} : vector<32xbf16> -> vector<16xf32>
        %add3A_597 = arith.addf %add3A_582, %unpack3A_595 : vector<16xf32>
        %add3A_598 = arith.addf %add3A_583, %unpack3A_596 : vector<16xf32>
        %add3A_599 = arith.constant 1 : i32
        %add3A_600 = vector.broadcast %add3A_599 : i32 to vector<16xi32>
        %add3A_601 = arith.addi %and3A_589, %add3A_600 : vector<16xi32>
        %and3A_602 = arith.constant 63 : i32
        %and3A_603 = vector.broadcast %and3A_602 : i32 to vector<16xi32>
        %and3A_604 = arith.andi %add3A_601, %and3A_603 : vector<16xi32>
        %gather3A_605 = tpu.vector_load_idx %arg13[%add3A_387, %and3A_604] : memref<80x64xi32, #tpu.memory_space<vmem>>[vector<16xi32>, vector<16xi32>], vector<16xi32>,
        %gather3A_606 = tpu.vector_load_idx %arg14[%add3A_387, %and3A_604] : memref<80x64xi32, #tpu.memory_space<vmem>>[vector<16xi32>, vector<16xi32>], vector<16xi32>,
        %bitcast3A_607 = vector.bitcast %gather3A_605 : vector<16xi32> to vector<32xbf16>
        %bitcast3A_608 = vector.bitcast %gather3A_606 : vector<16xi32> to vector<32xbf16>
        %mul3A_609 = arith.mulf %bitcast3A_607, %bitcast3A_608 : vector<32xbf16>
        %unpack3A_610 = tpu.unpack_subelements %mul3A_609, 0 {pack_format = #tpu.pack_format<interleaved>} : vector<32xbf16> -> vector<16xf32>
        %unpack3A_611 = tpu.unpack_subelements %mul3A_609, 1 {pack_format = #tpu.pack_format<interleaved>} : vector<32xbf16> -> vector<16xf32>
        %add3A_612 = arith.addf %add3A_597, %unpack3A_610 : vector<16xf32>
        %add3A_613 = arith.addf %add3A_598, %unpack3A_611 : vector<16xf32>
        %add3A_614 = arith.constant 1 : i32
        %add3A_615 = vector.broadcast %add3A_614 : i32 to vector<16xi32>
        %add3A_616 = arith.addi %and3A_604, %add3A_615 : vector<16xi32>
        %and3A_617 = arith.constant 63 : i32
        %and3A_618 = vector.broadcast %and3A_617 : i32 to vector<16xi32>
        %and3A_619 = arith.andi %add3A_616, %and3A_618 : vector<16xi32>
        %gather3A_620 = tpu.vector_load_idx %arg13[%add3A_387, %and3A_619] : memref<80x64xi32, #tpu.memory_space<vmem>>[vector<16xi32>, vector<16xi32>], vector<16xi32>,
        %gather3A_621 = tpu.vector_load_idx %arg14[%add3A_387, %and3A_619] : memref<80x64xi32, #tpu.memory_space<vmem>>[vector<16xi32>, vector<16xi32>], vector<16xi32>,
        %bitcast3A_622 = vector.bitcast %gather3A_620 : vector<16xi32> to vector<32xbf16>
        %bitcast3A_623 = vector.bitcast %gather3A_621 : vector<16xi32> to vector<32xbf16>
        %mul3A_624 = arith.mulf %bitcast3A_622, %bitcast3A_623 : vector<32xbf16>
        %unpack3A_625 = tpu.unpack_subelements %mul3A_624, 0 {pack_format = #tpu.pack_format<interleaved>} : vector<32xbf16> -> vector<16xf32>
        %unpack3A_626 = tpu.unpack_subelements %mul3A_624, 1 {pack_format = #tpu.pack_format<interleaved>} : vector<32xbf16> -> vector<16xf32>
        %add3A_627 = arith.addf %add3A_612, %unpack3A_625 : vector<16xf32>
        %add3A_628 = arith.addf %add3A_613, %unpack3A_626 : vector<16xf32>
        %add3A_629 = arith.constant 1 : i32
        %add3A_630 = vector.broadcast %add3A_629 : i32 to vector<16xi32>
        %add3A_631 = arith.addi %and3A_619, %add3A_630 : vector<16xi32>
        %and3A_632 = arith.constant 63 : i32
        %and3A_633 = vector.broadcast %and3A_632 : i32 to vector<16xi32>
        %and3A_634 = arith.andi %add3A_631, %and3A_633 : vector<16xi32>
        scf.yield %add3A_627, %add3A_628, %and3A_634 : vector<16xf32>, vector<16xf32>, vector<16xi32>
      }
      %scan3A_397 = arith.constant 8 : i32
      %add3A_398 = arith.addf %scan3A_396#0, %scan3A_396#1 : vector<16xf32>
      %neg3A_399 = arith.constant 0.000000e+00 : f32
      %neg3A_400 = vector.broadcast %neg3A_399 : f32 to vector<16xf32>
      %neg3A_401 = arith.subf %neg3A_400, %add3A_398 : vector<16xf32>
      %exp3A_402 = math.exp %neg3A_401 : vector<16xf32>
      %add3A_403 = arith.addf %broadcast_in_dim3A_380, %exp3A_402 : vector<16xf32>
      %div3A_404 = arith.divf %broadcast_in_dim3A_380, %add3A_403 : vector<16xf32>
      %add3A_405 = arith.addf %div3A_404, %broadcast_in_dim3A_384 : vector<16xf32>
      %mul3A_406 = arith.mulf %add3A_405, %broadcast_in_dim3A_382 : vector<16xf32>
      %add3A_407 = arith.constant 0 : i32
      %add3A_408 = arith.addi %mul3A_377, %add3A_407 : i32
      %swap3A_409 = arith.index_cast %add3A_408 : i32 to index
      %swap3A_410 = tpu.vector_load %arg15[%swap3A_409] {strides = array<i32>} : memref<10000xf32, #tpu.memory_space<vmem>>, vector<16xf32>,
      tpu.vector_store %arg15[%swap3A_409], %mul3A_406 {strides = array<i32>} : memref<10000xf32, #tpu.memory_space<vmem>>, vector<16xf32>,
      %add3A_411 = arith.constant 16 : i32
      %add3A_412 = vector.broadcast %add3A_411 : i32 to vector<16xi32>
      %add3A_413 = arith.addi %iota3A_378, %add3A_412 : vector<16xi32>
      %broadcast_in_dim3A_414 = arith.constant 0.000000e+00 : f32
      %broadcast_in_dim3A_415 = vector.broadcast %broadcast_in_dim3A_414 : f32 to vector<16xf32>
      %broadcast_in_dim3A_416 = arith.constant 0.000000e+00 : f32
      %broadcast_in_dim3A_417 = vector.broadcast %broadcast_in_dim3A_416 : f32 to vector<16xf32>
      %scan3A_418 = arith.constant 0 : i32
      %scan3A_419 = arith.constant 8 : i32
      %scan3A_420 = arith.addi %scan3A_418, %scan3A_419 : i32
      %scan3A_421 = arith.constant 1 : i32
      %scan3A_422:3 = scf.for %scan3A_515 = %scan3A_418 to %scan3A_420 step %scan3A_421 iter_args(%scan3A_516 = %broadcast_in_dim3A_415, %scan3A_517 = %broadcast_in_dim3A_417, %scan3A_518 = %iota3A_378) -> (vector<16xf32>, vector<16xf32>, vector<16xi32>)  : i32 {
        %gather3A = tpu.vector_load_idx %arg13[%add3A_413, %scan3A_518] : memref<80x64xi32, #tpu.memory_space<vmem>>[vector<16xi32>, vector<16xi32>], vector<16xi32>,
        %gather3A_519 = tpu.vector_load_idx %arg14[%add3A_413, %scan3A_518] : memref<80x64xi32, #tpu.memory_space<vmem>>[vector<16xi32>, vector<16xi32>], vector<16xi32>,
        %bitcast3A = vector.bitcast %gather3A : vector<16xi32> to vector<32xbf16>
        %bitcast3A_520 = vector.bitcast %gather3A_519 : vector<16xi32> to vector<32xbf16>
        %mul3A_521 = arith.mulf %bitcast3A, %bitcast3A_520 : vector<32xbf16>
        %unpack3A = tpu.unpack_subelements %mul3A_521, 0 {pack_format = #tpu.pack_format<interleaved>} : vector<32xbf16> -> vector<16xf32>
        %unpack3A_522 = tpu.unpack_subelements %mul3A_521, 1 {pack_format = #tpu.pack_format<interleaved>} : vector<32xbf16> -> vector<16xf32>
        %add3A_523 = arith.addf %scan3A_516, %unpack3A : vector<16xf32>
        %add3A_524 = arith.addf %scan3A_517, %unpack3A_522 : vector<16xf32>
        %add3A_525 = arith.constant 1 : i32
        %add3A_526 = vector.broadcast %add3A_525 : i32 to vector<16xi32>
        %add3A_527 = arith.addi %scan3A_518, %add3A_526 : vector<16xi32>
        %and3A = arith.constant 63 : i32
        %and3A_528 = vector.broadcast %and3A : i32 to vector<16xi32>
        %and3A_529 = arith.andi %add3A_527, %and3A_528 : vector<16xi32>
        %gather3A_530 = tpu.vector_load_idx %arg13[%add3A_413, %and3A_529] : memref<80x64xi32, #tpu.memory_space<vmem>>[vector<16xi32>, vector<16xi32>], vector<16xi32>,
        %gather3A_531 = tpu.vector_load_idx %arg14[%add3A_413, %and3A_529] : memref<80x64xi32, #tpu.memory_space<vmem>>[vector<16xi32>, vector<16xi32>], vector<16xi32>,
        %bitcast3A_532 = vector.bitcast %gather3A_530 : vector<16xi32> to vector<32xbf16>
        %bitcast3A_533 = vector.bitcast %gather3A_531 : vector<16xi32> to vector<32xbf16>
        %mul3A_534 = arith.mulf %bitcast3A_532, %bitcast3A_533 : vector<32xbf16>
        %unpack3A_535 = tpu.unpack_subelements %mul3A_534, 0 {pack_format = #tpu.pack_format<interleaved>} : vector<32xbf16> -> vector<16xf32>
        %unpack3A_536 = tpu.unpack_subelements %mul3A_534, 1 {pack_format = #tpu.pack_format<interleaved>} : vector<32xbf16> -> vector<16xf32>
        %add3A_537 = arith.addf %add3A_523, %unpack3A_535 : vector<16xf32>
        %add3A_538 = arith.addf %add3A_524, %unpack3A_536 : vector<16xf32>
        %add3A_539 = arith.constant 1 : i32
        %add3A_540 = vector.broadcast %add3A_539 : i32 to vector<16xi32>
        %add3A_541 = arith.addi %and3A_529, %add3A_540 : vector<16xi32>
        %and3A_542 = arith.constant 63 : i32
        %and3A_543 = vector.broadcast %and3A_542 : i32 to vector<16xi32>
        %and3A_544 = arith.andi %add3A_541, %and3A_543 : vector<16xi32>
        %gather3A_545 = tpu.vector_load_idx %arg13[%add3A_413, %and3A_544] : memref<80x64xi32, #tpu.memory_space<vmem>>[vector<16xi32>, vector<16xi32>], vector<16xi32>,
        %gather3A_546 = tpu.vector_load_idx %arg14[%add3A_413, %and3A_544] : memref<80x64xi32, #tpu.memory_space<vmem>>[vector<16xi32>, vector<16xi32>], vector<16xi32>,
        %bitcast3A_547 = vector.bitcast %gather3A_545 : vector<16xi32> to vector<32xbf16>
        %bitcast3A_548 = vector.bitcast %gather3A_546 : vector<16xi32> to vector<32xbf16>
        %mul3A_549 = arith.mulf %bitcast3A_547, %bitcast3A_548 : vector<32xbf16>
        %unpack3A_550 = tpu.unpack_subelements %mul3A_549, 0 {pack_format = #tpu.pack_format<interleaved>} : vector<32xbf16> -> vector<16xf32>
        %unpack3A_551 = tpu.unpack_subelements %mul3A_549, 1 {pack_format = #tpu.pack_format<interleaved>} : vector<32xbf16> -> vector<16xf32>
        %add3A_552 = arith.addf %add3A_537, %unpack3A_550 : vector<16xf32>
        %add3A_553 = arith.addf %add3A_538, %unpack3A_551 : vector<16xf32>
        %add3A_554 = arith.constant 1 : i32
        %add3A_555 = vector.broadcast %add3A_554 : i32 to vector<16xi32>
        %add3A_556 = arith.addi %and3A_544, %add3A_555 : vector<16xi32>
        %and3A_557 = arith.constant 63 : i32
        %and3A_558 = vector.broadcast %and3A_557 : i32 to vector<16xi32>
        %and3A_559 = arith.andi %add3A_556, %and3A_558 : vector<16xi32>
        %gather3A_560 = tpu.vector_load_idx %arg13[%add3A_413, %and3A_559] : memref<80x64xi32, #tpu.memory_space<vmem>>[vector<16xi32>, vector<16xi32>], vector<16xi32>,
        %gather3A_561 = tpu.vector_load_idx %arg14[%add3A_413, %and3A_559] : memref<80x64xi32, #tpu.memory_space<vmem>>[vector<16xi32>, vector<16xi32>], vector<16xi32>,
        %bitcast3A_562 = vector.bitcast %gather3A_560 : vector<16xi32> to vector<32xbf16>
        %bitcast3A_563 = vector.bitcast %gather3A_561 : vector<16xi32> to vector<32xbf16>
        %mul3A_564 = arith.mulf %bitcast3A_562, %bitcast3A_563 : vector<32xbf16>
        %unpack3A_565 = tpu.unpack_subelements %mul3A_564, 0 {pack_format = #tpu.pack_format<interleaved>} : vector<32xbf16> -> vector<16xf32>
        %unpack3A_566 = tpu.unpack_subelements %mul3A_564, 1 {pack_format = #tpu.pack_format<interleaved>} : vector<32xbf16> -> vector<16xf32>
        %add3A_567 = arith.addf %add3A_552, %unpack3A_565 : vector<16xf32>
        %add3A_568 = arith.addf %add3A_553, %unpack3A_566 : vector<16xf32>
        %add3A_569 = arith.constant 1 : i32
        %add3A_570 = vector.broadcast %add3A_569 : i32 to vector<16xi32>
        %add3A_571 = arith.addi %and3A_559, %add3A_570 : vector<16xi32>
        %and3A_572 = arith.constant 63 : i32
        %and3A_573 = vector.broadcast %and3A_572 : i32 to vector<16xi32>
        %and3A_574 = arith.andi %add3A_571, %and3A_573 : vector<16xi32>
        %gather3A_575 = tpu.vector_load_idx %arg13[%add3A_413, %and3A_574] : memref<80x64xi32, #tpu.memory_space<vmem>>[vector<16xi32>, vector<16xi32>], vector<16xi32>,
        %gather3A_576 = tpu.vector_load_idx %arg14[%add3A_413, %and3A_574] : memref<80x64xi32, #tpu.memory_space<vmem>>[vector<16xi32>, vector<16xi32>], vector<16xi32>,
        %bitcast3A_577 = vector.bitcast %gather3A_575 : vector<16xi32> to vector<32xbf16>
        %bitcast3A_578 = vector.bitcast %gather3A_576 : vector<16xi32> to vector<32xbf16>
        %mul3A_579 = arith.mulf %bitcast3A_577, %bitcast3A_578 : vector<32xbf16>
        %unpack3A_580 = tpu.unpack_subelements %mul3A_579, 0 {pack_format = #tpu.pack_format<interleaved>} : vector<32xbf16> -> vector<16xf32>
        %unpack3A_581 = tpu.unpack_subelements %mul3A_579, 1 {pack_format = #tpu.pack_format<interleaved>} : vector<32xbf16> -> vector<16xf32>
        %add3A_582 = arith.addf %add3A_567, %unpack3A_580 : vector<16xf32>
        %add3A_583 = arith.addf %add3A_568, %unpack3A_581 : vector<16xf32>
        %add3A_584 = arith.constant 1 : i32
        %add3A_585 = vector.broadcast %add3A_584 : i32 to vector<16xi32>
        %add3A_586 = arith.addi %and3A_574, %add3A_585 : vector<16xi32>
        %and3A_587 = arith.constant 63 : i32
        %and3A_588 = vector.broadcast %and3A_587 : i32 to vector<16xi32>
        %and3A_589 = arith.andi %add3A_586, %and3A_588 : vector<16xi32>
        %gather3A_590 = tpu.vector_load_idx %arg13[%add3A_413, %and3A_589] : memref<80x64xi32, #tpu.memory_space<vmem>>[vector<16xi32>, vector<16xi32>], vector<16xi32>,
        %gather3A_591 = tpu.vector_load_idx %arg14[%add3A_413, %and3A_589] : memref<80x64xi32, #tpu.memory_space<vmem>>[vector<16xi32>, vector<16xi32>], vector<16xi32>,
        %bitcast3A_592 = vector.bitcast %gather3A_590 : vector<16xi32> to vector<32xbf16>
        %bitcast3A_593 = vector.bitcast %gather3A_591 : vector<16xi32> to vector<32xbf16>
        %mul3A_594 = arith.mulf %bitcast3A_592, %bitcast3A_593 : vector<32xbf16>
        %unpack3A_595 = tpu.unpack_subelements %mul3A_594, 0 {pack_format = #tpu.pack_format<interleaved>} : vector<32xbf16> -> vector<16xf32>
        %unpack3A_596 = tpu.unpack_subelements %mul3A_594, 1 {pack_format = #tpu.pack_format<interleaved>} : vector<32xbf16> -> vector<16xf32>
        %add3A_597 = arith.addf %add3A_582, %unpack3A_595 : vector<16xf32>
        %add3A_598 = arith.addf %add3A_583, %unpack3A_596 : vector<16xf32>
        %add3A_599 = arith.constant 1 : i32
        %add3A_600 = vector.broadcast %add3A_599 : i32 to vector<16xi32>
        %add3A_601 = arith.addi %and3A_589, %add3A_600 : vector<16xi32>
        %and3A_602 = arith.constant 63 : i32
        %and3A_603 = vector.broadcast %and3A_602 : i32 to vector<16xi32>
        %and3A_604 = arith.andi %add3A_601, %and3A_603 : vector<16xi32>
        %gather3A_605 = tpu.vector_load_idx %arg13[%add3A_413, %and3A_604] : memref<80x64xi32, #tpu.memory_space<vmem>>[vector<16xi32>, vector<16xi32>], vector<16xi32>,
        %gather3A_606 = tpu.vector_load_idx %arg14[%add3A_413, %and3A_604] : memref<80x64xi32, #tpu.memory_space<vmem>>[vector<16xi32>, vector<16xi32>], vector<16xi32>,
        %bitcast3A_607 = vector.bitcast %gather3A_605 : vector<16xi32> to vector<32xbf16>
        %bitcast3A_608 = vector.bitcast %gather3A_606 : vector<16xi32> to vector<32xbf16>
        %mul3A_609 = arith.mulf %bitcast3A_607, %bitcast3A_608 : vector<32xbf16>
        %unpack3A_610 = tpu.unpack_subelements %mul3A_609, 0 {pack_format = #tpu.pack_format<interleaved>} : vector<32xbf16> -> vector<16xf32>
        %unpack3A_611 = tpu.unpack_subelements %mul3A_609, 1 {pack_format = #tpu.pack_format<interleaved>} : vector<32xbf16> -> vector<16xf32>
        %add3A_612 = arith.addf %add3A_597, %unpack3A_610 : vector<16xf32>
        %add3A_613 = arith.addf %add3A_598, %unpack3A_611 : vector<16xf32>
        %add3A_614 = arith.constant 1 : i32
        %add3A_615 = vector.broadcast %add3A_614 : i32 to vector<16xi32>
        %add3A_616 = arith.addi %and3A_604, %add3A_615 : vector<16xi32>
        %and3A_617 = arith.constant 63 : i32
        %and3A_618 = vector.broadcast %and3A_617 : i32 to vector<16xi32>
        %and3A_619 = arith.andi %add3A_616, %and3A_618 : vector<16xi32>
        %gather3A_620 = tpu.vector_load_idx %arg13[%add3A_413, %and3A_619] : memref<80x64xi32, #tpu.memory_space<vmem>>[vector<16xi32>, vector<16xi32>], vector<16xi32>,
        %gather3A_621 = tpu.vector_load_idx %arg14[%add3A_413, %and3A_619] : memref<80x64xi32, #tpu.memory_space<vmem>>[vector<16xi32>, vector<16xi32>], vector<16xi32>,
        %bitcast3A_622 = vector.bitcast %gather3A_620 : vector<16xi32> to vector<32xbf16>
        %bitcast3A_623 = vector.bitcast %gather3A_621 : vector<16xi32> to vector<32xbf16>
        %mul3A_624 = arith.mulf %bitcast3A_622, %bitcast3A_623 : vector<32xbf16>
        %unpack3A_625 = tpu.unpack_subelements %mul3A_624, 0 {pack_format = #tpu.pack_format<interleaved>} : vector<32xbf16> -> vector<16xf32>
        %unpack3A_626 = tpu.unpack_subelements %mul3A_624, 1 {pack_format = #tpu.pack_format<interleaved>} : vector<32xbf16> -> vector<16xf32>
        %add3A_627 = arith.addf %add3A_612, %unpack3A_625 : vector<16xf32>
        %add3A_628 = arith.addf %add3A_613, %unpack3A_626 : vector<16xf32>
        %add3A_629 = arith.constant 1 : i32
        %add3A_630 = vector.broadcast %add3A_629 : i32 to vector<16xi32>
        %add3A_631 = arith.addi %and3A_619, %add3A_630 : vector<16xi32>
        %and3A_632 = arith.constant 63 : i32
        %and3A_633 = vector.broadcast %and3A_632 : i32 to vector<16xi32>
        %and3A_634 = arith.andi %add3A_631, %and3A_633 : vector<16xi32>
        scf.yield %add3A_627, %add3A_628, %and3A_634 : vector<16xf32>, vector<16xf32>, vector<16xi32>
      }
      %scan3A_423 = arith.constant 8 : i32
      %add3A_424 = arith.addf %scan3A_422#0, %scan3A_422#1 : vector<16xf32>
      %neg3A_425 = arith.constant 0.000000e+00 : f32
      %neg3A_426 = vector.broadcast %neg3A_425 : f32 to vector<16xf32>
      %neg3A_427 = arith.subf %neg3A_426, %add3A_424 : vector<16xf32>
      %exp3A_428 = math.exp %neg3A_427 : vector<16xf32>
      %add3A_429 = arith.addf %broadcast_in_dim3A_380, %exp3A_428 : vector<16xf32>
      %div3A_430 = arith.divf %broadcast_in_dim3A_380, %add3A_429 : vector<16xf32>
      %add3A_431 = arith.addf %div3A_430, %broadcast_in_dim3A_384 : vector<16xf32>
      %mul3A_432 = arith.mulf %add3A_431, %broadcast_in_dim3A_382 : vector<16xf32>
      %add3A_433 = arith.constant 16 : i32
      %add3A_434 = arith.addi %mul3A_377, %add3A_433 : i32
      %swap3A_435 = arith.index_cast %add3A_434 : i32 to index
      %swap3A_436 = tpu.vector_load %arg15[%swap3A_435] {strides = array<i32>} : memref<10000xf32, #tpu.memory_space<vmem>>, vector<16xf32>,
      tpu.vector_store %arg15[%swap3A_435], %mul3A_432 {strides = array<i32>} : memref<10000xf32, #tpu.memory_space<vmem>>, vector<16xf32>,
      %add3A_437 = arith.constant 32 : i32
      %add3A_438 = vector.broadcast %add3A_437 : i32 to vector<16xi32>
      %add3A_439 = arith.addi %iota3A_378, %add3A_438 : vector<16xi32>
      %broadcast_in_dim3A_440 = arith.constant 0.000000e+00 : f32
      %broadcast_in_dim3A_441 = vector.broadcast %broadcast_in_dim3A_440 : f32 to vector<16xf32>
      %broadcast_in_dim3A_442 = arith.constant 0.000000e+00 : f32
      %broadcast_in_dim3A_443 = vector.broadcast %broadcast_in_dim3A_442 : f32 to vector<16xf32>
      %scan3A_444 = arith.constant 0 : i32
      %scan3A_445 = arith.constant 8 : i32
      %scan3A_446 = arith.addi %scan3A_444, %scan3A_445 : i32
      %scan3A_447 = arith.constant 1 : i32
      %scan3A_448:3 = scf.for %scan3A_515 = %scan3A_444 to %scan3A_446 step %scan3A_447 iter_args(%scan3A_516 = %broadcast_in_dim3A_441, %scan3A_517 = %broadcast_in_dim3A_443, %scan3A_518 = %iota3A_378) -> (vector<16xf32>, vector<16xf32>, vector<16xi32>)  : i32 {
        %gather3A = tpu.vector_load_idx %arg13[%add3A_439, %scan3A_518] : memref<80x64xi32, #tpu.memory_space<vmem>>[vector<16xi32>, vector<16xi32>], vector<16xi32>,
        %gather3A_519 = tpu.vector_load_idx %arg14[%add3A_439, %scan3A_518] : memref<80x64xi32, #tpu.memory_space<vmem>>[vector<16xi32>, vector<16xi32>], vector<16xi32>,
        %bitcast3A = vector.bitcast %gather3A : vector<16xi32> to vector<32xbf16>
        %bitcast3A_520 = vector.bitcast %gather3A_519 : vector<16xi32> to vector<32xbf16>
        %mul3A_521 = arith.mulf %bitcast3A, %bitcast3A_520 : vector<32xbf16>
        %unpack3A = tpu.unpack_subelements %mul3A_521, 0 {pack_format = #tpu.pack_format<interleaved>} : vector<32xbf16> -> vector<16xf32>
        %unpack3A_522 = tpu.unpack_subelements %mul3A_521, 1 {pack_format = #tpu.pack_format<interleaved>} : vector<32xbf16> -> vector<16xf32>
        %add3A_523 = arith.addf %scan3A_516, %unpack3A : vector<16xf32>
        %add3A_524 = arith.addf %scan3A_517, %unpack3A_522 : vector<16xf32>
        %add3A_525 = arith.constant 1 : i32
        %add3A_526 = vector.broadcast %add3A_525 : i32 to vector<16xi32>
        %add3A_527 = arith.addi %scan3A_518, %add3A_526 : vector<16xi32>
        %and3A = arith.constant 63 : i32
        %and3A_528 = vector.broadcast %and3A : i32 to vector<16xi32>
        %and3A_529 = arith.andi %add3A_527, %and3A_528 : vector<16xi32>
        %gather3A_530 = tpu.vector_load_idx %arg13[%add3A_439, %and3A_529] : memref<80x64xi32, #tpu.memory_space<vmem>>[vector<16xi32>, vector<16xi32>], vector<16xi32>,
        %gather3A_531 = tpu.vector_load_idx %arg14[%add3A_439, %and3A_529] : memref<80x64xi32, #tpu.memory_space<vmem>>[vector<16xi32>, vector<16xi32>], vector<16xi32>,
        %bitcast3A_532 = vector.bitcast %gather3A_530 : vector<16xi32> to vector<32xbf16>
        %bitcast3A_533 = vector.bitcast %gather3A_531 : vector<16xi32> to vector<32xbf16>
        %mul3A_534 = arith.mulf %bitcast3A_532, %bitcast3A_533 : vector<32xbf16>
        %unpack3A_535 = tpu.unpack_subelements %mul3A_534, 0 {pack_format = #tpu.pack_format<interleaved>} : vector<32xbf16> -> vector<16xf32>
        %unpack3A_536 = tpu.unpack_subelements %mul3A_534, 1 {pack_format = #tpu.pack_format<interleaved>} : vector<32xbf16> -> vector<16xf32>
        %add3A_537 = arith.addf %add3A_523, %unpack3A_535 : vector<16xf32>
        %add3A_538 = arith.addf %add3A_524, %unpack3A_536 : vector<16xf32>
        %add3A_539 = arith.constant 1 : i32
        %add3A_540 = vector.broadcast %add3A_539 : i32 to vector<16xi32>
        %add3A_541 = arith.addi %and3A_529, %add3A_540 : vector<16xi32>
        %and3A_542 = arith.constant 63 : i32
        %and3A_543 = vector.broadcast %and3A_542 : i32 to vector<16xi32>
        %and3A_544 = arith.andi %add3A_541, %and3A_543 : vector<16xi32>
        %gather3A_545 = tpu.vector_load_idx %arg13[%add3A_439, %and3A_544] : memref<80x64xi32, #tpu.memory_space<vmem>>[vector<16xi32>, vector<16xi32>], vector<16xi32>,
        %gather3A_546 = tpu.vector_load_idx %arg14[%add3A_439, %and3A_544] : memref<80x64xi32, #tpu.memory_space<vmem>>[vector<16xi32>, vector<16xi32>], vector<16xi32>,
        %bitcast3A_547 = vector.bitcast %gather3A_545 : vector<16xi32> to vector<32xbf16>
        %bitcast3A_548 = vector.bitcast %gather3A_546 : vector<16xi32> to vector<32xbf16>
        %mul3A_549 = arith.mulf %bitcast3A_547, %bitcast3A_548 : vector<32xbf16>
        %unpack3A_550 = tpu.unpack_subelements %mul3A_549, 0 {pack_format = #tpu.pack_format<interleaved>} : vector<32xbf16> -> vector<16xf32>
        %unpack3A_551 = tpu.unpack_subelements %mul3A_549, 1 {pack_format = #tpu.pack_format<interleaved>} : vector<32xbf16> -> vector<16xf32>
        %add3A_552 = arith.addf %add3A_537, %unpack3A_550 : vector<16xf32>
        %add3A_553 = arith.addf %add3A_538, %unpack3A_551 : vector<16xf32>
        %add3A_554 = arith.constant 1 : i32
        %add3A_555 = vector.broadcast %add3A_554 : i32 to vector<16xi32>
        %add3A_556 = arith.addi %and3A_544, %add3A_555 : vector<16xi32>
        %and3A_557 = arith.constant 63 : i32
        %and3A_558 = vector.broadcast %and3A_557 : i32 to vector<16xi32>
        %and3A_559 = arith.andi %add3A_556, %and3A_558 : vector<16xi32>
        %gather3A_560 = tpu.vector_load_idx %arg13[%add3A_439, %and3A_559] : memref<80x64xi32, #tpu.memory_space<vmem>>[vector<16xi32>, vector<16xi32>], vector<16xi32>,
        %gather3A_561 = tpu.vector_load_idx %arg14[%add3A_439, %and3A_559] : memref<80x64xi32, #tpu.memory_space<vmem>>[vector<16xi32>, vector<16xi32>], vector<16xi32>,
        %bitcast3A_562 = vector.bitcast %gather3A_560 : vector<16xi32> to vector<32xbf16>
        %bitcast3A_563 = vector.bitcast %gather3A_561 : vector<16xi32> to vector<32xbf16>
        %mul3A_564 = arith.mulf %bitcast3A_562, %bitcast3A_563 : vector<32xbf16>
        %unpack3A_565 = tpu.unpack_subelements %mul3A_564, 0 {pack_format = #tpu.pack_format<interleaved>} : vector<32xbf16> -> vector<16xf32>
        %unpack3A_566 = tpu.unpack_subelements %mul3A_564, 1 {pack_format = #tpu.pack_format<interleaved>} : vector<32xbf16> -> vector<16xf32>
        %add3A_567 = arith.addf %add3A_552, %unpack3A_565 : vector<16xf32>
        %add3A_568 = arith.addf %add3A_553, %unpack3A_566 : vector<16xf32>
        %add3A_569 = arith.constant 1 : i32
        %add3A_570 = vector.broadcast %add3A_569 : i32 to vector<16xi32>
        %add3A_571 = arith.addi %and3A_559, %add3A_570 : vector<16xi32>
        %and3A_572 = arith.constant 63 : i32
        %and3A_573 = vector.broadcast %and3A_572 : i32 to vector<16xi32>
        %and3A_574 = arith.andi %add3A_571, %and3A_573 : vector<16xi32>
        %gather3A_575 = tpu.vector_load_idx %arg13[%add3A_439, %and3A_574] : memref<80x64xi32, #tpu.memory_space<vmem>>[vector<16xi32>, vector<16xi32>], vector<16xi32>,
        %gather3A_576 = tpu.vector_load_idx %arg14[%add3A_439, %and3A_574] : memref<80x64xi32, #tpu.memory_space<vmem>>[vector<16xi32>, vector<16xi32>], vector<16xi32>,
        %bitcast3A_577 = vector.bitcast %gather3A_575 : vector<16xi32> to vector<32xbf16>
        %bitcast3A_578 = vector.bitcast %gather3A_576 : vector<16xi32> to vector<32xbf16>
        %mul3A_579 = arith.mulf %bitcast3A_577, %bitcast3A_578 : vector<32xbf16>
        %unpack3A_580 = tpu.unpack_subelements %mul3A_579, 0 {pack_format = #tpu.pack_format<interleaved>} : vector<32xbf16> -> vector<16xf32>
        %unpack3A_581 = tpu.unpack_subelements %mul3A_579, 1 {pack_format = #tpu.pack_format<interleaved>} : vector<32xbf16> -> vector<16xf32>
        %add3A_582 = arith.addf %add3A_567, %unpack3A_580 : vector<16xf32>
        %add3A_583 = arith.addf %add3A_568, %unpack3A_581 : vector<16xf32>
        %add3A_584 = arith.constant 1 : i32
        %add3A_585 = vector.broadcast %add3A_584 : i32 to vector<16xi32>
        %add3A_586 = arith.addi %and3A_574, %add3A_585 : vector<16xi32>
        %and3A_587 = arith.constant 63 : i32
        %and3A_588 = vector.broadcast %and3A_587 : i32 to vector<16xi32>
        %and3A_589 = arith.andi %add3A_586, %and3A_588 : vector<16xi32>
        %gather3A_590 = tpu.vector_load_idx %arg13[%add3A_439, %and3A_589] : memref<80x64xi32, #tpu.memory_space<vmem>>[vector<16xi32>, vector<16xi32>], vector<16xi32>,
        %gather3A_591 = tpu.vector_load_idx %arg14[%add3A_439, %and3A_589] : memref<80x64xi32, #tpu.memory_space<vmem>>[vector<16xi32>, vector<16xi32>], vector<16xi32>,
        %bitcast3A_592 = vector.bitcast %gather3A_590 : vector<16xi32> to vector<32xbf16>
        %bitcast3A_593 = vector.bitcast %gather3A_591 : vector<16xi32> to vector<32xbf16>
        %mul3A_594 = arith.mulf %bitcast3A_592, %bitcast3A_593 : vector<32xbf16>
        %unpack3A_595 = tpu.unpack_subelements %mul3A_594, 0 {pack_format = #tpu.pack_format<interleaved>} : vector<32xbf16> -> vector<16xf32>
        %unpack3A_596 = tpu.unpack_subelements %mul3A_594, 1 {pack_format = #tpu.pack_format<interleaved>} : vector<32xbf16> -> vector<16xf32>
        %add3A_597 = arith.addf %add3A_582, %unpack3A_595 : vector<16xf32>
        %add3A_598 = arith.addf %add3A_583, %unpack3A_596 : vector<16xf32>
        %add3A_599 = arith.constant 1 : i32
        %add3A_600 = vector.broadcast %add3A_599 : i32 to vector<16xi32>
        %add3A_601 = arith.addi %and3A_589, %add3A_600 : vector<16xi32>
        %and3A_602 = arith.constant 63 : i32
        %and3A_603 = vector.broadcast %and3A_602 : i32 to vector<16xi32>
        %and3A_604 = arith.andi %add3A_601, %and3A_603 : vector<16xi32>
        %gather3A_605 = tpu.vector_load_idx %arg13[%add3A_439, %and3A_604] : memref<80x64xi32, #tpu.memory_space<vmem>>[vector<16xi32>, vector<16xi32>], vector<16xi32>,
        %gather3A_606 = tpu.vector_load_idx %arg14[%add3A_439, %and3A_604] : memref<80x64xi32, #tpu.memory_space<vmem>>[vector<16xi32>, vector<16xi32>], vector<16xi32>,
        %bitcast3A_607 = vector.bitcast %gather3A_605 : vector<16xi32> to vector<32xbf16>
        %bitcast3A_608 = vector.bitcast %gather3A_606 : vector<16xi32> to vector<32xbf16>
        %mul3A_609 = arith.mulf %bitcast3A_607, %bitcast3A_608 : vector<32xbf16>
        %unpack3A_610 = tpu.unpack_subelements %mul3A_609, 0 {pack_format = #tpu.pack_format<interleaved>} : vector<32xbf16> -> vector<16xf32>
        %unpack3A_611 = tpu.unpack_subelements %mul3A_609, 1 {pack_format = #tpu.pack_format<interleaved>} : vector<32xbf16> -> vector<16xf32>
        %add3A_612 = arith.addf %add3A_597, %unpack3A_610 : vector<16xf32>
        %add3A_613 = arith.addf %add3A_598, %unpack3A_611 : vector<16xf32>
        %add3A_614 = arith.constant 1 : i32
        %add3A_615 = vector.broadcast %add3A_614 : i32 to vector<16xi32>
        %add3A_616 = arith.addi %and3A_604, %add3A_615 : vector<16xi32>
        %and3A_617 = arith.constant 63 : i32
        %and3A_618 = vector.broadcast %and3A_617 : i32 to vector<16xi32>
        %and3A_619 = arith.andi %add3A_616, %and3A_618 : vector<16xi32>
        %gather3A_620 = tpu.vector_load_idx %arg13[%add3A_439, %and3A_619] : memref<80x64xi32, #tpu.memory_space<vmem>>[vector<16xi32>, vector<16xi32>], vector<16xi32>,
        %gather3A_621 = tpu.vector_load_idx %arg14[%add3A_439, %and3A_619] : memref<80x64xi32, #tpu.memory_space<vmem>>[vector<16xi32>, vector<16xi32>], vector<16xi32>,
        %bitcast3A_622 = vector.bitcast %gather3A_620 : vector<16xi32> to vector<32xbf16>
        %bitcast3A_623 = vector.bitcast %gather3A_621 : vector<16xi32> to vector<32xbf16>
        %mul3A_624 = arith.mulf %bitcast3A_622, %bitcast3A_623 : vector<32xbf16>
        %unpack3A_625 = tpu.unpack_subelements %mul3A_624, 0 {pack_format = #tpu.pack_format<interleaved>} : vector<32xbf16> -> vector<16xf32>
        %unpack3A_626 = tpu.unpack_subelements %mul3A_624, 1 {pack_format = #tpu.pack_format<interleaved>} : vector<32xbf16> -> vector<16xf32>
        %add3A_627 = arith.addf %add3A_612, %unpack3A_625 : vector<16xf32>
        %add3A_628 = arith.addf %add3A_613, %unpack3A_626 : vector<16xf32>
        %add3A_629 = arith.constant 1 : i32
        %add3A_630 = vector.broadcast %add3A_629 : i32 to vector<16xi32>
        %add3A_631 = arith.addi %and3A_619, %add3A_630 : vector<16xi32>
        %and3A_632 = arith.constant 63 : i32
        %and3A_633 = vector.broadcast %and3A_632 : i32 to vector<16xi32>
        %and3A_634 = arith.andi %add3A_631, %and3A_633 : vector<16xi32>
        scf.yield %add3A_627, %add3A_628, %and3A_634 : vector<16xf32>, vector<16xf32>, vector<16xi32>
      }
      %scan3A_449 = arith.constant 8 : i32
      %add3A_450 = arith.addf %scan3A_448#0, %scan3A_448#1 : vector<16xf32>
      %neg3A_451 = arith.constant 0.000000e+00 : f32
      %neg3A_452 = vector.broadcast %neg3A_451 : f32 to vector<16xf32>
      %neg3A_453 = arith.subf %neg3A_452, %add3A_450 : vector<16xf32>
      %exp3A_454 = math.exp %neg3A_453 : vector<16xf32>
      %add3A_455 = arith.addf %broadcast_in_dim3A_380, %exp3A_454 : vector<16xf32>
      %div3A_456 = arith.divf %broadcast_in_dim3A_380, %add3A_455 : vector<16xf32>
      %add3A_457 = arith.addf %div3A_456, %broadcast_in_dim3A_384 : vector<16xf32>
      %mul3A_458 = arith.mulf %add3A_457, %broadcast_in_dim3A_382 : vector<16xf32>
      %add3A_459 = arith.constant 32 : i32
      %add3A_460 = arith.addi %mul3A_377, %add3A_459 : i32
      %swap3A_461 = arith.index_cast %add3A_460 : i32 to index
      %swap3A_462 = tpu.vector_load %arg15[%swap3A_461] {strides = array<i32>} : memref<10000xf32, #tpu.memory_space<vmem>>, vector<16xf32>,
      tpu.vector_store %arg15[%swap3A_461], %mul3A_458 {strides = array<i32>} : memref<10000xf32, #tpu.memory_space<vmem>>, vector<16xf32>,
      %add3A_463 = arith.constant 48 : i32
      %add3A_464 = vector.broadcast %add3A_463 : i32 to vector<16xi32>
      %add3A_465 = arith.addi %iota3A_378, %add3A_464 : vector<16xi32>
      %broadcast_in_dim3A_466 = arith.constant 0.000000e+00 : f32
      %broadcast_in_dim3A_467 = vector.broadcast %broadcast_in_dim3A_466 : f32 to vector<16xf32>
      %broadcast_in_dim3A_468 = arith.constant 0.000000e+00 : f32
      %broadcast_in_dim3A_469 = vector.broadcast %broadcast_in_dim3A_468 : f32 to vector<16xf32>
      %scan3A_470 = arith.constant 0 : i32
      %scan3A_471 = arith.constant 8 : i32
      %scan3A_472 = arith.addi %scan3A_470, %scan3A_471 : i32
      %scan3A_473 = arith.constant 1 : i32
      %scan3A_474:3 = scf.for %scan3A_515 = %scan3A_470 to %scan3A_472 step %scan3A_473 iter_args(%scan3A_516 = %broadcast_in_dim3A_467, %scan3A_517 = %broadcast_in_dim3A_469, %scan3A_518 = %iota3A_378) -> (vector<16xf32>, vector<16xf32>, vector<16xi32>)  : i32 {
        %gather3A = tpu.vector_load_idx %arg13[%add3A_465, %scan3A_518] : memref<80x64xi32, #tpu.memory_space<vmem>>[vector<16xi32>, vector<16xi32>], vector<16xi32>,
        %gather3A_519 = tpu.vector_load_idx %arg14[%add3A_465, %scan3A_518] : memref<80x64xi32, #tpu.memory_space<vmem>>[vector<16xi32>, vector<16xi32>], vector<16xi32>,
        %bitcast3A = vector.bitcast %gather3A : vector<16xi32> to vector<32xbf16>
        %bitcast3A_520 = vector.bitcast %gather3A_519 : vector<16xi32> to vector<32xbf16>
        %mul3A_521 = arith.mulf %bitcast3A, %bitcast3A_520 : vector<32xbf16>
        %unpack3A = tpu.unpack_subelements %mul3A_521, 0 {pack_format = #tpu.pack_format<interleaved>} : vector<32xbf16> -> vector<16xf32>
        %unpack3A_522 = tpu.unpack_subelements %mul3A_521, 1 {pack_format = #tpu.pack_format<interleaved>} : vector<32xbf16> -> vector<16xf32>
        %add3A_523 = arith.addf %scan3A_516, %unpack3A : vector<16xf32>
        %add3A_524 = arith.addf %scan3A_517, %unpack3A_522 : vector<16xf32>
        %add3A_525 = arith.constant 1 : i32
        %add3A_526 = vector.broadcast %add3A_525 : i32 to vector<16xi32>
        %add3A_527 = arith.addi %scan3A_518, %add3A_526 : vector<16xi32>
        %and3A = arith.constant 63 : i32
        %and3A_528 = vector.broadcast %and3A : i32 to vector<16xi32>
        %and3A_529 = arith.andi %add3A_527, %and3A_528 : vector<16xi32>
        %gather3A_530 = tpu.vector_load_idx %arg13[%add3A_465, %and3A_529] : memref<80x64xi32, #tpu.memory_space<vmem>>[vector<16xi32>, vector<16xi32>], vector<16xi32>,
        %gather3A_531 = tpu.vector_load_idx %arg14[%add3A_465, %and3A_529] : memref<80x64xi32, #tpu.memory_space<vmem>>[vector<16xi32>, vector<16xi32>], vector<16xi32>,
        %bitcast3A_532 = vector.bitcast %gather3A_530 : vector<16xi32> to vector<32xbf16>
        %bitcast3A_533 = vector.bitcast %gather3A_531 : vector<16xi32> to vector<32xbf16>
        %mul3A_534 = arith.mulf %bitcast3A_532, %bitcast3A_533 : vector<32xbf16>
        %unpack3A_535 = tpu.unpack_subelements %mul3A_534, 0 {pack_format = #tpu.pack_format<interleaved>} : vector<32xbf16> -> vector<16xf32>
        %unpack3A_536 = tpu.unpack_subelements %mul3A_534, 1 {pack_format = #tpu.pack_format<interleaved>} : vector<32xbf16> -> vector<16xf32>
        %add3A_537 = arith.addf %add3A_523, %unpack3A_535 : vector<16xf32>
        %add3A_538 = arith.addf %add3A_524, %unpack3A_536 : vector<16xf32>
        %add3A_539 = arith.constant 1 : i32
        %add3A_540 = vector.broadcast %add3A_539 : i32 to vector<16xi32>
        %add3A_541 = arith.addi %and3A_529, %add3A_540 : vector<16xi32>
        %and3A_542 = arith.constant 63 : i32
        %and3A_543 = vector.broadcast %and3A_542 : i32 to vector<16xi32>
        %and3A_544 = arith.andi %add3A_541, %and3A_543 : vector<16xi32>
        %gather3A_545 = tpu.vector_load_idx %arg13[%add3A_465, %and3A_544] : memref<80x64xi32, #tpu.memory_space<vmem>>[vector<16xi32>, vector<16xi32>], vector<16xi32>,
        %gather3A_546 = tpu.vector_load_idx %arg14[%add3A_465, %and3A_544] : memref<80x64xi32, #tpu.memory_space<vmem>>[vector<16xi32>, vector<16xi32>], vector<16xi32>,
        %bitcast3A_547 = vector.bitcast %gather3A_545 : vector<16xi32> to vector<32xbf16>
        %bitcast3A_548 = vector.bitcast %gather3A_546 : vector<16xi32> to vector<32xbf16>
        %mul3A_549 = arith.mulf %bitcast3A_547, %bitcast3A_548 : vector<32xbf16>
        %unpack3A_550 = tpu.unpack_subelements %mul3A_549, 0 {pack_format = #tpu.pack_format<interleaved>} : vector<32xbf16> -> vector<16xf32>
        %unpack3A_551 = tpu.unpack_subelements %mul3A_549, 1 {pack_format = #tpu.pack_format<interleaved>} : vector<32xbf16> -> vector<16xf32>
        %add3A_552 = arith.addf %add3A_537, %unpack3A_550 : vector<16xf32>
        %add3A_553 = arith.addf %add3A_538, %unpack3A_551 : vector<16xf32>
        %add3A_554 = arith.constant 1 : i32
        %add3A_555 = vector.broadcast %add3A_554 : i32 to vector<16xi32>
        %add3A_556 = arith.addi %and3A_544, %add3A_555 : vector<16xi32>
        %and3A_557 = arith.constant 63 : i32
        %and3A_558 = vector.broadcast %and3A_557 : i32 to vector<16xi32>
        %and3A_559 = arith.andi %add3A_556, %and3A_558 : vector<16xi32>
        %gather3A_560 = tpu.vector_load_idx %arg13[%add3A_465, %and3A_559] : memref<80x64xi32, #tpu.memory_space<vmem>>[vector<16xi32>, vector<16xi32>], vector<16xi32>,
        %gather3A_561 = tpu.vector_load_idx %arg14[%add3A_465, %and3A_559] : memref<80x64xi32, #tpu.memory_space<vmem>>[vector<16xi32>, vector<16xi32>], vector<16xi32>,
        %bitcast3A_562 = vector.bitcast %gather3A_560 : vector<16xi32> to vector<32xbf16>
        %bitcast3A_563 = vector.bitcast %gather3A_561 : vector<16xi32> to vector<32xbf16>
        %mul3A_564 = arith.mulf %bitcast3A_562, %bitcast3A_563 : vector<32xbf16>
        %unpack3A_565 = tpu.unpack_subelements %mul3A_564, 0 {pack_format = #tpu.pack_format<interleaved>} : vector<32xbf16> -> vector<16xf32>
        %unpack3A_566 = tpu.unpack_subelements %mul3A_564, 1 {pack_format = #tpu.pack_format<interleaved>} : vector<32xbf16> -> vector<16xf32>
        %add3A_567 = arith.addf %add3A_552, %unpack3A_565 : vector<16xf32>
        %add3A_568 = arith.addf %add3A_553, %unpack3A_566 : vector<16xf32>
        %add3A_569 = arith.constant 1 : i32
        %add3A_570 = vector.broadcast %add3A_569 : i32 to vector<16xi32>
        %add3A_571 = arith.addi %and3A_559, %add3A_570 : vector<16xi32>
        %and3A_572 = arith.constant 63 : i32
        %and3A_573 = vector.broadcast %and3A_572 : i32 to vector<16xi32>
        %and3A_574 = arith.andi %add3A_571, %and3A_573 : vector<16xi32>
        %gather3A_575 = tpu.vector_load_idx %arg13[%add3A_465, %and3A_574] : memref<80x64xi32, #tpu.memory_space<vmem>>[vector<16xi32>, vector<16xi32>], vector<16xi32>,
        %gather3A_576 = tpu.vector_load_idx %arg14[%add3A_465, %and3A_574] : memref<80x64xi32, #tpu.memory_space<vmem>>[vector<16xi32>, vector<16xi32>], vector<16xi32>,
        %bitcast3A_577 = vector.bitcast %gather3A_575 : vector<16xi32> to vector<32xbf16>
        %bitcast3A_578 = vector.bitcast %gather3A_576 : vector<16xi32> to vector<32xbf16>
        %mul3A_579 = arith.mulf %bitcast3A_577, %bitcast3A_578 : vector<32xbf16>
        %unpack3A_580 = tpu.unpack_subelements %mul3A_579, 0 {pack_format = #tpu.pack_format<interleaved>} : vector<32xbf16> -> vector<16xf32>
        %unpack3A_581 = tpu.unpack_subelements %mul3A_579, 1 {pack_format = #tpu.pack_format<interleaved>} : vector<32xbf16> -> vector<16xf32>
        %add3A_582 = arith.addf %add3A_567, %unpack3A_580 : vector<16xf32>
        %add3A_583 = arith.addf %add3A_568, %unpack3A_581 : vector<16xf32>
        %add3A_584 = arith.constant 1 : i32
        %add3A_585 = vector.broadcast %add3A_584 : i32 to vector<16xi32>
        %add3A_586 = arith.addi %and3A_574, %add3A_585 : vector<16xi32>
        %and3A_587 = arith.constant 63 : i32
        %and3A_588 = vector.broadcast %and3A_587 : i32 to vector<16xi32>
        %and3A_589 = arith.andi %add3A_586, %and3A_588 : vector<16xi32>
        %gather3A_590 = tpu.vector_load_idx %arg13[%add3A_465, %and3A_589] : memref<80x64xi32, #tpu.memory_space<vmem>>[vector<16xi32>, vector<16xi32>], vector<16xi32>,
        %gather3A_591 = tpu.vector_load_idx %arg14[%add3A_465, %and3A_589] : memref<80x64xi32, #tpu.memory_space<vmem>>[vector<16xi32>, vector<16xi32>], vector<16xi32>,
        %bitcast3A_592 = vector.bitcast %gather3A_590 : vector<16xi32> to vector<32xbf16>
        %bitcast3A_593 = vector.bitcast %gather3A_591 : vector<16xi32> to vector<32xbf16>
        %mul3A_594 = arith.mulf %bitcast3A_592, %bitcast3A_593 : vector<32xbf16>
        %unpack3A_595 = tpu.unpack_subelements %mul3A_594, 0 {pack_format = #tpu.pack_format<interleaved>} : vector<32xbf16> -> vector<16xf32>
        %unpack3A_596 = tpu.unpack_subelements %mul3A_594, 1 {pack_format = #tpu.pack_format<interleaved>} : vector<32xbf16> -> vector<16xf32>
        %add3A_597 = arith.addf %add3A_582, %unpack3A_595 : vector<16xf32>
        %add3A_598 = arith.addf %add3A_583, %unpack3A_596 : vector<16xf32>
        %add3A_599 = arith.constant 1 : i32
        %add3A_600 = vector.broadcast %add3A_599 : i32 to vector<16xi32>
        %add3A_601 = arith.addi %and3A_589, %add3A_600 : vector<16xi32>
        %and3A_602 = arith.constant 63 : i32
        %and3A_603 = vector.broadcast %and3A_602 : i32 to vector<16xi32>
        %and3A_604 = arith.andi %add3A_601, %and3A_603 : vector<16xi32>
        %gather3A_605 = tpu.vector_load_idx %arg13[%add3A_465, %and3A_604] : memref<80x64xi32, #tpu.memory_space<vmem>>[vector<16xi32>, vector<16xi32>], vector<16xi32>,
        %gather3A_606 = tpu.vector_load_idx %arg14[%add3A_465, %and3A_604] : memref<80x64xi32, #tpu.memory_space<vmem>>[vector<16xi32>, vector<16xi32>], vector<16xi32>,
        %bitcast3A_607 = vector.bitcast %gather3A_605 : vector<16xi32> to vector<32xbf16>
        %bitcast3A_608 = vector.bitcast %gather3A_606 : vector<16xi32> to vector<32xbf16>
        %mul3A_609 = arith.mulf %bitcast3A_607, %bitcast3A_608 : vector<32xbf16>
        %unpack3A_610 = tpu.unpack_subelements %mul3A_609, 0 {pack_format = #tpu.pack_format<interleaved>} : vector<32xbf16> -> vector<16xf32>
        %unpack3A_611 = tpu.unpack_subelements %mul3A_609, 1 {pack_format = #tpu.pack_format<interleaved>} : vector<32xbf16> -> vector<16xf32>
        %add3A_612 = arith.addf %add3A_597, %unpack3A_610 : vector<16xf32>
        %add3A_613 = arith.addf %add3A_598, %unpack3A_611 : vector<16xf32>
        %add3A_614 = arith.constant 1 : i32
        %add3A_615 = vector.broadcast %add3A_614 : i32 to vector<16xi32>
        %add3A_616 = arith.addi %and3A_604, %add3A_615 : vector<16xi32>
        %and3A_617 = arith.constant 63 : i32
        %and3A_618 = vector.broadcast %and3A_617 : i32 to vector<16xi32>
        %and3A_619 = arith.andi %add3A_616, %and3A_618 : vector<16xi32>
        %gather3A_620 = tpu.vector_load_idx %arg13[%add3A_465, %and3A_619] : memref<80x64xi32, #tpu.memory_space<vmem>>[vector<16xi32>, vector<16xi32>], vector<16xi32>,
        %gather3A_621 = tpu.vector_load_idx %arg14[%add3A_465, %and3A_619] : memref<80x64xi32, #tpu.memory_space<vmem>>[vector<16xi32>, vector<16xi32>], vector<16xi32>,
        %bitcast3A_622 = vector.bitcast %gather3A_620 : vector<16xi32> to vector<32xbf16>
        %bitcast3A_623 = vector.bitcast %gather3A_621 : vector<16xi32> to vector<32xbf16>
        %mul3A_624 = arith.mulf %bitcast3A_622, %bitcast3A_623 : vector<32xbf16>
        %unpack3A_625 = tpu.unpack_subelements %mul3A_624, 0 {pack_format = #tpu.pack_format<interleaved>} : vector<32xbf16> -> vector<16xf32>
        %unpack3A_626 = tpu.unpack_subelements %mul3A_624, 1 {pack_format = #tpu.pack_format<interleaved>} : vector<32xbf16> -> vector<16xf32>
        %add3A_627 = arith.addf %add3A_612, %unpack3A_625 : vector<16xf32>
        %add3A_628 = arith.addf %add3A_613, %unpack3A_626 : vector<16xf32>
        %add3A_629 = arith.constant 1 : i32
        %add3A_630 = vector.broadcast %add3A_629 : i32 to vector<16xi32>
        %add3A_631 = arith.addi %and3A_619, %add3A_630 : vector<16xi32>
        %and3A_632 = arith.constant 63 : i32
        %and3A_633 = vector.broadcast %and3A_632 : i32 to vector<16xi32>
        %and3A_634 = arith.andi %add3A_631, %and3A_633 : vector<16xi32>
        scf.yield %add3A_627, %add3A_628, %and3A_634 : vector<16xf32>, vector<16xf32>, vector<16xi32>
      }
      %scan3A_475 = arith.constant 8 : i32
      %add3A_476 = arith.addf %scan3A_474#0, %scan3A_474#1 : vector<16xf32>
      %neg3A_477 = arith.constant 0.000000e+00 : f32
      %neg3A_478 = vector.broadcast %neg3A_477 : f32 to vector<16xf32>
      %neg3A_479 = arith.subf %neg3A_478, %add3A_476 : vector<16xf32>
      %exp3A_480 = math.exp %neg3A_479 : vector<16xf32>
      %add3A_481 = arith.addf %broadcast_in_dim3A_380, %exp3A_480 : vector<16xf32>
      %div3A_482 = arith.divf %broadcast_in_dim3A_380, %add3A_481 : vector<16xf32>
      %add3A_483 = arith.addf %div3A_482, %broadcast_in_dim3A_384 : vector<16xf32>
      %mul3A_484 = arith.mulf %add3A_483, %broadcast_in_dim3A_382 : vector<16xf32>
      %add3A_485 = arith.constant 48 : i32
      %add3A_486 = arith.addi %mul3A_377, %add3A_485 : i32
      %swap3A_487 = arith.index_cast %add3A_486 : i32 to index
      %swap3A_488 = tpu.vector_load %arg15[%swap3A_487] {strides = array<i32>} : memref<10000xf32, #tpu.memory_space<vmem>>, vector<16xf32>,
      tpu.vector_store %arg15[%swap3A_487], %mul3A_484 {strides = array<i32>} : memref<10000xf32, #tpu.memory_space<vmem>>, vector<16xf32>,
      %add3A_489 = arith.constant 64 : i32
      %add3A_490 = vector.broadcast %add3A_489 : i32 to vector<16xi32>
      %add3A_491 = arith.addi %iota3A_378, %add3A_490 : vector<16xi32>
      %broadcast_in_dim3A_492 = arith.constant 0.000000e+00 : f32
      %broadcast_in_dim3A_493 = vector.broadcast %broadcast_in_dim3A_492 : f32 to vector<16xf32>
      %broadcast_in_dim3A_494 = arith.constant 0.000000e+00 : f32
      %broadcast_in_dim3A_495 = vector.broadcast %broadcast_in_dim3A_494 : f32 to vector<16xf32>
      %scan3A_496 = arith.constant 0 : i32
      %scan3A_497 = arith.constant 8 : i32
      %scan3A_498 = arith.addi %scan3A_496, %scan3A_497 : i32
      %scan3A_499 = arith.constant 1 : i32
      %scan3A_500:3 = scf.for %scan3A_515 = %scan3A_496 to %scan3A_498 step %scan3A_499 iter_args(%scan3A_516 = %broadcast_in_dim3A_493, %scan3A_517 = %broadcast_in_dim3A_495, %scan3A_518 = %iota3A_378) -> (vector<16xf32>, vector<16xf32>, vector<16xi32>)  : i32 {
        %gather3A = tpu.vector_load_idx %arg13[%add3A_491, %scan3A_518] : memref<80x64xi32, #tpu.memory_space<vmem>>[vector<16xi32>, vector<16xi32>], vector<16xi32>,
        %gather3A_519 = tpu.vector_load_idx %arg14[%add3A_491, %scan3A_518] : memref<80x64xi32, #tpu.memory_space<vmem>>[vector<16xi32>, vector<16xi32>], vector<16xi32>,
        %bitcast3A = vector.bitcast %gather3A : vector<16xi32> to vector<32xbf16>
        %bitcast3A_520 = vector.bitcast %gather3A_519 : vector<16xi32> to vector<32xbf16>
        %mul3A_521 = arith.mulf %bitcast3A, %bitcast3A_520 : vector<32xbf16>
        %unpack3A = tpu.unpack_subelements %mul3A_521, 0 {pack_format = #tpu.pack_format<interleaved>} : vector<32xbf16> -> vector<16xf32>
        %unpack3A_522 = tpu.unpack_subelements %mul3A_521, 1 {pack_format = #tpu.pack_format<interleaved>} : vector<32xbf16> -> vector<16xf32>
        %add3A_523 = arith.addf %scan3A_516, %unpack3A : vector<16xf32>
        %add3A_524 = arith.addf %scan3A_517, %unpack3A_522 : vector<16xf32>
        %add3A_525 = arith.constant 1 : i32
        %add3A_526 = vector.broadcast %add3A_525 : i32 to vector<16xi32>
        %add3A_527 = arith.addi %scan3A_518, %add3A_526 : vector<16xi32>
        %and3A = arith.constant 63 : i32
        %and3A_528 = vector.broadcast %and3A : i32 to vector<16xi32>
        %and3A_529 = arith.andi %add3A_527, %and3A_528 : vector<16xi32>
        %gather3A_530 = tpu.vector_load_idx %arg13[%add3A_491, %and3A_529] : memref<80x64xi32, #tpu.memory_space<vmem>>[vector<16xi32>, vector<16xi32>], vector<16xi32>,
        %gather3A_531 = tpu.vector_load_idx %arg14[%add3A_491, %and3A_529] : memref<80x64xi32, #tpu.memory_space<vmem>>[vector<16xi32>, vector<16xi32>], vector<16xi32>,
        %bitcast3A_532 = vector.bitcast %gather3A_530 : vector<16xi32> to vector<32xbf16>
        %bitcast3A_533 = vector.bitcast %gather3A_531 : vector<16xi32> to vector<32xbf16>
        %mul3A_534 = arith.mulf %bitcast3A_532, %bitcast3A_533 : vector<32xbf16>
        %unpack3A_535 = tpu.unpack_subelements %mul3A_534, 0 {pack_format = #tpu.pack_format<interleaved>} : vector<32xbf16> -> vector<16xf32>
        %unpack3A_536 = tpu.unpack_subelements %mul3A_534, 1 {pack_format = #tpu.pack_format<interleaved>} : vector<32xbf16> -> vector<16xf32>
        %add3A_537 = arith.addf %add3A_523, %unpack3A_535 : vector<16xf32>
        %add3A_538 = arith.addf %add3A_524, %unpack3A_536 : vector<16xf32>
        %add3A_539 = arith.constant 1 : i32
        %add3A_540 = vector.broadcast %add3A_539 : i32 to vector<16xi32>
        %add3A_541 = arith.addi %and3A_529, %add3A_540 : vector<16xi32>
        %and3A_542 = arith.constant 63 : i32
        %and3A_543 = vector.broadcast %and3A_542 : i32 to vector<16xi32>
        %and3A_544 = arith.andi %add3A_541, %and3A_543 : vector<16xi32>
        %gather3A_545 = tpu.vector_load_idx %arg13[%add3A_491, %and3A_544] : memref<80x64xi32, #tpu.memory_space<vmem>>[vector<16xi32>, vector<16xi32>], vector<16xi32>,
        %gather3A_546 = tpu.vector_load_idx %arg14[%add3A_491, %and3A_544] : memref<80x64xi32, #tpu.memory_space<vmem>>[vector<16xi32>, vector<16xi32>], vector<16xi32>,
        %bitcast3A_547 = vector.bitcast %gather3A_545 : vector<16xi32> to vector<32xbf16>
        %bitcast3A_548 = vector.bitcast %gather3A_546 : vector<16xi32> to vector<32xbf16>
        %mul3A_549 = arith.mulf %bitcast3A_547, %bitcast3A_548 : vector<32xbf16>
        %unpack3A_550 = tpu.unpack_subelements %mul3A_549, 0 {pack_format = #tpu.pack_format<interleaved>} : vector<32xbf16> -> vector<16xf32>
        %unpack3A_551 = tpu.unpack_subelements %mul3A_549, 1 {pack_format = #tpu.pack_format<interleaved>} : vector<32xbf16> -> vector<16xf32>
        %add3A_552 = arith.addf %add3A_537, %unpack3A_550 : vector<16xf32>
        %add3A_553 = arith.addf %add3A_538, %unpack3A_551 : vector<16xf32>
        %add3A_554 = arith.constant 1 : i32
        %add3A_555 = vector.broadcast %add3A_554 : i32 to vector<16xi32>
        %add3A_556 = arith.addi %and3A_544, %add3A_555 : vector<16xi32>
        %and3A_557 = arith.constant 63 : i32
        %and3A_558 = vector.broadcast %and3A_557 : i32 to vector<16xi32>
        %and3A_559 = arith.andi %add3A_556, %and3A_558 : vector<16xi32>
        %gather3A_560 = tpu.vector_load_idx %arg13[%add3A_491, %and3A_559] : memref<80x64xi32, #tpu.memory_space<vmem>>[vector<16xi32>, vector<16xi32>], vector<16xi32>,
        %gather3A_561 = tpu.vector_load_idx %arg14[%add3A_491, %and3A_559] : memref<80x64xi32, #tpu.memory_space<vmem>>[vector<16xi32>, vector<16xi32>], vector<16xi32>,
        %bitcast3A_562 = vector.bitcast %gather3A_560 : vector<16xi32> to vector<32xbf16>
        %bitcast3A_563 = vector.bitcast %gather3A_561 : vector<16xi32> to vector<32xbf16>
        %mul3A_564 = arith.mulf %bitcast3A_562, %bitcast3A_563 : vector<32xbf16>
        %unpack3A_565 = tpu.unpack_subelements %mul3A_564, 0 {pack_format = #tpu.pack_format<interleaved>} : vector<32xbf16> -> vector<16xf32>
        %unpack3A_566 = tpu.unpack_subelements %mul3A_564, 1 {pack_format = #tpu.pack_format<interleaved>} : vector<32xbf16> -> vector<16xf32>
        %add3A_567 = arith.addf %add3A_552, %unpack3A_565 : vector<16xf32>
        %add3A_568 = arith.addf %add3A_553, %unpack3A_566 : vector<16xf32>
        %add3A_569 = arith.constant 1 : i32
        %add3A_570 = vector.broadcast %add3A_569 : i32 to vector<16xi32>
        %add3A_571 = arith.addi %and3A_559, %add3A_570 : vector<16xi32>
        %and3A_572 = arith.constant 63 : i32
        %and3A_573 = vector.broadcast %and3A_572 : i32 to vector<16xi32>
        %and3A_574 = arith.andi %add3A_571, %and3A_573 : vector<16xi32>
        %gather3A_575 = tpu.vector_load_idx %arg13[%add3A_491, %and3A_574] : memref<80x64xi32, #tpu.memory_space<vmem>>[vector<16xi32>, vector<16xi32>], vector<16xi32>,
        %gather3A_576 = tpu.vector_load_idx %arg14[%add3A_491, %and3A_574] : memref<80x64xi32, #tpu.memory_space<vmem>>[vector<16xi32>, vector<16xi32>], vector<16xi32>,
        %bitcast3A_577 = vector.bitcast %gather3A_575 : vector<16xi32> to vector<32xbf16>
        %bitcast3A_578 = vector.bitcast %gather3A_576 : vector<16xi32> to vector<32xbf16>
        %mul3A_579 = arith.mulf %bitcast3A_577, %bitcast3A_578 : vector<32xbf16>
        %unpack3A_580 = tpu.unpack_subelements %mul3A_579, 0 {pack_format = #tpu.pack_format<interleaved>} : vector<32xbf16> -> vector<16xf32>
        %unpack3A_581 = tpu.unpack_subelements %mul3A_579, 1 {pack_format = #tpu.pack_format<interleaved>} : vector<32xbf16> -> vector<16xf32>
        %add3A_582 = arith.addf %add3A_567, %unpack3A_580 : vector<16xf32>
        %add3A_583 = arith.addf %add3A_568, %unpack3A_581 : vector<16xf32>
        %add3A_584 = arith.constant 1 : i32
        %add3A_585 = vector.broadcast %add3A_584 : i32 to vector<16xi32>
        %add3A_586 = arith.addi %and3A_574, %add3A_585 : vector<16xi32>
        %and3A_587 = arith.constant 63 : i32
        %and3A_588 = vector.broadcast %and3A_587 : i32 to vector<16xi32>
        %and3A_589 = arith.andi %add3A_586, %and3A_588 : vector<16xi32>
        %gather3A_590 = tpu.vector_load_idx %arg13[%add3A_491, %and3A_589] : memref<80x64xi32, #tpu.memory_space<vmem>>[vector<16xi32>, vector<16xi32>], vector<16xi32>,
        %gather3A_591 = tpu.vector_load_idx %arg14[%add3A_491, %and3A_589] : memref<80x64xi32, #tpu.memory_space<vmem>>[vector<16xi32>, vector<16xi32>], vector<16xi32>,
        %bitcast3A_592 = vector.bitcast %gather3A_590 : vector<16xi32> to vector<32xbf16>
        %bitcast3A_593 = vector.bitcast %gather3A_591 : vector<16xi32> to vector<32xbf16>
        %mul3A_594 = arith.mulf %bitcast3A_592, %bitcast3A_593 : vector<32xbf16>
        %unpack3A_595 = tpu.unpack_subelements %mul3A_594, 0 {pack_format = #tpu.pack_format<interleaved>} : vector<32xbf16> -> vector<16xf32>
        %unpack3A_596 = tpu.unpack_subelements %mul3A_594, 1 {pack_format = #tpu.pack_format<interleaved>} : vector<32xbf16> -> vector<16xf32>
        %add3A_597 = arith.addf %add3A_582, %unpack3A_595 : vector<16xf32>
        %add3A_598 = arith.addf %add3A_583, %unpack3A_596 : vector<16xf32>
        %add3A_599 = arith.constant 1 : i32
        %add3A_600 = vector.broadcast %add3A_599 : i32 to vector<16xi32>
        %add3A_601 = arith.addi %and3A_589, %add3A_600 : vector<16xi32>
        %and3A_602 = arith.constant 63 : i32
        %and3A_603 = vector.broadcast %and3A_602 : i32 to vector<16xi32>
        %and3A_604 = arith.andi %add3A_601, %and3A_603 : vector<16xi32>
        %gather3A_605 = tpu.vector_load_idx %arg13[%add3A_491, %and3A_604] : memref<80x64xi32, #tpu.memory_space<vmem>>[vector<16xi32>, vector<16xi32>], vector<16xi32>,
        %gather3A_606 = tpu.vector_load_idx %arg14[%add3A_491, %and3A_604] : memref<80x64xi32, #tpu.memory_space<vmem>>[vector<16xi32>, vector<16xi32>], vector<16xi32>,
        %bitcast3A_607 = vector.bitcast %gather3A_605 : vector<16xi32> to vector<32xbf16>
        %bitcast3A_608 = vector.bitcast %gather3A_606 : vector<16xi32> to vector<32xbf16>
        %mul3A_609 = arith.mulf %bitcast3A_607, %bitcast3A_608 : vector<32xbf16>
        %unpack3A_610 = tpu.unpack_subelements %mul3A_609, 0 {pack_format = #tpu.pack_format<interleaved>} : vector<32xbf16> -> vector<16xf32>
        %unpack3A_611 = tpu.unpack_subelements %mul3A_609, 1 {pack_format = #tpu.pack_format<interleaved>} : vector<32xbf16> -> vector<16xf32>
        %add3A_612 = arith.addf %add3A_597, %unpack3A_610 : vector<16xf32>
        %add3A_613 = arith.addf %add3A_598, %unpack3A_611 : vector<16xf32>
        %add3A_614 = arith.constant 1 : i32
        %add3A_615 = vector.broadcast %add3A_614 : i32 to vector<16xi32>
        %add3A_616 = arith.addi %and3A_604, %add3A_615 : vector<16xi32>
        %and3A_617 = arith.constant 63 : i32
        %and3A_618 = vector.broadcast %and3A_617 : i32 to vector<16xi32>
        %and3A_619 = arith.andi %add3A_616, %and3A_618 : vector<16xi32>
        %gather3A_620 = tpu.vector_load_idx %arg13[%add3A_491, %and3A_619] : memref<80x64xi32, #tpu.memory_space<vmem>>[vector<16xi32>, vector<16xi32>], vector<16xi32>,
        %gather3A_621 = tpu.vector_load_idx %arg14[%add3A_491, %and3A_619] : memref<80x64xi32, #tpu.memory_space<vmem>>[vector<16xi32>, vector<16xi32>], vector<16xi32>,
        %bitcast3A_622 = vector.bitcast %gather3A_620 : vector<16xi32> to vector<32xbf16>
        %bitcast3A_623 = vector.bitcast %gather3A_621 : vector<16xi32> to vector<32xbf16>
        %mul3A_624 = arith.mulf %bitcast3A_622, %bitcast3A_623 : vector<32xbf16>
        %unpack3A_625 = tpu.unpack_subelements %mul3A_624, 0 {pack_format = #tpu.pack_format<interleaved>} : vector<32xbf16> -> vector<16xf32>
        %unpack3A_626 = tpu.unpack_subelements %mul3A_624, 1 {pack_format = #tpu.pack_format<interleaved>} : vector<32xbf16> -> vector<16xf32>
        %add3A_627 = arith.addf %add3A_612, %unpack3A_625 : vector<16xf32>
        %add3A_628 = arith.addf %add3A_613, %unpack3A_626 : vector<16xf32>
        %add3A_629 = arith.constant 1 : i32
        %add3A_630 = vector.broadcast %add3A_629 : i32 to vector<16xi32>
        %add3A_631 = arith.addi %and3A_619, %add3A_630 : vector<16xi32>
        %and3A_632 = arith.constant 63 : i32
        %and3A_633 = vector.broadcast %and3A_632 : i32 to vector<16xi32>
        %and3A_634 = arith.andi %add3A_631, %and3A_633 : vector<16xi32>
        scf.yield %add3A_627, %add3A_628, %and3A_634 : vector<16xf32>, vector<16xf32>, vector<16xi32>
      }
      %scan3A_501 = arith.constant 8 : i32
      %add3A_502 = arith.addf %scan3A_500#0, %scan3A_500#1 : vector<16xf32>
      %neg3A_503 = arith.constant 0.000000e+00 : f32
      %neg3A_504 = vector.broadcast %neg3A_503 : f32 to vector<16xf32>
      %neg3A_505 = arith.subf %neg3A_504, %add3A_502 : vector<16xf32>
      %exp3A_506 = math.exp %neg3A_505 : vector<16xf32>
      %add3A_507 = arith.addf %broadcast_in_dim3A_380, %exp3A_506 : vector<16xf32>
      %div3A_508 = arith.divf %broadcast_in_dim3A_380, %add3A_507 : vector<16xf32>
      %add3A_509 = arith.addf %div3A_508, %broadcast_in_dim3A_384 : vector<16xf32>
      %mul3A_510 = arith.mulf %add3A_509, %broadcast_in_dim3A_382 : vector<16xf32>
      %add3A_511 = arith.constant 64 : i32
      %add3A_512 = arith.addi %mul3A_377, %add3A_511 : i32
      %swap3A_513 = arith.index_cast %add3A_512 : i32 to index
      %swap3A_514 = tpu.vector_load %arg15[%swap3A_513] {strides = array<i32>} : memref<10000xf32, #tpu.memory_space<vmem>>, vector<16xf32>,
      tpu.vector_store %arg15[%swap3A_513], %mul3A_510 {strides = array<i32>} : memref<10000xf32, #tpu.memory_space<vmem>>, vector<16xf32>,
    }
    %scan3A_53 = arith.constant 62 : i32
    %dma_wait3A_54 = arith.constant 0 : i32
    %dma_wait3A_55 = arith.constant 0 : i32
    %dma_wait3A_56 = tpu.memref_slice %arg6[%dma_wait3A_54, %dma_wait3A_55] : memref<10000x64xi32, #tpu.memory_space<vmem_shared>> -> memref<10000x64xi32, #tpu.memory_space<vmem_shared>>
    tpu.wait_indirect_dma semaphore(%arg18 : memref<!tpu.dma_semaphore, #tpu.memory_space<semaphore_mem>>) src(%dma_wait3A_56 : memref<10000x64xi32, #tpu.memory_space<vmem_shared>>) dst(%arg11 : memref<80x64xi32, #tpu.memory_space<vmem>>)
    %dma_wait3A_57 = arith.constant 0 : i32
    %dma_wait3A_58 = arith.constant 0 : i32
    %dma_wait3A_59 = tpu.memref_slice %arg6[%dma_wait3A_57, %dma_wait3A_58] : memref<10000x64xi32, #tpu.memory_space<vmem_shared>> -> memref<10000x64xi32, #tpu.memory_space<vmem_shared>>
    tpu.wait_indirect_dma semaphore(%arg19 : memref<!tpu.dma_semaphore, #tpu.memory_space<semaphore_mem>>) src(%dma_wait3A_59 : memref<10000x64xi32, #tpu.memory_space<vmem_shared>>) dst(%arg12 : memref<80x64xi32, #tpu.memory_space<vmem>>)
    %iota3A = tpu.iota {dimensions = array<i32: 0>} : vector<16xi32>
    %broadcast_in_dim3A = arith.constant 1.000000e+00 : f32
    %broadcast_in_dim3A_60 = vector.broadcast %broadcast_in_dim3A : f32 to vector<16xf32>
    %broadcast_in_dim3A_61 = arith.constant 0.999999821 : f32
    %broadcast_in_dim3A_62 = vector.broadcast %broadcast_in_dim3A_61 : f32 to vector<16xf32>
    %broadcast_in_dim3A_63 = arith.constant 1.000000e-07 : f32
    %broadcast_in_dim3A_64 = vector.broadcast %broadcast_in_dim3A_63 : f32 to vector<16xf32>
    %add3A_65 = arith.constant 0 : i32
    %add3A_66 = vector.broadcast %add3A_65 : i32 to vector<16xi32>
    %add3A_67 = arith.addi %iota3A, %add3A_66 : vector<16xi32>
    %broadcast_in_dim3A_68 = arith.constant 0.000000e+00 : f32
    %broadcast_in_dim3A_69 = vector.broadcast %broadcast_in_dim3A_68 : f32 to vector<16xf32>
    %broadcast_in_dim3A_70 = arith.constant 0.000000e+00 : f32
    %broadcast_in_dim3A_71 = vector.broadcast %broadcast_in_dim3A_70 : f32 to vector<16xf32>
    %scan3A_72 = arith.constant 0 : i32
    %scan3A_73 = arith.constant 8 : i32
    %scan3A_74 = arith.addi %scan3A_72, %scan3A_73 : i32
    %scan3A_75 = arith.constant 1 : i32
    %scan3A_76:3 = scf.for %scan3A_181 = %scan3A_72 to %scan3A_74 step %scan3A_75 iter_args(%scan3A_182 = %broadcast_in_dim3A_69, %scan3A_183 = %broadcast_in_dim3A_71, %scan3A_184 = %iota3A) -> (vector<16xf32>, vector<16xf32>, vector<16xi32>)  : i32 {
      %gather3A = tpu.vector_load_idx %arg11[%add3A_67, %scan3A_184] : memref<80x64xi32, #tpu.memory_space<vmem>>[vector<16xi32>, vector<16xi32>], vector<16xi32>,
      %gather3A_185 = tpu.vector_load_idx %arg12[%add3A_67, %scan3A_184] : memref<80x64xi32, #tpu.memory_space<vmem>>[vector<16xi32>, vector<16xi32>], vector<16xi32>,
      %bitcast3A = vector.bitcast %gather3A : vector<16xi32> to vector<32xbf16>
      %bitcast3A_186 = vector.bitcast %gather3A_185 : vector<16xi32> to vector<32xbf16>
      %mul3A_187 = arith.mulf %bitcast3A, %bitcast3A_186 : vector<32xbf16>
      %unpack3A = tpu.unpack_subelements %mul3A_187, 0 {pack_format = #tpu.pack_format<interleaved>} : vector<32xbf16> -> vector<16xf32>
      %unpack3A_188 = tpu.unpack_subelements %mul3A_187, 1 {pack_format = #tpu.pack_format<interleaved>} : vector<32xbf16> -> vector<16xf32>
      %add3A_189 = arith.addf %scan3A_182, %unpack3A : vector<16xf32>
      %add3A_190 = arith.addf %scan3A_183, %unpack3A_188 : vector<16xf32>
      %add3A_191 = arith.constant 1 : i32
      %add3A_192 = vector.broadcast %add3A_191 : i32 to vector<16xi32>
      %add3A_193 = arith.addi %scan3A_184, %add3A_192 : vector<16xi32>
      %and3A = arith.constant 63 : i32
      %and3A_194 = vector.broadcast %and3A : i32 to vector<16xi32>
      %and3A_195 = arith.andi %add3A_193, %and3A_194 : vector<16xi32>
      %gather3A_196 = tpu.vector_load_idx %arg11[%add3A_67, %and3A_195] : memref<80x64xi32, #tpu.memory_space<vmem>>[vector<16xi32>, vector<16xi32>], vector<16xi32>,
      %gather3A_197 = tpu.vector_load_idx %arg12[%add3A_67, %and3A_195] : memref<80x64xi32, #tpu.memory_space<vmem>>[vector<16xi32>, vector<16xi32>], vector<16xi32>,
      %bitcast3A_198 = vector.bitcast %gather3A_196 : vector<16xi32> to vector<32xbf16>
      %bitcast3A_199 = vector.bitcast %gather3A_197 : vector<16xi32> to vector<32xbf16>
      %mul3A_200 = arith.mulf %bitcast3A_198, %bitcast3A_199 : vector<32xbf16>
      %unpack3A_201 = tpu.unpack_subelements %mul3A_200, 0 {pack_format = #tpu.pack_format<interleaved>} : vector<32xbf16> -> vector<16xf32>
      %unpack3A_202 = tpu.unpack_subelements %mul3A_200, 1 {pack_format = #tpu.pack_format<interleaved>} : vector<32xbf16> -> vector<16xf32>
      %add3A_203 = arith.addf %add3A_189, %unpack3A_201 : vector<16xf32>
      %add3A_204 = arith.addf %add3A_190, %unpack3A_202 : vector<16xf32>
      %add3A_205 = arith.constant 1 : i32
      %add3A_206 = vector.broadcast %add3A_205 : i32 to vector<16xi32>
      %add3A_207 = arith.addi %and3A_195, %add3A_206 : vector<16xi32>
      %and3A_208 = arith.constant 63 : i32
      %and3A_209 = vector.broadcast %and3A_208 : i32 to vector<16xi32>
      %and3A_210 = arith.andi %add3A_207, %and3A_209 : vector<16xi32>
      %gather3A_211 = tpu.vector_load_idx %arg11[%add3A_67, %and3A_210] : memref<80x64xi32, #tpu.memory_space<vmem>>[vector<16xi32>, vector<16xi32>], vector<16xi32>,
      %gather3A_212 = tpu.vector_load_idx %arg12[%add3A_67, %and3A_210] : memref<80x64xi32, #tpu.memory_space<vmem>>[vector<16xi32>, vector<16xi32>], vector<16xi32>,
      %bitcast3A_213 = vector.bitcast %gather3A_211 : vector<16xi32> to vector<32xbf16>
      %bitcast3A_214 = vector.bitcast %gather3A_212 : vector<16xi32> to vector<32xbf16>
      %mul3A_215 = arith.mulf %bitcast3A_213, %bitcast3A_214 : vector<32xbf16>
      %unpack3A_216 = tpu.unpack_subelements %mul3A_215, 0 {pack_format = #tpu.pack_format<interleaved>} : vector<32xbf16> -> vector<16xf32>
      %unpack3A_217 = tpu.unpack_subelements %mul3A_215, 1 {pack_format = #tpu.pack_format<interleaved>} : vector<32xbf16> -> vector<16xf32>
      %add3A_218 = arith.addf %add3A_203, %unpack3A_216 : vector<16xf32>
      %add3A_219 = arith.addf %add3A_204, %unpack3A_217 : vector<16xf32>
      %add3A_220 = arith.constant 1 : i32
      %add3A_221 = vector.broadcast %add3A_220 : i32 to vector<16xi32>
      %add3A_222 = arith.addi %and3A_210, %add3A_221 : vector<16xi32>
      %and3A_223 = arith.constant 63 : i32
      %and3A_224 = vector.broadcast %and3A_223 : i32 to vector<16xi32>
      %and3A_225 = arith.andi %add3A_222, %and3A_224 : vector<16xi32>
      %gather3A_226 = tpu.vector_load_idx %arg11[%add3A_67, %and3A_225] : memref<80x64xi32, #tpu.memory_space<vmem>>[vector<16xi32>, vector<16xi32>], vector<16xi32>,
      %gather3A_227 = tpu.vector_load_idx %arg12[%add3A_67, %and3A_225] : memref<80x64xi32, #tpu.memory_space<vmem>>[vector<16xi32>, vector<16xi32>], vector<16xi32>,
      %bitcast3A_228 = vector.bitcast %gather3A_226 : vector<16xi32> to vector<32xbf16>
      %bitcast3A_229 = vector.bitcast %gather3A_227 : vector<16xi32> to vector<32xbf16>
      %mul3A_230 = arith.mulf %bitcast3A_228, %bitcast3A_229 : vector<32xbf16>
      %unpack3A_231 = tpu.unpack_subelements %mul3A_230, 0 {pack_format = #tpu.pack_format<interleaved>} : vector<32xbf16> -> vector<16xf32>
      %unpack3A_232 = tpu.unpack_subelements %mul3A_230, 1 {pack_format = #tpu.pack_format<interleaved>} : vector<32xbf16> -> vector<16xf32>
      %add3A_233 = arith.addf %add3A_218, %unpack3A_231 : vector<16xf32>
      %add3A_234 = arith.addf %add3A_219, %unpack3A_232 : vector<16xf32>
      %add3A_235 = arith.constant 1 : i32
      %add3A_236 = vector.broadcast %add3A_235 : i32 to vector<16xi32>
      %add3A_237 = arith.addi %and3A_225, %add3A_236 : vector<16xi32>
      %and3A_238 = arith.constant 63 : i32
      %and3A_239 = vector.broadcast %and3A_238 : i32 to vector<16xi32>
      %and3A_240 = arith.andi %add3A_237, %and3A_239 : vector<16xi32>
      %gather3A_241 = tpu.vector_load_idx %arg11[%add3A_67, %and3A_240] : memref<80x64xi32, #tpu.memory_space<vmem>>[vector<16xi32>, vector<16xi32>], vector<16xi32>,
      %gather3A_242 = tpu.vector_load_idx %arg12[%add3A_67, %and3A_240] : memref<80x64xi32, #tpu.memory_space<vmem>>[vector<16xi32>, vector<16xi32>], vector<16xi32>,
      %bitcast3A_243 = vector.bitcast %gather3A_241 : vector<16xi32> to vector<32xbf16>
      %bitcast3A_244 = vector.bitcast %gather3A_242 : vector<16xi32> to vector<32xbf16>
      %mul3A_245 = arith.mulf %bitcast3A_243, %bitcast3A_244 : vector<32xbf16>
      %unpack3A_246 = tpu.unpack_subelements %mul3A_245, 0 {pack_format = #tpu.pack_format<interleaved>} : vector<32xbf16> -> vector<16xf32>
      %unpack3A_247 = tpu.unpack_subelements %mul3A_245, 1 {pack_format = #tpu.pack_format<interleaved>} : vector<32xbf16> -> vector<16xf32>
      %add3A_248 = arith.addf %add3A_233, %unpack3A_246 : vector<16xf32>
      %add3A_249 = arith.addf %add3A_234, %unpack3A_247 : vector<16xf32>
      %add3A_250 = arith.constant 1 : i32
      %add3A_251 = vector.broadcast %add3A_250 : i32 to vector<16xi32>
      %add3A_252 = arith.addi %and3A_240, %add3A_251 : vector<16xi32>
      %and3A_253 = arith.constant 63 : i32
      %and3A_254 = vector.broadcast %and3A_253 : i32 to vector<16xi32>
      %and3A_255 = arith.andi %add3A_252, %and3A_254 : vector<16xi32>
      %gather3A_256 = tpu.vector_load_idx %arg11[%add3A_67, %and3A_255] : memref<80x64xi32, #tpu.memory_space<vmem>>[vector<16xi32>, vector<16xi32>], vector<16xi32>,
      %gather3A_257 = tpu.vector_load_idx %arg12[%add3A_67, %and3A_255] : memref<80x64xi32, #tpu.memory_space<vmem>>[vector<16xi32>, vector<16xi32>], vector<16xi32>,
      %bitcast3A_258 = vector.bitcast %gather3A_256 : vector<16xi32> to vector<32xbf16>
      %bitcast3A_259 = vector.bitcast %gather3A_257 : vector<16xi32> to vector<32xbf16>
      %mul3A_260 = arith.mulf %bitcast3A_258, %bitcast3A_259 : vector<32xbf16>
      %unpack3A_261 = tpu.unpack_subelements %mul3A_260, 0 {pack_format = #tpu.pack_format<interleaved>} : vector<32xbf16> -> vector<16xf32>
      %unpack3A_262 = tpu.unpack_subelements %mul3A_260, 1 {pack_format = #tpu.pack_format<interleaved>} : vector<32xbf16> -> vector<16xf32>
      %add3A_263 = arith.addf %add3A_248, %unpack3A_261 : vector<16xf32>
      %add3A_264 = arith.addf %add3A_249, %unpack3A_262 : vector<16xf32>
      %add3A_265 = arith.constant 1 : i32
      %add3A_266 = vector.broadcast %add3A_265 : i32 to vector<16xi32>
      %add3A_267 = arith.addi %and3A_255, %add3A_266 : vector<16xi32>
      %and3A_268 = arith.constant 63 : i32
      %and3A_269 = vector.broadcast %and3A_268 : i32 to vector<16xi32>
      %and3A_270 = arith.andi %add3A_267, %and3A_269 : vector<16xi32>
      %gather3A_271 = tpu.vector_load_idx %arg11[%add3A_67, %and3A_270] : memref<80x64xi32, #tpu.memory_space<vmem>>[vector<16xi32>, vector<16xi32>], vector<16xi32>,
      %gather3A_272 = tpu.vector_load_idx %arg12[%add3A_67, %and3A_270] : memref<80x64xi32, #tpu.memory_space<vmem>>[vector<16xi32>, vector<16xi32>], vector<16xi32>,
      %bitcast3A_273 = vector.bitcast %gather3A_271 : vector<16xi32> to vector<32xbf16>
      %bitcast3A_274 = vector.bitcast %gather3A_272 : vector<16xi32> to vector<32xbf16>
      %mul3A_275 = arith.mulf %bitcast3A_273, %bitcast3A_274 : vector<32xbf16>
      %unpack3A_276 = tpu.unpack_subelements %mul3A_275, 0 {pack_format = #tpu.pack_format<interleaved>} : vector<32xbf16> -> vector<16xf32>
      %unpack3A_277 = tpu.unpack_subelements %mul3A_275, 1 {pack_format = #tpu.pack_format<interleaved>} : vector<32xbf16> -> vector<16xf32>
      %add3A_278 = arith.addf %add3A_263, %unpack3A_276 : vector<16xf32>
      %add3A_279 = arith.addf %add3A_264, %unpack3A_277 : vector<16xf32>
      %add3A_280 = arith.constant 1 : i32
      %add3A_281 = vector.broadcast %add3A_280 : i32 to vector<16xi32>
      %add3A_282 = arith.addi %and3A_270, %add3A_281 : vector<16xi32>
      %and3A_283 = arith.constant 63 : i32
      %and3A_284 = vector.broadcast %and3A_283 : i32 to vector<16xi32>
      %and3A_285 = arith.andi %add3A_282, %and3A_284 : vector<16xi32>
      %gather3A_286 = tpu.vector_load_idx %arg11[%add3A_67, %and3A_285] : memref<80x64xi32, #tpu.memory_space<vmem>>[vector<16xi32>, vector<16xi32>], vector<16xi32>,
      %gather3A_287 = tpu.vector_load_idx %arg12[%add3A_67, %and3A_285] : memref<80x64xi32, #tpu.memory_space<vmem>>[vector<16xi32>, vector<16xi32>], vector<16xi32>,
      %bitcast3A_288 = vector.bitcast %gather3A_286 : vector<16xi32> to vector<32xbf16>
      %bitcast3A_289 = vector.bitcast %gather3A_287 : vector<16xi32> to vector<32xbf16>
      %mul3A_290 = arith.mulf %bitcast3A_288, %bitcast3A_289 : vector<32xbf16>
      %unpack3A_291 = tpu.unpack_subelements %mul3A_290, 0 {pack_format = #tpu.pack_format<interleaved>} : vector<32xbf16> -> vector<16xf32>
      %unpack3A_292 = tpu.unpack_subelements %mul3A_290, 1 {pack_format = #tpu.pack_format<interleaved>} : vector<32xbf16> -> vector<16xf32>
      %add3A_293 = arith.addf %add3A_278, %unpack3A_291 : vector<16xf32>
      %add3A_294 = arith.addf %add3A_279, %unpack3A_292 : vector<16xf32>
      %add3A_295 = arith.constant 1 : i32
      %add3A_296 = vector.broadcast %add3A_295 : i32 to vector<16xi32>
      %add3A_297 = arith.addi %and3A_285, %add3A_296 : vector<16xi32>
      %and3A_298 = arith.constant 63 : i32
      %and3A_299 = vector.broadcast %and3A_298 : i32 to vector<16xi32>
      %and3A_300 = arith.andi %add3A_297, %and3A_299 : vector<16xi32>
      scf.yield %add3A_293, %add3A_294, %and3A_300 : vector<16xf32>, vector<16xf32>, vector<16xi32>
    }
    %scan3A_77 = arith.constant 8 : i32
    %add3A_78 = arith.addf %scan3A_76#0, %scan3A_76#1 : vector<16xf32>
    %neg3A = arith.constant 0.000000e+00 : f32
    %neg3A_79 = vector.broadcast %neg3A : f32 to vector<16xf32>
    %neg3A_80 = arith.subf %neg3A_79, %add3A_78 : vector<16xf32>
    %exp3A = math.exp %neg3A_80 : vector<16xf32>
    %add3A_81 = arith.addf %broadcast_in_dim3A_60, %exp3A : vector<16xf32>
    %div3A = arith.divf %broadcast_in_dim3A_60, %add3A_81 : vector<16xf32>
    %add3A_82 = arith.addf %div3A, %broadcast_in_dim3A_64 : vector<16xf32>
    %mul3A_83 = arith.mulf %add3A_82, %broadcast_in_dim3A_62 : vector<16xf32>
    %swap3A = arith.constant 9920 : index
    %swap3A_84 = tpu.vector_load %arg15[%swap3A] {strides = array<i32>} : memref<10000xf32, #tpu.memory_space<vmem>>, vector<16xf32>,
    tpu.vector_store %arg15[%swap3A], %mul3A_83 {strides = array<i32>} : memref<10000xf32, #tpu.memory_space<vmem>>, vector<16xf32>,
    %add3A_85 = arith.constant 16 : i32
    %add3A_86 = vector.broadcast %add3A_85 : i32 to vector<16xi32>
    %add3A_87 = arith.addi %iota3A, %add3A_86 : vector<16xi32>
    %broadcast_in_dim3A_88 = arith.constant 0.000000e+00 : f32
    %broadcast_in_dim3A_89 = vector.broadcast %broadcast_in_dim3A_88 : f32 to vector<16xf32>
    %broadcast_in_dim3A_90 = arith.constant 0.000000e+00 : f32
    %broadcast_in_dim3A_91 = vector.broadcast %broadcast_in_dim3A_90 : f32 to vector<16xf32>
    %scan3A_92 = arith.constant 0 : i32
    %scan3A_93 = arith.constant 8 : i32
    %scan3A_94 = arith.addi %scan3A_92, %scan3A_93 : i32
    %scan3A_95 = arith.constant 1 : i32
    %scan3A_96:3 = scf.for %scan3A_181 = %scan3A_92 to %scan3A_94 step %scan3A_95 iter_args(%scan3A_182 = %broadcast_in_dim3A_89, %scan3A_183 = %broadcast_in_dim3A_91, %scan3A_184 = %iota3A) -> (vector<16xf32>, vector<16xf32>, vector<16xi32>)  : i32 {
      %gather3A = tpu.vector_load_idx %arg11[%add3A_87, %scan3A_184] : memref<80x64xi32, #tpu.memory_space<vmem>>[vector<16xi32>, vector<16xi32>], vector<16xi32>,
      %gather3A_185 = tpu.vector_load_idx %arg12[%add3A_87, %scan3A_184] : memref<80x64xi32, #tpu.memory_space<vmem>>[vector<16xi32>, vector<16xi32>], vector<16xi32>,
      %bitcast3A = vector.bitcast %gather3A : vector<16xi32> to vector<32xbf16>
      %bitcast3A_186 = vector.bitcast %gather3A_185 : vector<16xi32> to vector<32xbf16>
      %mul3A_187 = arith.mulf %bitcast3A, %bitcast3A_186 : vector<32xbf16>
      %unpack3A = tpu.unpack_subelements %mul3A_187, 0 {pack_format = #tpu.pack_format<interleaved>} : vector<32xbf16> -> vector<16xf32>
      %unpack3A_188 = tpu.unpack_subelements %mul3A_187, 1 {pack_format = #tpu.pack_format<interleaved>} : vector<32xbf16> -> vector<16xf32>
      %add3A_189 = arith.addf %scan3A_182, %unpack3A : vector<16xf32>
      %add3A_190 = arith.addf %scan3A_183, %unpack3A_188 : vector<16xf32>
      %add3A_191 = arith.constant 1 : i32
      %add3A_192 = vector.broadcast %add3A_191 : i32 to vector<16xi32>
      %add3A_193 = arith.addi %scan3A_184, %add3A_192 : vector<16xi32>
      %and3A = arith.constant 63 : i32
      %and3A_194 = vector.broadcast %and3A : i32 to vector<16xi32>
      %and3A_195 = arith.andi %add3A_193, %and3A_194 : vector<16xi32>
      %gather3A_196 = tpu.vector_load_idx %arg11[%add3A_87, %and3A_195] : memref<80x64xi32, #tpu.memory_space<vmem>>[vector<16xi32>, vector<16xi32>], vector<16xi32>,
      %gather3A_197 = tpu.vector_load_idx %arg12[%add3A_87, %and3A_195] : memref<80x64xi32, #tpu.memory_space<vmem>>[vector<16xi32>, vector<16xi32>], vector<16xi32>,
      %bitcast3A_198 = vector.bitcast %gather3A_196 : vector<16xi32> to vector<32xbf16>
      %bitcast3A_199 = vector.bitcast %gather3A_197 : vector<16xi32> to vector<32xbf16>
      %mul3A_200 = arith.mulf %bitcast3A_198, %bitcast3A_199 : vector<32xbf16>
      %unpack3A_201 = tpu.unpack_subelements %mul3A_200, 0 {pack_format = #tpu.pack_format<interleaved>} : vector<32xbf16> -> vector<16xf32>
      %unpack3A_202 = tpu.unpack_subelements %mul3A_200, 1 {pack_format = #tpu.pack_format<interleaved>} : vector<32xbf16> -> vector<16xf32>
      %add3A_203 = arith.addf %add3A_189, %unpack3A_201 : vector<16xf32>
      %add3A_204 = arith.addf %add3A_190, %unpack3A_202 : vector<16xf32>
      %add3A_205 = arith.constant 1 : i32
      %add3A_206 = vector.broadcast %add3A_205 : i32 to vector<16xi32>
      %add3A_207 = arith.addi %and3A_195, %add3A_206 : vector<16xi32>
      %and3A_208 = arith.constant 63 : i32
      %and3A_209 = vector.broadcast %and3A_208 : i32 to vector<16xi32>
      %and3A_210 = arith.andi %add3A_207, %and3A_209 : vector<16xi32>
      %gather3A_211 = tpu.vector_load_idx %arg11[%add3A_87, %and3A_210] : memref<80x64xi32, #tpu.memory_space<vmem>>[vector<16xi32>, vector<16xi32>], vector<16xi32>,
      %gather3A_212 = tpu.vector_load_idx %arg12[%add3A_87, %and3A_210] : memref<80x64xi32, #tpu.memory_space<vmem>>[vector<16xi32>, vector<16xi32>], vector<16xi32>,
      %bitcast3A_213 = vector.bitcast %gather3A_211 : vector<16xi32> to vector<32xbf16>
      %bitcast3A_214 = vector.bitcast %gather3A_212 : vector<16xi32> to vector<32xbf16>
      %mul3A_215 = arith.mulf %bitcast3A_213, %bitcast3A_214 : vector<32xbf16>
      %unpack3A_216 = tpu.unpack_subelements %mul3A_215, 0 {pack_format = #tpu.pack_format<interleaved>} : vector<32xbf16> -> vector<16xf32>
      %unpack3A_217 = tpu.unpack_subelements %mul3A_215, 1 {pack_format = #tpu.pack_format<interleaved>} : vector<32xbf16> -> vector<16xf32>
      %add3A_218 = arith.addf %add3A_203, %unpack3A_216 : vector<16xf32>
      %add3A_219 = arith.addf %add3A_204, %unpack3A_217 : vector<16xf32>
      %add3A_220 = arith.constant 1 : i32
      %add3A_221 = vector.broadcast %add3A_220 : i32 to vector<16xi32>
      %add3A_222 = arith.addi %and3A_210, %add3A_221 : vector<16xi32>
      %and3A_223 = arith.constant 63 : i32
      %and3A_224 = vector.broadcast %and3A_223 : i32 to vector<16xi32>
      %and3A_225 = arith.andi %add3A_222, %and3A_224 : vector<16xi32>
      %gather3A_226 = tpu.vector_load_idx %arg11[%add3A_87, %and3A_225] : memref<80x64xi32, #tpu.memory_space<vmem>>[vector<16xi32>, vector<16xi32>], vector<16xi32>,
      %gather3A_227 = tpu.vector_load_idx %arg12[%add3A_87, %and3A_225] : memref<80x64xi32, #tpu.memory_space<vmem>>[vector<16xi32>, vector<16xi32>], vector<16xi32>,
      %bitcast3A_228 = vector.bitcast %gather3A_226 : vector<16xi32> to vector<32xbf16>
      %bitcast3A_229 = vector.bitcast %gather3A_227 : vector<16xi32> to vector<32xbf16>
      %mul3A_230 = arith.mulf %bitcast3A_228, %bitcast3A_229 : vector<32xbf16>
      %unpack3A_231 = tpu.unpack_subelements %mul3A_230, 0 {pack_format = #tpu.pack_format<interleaved>} : vector<32xbf16> -> vector<16xf32>
      %unpack3A_232 = tpu.unpack_subelements %mul3A_230, 1 {pack_format = #tpu.pack_format<interleaved>} : vector<32xbf16> -> vector<16xf32>
      %add3A_233 = arith.addf %add3A_218, %unpack3A_231 : vector<16xf32>
      %add3A_234 = arith.addf %add3A_219, %unpack3A_232 : vector<16xf32>
      %add3A_235 = arith.constant 1 : i32
      %add3A_236 = vector.broadcast %add3A_235 : i32 to vector<16xi32>
      %add3A_237 = arith.addi %and3A_225, %add3A_236 : vector<16xi32>
      %and3A_238 = arith.constant 63 : i32
      %and3A_239 = vector.broadcast %and3A_238 : i32 to vector<16xi32>
      %and3A_240 = arith.andi %add3A_237, %and3A_239 : vector<16xi32>
      %gather3A_241 = tpu.vector_load_idx %arg11[%add3A_87, %and3A_240] : memref<80x64xi32, #tpu.memory_space<vmem>>[vector<16xi32>, vector<16xi32>], vector<16xi32>,
      %gather3A_242 = tpu.vector_load_idx %arg12[%add3A_87, %and3A_240] : memref<80x64xi32, #tpu.memory_space<vmem>>[vector<16xi32>, vector<16xi32>], vector<16xi32>,
      %bitcast3A_243 = vector.bitcast %gather3A_241 : vector<16xi32> to vector<32xbf16>
      %bitcast3A_244 = vector.bitcast %gather3A_242 : vector<16xi32> to vector<32xbf16>
      %mul3A_245 = arith.mulf %bitcast3A_243, %bitcast3A_244 : vector<32xbf16>
      %unpack3A_246 = tpu.unpack_subelements %mul3A_245, 0 {pack_format = #tpu.pack_format<interleaved>} : vector<32xbf16> -> vector<16xf32>
      %unpack3A_247 = tpu.unpack_subelements %mul3A_245, 1 {pack_format = #tpu.pack_format<interleaved>} : vector<32xbf16> -> vector<16xf32>
      %add3A_248 = arith.addf %add3A_233, %unpack3A_246 : vector<16xf32>
      %add3A_249 = arith.addf %add3A_234, %unpack3A_247 : vector<16xf32>
      %add3A_250 = arith.constant 1 : i32
      %add3A_251 = vector.broadcast %add3A_250 : i32 to vector<16xi32>
      %add3A_252 = arith.addi %and3A_240, %add3A_251 : vector<16xi32>
      %and3A_253 = arith.constant 63 : i32
      %and3A_254 = vector.broadcast %and3A_253 : i32 to vector<16xi32>
      %and3A_255 = arith.andi %add3A_252, %and3A_254 : vector<16xi32>
      %gather3A_256 = tpu.vector_load_idx %arg11[%add3A_87, %and3A_255] : memref<80x64xi32, #tpu.memory_space<vmem>>[vector<16xi32>, vector<16xi32>], vector<16xi32>,
      %gather3A_257 = tpu.vector_load_idx %arg12[%add3A_87, %and3A_255] : memref<80x64xi32, #tpu.memory_space<vmem>>[vector<16xi32>, vector<16xi32>], vector<16xi32>,
      %bitcast3A_258 = vector.bitcast %gather3A_256 : vector<16xi32> to vector<32xbf16>
      %bitcast3A_259 = vector.bitcast %gather3A_257 : vector<16xi32> to vector<32xbf16>
      %mul3A_260 = arith.mulf %bitcast3A_258, %bitcast3A_259 : vector<32xbf16>
      %unpack3A_261 = tpu.unpack_subelements %mul3A_260, 0 {pack_format = #tpu.pack_format<interleaved>} : vector<32xbf16> -> vector<16xf32>
      %unpack3A_262 = tpu.unpack_subelements %mul3A_260, 1 {pack_format = #tpu.pack_format<interleaved>} : vector<32xbf16> -> vector<16xf32>
      %add3A_263 = arith.addf %add3A_248, %unpack3A_261 : vector<16xf32>
      %add3A_264 = arith.addf %add3A_249, %unpack3A_262 : vector<16xf32>
      %add3A_265 = arith.constant 1 : i32
      %add3A_266 = vector.broadcast %add3A_265 : i32 to vector<16xi32>
      %add3A_267 = arith.addi %and3A_255, %add3A_266 : vector<16xi32>
      %and3A_268 = arith.constant 63 : i32
      %and3A_269 = vector.broadcast %and3A_268 : i32 to vector<16xi32>
      %and3A_270 = arith.andi %add3A_267, %and3A_269 : vector<16xi32>
      %gather3A_271 = tpu.vector_load_idx %arg11[%add3A_87, %and3A_270] : memref<80x64xi32, #tpu.memory_space<vmem>>[vector<16xi32>, vector<16xi32>], vector<16xi32>,
      %gather3A_272 = tpu.vector_load_idx %arg12[%add3A_87, %and3A_270] : memref<80x64xi32, #tpu.memory_space<vmem>>[vector<16xi32>, vector<16xi32>], vector<16xi32>,
      %bitcast3A_273 = vector.bitcast %gather3A_271 : vector<16xi32> to vector<32xbf16>
      %bitcast3A_274 = vector.bitcast %gather3A_272 : vector<16xi32> to vector<32xbf16>
      %mul3A_275 = arith.mulf %bitcast3A_273, %bitcast3A_274 : vector<32xbf16>
      %unpack3A_276 = tpu.unpack_subelements %mul3A_275, 0 {pack_format = #tpu.pack_format<interleaved>} : vector<32xbf16> -> vector<16xf32>
      %unpack3A_277 = tpu.unpack_subelements %mul3A_275, 1 {pack_format = #tpu.pack_format<interleaved>} : vector<32xbf16> -> vector<16xf32>
      %add3A_278 = arith.addf %add3A_263, %unpack3A_276 : vector<16xf32>
      %add3A_279 = arith.addf %add3A_264, %unpack3A_277 : vector<16xf32>
      %add3A_280 = arith.constant 1 : i32
      %add3A_281 = vector.broadcast %add3A_280 : i32 to vector<16xi32>
      %add3A_282 = arith.addi %and3A_270, %add3A_281 : vector<16xi32>
      %and3A_283 = arith.constant 63 : i32
      %and3A_284 = vector.broadcast %and3A_283 : i32 to vector<16xi32>
      %and3A_285 = arith.andi %add3A_282, %and3A_284 : vector<16xi32>
      %gather3A_286 = tpu.vector_load_idx %arg11[%add3A_87, %and3A_285] : memref<80x64xi32, #tpu.memory_space<vmem>>[vector<16xi32>, vector<16xi32>], vector<16xi32>,
      %gather3A_287 = tpu.vector_load_idx %arg12[%add3A_87, %and3A_285] : memref<80x64xi32, #tpu.memory_space<vmem>>[vector<16xi32>, vector<16xi32>], vector<16xi32>,
      %bitcast3A_288 = vector.bitcast %gather3A_286 : vector<16xi32> to vector<32xbf16>
      %bitcast3A_289 = vector.bitcast %gather3A_287 : vector<16xi32> to vector<32xbf16>
      %mul3A_290 = arith.mulf %bitcast3A_288, %bitcast3A_289 : vector<32xbf16>
      %unpack3A_291 = tpu.unpack_subelements %mul3A_290, 0 {pack_format = #tpu.pack_format<interleaved>} : vector<32xbf16> -> vector<16xf32>
      %unpack3A_292 = tpu.unpack_subelements %mul3A_290, 1 {pack_format = #tpu.pack_format<interleaved>} : vector<32xbf16> -> vector<16xf32>
      %add3A_293 = arith.addf %add3A_278, %unpack3A_291 : vector<16xf32>
      %add3A_294 = arith.addf %add3A_279, %unpack3A_292 : vector<16xf32>
      %add3A_295 = arith.constant 1 : i32
      %add3A_296 = vector.broadcast %add3A_295 : i32 to vector<16xi32>
      %add3A_297 = arith.addi %and3A_285, %add3A_296 : vector<16xi32>
      %and3A_298 = arith.constant 63 : i32
      %and3A_299 = vector.broadcast %and3A_298 : i32 to vector<16xi32>
      %and3A_300 = arith.andi %add3A_297, %and3A_299 : vector<16xi32>
      scf.yield %add3A_293, %add3A_294, %and3A_300 : vector<16xf32>, vector<16xf32>, vector<16xi32>
    }
    %scan3A_97 = arith.constant 8 : i32
    %add3A_98 = arith.addf %scan3A_96#0, %scan3A_96#1 : vector<16xf32>
    %neg3A_99 = arith.constant 0.000000e+00 : f32
    %neg3A_100 = vector.broadcast %neg3A_99 : f32 to vector<16xf32>
    %neg3A_101 = arith.subf %neg3A_100, %add3A_98 : vector<16xf32>
    %exp3A_102 = math.exp %neg3A_101 : vector<16xf32>
    %add3A_103 = arith.addf %broadcast_in_dim3A_60, %exp3A_102 : vector<16xf32>
    %div3A_104 = arith.divf %broadcast_in_dim3A_60, %add3A_103 : vector<16xf32>
    %add3A_105 = arith.addf %div3A_104, %broadcast_in_dim3A_64 : vector<16xf32>
    %mul3A_106 = arith.mulf %add3A_105, %broadcast_in_dim3A_62 : vector<16xf32>
    %swap3A_107 = arith.constant 9936 : index
    %swap3A_108 = tpu.vector_load %arg15[%swap3A_107] {strides = array<i32>} : memref<10000xf32, #tpu.memory_space<vmem>>, vector<16xf32>,
    tpu.vector_store %arg15[%swap3A_107], %mul3A_106 {strides = array<i32>} : memref<10000xf32, #tpu.memory_space<vmem>>, vector<16xf32>,
    %add3A_109 = arith.constant 32 : i32
    %add3A_110 = vector.broadcast %add3A_109 : i32 to vector<16xi32>
    %add3A_111 = arith.addi %iota3A, %add3A_110 : vector<16xi32>
    %broadcast_in_dim3A_112 = arith.constant 0.000000e+00 : f32
    %broadcast_in_dim3A_113 = vector.broadcast %broadcast_in_dim3A_112 : f32 to vector<16xf32>
    %broadcast_in_dim3A_114 = arith.constant 0.000000e+00 : f32
    %broadcast_in_dim3A_115 = vector.broadcast %broadcast_in_dim3A_114 : f32 to vector<16xf32>
    %scan3A_116 = arith.constant 0 : i32
    %scan3A_117 = arith.constant 8 : i32
    %scan3A_118 = arith.addi %scan3A_116, %scan3A_117 : i32
    %scan3A_119 = arith.constant 1 : i32
    %scan3A_120:3 = scf.for %scan3A_181 = %scan3A_116 to %scan3A_118 step %scan3A_119 iter_args(%scan3A_182 = %broadcast_in_dim3A_113, %scan3A_183 = %broadcast_in_dim3A_115, %scan3A_184 = %iota3A) -> (vector<16xf32>, vector<16xf32>, vector<16xi32>)  : i32 {
      %gather3A = tpu.vector_load_idx %arg11[%add3A_111, %scan3A_184] : memref<80x64xi32, #tpu.memory_space<vmem>>[vector<16xi32>, vector<16xi32>], vector<16xi32>,
      %gather3A_185 = tpu.vector_load_idx %arg12[%add3A_111, %scan3A_184] : memref<80x64xi32, #tpu.memory_space<vmem>>[vector<16xi32>, vector<16xi32>], vector<16xi32>,
      %bitcast3A = vector.bitcast %gather3A : vector<16xi32> to vector<32xbf16>
      %bitcast3A_186 = vector.bitcast %gather3A_185 : vector<16xi32> to vector<32xbf16>
      %mul3A_187 = arith.mulf %bitcast3A, %bitcast3A_186 : vector<32xbf16>
      %unpack3A = tpu.unpack_subelements %mul3A_187, 0 {pack_format = #tpu.pack_format<interleaved>} : vector<32xbf16> -> vector<16xf32>
      %unpack3A_188 = tpu.unpack_subelements %mul3A_187, 1 {pack_format = #tpu.pack_format<interleaved>} : vector<32xbf16> -> vector<16xf32>
      %add3A_189 = arith.addf %scan3A_182, %unpack3A : vector<16xf32>
      %add3A_190 = arith.addf %scan3A_183, %unpack3A_188 : vector<16xf32>
      %add3A_191 = arith.constant 1 : i32
      %add3A_192 = vector.broadcast %add3A_191 : i32 to vector<16xi32>
      %add3A_193 = arith.addi %scan3A_184, %add3A_192 : vector<16xi32>
      %and3A = arith.constant 63 : i32
      %and3A_194 = vector.broadcast %and3A : i32 to vector<16xi32>
      %and3A_195 = arith.andi %add3A_193, %and3A_194 : vector<16xi32>
      %gather3A_196 = tpu.vector_load_idx %arg11[%add3A_111, %and3A_195] : memref<80x64xi32, #tpu.memory_space<vmem>>[vector<16xi32>, vector<16xi32>], vector<16xi32>,
      %gather3A_197 = tpu.vector_load_idx %arg12[%add3A_111, %and3A_195] : memref<80x64xi32, #tpu.memory_space<vmem>>[vector<16xi32>, vector<16xi32>], vector<16xi32>,
      %bitcast3A_198 = vector.bitcast %gather3A_196 : vector<16xi32> to vector<32xbf16>
      %bitcast3A_199 = vector.bitcast %gather3A_197 : vector<16xi32> to vector<32xbf16>
      %mul3A_200 = arith.mulf %bitcast3A_198, %bitcast3A_199 : vector<32xbf16>
      %unpack3A_201 = tpu.unpack_subelements %mul3A_200, 0 {pack_format = #tpu.pack_format<interleaved>} : vector<32xbf16> -> vector<16xf32>
      %unpack3A_202 = tpu.unpack_subelements %mul3A_200, 1 {pack_format = #tpu.pack_format<interleaved>} : vector<32xbf16> -> vector<16xf32>
      %add3A_203 = arith.addf %add3A_189, %unpack3A_201 : vector<16xf32>
      %add3A_204 = arith.addf %add3A_190, %unpack3A_202 : vector<16xf32>
      %add3A_205 = arith.constant 1 : i32
      %add3A_206 = vector.broadcast %add3A_205 : i32 to vector<16xi32>
      %add3A_207 = arith.addi %and3A_195, %add3A_206 : vector<16xi32>
      %and3A_208 = arith.constant 63 : i32
      %and3A_209 = vector.broadcast %and3A_208 : i32 to vector<16xi32>
      %and3A_210 = arith.andi %add3A_207, %and3A_209 : vector<16xi32>
      %gather3A_211 = tpu.vector_load_idx %arg11[%add3A_111, %and3A_210] : memref<80x64xi32, #tpu.memory_space<vmem>>[vector<16xi32>, vector<16xi32>], vector<16xi32>,
      %gather3A_212 = tpu.vector_load_idx %arg12[%add3A_111, %and3A_210] : memref<80x64xi32, #tpu.memory_space<vmem>>[vector<16xi32>, vector<16xi32>], vector<16xi32>,
      %bitcast3A_213 = vector.bitcast %gather3A_211 : vector<16xi32> to vector<32xbf16>
      %bitcast3A_214 = vector.bitcast %gather3A_212 : vector<16xi32> to vector<32xbf16>
      %mul3A_215 = arith.mulf %bitcast3A_213, %bitcast3A_214 : vector<32xbf16>
      %unpack3A_216 = tpu.unpack_subelements %mul3A_215, 0 {pack_format = #tpu.pack_format<interleaved>} : vector<32xbf16> -> vector<16xf32>
      %unpack3A_217 = tpu.unpack_subelements %mul3A_215, 1 {pack_format = #tpu.pack_format<interleaved>} : vector<32xbf16> -> vector<16xf32>
      %add3A_218 = arith.addf %add3A_203, %unpack3A_216 : vector<16xf32>
      %add3A_219 = arith.addf %add3A_204, %unpack3A_217 : vector<16xf32>
      %add3A_220 = arith.constant 1 : i32
      %add3A_221 = vector.broadcast %add3A_220 : i32 to vector<16xi32>
      %add3A_222 = arith.addi %and3A_210, %add3A_221 : vector<16xi32>
      %and3A_223 = arith.constant 63 : i32
      %and3A_224 = vector.broadcast %and3A_223 : i32 to vector<16xi32>
      %and3A_225 = arith.andi %add3A_222, %and3A_224 : vector<16xi32>
      %gather3A_226 = tpu.vector_load_idx %arg11[%add3A_111, %and3A_225] : memref<80x64xi32, #tpu.memory_space<vmem>>[vector<16xi32>, vector<16xi32>], vector<16xi32>,
      %gather3A_227 = tpu.vector_load_idx %arg12[%add3A_111, %and3A_225] : memref<80x64xi32, #tpu.memory_space<vmem>>[vector<16xi32>, vector<16xi32>], vector<16xi32>,
      %bitcast3A_228 = vector.bitcast %gather3A_226 : vector<16xi32> to vector<32xbf16>
      %bitcast3A_229 = vector.bitcast %gather3A_227 : vector<16xi32> to vector<32xbf16>
      %mul3A_230 = arith.mulf %bitcast3A_228, %bitcast3A_229 : vector<32xbf16>
      %unpack3A_231 = tpu.unpack_subelements %mul3A_230, 0 {pack_format = #tpu.pack_format<interleaved>} : vector<32xbf16> -> vector<16xf32>
      %unpack3A_232 = tpu.unpack_subelements %mul3A_230, 1 {pack_format = #tpu.pack_format<interleaved>} : vector<32xbf16> -> vector<16xf32>
      %add3A_233 = arith.addf %add3A_218, %unpack3A_231 : vector<16xf32>
      %add3A_234 = arith.addf %add3A_219, %unpack3A_232 : vector<16xf32>
      %add3A_235 = arith.constant 1 : i32
      %add3A_236 = vector.broadcast %add3A_235 : i32 to vector<16xi32>
      %add3A_237 = arith.addi %and3A_225, %add3A_236 : vector<16xi32>
      %and3A_238 = arith.constant 63 : i32
      %and3A_239 = vector.broadcast %and3A_238 : i32 to vector<16xi32>
      %and3A_240 = arith.andi %add3A_237, %and3A_239 : vector<16xi32>
      %gather3A_241 = tpu.vector_load_idx %arg11[%add3A_111, %and3A_240] : memref<80x64xi32, #tpu.memory_space<vmem>>[vector<16xi32>, vector<16xi32>], vector<16xi32>,
      %gather3A_242 = tpu.vector_load_idx %arg12[%add3A_111, %and3A_240] : memref<80x64xi32, #tpu.memory_space<vmem>>[vector<16xi32>, vector<16xi32>], vector<16xi32>,
      %bitcast3A_243 = vector.bitcast %gather3A_241 : vector<16xi32> to vector<32xbf16>
      %bitcast3A_244 = vector.bitcast %gather3A_242 : vector<16xi32> to vector<32xbf16>
      %mul3A_245 = arith.mulf %bitcast3A_243, %bitcast3A_244 : vector<32xbf16>
      %unpack3A_246 = tpu.unpack_subelements %mul3A_245, 0 {pack_format = #tpu.pack_format<interleaved>} : vector<32xbf16> -> vector<16xf32>
      %unpack3A_247 = tpu.unpack_subelements %mul3A_245, 1 {pack_format = #tpu.pack_format<interleaved>} : vector<32xbf16> -> vector<16xf32>
      %add3A_248 = arith.addf %add3A_233, %unpack3A_246 : vector<16xf32>
      %add3A_249 = arith.addf %add3A_234, %unpack3A_247 : vector<16xf32>
      %add3A_250 = arith.constant 1 : i32
      %add3A_251 = vector.broadcast %add3A_250 : i32 to vector<16xi32>
      %add3A_252 = arith.addi %and3A_240, %add3A_251 : vector<16xi32>
      %and3A_253 = arith.constant 63 : i32
      %and3A_254 = vector.broadcast %and3A_253 : i32 to vector<16xi32>
      %and3A_255 = arith.andi %add3A_252, %and3A_254 : vector<16xi32>
      %gather3A_256 = tpu.vector_load_idx %arg11[%add3A_111, %and3A_255] : memref<80x64xi32, #tpu.memory_space<vmem>>[vector<16xi32>, vector<16xi32>], vector<16xi32>,
      %gather3A_257 = tpu.vector_load_idx %arg12[%add3A_111, %and3A_255] : memref<80x64xi32, #tpu.memory_space<vmem>>[vector<16xi32>, vector<16xi32>], vector<16xi32>,
      %bitcast3A_258 = vector.bitcast %gather3A_256 : vector<16xi32> to vector<32xbf16>
      %bitcast3A_259 = vector.bitcast %gather3A_257 : vector<16xi32> to vector<32xbf16>
      %mul3A_260 = arith.mulf %bitcast3A_258, %bitcast3A_259 : vector<32xbf16>
      %unpack3A_261 = tpu.unpack_subelements %mul3A_260, 0 {pack_format = #tpu.pack_format<interleaved>} : vector<32xbf16> -> vector<16xf32>
      %unpack3A_262 = tpu.unpack_subelements %mul3A_260, 1 {pack_format = #tpu.pack_format<interleaved>} : vector<32xbf16> -> vector<16xf32>
      %add3A_263 = arith.addf %add3A_248, %unpack3A_261 : vector<16xf32>
      %add3A_264 = arith.addf %add3A_249, %unpack3A_262 : vector<16xf32>
      %add3A_265 = arith.constant 1 : i32
      %add3A_266 = vector.broadcast %add3A_265 : i32 to vector<16xi32>
      %add3A_267 = arith.addi %and3A_255, %add3A_266 : vector<16xi32>
      %and3A_268 = arith.constant 63 : i32
      %and3A_269 = vector.broadcast %and3A_268 : i32 to vector<16xi32>
      %and3A_270 = arith.andi %add3A_267, %and3A_269 : vector<16xi32>
      %gather3A_271 = tpu.vector_load_idx %arg11[%add3A_111, %and3A_270] : memref<80x64xi32, #tpu.memory_space<vmem>>[vector<16xi32>, vector<16xi32>], vector<16xi32>,
      %gather3A_272 = tpu.vector_load_idx %arg12[%add3A_111, %and3A_270] : memref<80x64xi32, #tpu.memory_space<vmem>>[vector<16xi32>, vector<16xi32>], vector<16xi32>,
      %bitcast3A_273 = vector.bitcast %gather3A_271 : vector<16xi32> to vector<32xbf16>
      %bitcast3A_274 = vector.bitcast %gather3A_272 : vector<16xi32> to vector<32xbf16>
      %mul3A_275 = arith.mulf %bitcast3A_273, %bitcast3A_274 : vector<32xbf16>
      %unpack3A_276 = tpu.unpack_subelements %mul3A_275, 0 {pack_format = #tpu.pack_format<interleaved>} : vector<32xbf16> -> vector<16xf32>
      %unpack3A_277 = tpu.unpack_subelements %mul3A_275, 1 {pack_format = #tpu.pack_format<interleaved>} : vector<32xbf16> -> vector<16xf32>
      %add3A_278 = arith.addf %add3A_263, %unpack3A_276 : vector<16xf32>
      %add3A_279 = arith.addf %add3A_264, %unpack3A_277 : vector<16xf32>
      %add3A_280 = arith.constant 1 : i32
      %add3A_281 = vector.broadcast %add3A_280 : i32 to vector<16xi32>
      %add3A_282 = arith.addi %and3A_270, %add3A_281 : vector<16xi32>
      %and3A_283 = arith.constant 63 : i32
      %and3A_284 = vector.broadcast %and3A_283 : i32 to vector<16xi32>
      %and3A_285 = arith.andi %add3A_282, %and3A_284 : vector<16xi32>
      %gather3A_286 = tpu.vector_load_idx %arg11[%add3A_111, %and3A_285] : memref<80x64xi32, #tpu.memory_space<vmem>>[vector<16xi32>, vector<16xi32>], vector<16xi32>,
      %gather3A_287 = tpu.vector_load_idx %arg12[%add3A_111, %and3A_285] : memref<80x64xi32, #tpu.memory_space<vmem>>[vector<16xi32>, vector<16xi32>], vector<16xi32>,
      %bitcast3A_288 = vector.bitcast %gather3A_286 : vector<16xi32> to vector<32xbf16>
      %bitcast3A_289 = vector.bitcast %gather3A_287 : vector<16xi32> to vector<32xbf16>
      %mul3A_290 = arith.mulf %bitcast3A_288, %bitcast3A_289 : vector<32xbf16>
      %unpack3A_291 = tpu.unpack_subelements %mul3A_290, 0 {pack_format = #tpu.pack_format<interleaved>} : vector<32xbf16> -> vector<16xf32>
      %unpack3A_292 = tpu.unpack_subelements %mul3A_290, 1 {pack_format = #tpu.pack_format<interleaved>} : vector<32xbf16> -> vector<16xf32>
      %add3A_293 = arith.addf %add3A_278, %unpack3A_291 : vector<16xf32>
      %add3A_294 = arith.addf %add3A_279, %unpack3A_292 : vector<16xf32>
      %add3A_295 = arith.constant 1 : i32
      %add3A_296 = vector.broadcast %add3A_295 : i32 to vector<16xi32>
      %add3A_297 = arith.addi %and3A_285, %add3A_296 : vector<16xi32>
      %and3A_298 = arith.constant 63 : i32
      %and3A_299 = vector.broadcast %and3A_298 : i32 to vector<16xi32>
      %and3A_300 = arith.andi %add3A_297, %and3A_299 : vector<16xi32>
      scf.yield %add3A_293, %add3A_294, %and3A_300 : vector<16xf32>, vector<16xf32>, vector<16xi32>
    }
    %scan3A_121 = arith.constant 8 : i32
    %add3A_122 = arith.addf %scan3A_120#0, %scan3A_120#1 : vector<16xf32>
    %neg3A_123 = arith.constant 0.000000e+00 : f32
    %neg3A_124 = vector.broadcast %neg3A_123 : f32 to vector<16xf32>
    %neg3A_125 = arith.subf %neg3A_124, %add3A_122 : vector<16xf32>
    %exp3A_126 = math.exp %neg3A_125 : vector<16xf32>
    %add3A_127 = arith.addf %broadcast_in_dim3A_60, %exp3A_126 : vector<16xf32>
    %div3A_128 = arith.divf %broadcast_in_dim3A_60, %add3A_127 : vector<16xf32>
    %add3A_129 = arith.addf %div3A_128, %broadcast_in_dim3A_64 : vector<16xf32>
    %mul3A_130 = arith.mulf %add3A_129, %broadcast_in_dim3A_62 : vector<16xf32>
    %swap3A_131 = arith.constant 9952 : index
    %swap3A_132 = tpu.vector_load %arg15[%swap3A_131] {strides = array<i32>} : memref<10000xf32, #tpu.memory_space<vmem>>, vector<16xf32>,
    tpu.vector_store %arg15[%swap3A_131], %mul3A_130 {strides = array<i32>} : memref<10000xf32, #tpu.memory_space<vmem>>, vector<16xf32>,
    %add3A_133 = arith.constant 48 : i32
    %add3A_134 = vector.broadcast %add3A_133 : i32 to vector<16xi32>
    %add3A_135 = arith.addi %iota3A, %add3A_134 : vector<16xi32>
    %broadcast_in_dim3A_136 = arith.constant 0.000000e+00 : f32
    %broadcast_in_dim3A_137 = vector.broadcast %broadcast_in_dim3A_136 : f32 to vector<16xf32>
    %broadcast_in_dim3A_138 = arith.constant 0.000000e+00 : f32
    %broadcast_in_dim3A_139 = vector.broadcast %broadcast_in_dim3A_138 : f32 to vector<16xf32>
    %scan3A_140 = arith.constant 0 : i32
    %scan3A_141 = arith.constant 8 : i32
    %scan3A_142 = arith.addi %scan3A_140, %scan3A_141 : i32
    %scan3A_143 = arith.constant 1 : i32
    %scan3A_144:3 = scf.for %scan3A_181 = %scan3A_140 to %scan3A_142 step %scan3A_143 iter_args(%scan3A_182 = %broadcast_in_dim3A_137, %scan3A_183 = %broadcast_in_dim3A_139, %scan3A_184 = %iota3A) -> (vector<16xf32>, vector<16xf32>, vector<16xi32>)  : i32 {
      %gather3A = tpu.vector_load_idx %arg11[%add3A_135, %scan3A_184] : memref<80x64xi32, #tpu.memory_space<vmem>>[vector<16xi32>, vector<16xi32>], vector<16xi32>,
      %gather3A_185 = tpu.vector_load_idx %arg12[%add3A_135, %scan3A_184] : memref<80x64xi32, #tpu.memory_space<vmem>>[vector<16xi32>, vector<16xi32>], vector<16xi32>,
      %bitcast3A = vector.bitcast %gather3A : vector<16xi32> to vector<32xbf16>
      %bitcast3A_186 = vector.bitcast %gather3A_185 : vector<16xi32> to vector<32xbf16>
      %mul3A_187 = arith.mulf %bitcast3A, %bitcast3A_186 : vector<32xbf16>
      %unpack3A = tpu.unpack_subelements %mul3A_187, 0 {pack_format = #tpu.pack_format<interleaved>} : vector<32xbf16> -> vector<16xf32>
      %unpack3A_188 = tpu.unpack_subelements %mul3A_187, 1 {pack_format = #tpu.pack_format<interleaved>} : vector<32xbf16> -> vector<16xf32>
      %add3A_189 = arith.addf %scan3A_182, %unpack3A : vector<16xf32>
      %add3A_190 = arith.addf %scan3A_183, %unpack3A_188 : vector<16xf32>
      %add3A_191 = arith.constant 1 : i32
      %add3A_192 = vector.broadcast %add3A_191 : i32 to vector<16xi32>
      %add3A_193 = arith.addi %scan3A_184, %add3A_192 : vector<16xi32>
      %and3A = arith.constant 63 : i32
      %and3A_194 = vector.broadcast %and3A : i32 to vector<16xi32>
      %and3A_195 = arith.andi %add3A_193, %and3A_194 : vector<16xi32>
      %gather3A_196 = tpu.vector_load_idx %arg11[%add3A_135, %and3A_195] : memref<80x64xi32, #tpu.memory_space<vmem>>[vector<16xi32>, vector<16xi32>], vector<16xi32>,
      %gather3A_197 = tpu.vector_load_idx %arg12[%add3A_135, %and3A_195] : memref<80x64xi32, #tpu.memory_space<vmem>>[vector<16xi32>, vector<16xi32>], vector<16xi32>,
      %bitcast3A_198 = vector.bitcast %gather3A_196 : vector<16xi32> to vector<32xbf16>
      %bitcast3A_199 = vector.bitcast %gather3A_197 : vector<16xi32> to vector<32xbf16>
      %mul3A_200 = arith.mulf %bitcast3A_198, %bitcast3A_199 : vector<32xbf16>
      %unpack3A_201 = tpu.unpack_subelements %mul3A_200, 0 {pack_format = #tpu.pack_format<interleaved>} : vector<32xbf16> -> vector<16xf32>
      %unpack3A_202 = tpu.unpack_subelements %mul3A_200, 1 {pack_format = #tpu.pack_format<interleaved>} : vector<32xbf16> -> vector<16xf32>
      %add3A_203 = arith.addf %add3A_189, %unpack3A_201 : vector<16xf32>
      %add3A_204 = arith.addf %add3A_190, %unpack3A_202 : vector<16xf32>
      %add3A_205 = arith.constant 1 : i32
      %add3A_206 = vector.broadcast %add3A_205 : i32 to vector<16xi32>
      %add3A_207 = arith.addi %and3A_195, %add3A_206 : vector<16xi32>
      %and3A_208 = arith.constant 63 : i32
      %and3A_209 = vector.broadcast %and3A_208 : i32 to vector<16xi32>
      %and3A_210 = arith.andi %add3A_207, %and3A_209 : vector<16xi32>
      %gather3A_211 = tpu.vector_load_idx %arg11[%add3A_135, %and3A_210] : memref<80x64xi32, #tpu.memory_space<vmem>>[vector<16xi32>, vector<16xi32>], vector<16xi32>,
      %gather3A_212 = tpu.vector_load_idx %arg12[%add3A_135, %and3A_210] : memref<80x64xi32, #tpu.memory_space<vmem>>[vector<16xi32>, vector<16xi32>], vector<16xi32>,
      %bitcast3A_213 = vector.bitcast %gather3A_211 : vector<16xi32> to vector<32xbf16>
      %bitcast3A_214 = vector.bitcast %gather3A_212 : vector<16xi32> to vector<32xbf16>
      %mul3A_215 = arith.mulf %bitcast3A_213, %bitcast3A_214 : vector<32xbf16>
      %unpack3A_216 = tpu.unpack_subelements %mul3A_215, 0 {pack_format = #tpu.pack_format<interleaved>} : vector<32xbf16> -> vector<16xf32>
      %unpack3A_217 = tpu.unpack_subelements %mul3A_215, 1 {pack_format = #tpu.pack_format<interleaved>} : vector<32xbf16> -> vector<16xf32>
      %add3A_218 = arith.addf %add3A_203, %unpack3A_216 : vector<16xf32>
      %add3A_219 = arith.addf %add3A_204, %unpack3A_217 : vector<16xf32>
      %add3A_220 = arith.constant 1 : i32
      %add3A_221 = vector.broadcast %add3A_220 : i32 to vector<16xi32>
      %add3A_222 = arith.addi %and3A_210, %add3A_221 : vector<16xi32>
      %and3A_223 = arith.constant 63 : i32
      %and3A_224 = vector.broadcast %and3A_223 : i32 to vector<16xi32>
      %and3A_225 = arith.andi %add3A_222, %and3A_224 : vector<16xi32>
      %gather3A_226 = tpu.vector_load_idx %arg11[%add3A_135, %and3A_225] : memref<80x64xi32, #tpu.memory_space<vmem>>[vector<16xi32>, vector<16xi32>], vector<16xi32>,
      %gather3A_227 = tpu.vector_load_idx %arg12[%add3A_135, %and3A_225] : memref<80x64xi32, #tpu.memory_space<vmem>>[vector<16xi32>, vector<16xi32>], vector<16xi32>,
      %bitcast3A_228 = vector.bitcast %gather3A_226 : vector<16xi32> to vector<32xbf16>
      %bitcast3A_229 = vector.bitcast %gather3A_227 : vector<16xi32> to vector<32xbf16>
      %mul3A_230 = arith.mulf %bitcast3A_228, %bitcast3A_229 : vector<32xbf16>
      %unpack3A_231 = tpu.unpack_subelements %mul3A_230, 0 {pack_format = #tpu.pack_format<interleaved>} : vector<32xbf16> -> vector<16xf32>
      %unpack3A_232 = tpu.unpack_subelements %mul3A_230, 1 {pack_format = #tpu.pack_format<interleaved>} : vector<32xbf16> -> vector<16xf32>
      %add3A_233 = arith.addf %add3A_218, %unpack3A_231 : vector<16xf32>
      %add3A_234 = arith.addf %add3A_219, %unpack3A_232 : vector<16xf32>
      %add3A_235 = arith.constant 1 : i32
      %add3A_236 = vector.broadcast %add3A_235 : i32 to vector<16xi32>
      %add3A_237 = arith.addi %and3A_225, %add3A_236 : vector<16xi32>
      %and3A_238 = arith.constant 63 : i32
      %and3A_239 = vector.broadcast %and3A_238 : i32 to vector<16xi32>
      %and3A_240 = arith.andi %add3A_237, %and3A_239 : vector<16xi32>
      %gather3A_241 = tpu.vector_load_idx %arg11[%add3A_135, %and3A_240] : memref<80x64xi32, #tpu.memory_space<vmem>>[vector<16xi32>, vector<16xi32>], vector<16xi32>,
      %gather3A_242 = tpu.vector_load_idx %arg12[%add3A_135, %and3A_240] : memref<80x64xi32, #tpu.memory_space<vmem>>[vector<16xi32>, vector<16xi32>], vector<16xi32>,
      %bitcast3A_243 = vector.bitcast %gather3A_241 : vector<16xi32> to vector<32xbf16>
      %bitcast3A_244 = vector.bitcast %gather3A_242 : vector<16xi32> to vector<32xbf16>
      %mul3A_245 = arith.mulf %bitcast3A_243, %bitcast3A_244 : vector<32xbf16>
      %unpack3A_246 = tpu.unpack_subelements %mul3A_245, 0 {pack_format = #tpu.pack_format<interleaved>} : vector<32xbf16> -> vector<16xf32>
      %unpack3A_247 = tpu.unpack_subelements %mul3A_245, 1 {pack_format = #tpu.pack_format<interleaved>} : vector<32xbf16> -> vector<16xf32>
      %add3A_248 = arith.addf %add3A_233, %unpack3A_246 : vector<16xf32>
      %add3A_249 = arith.addf %add3A_234, %unpack3A_247 : vector<16xf32>
      %add3A_250 = arith.constant 1 : i32
      %add3A_251 = vector.broadcast %add3A_250 : i32 to vector<16xi32>
      %add3A_252 = arith.addi %and3A_240, %add3A_251 : vector<16xi32>
      %and3A_253 = arith.constant 63 : i32
      %and3A_254 = vector.broadcast %and3A_253 : i32 to vector<16xi32>
      %and3A_255 = arith.andi %add3A_252, %and3A_254 : vector<16xi32>
      %gather3A_256 = tpu.vector_load_idx %arg11[%add3A_135, %and3A_255] : memref<80x64xi32, #tpu.memory_space<vmem>>[vector<16xi32>, vector<16xi32>], vector<16xi32>,
      %gather3A_257 = tpu.vector_load_idx %arg12[%add3A_135, %and3A_255] : memref<80x64xi32, #tpu.memory_space<vmem>>[vector<16xi32>, vector<16xi32>], vector<16xi32>,
      %bitcast3A_258 = vector.bitcast %gather3A_256 : vector<16xi32> to vector<32xbf16>
      %bitcast3A_259 = vector.bitcast %gather3A_257 : vector<16xi32> to vector<32xbf16>
      %mul3A_260 = arith.mulf %bitcast3A_258, %bitcast3A_259 : vector<32xbf16>
      %unpack3A_261 = tpu.unpack_subelements %mul3A_260, 0 {pack_format = #tpu.pack_format<interleaved>} : vector<32xbf16> -> vector<16xf32>
      %unpack3A_262 = tpu.unpack_subelements %mul3A_260, 1 {pack_format = #tpu.pack_format<interleaved>} : vector<32xbf16> -> vector<16xf32>
      %add3A_263 = arith.addf %add3A_248, %unpack3A_261 : vector<16xf32>
      %add3A_264 = arith.addf %add3A_249, %unpack3A_262 : vector<16xf32>
      %add3A_265 = arith.constant 1 : i32
      %add3A_266 = vector.broadcast %add3A_265 : i32 to vector<16xi32>
      %add3A_267 = arith.addi %and3A_255, %add3A_266 : vector<16xi32>
      %and3A_268 = arith.constant 63 : i32
      %and3A_269 = vector.broadcast %and3A_268 : i32 to vector<16xi32>
      %and3A_270 = arith.andi %add3A_267, %and3A_269 : vector<16xi32>
      %gather3A_271 = tpu.vector_load_idx %arg11[%add3A_135, %and3A_270] : memref<80x64xi32, #tpu.memory_space<vmem>>[vector<16xi32>, vector<16xi32>], vector<16xi32>,
      %gather3A_272 = tpu.vector_load_idx %arg12[%add3A_135, %and3A_270] : memref<80x64xi32, #tpu.memory_space<vmem>>[vector<16xi32>, vector<16xi32>], vector<16xi32>,
      %bitcast3A_273 = vector.bitcast %gather3A_271 : vector<16xi32> to vector<32xbf16>
      %bitcast3A_274 = vector.bitcast %gather3A_272 : vector<16xi32> to vector<32xbf16>
      %mul3A_275 = arith.mulf %bitcast3A_273, %bitcast3A_274 : vector<32xbf16>
      %unpack3A_276 = tpu.unpack_subelements %mul3A_275, 0 {pack_format = #tpu.pack_format<interleaved>} : vector<32xbf16> -> vector<16xf32>
      %unpack3A_277 = tpu.unpack_subelements %mul3A_275, 1 {pack_format = #tpu.pack_format<interleaved>} : vector<32xbf16> -> vector<16xf32>
      %add3A_278 = arith.addf %add3A_263, %unpack3A_276 : vector<16xf32>
      %add3A_279 = arith.addf %add3A_264, %unpack3A_277 : vector<16xf32>
      %add3A_280 = arith.constant 1 : i32
      %add3A_281 = vector.broadcast %add3A_280 : i32 to vector<16xi32>
      %add3A_282 = arith.addi %and3A_270, %add3A_281 : vector<16xi32>
      %and3A_283 = arith.constant 63 : i32
      %and3A_284 = vector.broadcast %and3A_283 : i32 to vector<16xi32>
      %and3A_285 = arith.andi %add3A_282, %and3A_284 : vector<16xi32>
      %gather3A_286 = tpu.vector_load_idx %arg11[%add3A_135, %and3A_285] : memref<80x64xi32, #tpu.memory_space<vmem>>[vector<16xi32>, vector<16xi32>], vector<16xi32>,
      %gather3A_287 = tpu.vector_load_idx %arg12[%add3A_135, %and3A_285] : memref<80x64xi32, #tpu.memory_space<vmem>>[vector<16xi32>, vector<16xi32>], vector<16xi32>,
      %bitcast3A_288 = vector.bitcast %gather3A_286 : vector<16xi32> to vector<32xbf16>
      %bitcast3A_289 = vector.bitcast %gather3A_287 : vector<16xi32> to vector<32xbf16>
      %mul3A_290 = arith.mulf %bitcast3A_288, %bitcast3A_289 : vector<32xbf16>
      %unpack3A_291 = tpu.unpack_subelements %mul3A_290, 0 {pack_format = #tpu.pack_format<interleaved>} : vector<32xbf16> -> vector<16xf32>
      %unpack3A_292 = tpu.unpack_subelements %mul3A_290, 1 {pack_format = #tpu.pack_format<interleaved>} : vector<32xbf16> -> vector<16xf32>
      %add3A_293 = arith.addf %add3A_278, %unpack3A_291 : vector<16xf32>
      %add3A_294 = arith.addf %add3A_279, %unpack3A_292 : vector<16xf32>
      %add3A_295 = arith.constant 1 : i32
      %add3A_296 = vector.broadcast %add3A_295 : i32 to vector<16xi32>
      %add3A_297 = arith.addi %and3A_285, %add3A_296 : vector<16xi32>
      %and3A_298 = arith.constant 63 : i32
      %and3A_299 = vector.broadcast %and3A_298 : i32 to vector<16xi32>
      %and3A_300 = arith.andi %add3A_297, %and3A_299 : vector<16xi32>
      scf.yield %add3A_293, %add3A_294, %and3A_300 : vector<16xf32>, vector<16xf32>, vector<16xi32>
    }
    %scan3A_145 = arith.constant 8 : i32
    %add3A_146 = arith.addf %scan3A_144#0, %scan3A_144#1 : vector<16xf32>
    %neg3A_147 = arith.constant 0.000000e+00 : f32
    %neg3A_148 = vector.broadcast %neg3A_147 : f32 to vector<16xf32>
    %neg3A_149 = arith.subf %neg3A_148, %add3A_146 : vector<16xf32>
    %exp3A_150 = math.exp %neg3A_149 : vector<16xf32>
    %add3A_151 = arith.addf %broadcast_in_dim3A_60, %exp3A_150 : vector<16xf32>
    %div3A_152 = arith.divf %broadcast_in_dim3A_60, %add3A_151 : vector<16xf32>
    %add3A_153 = arith.addf %div3A_152, %broadcast_in_dim3A_64 : vector<16xf32>
    %mul3A_154 = arith.mulf %add3A_153, %broadcast_in_dim3A_62 : vector<16xf32>
    %swap3A_155 = arith.constant 9968 : index
    %swap3A_156 = tpu.vector_load %arg15[%swap3A_155] {strides = array<i32>} : memref<10000xf32, #tpu.memory_space<vmem>>, vector<16xf32>,
    tpu.vector_store %arg15[%swap3A_155], %mul3A_154 {strides = array<i32>} : memref<10000xf32, #tpu.memory_space<vmem>>, vector<16xf32>,
    %add3A_157 = arith.constant 64 : i32
    %add3A_158 = vector.broadcast %add3A_157 : i32 to vector<16xi32>
    %add3A_159 = arith.addi %iota3A, %add3A_158 : vector<16xi32>
    %broadcast_in_dim3A_160 = arith.constant 0.000000e+00 : f32
    %broadcast_in_dim3A_161 = vector.broadcast %broadcast_in_dim3A_160 : f32 to vector<16xf32>
    %broadcast_in_dim3A_162 = arith.constant 0.000000e+00 : f32
    %broadcast_in_dim3A_163 = vector.broadcast %broadcast_in_dim3A_162 : f32 to vector<16xf32>
    %scan3A_164 = arith.constant 0 : i32
    %scan3A_165 = arith.constant 8 : i32
    %scan3A_166 = arith.addi %scan3A_164, %scan3A_165 : i32
    %scan3A_167 = arith.constant 1 : i32
    %scan3A_168:3 = scf.for %scan3A_181 = %scan3A_164 to %scan3A_166 step %scan3A_167 iter_args(%scan3A_182 = %broadcast_in_dim3A_161, %scan3A_183 = %broadcast_in_dim3A_163, %scan3A_184 = %iota3A) -> (vector<16xf32>, vector<16xf32>, vector<16xi32>)  : i32 {
      %gather3A = tpu.vector_load_idx %arg11[%add3A_159, %scan3A_184] : memref<80x64xi32, #tpu.memory_space<vmem>>[vector<16xi32>, vector<16xi32>], vector<16xi32>,
      %gather3A_185 = tpu.vector_load_idx %arg12[%add3A_159, %scan3A_184] : memref<80x64xi32, #tpu.memory_space<vmem>>[vector<16xi32>, vector<16xi32>], vector<16xi32>,
      %bitcast3A = vector.bitcast %gather3A : vector<16xi32> to vector<32xbf16>
      %bitcast3A_186 = vector.bitcast %gather3A_185 : vector<16xi32> to vector<32xbf16>
      %mul3A_187 = arith.mulf %bitcast3A, %bitcast3A_186 : vector<32xbf16>
      %unpack3A = tpu.unpack_subelements %mul3A_187, 0 {pack_format = #tpu.pack_format<interleaved>} : vector<32xbf16> -> vector<16xf32>
      %unpack3A_188 = tpu.unpack_subelements %mul3A_187, 1 {pack_format = #tpu.pack_format<interleaved>} : vector<32xbf16> -> vector<16xf32>
      %add3A_189 = arith.addf %scan3A_182, %unpack3A : vector<16xf32>
      %add3A_190 = arith.addf %scan3A_183, %unpack3A_188 : vector<16xf32>
      %add3A_191 = arith.constant 1 : i32
      %add3A_192 = vector.broadcast %add3A_191 : i32 to vector<16xi32>
      %add3A_193 = arith.addi %scan3A_184, %add3A_192 : vector<16xi32>
      %and3A = arith.constant 63 : i32
      %and3A_194 = vector.broadcast %and3A : i32 to vector<16xi32>
      %and3A_195 = arith.andi %add3A_193, %and3A_194 : vector<16xi32>
      %gather3A_196 = tpu.vector_load_idx %arg11[%add3A_159, %and3A_195] : memref<80x64xi32, #tpu.memory_space<vmem>>[vector<16xi32>, vector<16xi32>], vector<16xi32>,
      %gather3A_197 = tpu.vector_load_idx %arg12[%add3A_159, %and3A_195] : memref<80x64xi32, #tpu.memory_space<vmem>>[vector<16xi32>, vector<16xi32>], vector<16xi32>,
      %bitcast3A_198 = vector.bitcast %gather3A_196 : vector<16xi32> to vector<32xbf16>
      %bitcast3A_199 = vector.bitcast %gather3A_197 : vector<16xi32> to vector<32xbf16>
      %mul3A_200 = arith.mulf %bitcast3A_198, %bitcast3A_199 : vector<32xbf16>
      %unpack3A_201 = tpu.unpack_subelements %mul3A_200, 0 {pack_format = #tpu.pack_format<interleaved>} : vector<32xbf16> -> vector<16xf32>
      %unpack3A_202 = tpu.unpack_subelements %mul3A_200, 1 {pack_format = #tpu.pack_format<interleaved>} : vector<32xbf16> -> vector<16xf32>
      %add3A_203 = arith.addf %add3A_189, %unpack3A_201 : vector<16xf32>
      %add3A_204 = arith.addf %add3A_190, %unpack3A_202 : vector<16xf32>
      %add3A_205 = arith.constant 1 : i32
      %add3A_206 = vector.broadcast %add3A_205 : i32 to vector<16xi32>
      %add3A_207 = arith.addi %and3A_195, %add3A_206 : vector<16xi32>
      %and3A_208 = arith.constant 63 : i32
      %and3A_209 = vector.broadcast %and3A_208 : i32 to vector<16xi32>
      %and3A_210 = arith.andi %add3A_207, %and3A_209 : vector<16xi32>
      %gather3A_211 = tpu.vector_load_idx %arg11[%add3A_159, %and3A_210] : memref<80x64xi32, #tpu.memory_space<vmem>>[vector<16xi32>, vector<16xi32>], vector<16xi32>,
      %gather3A_212 = tpu.vector_load_idx %arg12[%add3A_159, %and3A_210] : memref<80x64xi32, #tpu.memory_space<vmem>>[vector<16xi32>, vector<16xi32>], vector<16xi32>,
      %bitcast3A_213 = vector.bitcast %gather3A_211 : vector<16xi32> to vector<32xbf16>
      %bitcast3A_214 = vector.bitcast %gather3A_212 : vector<16xi32> to vector<32xbf16>
      %mul3A_215 = arith.mulf %bitcast3A_213, %bitcast3A_214 : vector<32xbf16>
      %unpack3A_216 = tpu.unpack_subelements %mul3A_215, 0 {pack_format = #tpu.pack_format<interleaved>} : vector<32xbf16> -> vector<16xf32>
      %unpack3A_217 = tpu.unpack_subelements %mul3A_215, 1 {pack_format = #tpu.pack_format<interleaved>} : vector<32xbf16> -> vector<16xf32>
      %add3A_218 = arith.addf %add3A_203, %unpack3A_216 : vector<16xf32>
      %add3A_219 = arith.addf %add3A_204, %unpack3A_217 : vector<16xf32>
      %add3A_220 = arith.constant 1 : i32
      %add3A_221 = vector.broadcast %add3A_220 : i32 to vector<16xi32>
      %add3A_222 = arith.addi %and3A_210, %add3A_221 : vector<16xi32>
      %and3A_223 = arith.constant 63 : i32
      %and3A_224 = vector.broadcast %and3A_223 : i32 to vector<16xi32>
      %and3A_225 = arith.andi %add3A_222, %and3A_224 : vector<16xi32>
      %gather3A_226 = tpu.vector_load_idx %arg11[%add3A_159, %and3A_225] : memref<80x64xi32, #tpu.memory_space<vmem>>[vector<16xi32>, vector<16xi32>], vector<16xi32>,
      %gather3A_227 = tpu.vector_load_idx %arg12[%add3A_159, %and3A_225] : memref<80x64xi32, #tpu.memory_space<vmem>>[vector<16xi32>, vector<16xi32>], vector<16xi32>,
      %bitcast3A_228 = vector.bitcast %gather3A_226 : vector<16xi32> to vector<32xbf16>
      %bitcast3A_229 = vector.bitcast %gather3A_227 : vector<16xi32> to vector<32xbf16>
      %mul3A_230 = arith.mulf %bitcast3A_228, %bitcast3A_229 : vector<32xbf16>
      %unpack3A_231 = tpu.unpack_subelements %mul3A_230, 0 {pack_format = #tpu.pack_format<interleaved>} : vector<32xbf16> -> vector<16xf32>
      %unpack3A_232 = tpu.unpack_subelements %mul3A_230, 1 {pack_format = #tpu.pack_format<interleaved>} : vector<32xbf16> -> vector<16xf32>
      %add3A_233 = arith.addf %add3A_218, %unpack3A_231 : vector<16xf32>
      %add3A_234 = arith.addf %add3A_219, %unpack3A_232 : vector<16xf32>
      %add3A_235 = arith.constant 1 : i32
      %add3A_236 = vector.broadcast %add3A_235 : i32 to vector<16xi32>
      %add3A_237 = arith.addi %and3A_225, %add3A_236 : vector<16xi32>
      %and3A_238 = arith.constant 63 : i32
      %and3A_239 = vector.broadcast %and3A_238 : i32 to vector<16xi32>
      %and3A_240 = arith.andi %add3A_237, %and3A_239 : vector<16xi32>
      %gather3A_241 = tpu.vector_load_idx %arg11[%add3A_159, %and3A_240] : memref<80x64xi32, #tpu.memory_space<vmem>>[vector<16xi32>, vector<16xi32>], vector<16xi32>,
      %gather3A_242 = tpu.vector_load_idx %arg12[%add3A_159, %and3A_240] : memref<80x64xi32, #tpu.memory_space<vmem>>[vector<16xi32>, vector<16xi32>], vector<16xi32>,
      %bitcast3A_243 = vector.bitcast %gather3A_241 : vector<16xi32> to vector<32xbf16>
      %bitcast3A_244 = vector.bitcast %gather3A_242 : vector<16xi32> to vector<32xbf16>
      %mul3A_245 = arith.mulf %bitcast3A_243, %bitcast3A_244 : vector<32xbf16>
      %unpack3A_246 = tpu.unpack_subelements %mul3A_245, 0 {pack_format = #tpu.pack_format<interleaved>} : vector<32xbf16> -> vector<16xf32>
      %unpack3A_247 = tpu.unpack_subelements %mul3A_245, 1 {pack_format = #tpu.pack_format<interleaved>} : vector<32xbf16> -> vector<16xf32>
      %add3A_248 = arith.addf %add3A_233, %unpack3A_246 : vector<16xf32>
      %add3A_249 = arith.addf %add3A_234, %unpack3A_247 : vector<16xf32>
      %add3A_250 = arith.constant 1 : i32
      %add3A_251 = vector.broadcast %add3A_250 : i32 to vector<16xi32>
      %add3A_252 = arith.addi %and3A_240, %add3A_251 : vector<16xi32>
      %and3A_253 = arith.constant 63 : i32
      %and3A_254 = vector.broadcast %and3A_253 : i32 to vector<16xi32>
      %and3A_255 = arith.andi %add3A_252, %and3A_254 : vector<16xi32>
      %gather3A_256 = tpu.vector_load_idx %arg11[%add3A_159, %and3A_255] : memref<80x64xi32, #tpu.memory_space<vmem>>[vector<16xi32>, vector<16xi32>], vector<16xi32>,
      %gather3A_257 = tpu.vector_load_idx %arg12[%add3A_159, %and3A_255] : memref<80x64xi32, #tpu.memory_space<vmem>>[vector<16xi32>, vector<16xi32>], vector<16xi32>,
      %bitcast3A_258 = vector.bitcast %gather3A_256 : vector<16xi32> to vector<32xbf16>
      %bitcast3A_259 = vector.bitcast %gather3A_257 : vector<16xi32> to vector<32xbf16>
      %mul3A_260 = arith.mulf %bitcast3A_258, %bitcast3A_259 : vector<32xbf16>
      %unpack3A_261 = tpu.unpack_subelements %mul3A_260, 0 {pack_format = #tpu.pack_format<interleaved>} : vector<32xbf16> -> vector<16xf32>
      %unpack3A_262 = tpu.unpack_subelements %mul3A_260, 1 {pack_format = #tpu.pack_format<interleaved>} : vector<32xbf16> -> vector<16xf32>
      %add3A_263 = arith.addf %add3A_248, %unpack3A_261 : vector<16xf32>
      %add3A_264 = arith.addf %add3A_249, %unpack3A_262 : vector<16xf32>
      %add3A_265 = arith.constant 1 : i32
      %add3A_266 = vector.broadcast %add3A_265 : i32 to vector<16xi32>
      %add3A_267 = arith.addi %and3A_255, %add3A_266 : vector<16xi32>
      %and3A_268 = arith.constant 63 : i32
      %and3A_269 = vector.broadcast %and3A_268 : i32 to vector<16xi32>
      %and3A_270 = arith.andi %add3A_267, %and3A_269 : vector<16xi32>
      %gather3A_271 = tpu.vector_load_idx %arg11[%add3A_159, %and3A_270] : memref<80x64xi32, #tpu.memory_space<vmem>>[vector<16xi32>, vector<16xi32>], vector<16xi32>,
      %gather3A_272 = tpu.vector_load_idx %arg12[%add3A_159, %and3A_270] : memref<80x64xi32, #tpu.memory_space<vmem>>[vector<16xi32>, vector<16xi32>], vector<16xi32>,
      %bitcast3A_273 = vector.bitcast %gather3A_271 : vector<16xi32> to vector<32xbf16>
      %bitcast3A_274 = vector.bitcast %gather3A_272 : vector<16xi32> to vector<32xbf16>
      %mul3A_275 = arith.mulf %bitcast3A_273, %bitcast3A_274 : vector<32xbf16>
      %unpack3A_276 = tpu.unpack_subelements %mul3A_275, 0 {pack_format = #tpu.pack_format<interleaved>} : vector<32xbf16> -> vector<16xf32>
      %unpack3A_277 = tpu.unpack_subelements %mul3A_275, 1 {pack_format = #tpu.pack_format<interleaved>} : vector<32xbf16> -> vector<16xf32>
      %add3A_278 = arith.addf %add3A_263, %unpack3A_276 : vector<16xf32>
      %add3A_279 = arith.addf %add3A_264, %unpack3A_277 : vector<16xf32>
      %add3A_280 = arith.constant 1 : i32
      %add3A_281 = vector.broadcast %add3A_280 : i32 to vector<16xi32>
      %add3A_282 = arith.addi %and3A_270, %add3A_281 : vector<16xi32>
      %and3A_283 = arith.constant 63 : i32
      %and3A_284 = vector.broadcast %and3A_283 : i32 to vector<16xi32>
      %and3A_285 = arith.andi %add3A_282, %and3A_284 : vector<16xi32>
      %gather3A_286 = tpu.vector_load_idx %arg11[%add3A_159, %and3A_285] : memref<80x64xi32, #tpu.memory_space<vmem>>[vector<16xi32>, vector<16xi32>], vector<16xi32>,
      %gather3A_287 = tpu.vector_load_idx %arg12[%add3A_159, %and3A_285] : memref<80x64xi32, #tpu.memory_space<vmem>>[vector<16xi32>, vector<16xi32>], vector<16xi32>,
      %bitcast3A_288 = vector.bitcast %gather3A_286 : vector<16xi32> to vector<32xbf16>
      %bitcast3A_289 = vector.bitcast %gather3A_287 : vector<16xi32> to vector<32xbf16>
      %mul3A_290 = arith.mulf %bitcast3A_288, %bitcast3A_289 : vector<32xbf16>
      %unpack3A_291 = tpu.unpack_subelements %mul3A_290, 0 {pack_format = #tpu.pack_format<interleaved>} : vector<32xbf16> -> vector<16xf32>
      %unpack3A_292 = tpu.unpack_subelements %mul3A_290, 1 {pack_format = #tpu.pack_format<interleaved>} : vector<32xbf16> -> vector<16xf32>
      %add3A_293 = arith.addf %add3A_278, %unpack3A_291 : vector<16xf32>
      %add3A_294 = arith.addf %add3A_279, %unpack3A_292 : vector<16xf32>
      %add3A_295 = arith.constant 1 : i32
      %add3A_296 = vector.broadcast %add3A_295 : i32 to vector<16xi32>
      %add3A_297 = arith.addi %and3A_285, %add3A_296 : vector<16xi32>
      %and3A_298 = arith.constant 63 : i32
      %and3A_299 = vector.broadcast %and3A_298 : i32 to vector<16xi32>
      %and3A_300 = arith.andi %add3A_297, %and3A_299 : vector<16xi32>
      scf.yield %add3A_293, %add3A_294, %and3A_300 : vector<16xf32>, vector<16xf32>, vector<16xi32>
    }
    %scan3A_169 = arith.constant 8 : i32
    %add3A_170 = arith.addf %scan3A_168#0, %scan3A_168#1 : vector<16xf32>
    %neg3A_171 = arith.constant 0.000000e+00 : f32
    %neg3A_172 = vector.broadcast %neg3A_171 : f32 to vector<16xf32>
    %neg3A_173 = arith.subf %neg3A_172, %add3A_170 : vector<16xf32>
    %exp3A_174 = math.exp %neg3A_173 : vector<16xf32>
    %add3A_175 = arith.addf %broadcast_in_dim3A_60, %exp3A_174 : vector<16xf32>
    %div3A_176 = arith.divf %broadcast_in_dim3A_60, %add3A_175 : vector<16xf32>
    %add3A_177 = arith.addf %div3A_176, %broadcast_in_dim3A_64 : vector<16xf32>
    %mul3A_178 = arith.mulf %add3A_177, %broadcast_in_dim3A_62 : vector<16xf32>
    %swap3A_179 = arith.constant 9984 : index
    %swap3A_180 = tpu.vector_load %arg15[%swap3A_179] {strides = array<i32>} : memref<10000xf32, #tpu.memory_space<vmem>>, vector<16xf32>,
    tpu.vector_store %arg15[%swap3A_179], %mul3A_178 {strides = array<i32>} : memref<10000xf32, #tpu.memory_space<vmem>>, vector<16xf32>,
    "tpu.region"() ({
      %run_scoped3A = tpu.sem_alloc : memref<!tpu.dma_semaphore, #tpu.memory_space<semaphore_mem>>
      %dma_start3A_181 = arith.constant 0 : i32
      %dma_start3A_182 = tpu.memref_slice %arg5[%add3A, %dma_start3A_181] : memref<32x10000xf32, #tpu.memory_space<hbm>> -> memref<1x10000xf32, #tpu.memory_space<hbm>>
      %dma_start3A_183 = tpu.memref_squeeze %dma_start3A_182 : memref<1x10000xf32, #tpu.memory_space<hbm>> -> memref<10000xf32, #tpu.memory_space<hbm>>
      %dma_start3A_184 = arith.constant 0 : i32
      %dma_start3A_185 = tpu.memref_slice %arg5[%add3A, %dma_start3A_184] : memref<32x10000xf32, #tpu.memory_space<hbm>> -> memref<1x10000xf32, #tpu.memory_space<hbm>>
      %dma_start3A_186 = tpu.memref_squeeze %dma_start3A_185 : memref<1x10000xf32, #tpu.memory_space<hbm>> -> memref<10000xf32, #tpu.memory_space<hbm>>
      tpu.enqueue_dma source(%arg15 : memref<10000xf32, #tpu.memory_space<vmem>>) target(%dma_start3A_186 : memref<10000xf32, #tpu.memory_space<hbm>>) target_semaphore(%run_scoped3A : memref<!tpu.dma_semaphore, #tpu.memory_space<semaphore_mem>>)
      %dma_wait3A_187 = arith.constant 0 : i32
      %dma_wait3A_188 = tpu.memref_slice %arg5[%add3A, %dma_wait3A_187] : memref<32x10000xf32, #tpu.memory_space<hbm>> -> memref<1x10000xf32, #tpu.memory_space<hbm>>
      %dma_wait3A_189 = tpu.memref_squeeze %dma_wait3A_188 : memref<1x10000xf32, #tpu.memory_space<hbm>> -> memref<10000xf32, #tpu.memory_space<hbm>>
      %dma_wait3A_190 = arith.constant 0 : i32
      %dma_wait3A_191 = tpu.memref_slice %arg5[%add3A, %dma_wait3A_190] : memref<32x10000xf32, #tpu.memory_space<hbm>> -> memref<1x10000xf32, #tpu.memory_space<hbm>>
      %dma_wait3A_192 = tpu.memref_squeeze %dma_wait3A_191 : memref<1x10000xf32, #tpu.memory_space<hbm>> -> memref<10000xf32, #tpu.memory_space<hbm>>
      tpu.wait_dma2 semaphore(%run_scoped3A : memref<!tpu.dma_semaphore, #tpu.memory_space<semaphore_mem>>) src(%arg15 : memref<10000xf32, #tpu.memory_space<vmem>>) dst(%dma_wait3A_192 : memref<10000xf32, #tpu.memory_space<hbm>>)
      tpu.yield
    }) : () -> ()
    return
  }
}

</mosaic_0001>

<sc_bundles>
// kernel: _decode.3.cloned.1.call-start
scs
__scs_entry_jumppad:
0x0: {  	(pc) =	sbr.rel $0x88, $3  }
0x1: {  	(tag) =	ssettag $0x0;
	lr =	simm.s32 $0x1  }
0x2: {  	[smem:$0x3F9E] =	sst lr;
	_ =	strace $0xD0000000  }
0x3: {  	_ = 	snop  }
0x4: {  	_ = 	snop  }
0x5: {  	_ = 	snop  }
0x6: {  	_ = 	snop  }
0x7: {  	_ = 	snop  }
__scs_overlays_trampoline_lowered:
0x8: {  	[smem:$0x3FAD] =	sst s0  }
0x9: {  	[smem:$0x3FAE] =	sst s1  }
0xa: {  	[smem:$0x3FAF] =	sst s2  }
0xb: {  	[smem:$0x3FB0] =	sst s3  }
0xc: {  	[smem:$0x3FB1] =	sst s4  }
0xd: {  	[smem:$0x3FB2] =	sst s5  }
0xe: {  	[smem:$0x3FB3] =	sst s6  }
0xf: {  	[smem:$0x3FB4] =	sst s7  }
0x10: {  	[smem:$0x3FB5] =	sst s8  }
0x11: {  	[smem:$0x3FB6] =	sst s9;
	s0 =	simm.s32 @!p0 $0x0  }
0x12: {  	s1 =	sld [smem:$0x3F9C];
	s0 =	simm.s32 @p0 $0x1  }
0x13: {  	[smem:$0x3FB7] =	sst s0;
	s0 =	simm.s32 @!p1 $0x0  }
0x14: {  	s2 =	sld [smem:$0x3F9B];
	s0 =	simm.s32 @p1 $0x1  }
0x15: {  	[smem:$0x3FB8] =	sst s0;
	s0 =	simm.s32 @!p2 $0x0  }
0x16: {  	s3 =	sld [smem:$0x3FDB];
	s0 =	simm.s32 @p2 $0x1  }
0x17: {  	s4 =	simm.s32 $0x1BF5;
	[smem:$0x3FBA] =	sst s0  }
0x18: {  	s0 =	sld [smem:$0x3F9D];
	_ =	swait.ge [sflag:s4], $0x0  }
0x19: {  	s7 =	sld [smem:$0x3F9E]  }
0x1a: {  	s8 =	sadd.s32 $0xFFFFE003, lr  }
0x1b: {  	s9 =	sadd.s32 $0xFFFFFEF7, lr;
	s5 =	simm.s32 $0xFFFFFFFF;
	p2 =	slt.u32 s8, $0xFFFFF086  }
0x1c: {  	p1 =	slt.u32 s9, $0xF7A;
	s5 =	simm.s32 @!p2 $0x0  }
0x1d: {  	s5 =	simm.s32 @p1 $0x1;
	p0 =	seq.s32 s7, s2  }
0x1e: {  	s7 =	smul.u32 @!p0 $0xF7A, s2;
	p2 =	seq.s32 @!p0 s5, $0x0  }
0x1f: {  	s9 =	smul.u32 $0xF7A, s1;
	s8 =	simm.s32 @!p0 $0x1BF5;
	p2 =	por !p2, p0  }
0x20: {  	[sflag:s8] =	ssyncset.s32 @!p0 $0xFFFFF086;
	s6 =	sadd.s32 @!p0 s3, s7;
	s7 =	simm.s32 @!p0 $0x108  }
0x21: {  	s3 =	sadd.s32 s3, s9;
	s6 =	sadd.s32 @!p0 $0x88, s6;
	s7 =	simm.s32 @p2 $0x1082  }
0x22: {  	[simem:s7], [sflag:s8] =	dma.local @!p0 [hbm:s6], $0xF7A  }
0x23: {  	s9 =	sor.u32 $0xD0000000, s2;
	s6 =	simm.s32 $0x108;
	_ =	swait.ge @!p0 [sflag:s8], $0x0  }
0x24: {  	s3 =	sadd.s32 $0x88, s3;
	s6 =	simm.s32 @!p1 $0x1082;
	[sflag:s4] =	ssyncset.s32 $0xFFFFF086  }
0x25: {  	[simem:s6], [sflag:s4] =	dma.local [hbm:s3], $0xF7A  }
0x26: {  	[smem:$0x3F9E] =	sst s1;
	(tag) =	ssettag s2;
	_ =	strace s9  }
0x27: {  	s1 =	sld [smem:$0x3FAE]  }
0x28: {  	s2 =	sld [smem:$0x3FAF]  }
0x29: {  	s4 =	sld [smem:$0x3FB1]  }
0x2a: {  	p0 =	seq.s32 s5, $0x0;
	s5 =	sld [smem:$0x3FB2]  }
0x2b: {  	s6 =	sld [smem:$0x3FB3]  }
0x2c: {  	s7 =	sld [smem:$0x3FB4]  }
0x2d: {  	s3 =	simm.s32 $0x108;
	s8 =	sld [smem:$0x3FB5]  }
0x2e: {  	s3 =	simm.s32 @!p0 $0x1082;
	s9 =	sld [smem:$0x3FB6]  }
0x2f: {  	lr =	sadd.s32 s0, s3;
	s0 =	sld [smem:$0x3FAD]  }
0x30: {  	s3 =	sld [smem:$0x3FB0]  }
0x31: {  	[smem:$0x3FB9] =	sst s10  }
0x32: {  	s10 =	sld [smem:$0x3FB7];
	_ =	sdelay $0x3  }
0x33: {  	p0 =	seq.s32 s10, $0x1;
	s10 =	sld [smem:$0x3FB9];
	_ =	sdelay $0x3  }
0x34: {  	[smem:$0x3FB9] =	sst s10  }
0x35: {  	s10 =	sld [smem:$0x3FB8];
	_ =	sdelay $0x3  }
0x36: {  	p1 =	seq.s32 s10, $0x1;
	s10 =	sld [smem:$0x3FB9];
	_ =	sdelay $0x3  }
0x37: {  	[smem:$0x3FB9] =	sst s10  }
0x38: {  	s10 =	sld [smem:$0x3FBA]  }
0x39: {  	_ = 	snop;
	(pc) =	sbr.ind lr, $3  }
0x3a: {  	_ = 	snop  }
0x3b: {  	_ = 	snop  }
0x3c: {  	p2 =	seq.s32 s10, $0x1;
	s10 =	sld [smem:$0x3FB9]  }
0x3d: {  	_ =	shalt  }
0x3e: {  	_ =	shalt  }
0x3f: {  	_ =	shalt  }
0x40: {  	_ =	shalt  }
0x41: {  	_ =	shalt  }
0x42: {  	_ =	shalt  }
0x43: {  	_ =	shalt  }
0x44: {  	_ =	shalt  }
0x45: {  	_ =	shalt  }
0x46: {  	_ =	shalt  }
0x47: {  	_ =	shalt  }
0x48: {  	_ =	shalt  }
0x49: {  	_ =	shalt  }
0x4a: {  	_ =	shalt  }
0x4b: {  	_ =	shalt  }
0x4c: {  	_ =	shalt  }
0x4d: {  	_ =	shalt  }
0x4e: {  	_ =	shalt  }
0x4f: {  	_ =	shalt  }
0x50: {  	_ =	shalt  }
0x51: {  	_ =	shalt  }
0x52: {  	_ =	shalt  }
0x53: {  	_ =	shalt  }
0x54: {  	_ =	shalt  }
0x55: {  	_ =	shalt  }
0x56: {  	_ =	shalt  }
0x57: {  	_ =	shalt  }
0x58: {  	_ =	shalt  }
0x59: {  	_ =	shalt  }
0x5a: {  	_ =	shalt  }
0x5b: {  	_ =	shalt  }
0x5c: {  	_ =	shalt  }
0x5d: {  	_ =	shalt  }
0x5e: {  	_ =	shalt  }
0x5f: {  	_ =	shalt  }
0x60: {  	_ =	shalt  }
0x61: {  	_ =	shalt  }
0x62: {  	_ =	shalt  }
0x63: {  	_ =	shalt  }
0x64: {  	_ =	shalt  }
0x65: {  	_ =	shalt  }
0x66: {  	_ =	shalt  }
0x67: {  	_ =	shalt  }
0x68: {  	_ =	shalt  }
0x69: {  	_ =	shalt  }
0x6a: {  	_ =	shalt  }
0x6b: {  	_ =	shalt  }
0x6c: {  	_ =	shalt  }
0x6d: {  	_ =	shalt  }
0x6e: {  	_ =	shalt  }
0x6f: {  	_ =	shalt  }
0x70: {  	_ =	shalt  }
0x71: {  	_ =	shalt  }
0x72: {  	_ =	shalt  }
0x73: {  	_ =	shalt  }
0x74: {  	_ =	shalt  }
0x75: {  	_ =	shalt  }
0x76: {  	_ =	shalt  }
0x77: {  	_ =	shalt  }
0x78: {  	_ =	shalt  }
0x79: {  	_ =	shalt  }
0x7a: {  	_ =	shalt  }
0x7b: {  	_ =	shalt  }
0x7c: {  	_ =	shalt  }
0x7d: {  	_ =	shalt  }
0x7e: {  	_ =	shalt  }
0x7f: {  	_ =	shalt  }
0x80: {  	_ =	shalt  }
0x81: {  	_ =	shalt  }
0x82: {  	_ =	shalt  }
0x83: {  	_ =	shalt  }
0x84: {  	_ =	shalt  }
0x85: {  	_ =	shalt  }
0x86: {  	_ =	shalt  }
0x87: {  	_ =	shalt  }
.Lfunc_end0:
.L_simem_size_0:
called_computation_lowered:
.L_overlay_start_0:
0x88: {  	s2 =	sld [smem:$0x3FD9]  }
0x89: {  	s3 =	sld [smem:$0x3FFE];
	_ =	sdelay $0x1  }
0x8a: {  	s1 =	srdreg.scid  }
0x8b: {  	s0 =	sand.u32 $0x1, s1  }
0x8c: {  	s17 =	sshll.u32 s0, $0xA;
	s2 =	sadd.s32 s3, s2  }
0x8d: {  	s2 =	sadd.s32 s2, s17  }
0x8e: {  	[smem:$0x3FC5] =	sst s2  }
0x8f: {  	_ = 	snop  }
0x90: {  	s2 =	sld [smem:$0x3FD0];
	(tm) =	ssettm $0x1  }
0x91: {  	s18 =	sld [smem:$0x3FFB];
	_ =	sdelay $0x3  }
0x92: {  	_ =	strace s18  }
0x93: {  	s3 =	sld [smem:$0x3FFC];
	_ =	sdelay $0x3  }
0x94: {  	_ =	strace s3  }
0x95: {  	s3 =	sld [smem:$0x3FFD];
	_ =	sdelay $0x3  }
0x96: {  	_ =	strace s3  }
0x97: {  	_ =	strace $0x8FFFFFFF  }
0x98: {  	s19 =	sld [smem:$0x3FDB];
	_ =	sdelay $0x1  }
0x99: {  	s4 =	simm.s32 $_scs_section_size  }
0x9a: {  	s5 =	simm.s32 $_size__tile_overlayer_lowered;
	s6 =	simm.s32 $_tile_overlayer_lowered  }
0x9b: {  	s22 =	simm.s32 $0x1BFF;
	s21 =	sshll.u32 s6, $0x1;
	s3 =	sadd.s32 s4, s19  }
0x9c: {  	s7 =	simm.s32 $0x0;
	s20 =	sshll.u32 s5, $0x1;
	s5 =	sadd.s32 s21, s3  }
0x9d: {  	[timem:s7], [sflag:s22] =	dma.local [hbm:s5], s20  }
0x9e: {  	_ =	swait.ge [sflag:s22], s20  }
0x9f: {  	s4 =	ssub.s32 $0x0, s20;
	[sflag:s22] =	ssyncset.done $0x0  }
0xa0: {  	[sflag:s22] =	ssyncadd.s32 s4;
	_ =	sdelay $0x1  }
0xa1: {  	s23 =	simm.s32 $0x1B8B  }
0xa2: {  	_ =	swait.ge [sflag:s23], $0x1  }
0xa3: {  	[sflag:s23] =	ssyncset.done $0x0  }
0xa4: {  	s25 =	simm.s32 $0x1B8E;
	s24 =	sld [smem:$0x3FFE];
	[sflag:s23] =	ssyncadd.s32 $0xFFFFFFFF  }
0xa5: {  	s26 =	simm.s32 $execute0_lowered;
	[smem:$0x3FD2] =	sst s25  }
0xa6: {  	s5 =	sshll.u32 s26, $0x1;
	_ =	strace $0x80000046;
	[dreg:$0x1] =	wrdreg $0xFFFFFFFF  }
0xa7: {  	s28 =	simm.s32 $_size_execute0_lowered;
	s3 =	sadd.s32 s3, s5;
	[dreg:$0x0] =	wrdreg $0x0  }
0xa8: {  	s5 =	sshll.u32 s28, $0x1;
	[dreg:$0x2] =	wrdreg s3  }
0xa9: {  	[dreg:$0x3] =	wrdreg s5  }
0xaa: {  	[dreg:$0x4] =	wrdreg $0xC0  }
0xab: {  	_ =	task [dreg:s7], $0x5FFFF  }
0xac: {  	[dreg:$0x1] =	wrdreg $0xFFFFFFFF  }
0xad: {  	[dreg:$0x0] =	wrdreg $0x60  }
0xae: {  	[dreg:$0x2] =	wrdreg s24  }
0xaf: {  	[dreg:$0x3] =	wrdreg s2  }
0xb0: {  	[dreg:$0x4] =	wrdreg $0x0  }
0xb1: {  	[dreg:$0x5] =	wrdreg $0x9  }
0xb2: {  	_ =	task.clear_ibuf [dreg:s7], $0x6FFFF;
	_ =	strace $0x90000046  }
0xb3: {  	s29 =	simm.s32 $0x9;
	_ =	strace $0x80000048  }
0xb4: {  	_ =	swait.ge [sflag:s29], $0x1  }
0xb5: {  	[sflag:s29] =	ssyncadd.s32 $0xFFFFFFFF  }
0xb6: {  	_ =	strace $0x90000048  }
0xb7: {  	_ =	sfence  }
0xb8: {  	s30 =	sld [smem:$0x0];
	_ =	sdelay $0x2  }
0xb9: {  	s31 =	sshll.u32 s1, $0xD;
	s1 =	sshrl.u32 s1, $0x2  }
0xba: {  	s3 =	sand.u32 $0x4000, s31;
	s1 =	sadd.s32 s1, s30  }
0xbb: {  	s0 =	sor.u32 s3, s0;
	s1 =	sshll.u32 s1, $0x11  }
0xbc: {  	s0 =	sor.u32 s1, s0  }
0xbd: {  	s0 =	sadd.s32 $0x8F2B, s0  }
0xbe: {  	[sflag:s0] =	ssyncadd.remote.s32 $0x1  }
0xbf: {  	_ =	sfence.sel $0xFFFF  }
0xc0: {  	[dreg:$0x0] =	wrdreg $0xFFFFFFFF;
	(pc) =	sbr.abs _section_cstart, $3  }
0xc1: {  	[dreg:$0x1] =	wrdreg $0xFFFFFFFF  }
0xc2: {  	_ =	task.clear_ibuf [dreg:s7], $0x2FFFF;
	_ =	strace $0x9FFFFFFF  }
0xc3: {  	(tm) =	ssettm $0x7FFFFFFF  }
tec
execute0_lowered:
.L_overlay_start_1:
0x0: {  	(tag) =	ssettag $0x1  }
0x1: {  	s0 =	rddreg [dreg:$0x0]  }
0x2: {  	s2 =	rddreg [dreg:$0x1]  }
0x3: {  	s3 =	rddreg [dreg:$0x2]  }
0x4: {  	s13 =	stileid.u32;
	s1 =	srdreg.scid;
	s4 =	simm.s32 $0x0  }
0x5: {  	s17 =	simm.s32 $0x9C40;
	s18 =	simm.s32 $0x9C90;
	s19 =	simm.s32 $0x9CE0  }
0x6: {  	s20 =	simm.s32 $0x9D30;
	s21 =	simm.s32 $0x1;
	s22 =	simm.s32 $0x50  }
0x7: {  	s28 =	simm.s32 $0x2;
	s29 =	simm.s32 $0xC580;
	s30 =	simm.s32 $0xD980  }
0x8: {  	s31 =	simm.s32 $0x5;
	s1 =	sand.u32 $0x1, s1;
	s5 =	sshll.u32 s13, $0x1  }
0x9: {  	s6 =	smul.u32 $0xFA00, s13;
	[smem:$0x7FF] =	sst s4;
	p0 =	sgt.u32 s13, $0x9  }
0xa: {  	s5 =	sor.u32 s1, s5;
	_ =	strace $0x80000047;
	s1 =	ssub.s32 $0x2, s1  }
0xb: {  	s7 =	smul.u32 $0x2710, s5;
	s23 =	sshrl.u32 s6, $0x3;
	s10 =	sshrl.u32 s1, $0x1  }
0xc: {  	s5 =	sadd.s32 $0x14200, s0;
	s6 =	sadd.s32 s6, s3;
	s8 =	sadd.s32 s23, s0  }
0xd: {  	s1 =	ssub.s32 s1, s10;
	s16 =	sshrl.u32 @!p0 s6, $0x3;
	s23 =	simm.s32 $0x9D80  }
0xe: {  	s6 =	simm.s32 $0x0;
	s9 =	sshrl.u32 s7, $0x3;
	s8 =	sadd.s32 $0x800, s8  }
0xf: {  	s11 =	sadd.s32 $0xA0, s7;
	s1 =	smax.u32 s1, $0x1;
	[dreg:$0x4] =	wrdreg s8  }
0x10: {  	s0 =	sadd.s32 s9, s0;
	s25 =	sadd.s32 s2, s9;
	[dreg:$0xa] =	wrdreg s1  }
0x11: {  	s24 =	sadd.s32 $0xA, s9;
	s9 =	sadd.s32 s5, s9;
	[dreg:$0x5] =	wrdreg s25  }
0x12: {  	s12 =	sadd.s32 $0xF0, s7;
	[dreg:$0x6] =	wrdreg s9;
	s26 =	sadd.s32 s2, s24  }
0x13: {  	v0 =	vlaneseq.u32;
	s1 =	simm.s32 $0x7;
	s8 =	sadd.s32 s5, s24;
	[dreg:$0x7] =	wrdreg s26  }
0x14: {  	v0 =	vmul.u32 $0x40, v0;
	s0 =	sadd.s32 $0x1E000, s0;
	s24 =	simm.s32 $0xB180;
	[dreg:$0x8] =	wrdreg s8  }
0x15: {  	s25 =	simm.s32 $0x3;
	[dreg:$0x9] =	wrdreg s0;
	s0 =	sshll.u32 @!p0 s13, $0x6  }
0x16: {  	v1 =	vor.u32 $0x400, v0;
	v2 =	vor.u32 $0x800, v0;
	s26 =	simm.s32 $0x4;
	s15 =	sor.u32 @!p0 $0x1C07, s0;
	s0 =	simm.s32 $0x6  }
.LBB2_1:
0x17: {  	s7 =	rddreg [dreg:$0x4]  }
0x18: {  	[spmem:s16], [sflag:s15] =	dma.local @!p0 [hbm:s7], $0x1F40  }
0x19: {  	s7 =	simm.s32 @!p0 $0x7  }
0x1a: {  	_ =	swait.ge @!p0 [sflag:s7], $0x1F40  }
0x1b: {  	[sflag:s7] =	ssyncset.done @!p0 $0x0  }
0x1c: {  	s9 =	rddreg [dreg:$0x5];
	[sflag:s7] =	ssyncadd.s32 @!p0 $0xFFFFE0C0  }
0x1d: {  	[tilespmem:s17], [sflag:$0x1] =	stream.linear.gather [hbm4b:s9+s4], $0x50, $0x38;
	[tilespmem:$0x11490] =	vst v63  }
0x1e: {  	s10 =	rddreg [dreg:$0x6]  }
0x1f: {  	[tilespmem:s18], [sflag:$0x1] =	stream.linear.gather [hbm4b:s10+s4], $0x50, $0x38;
	[tilespmem:$0x11490] =	vst v63  }
0x20: {  	s13 =	rddreg [dreg:$0x7]  }
0x21: {  	[tilespmem:s19], [sflag:$0x2] =	stream.linear.gather [hbm4b:s13+s4], $0x50, $0x38;
	[tilespmem:$0x11490] =	vst v63  }
0x22: {  	s14 =	rddreg [dreg:$0x8]  }
0x23: {  	[tilespmem:s20], [sflag:$0x2] =	stream.linear.gather [hbm4b:s14+s4], $0x50, $0x38;
	[tilespmem:$0x11490] =	vst v63  }
0x24: {  	[bflag:$0x0] =	sbarrier.arrive $0xFFFF  }
0x25: {  	_ =	swait.ge [sflag:s21], $0x50  }
0x26: {  	[sflag:s21] =	ssyncset.done $0x0  }
0x27: {  	[sflag:s21] =	ssyncadd.s32 $0xFFFFFFB0  }
0x28: {  	_ =	swait.ge [sflag:s21], $0x50  }
0x29: {  	[sflag:s21] =	ssyncset.done $0x0  }
0x2a: {  	[sflag:s21] =	ssyncadd.s32 $0xFFFFFFB0  }
0x2b: {  	[tilespmem:s23], [sflag:$0x3] =	stream.indirect.gather [spmem:s3], $0x40, s17, s22, $0xb8;
	[tilespmem:$0x11490] =	vst v63  }
0x2c: {  	s7 =	simm.s32 $0x0  }
0x2d: {  	[tilespmem:s24], [sflag:$0x4] =	stream.indirect.gather [spmem:s3], $0x40, s18, s22, $0xb8;
	[tilespmem:$0x11490] =	vst v63  }
.LBB2_2:
0x2e: {  	_ =	swait.ge [sflag:s25], $0x1400  }
0x2f: {  	s8 =	smul.u32 $0xA0, s7;
	[sflag:s25] =	ssyncset.done $0x0  }
0x30: {  	[sflag:s25] =	ssyncadd.s32 $0xFFFFEC00  }
0x31: {  	s9 =	sadd.s32 s8, s11;
	_ =	swait.ge [sflag:s26], $0x1400  }
0x32: {  	s9 =	sshrl.u32 s9, $0x3;
	[sflag:s26] =	ssyncset.done $0x0  }
0x33: {  	s10 =	sadd.s32 s2, s9;
	[sflag:s26] =	ssyncadd.s32 $0xFFFFEC00  }
0x34: {  	[tilespmem:s17], [sflag:$0x1] =	stream.linear.gather [hbm4b:s10+s4], $0x50, $0x38;
	[tilespmem:$0x11490] =	vst v63  }
0x35: {  	s9 =	sadd.s32 s5, s9  }
0x36: {  	[tilespmem:s18], [sflag:$0x1] =	stream.linear.gather [hbm4b:s9+s4], $0x50, $0x38;
	[tilespmem:$0x11490] =	vst v63  }
0x37: {  	_ =	swait.ge [sflag:s28], $0x50  }
0x38: {  	[sflag:s28] =	ssyncset.done $0x0  }
0x39: {  	[sflag:s28] =	ssyncadd.s32 $0xFFFFFFB0  }
0x3a: {  	v3 =	vlaneseq.u32;
	_ =	swait.ge [sflag:s28], $0x50  }
0x3b: {  	v4 =	vor.u32 v0, v3;
	v5 =	vadd.s32 $0x1, v3;
	[sflag:s28] =	ssyncset.done $0x0  }
0x3c: {  	v5 =	vand.u32 $0x3F, v5;
	[sflag:s28] =	ssyncadd.s32 $0xFFFFFFB0  }
0x3d: {  	v6 =	vadd.s32 $0x2, v3;
	v5 =	vor.u32 v0, v5;
	[tilespmem:s29], [sflag:$0x5] =	stream.indirect.gather [spmem:s3], $0x40, s19, s22, $0xb8;
	[tilespmem:$0x11490] =	vst v63  }
0x3e: {  	v6 =	vand.u32 $0x3F, v6  }
0x3f: {  	v6 =	vor.u32 v0, v6;
	[tilespmem:s30], [sflag:$0x6] =	stream.indirect.gather [spmem:s3], $0x40, s20, s22, $0xb8;
	[tilespmem:$0x11490] =	vst v63  }
0x40: {  	v9 =	vadd.s32 $0x4, v3;
	v7 =	vld.idx.msk [tilespmem:v4+s23+$0x0], $0xffff  }
0x41: {  	v8 =	vadd.s32 $0x3, v3;
	v9 =	vand.u32 $0x3F, v9;
	v4 =	vld.idx.msk [tilespmem:v4+s24+$0x0], $0xffff  }
0x42: {  	v8 =	vand.u32 $0x3F, v8;
	v9 =	vor.u32 v0, v9;
	v10 =	vld.idx.msk [tilespmem:v5+s23+$0x0], $0xffff  }
0x43: {  	v8 =	vor.u32 v0, v8;
	v5 =	vld.idx.msk [tilespmem:v5+s24+$0x0], $0xffff  }
0x44: {  	v11 =	vadd.s32 $0x5, v3;
	v12 =	vld.idx.msk [tilespmem:v6+s23+$0x0], $0xffff  }
0x45: {  	v11 =	vand.u32 $0x3F, v11;
	v6 =	vld.idx.msk [tilespmem:v6+s24+$0x0], $0xffff  }
0x46: {  	v11 =	vor.u32 v0, v11  }
0x47: {  	v14 =	vadd.s32 $0x6, v3;
	v17 =	vld.idx.msk [tilespmem:v9+s23+$0x0], $0xffff  }
0x48: {  	v15 =	vadd.s32 $0x7, v3;
	v3 =	vadd.s32 $0x8, v3;
	v4 =	vmul.bf16 v4, v7;
	v7 =	vld.idx.msk [tilespmem:v8+s24+$0x0], $0xffff  }
0x49: {  	v13 =	vimm.f32 $0.0e+00;
	v14 =	vand.u32 $0x3F, v14;
	v3 =	vand.u32 $0x3F, v3;
	v8 =	vld.idx.msk [tilespmem:v8+s23+$0x0], $0xffff  }
0x4a: {  	v5 =	vmul.bf16 v5, v10;
	v10 =	vld.idx.msk [tilespmem:v9+s24+$0x0], $0xffff;
	v9 =	vand.u32 $0x3F, v15;
	v6 =	vmul.bf16 v6, v12  }
0x4b: {  	v12 =	vld.idx.msk [tilespmem:v11+s23+$0x0], $0xffff;
	v15 =	vor.u32 v0, v9;
	v16 =	vunpack.i.u.bf16.f32 v4;
	v4 =	vunpack.i.l.bf16.f32 v4  }
0x4c: {  	v18 =	vor.u32 v0, v14;
	v11 =	vld.idx.msk [tilespmem:v11+s24+$0x0], $0xffff;
	v9 =	vunpack.i.u.bf16.f32 v5;
	v4 =	vadd.f32 v4, v13  }
0x4d: {  	v5 =	vunpack.i.l.bf16.f32 v5;
	v14 =	vunpack.i.u.bf16.f32 v6;
	v13 =	vadd.f32 v16, v13  }
0x4e: {  	v16 =	vunpack.i.l.bf16.f32 v6;
	v6 =	vmul.bf16 v7, v8;
	v4 =	vadd.f32 v5, v4  }
0x4f: {  	v5 =	vadd.f32 v9, v13;
	v9 =	vor.u32 v0, v3;
	v17 =	vmul.bf16 v10, v17  }
0x50: {  	v7 =	vld.idx.msk [tilespmem:v15+s23+$0x0], $0xffff;
	v13 =	vunpack.i.u.bf16.f32 v6;
	v19 =	vunpack.i.l.bf16.f32 v6;
	v6 =	vadd.s32 $0x1, v3  }
0x51: {  	v20 =	vmul.bf16 v11, v12;
	v11 =	vadd.s32 $0x2, v3;
	v10 =	vld.idx.msk [tilespmem:v15+s24+$0x0], $0xffff;
	v6 =	vand.u32 $0x3F, v6  }
0x52: {  	v8 =	vld.idx.msk [tilespmem:v18+s23+$0x0], $0xffff;
	v5 =	vadd.f32 v14, v5;
	v12 =	vadd.f32 v16, v4;
	v6 =	vor.u32 v0, v6  }
0x53: {  	v4 =	vand.u32 $0x3F, v11;
	v14 =	vunpack.i.l.bf16.f32 v17;
	v11 =	vld.idx.msk [tilespmem:v18+s24+$0x0], $0xffff;
	v18 =	vadd.s32 $0x3, v3  }
0x54: {  	v17 =	vunpack.i.u.bf16.f32 v17;
	v15 =	vunpack.i.l.bf16.f32 v20;
	v4 =	vor.u32 v0, v4  }
0x55: {  	s9 =	simm.s32 $0x6;
	v13 =	vadd.f32 v13, v5;
	v16 =	vadd.f32 v19, v12;
	v12 =	vunpack.i.u.bf16.f32 v20;
	v5 =	vld.idx.msk [tilespmem:v9+s23+$0x0], $0xffff  }
.LBB2_3:
0x56: {  	p1 =	sne.s32 s9, $0x1;
	s9 =	sadd.s32 $0xFFFFFFFF, s9;
	v9 =	vld.idx.msk [tilespmem:v9+s24+$0x0], $0xffff;
	v18 =	vand.u32 $0x3F, v18;
	v19 =	vadd.s32 $0x4, v3;
	v7 =	vmul.bf16 v10, v7  }
0x57: {  	v14 =	vadd.f32 v14, v16;
	v13 =	vadd.f32 v17, v13;
	v10 =	vld.idx.msk [tilespmem:v6+s23+$0x0], $0xffff;
	v18 =	vor.u32 v0, v18  }
0x58: {  	v17 =	vadd.s32 $0x5, v3;
	v16 =	vand.u32 $0x3F, v19;
	v8 =	vmul.bf16 v11, v8;
	v6 =	vld.idx.msk [tilespmem:v6+s24+$0x0], $0xffff  }
0x59: {  	v16 =	vor.u32 v0, v16;
	v14 =	vadd.f32 v15, v14;
	v12 =	vadd.f32 v12, v13;
	v11 =	vld.idx.msk [tilespmem:v4+s23+$0x0], $0xffff  }
0x5a: {  	v13 =	vand.u32 $0x3F, v17;
	v15 =	vunpack.i.u.bf16.f32 v8;
	v8 =	vunpack.i.l.bf16.f32 v8;
	v4 =	vld.idx.msk [tilespmem:v4+s24+$0x0], $0xffff  }
0x5b: {  	v13 =	vor.u32 v0, v13;
	v8 =	vadd.f32 v8, v14;
	v12 =	vadd.f32 v15, v12  }
0x5c: {  	v14 =	vunpack.i.u.bf16.f32 v7;
	v7 =	vunpack.i.l.bf16.f32 v7;
	v5 =	vmul.bf16 v9, v5;
	v9 =	vld.idx.msk [tilespmem:v18+s24+$0x0], $0xffff  }
0x5d: {  	v17 =	vadd.s32 $0x6, v3;
	v7 =	vadd.f32 v7, v8;
	v15 =	vld.idx.msk [tilespmem:v18+s23+$0x0], $0xffff;
	v18 =	vadd.s32 $0x7, v3  }
0x5e: {  	v12 =	vadd.f32 v14, v12;
	v8 =	vunpack.i.u.bf16.f32 v5;
	v5 =	vunpack.i.l.bf16.f32 v5;
	v19 =	vld.idx.msk [tilespmem:v16+s23+$0x0], $0xffff  }
0x5f: {  	v6 =	vmul.bf16 v6, v10;
	v5 =	vadd.f32 v5, v7;
	v7 =	vand.u32 $0x3F, v18;
	v14 =	vld.idx.msk [tilespmem:v16+s24+$0x0], $0xffff  }
0x60: {  	v10 =	vand.u32 $0x3F, v17;
	v4 =	vmul.bf16 v4, v11;
	v16 =	vor.u32 v0, v7;
	v11 =	vld.idx.msk [tilespmem:v13+s23+$0x0], $0xffff  }
0x61: {  	v17 =	vor.u32 v0, v10;
	v7 =	vunpack.i.u.bf16.f32 v6;
	v6 =	vunpack.i.l.bf16.f32 v6;
	v13 =	vld.idx.msk [tilespmem:v13+s24+$0x0], $0xffff  }
0x62: {  	v8 =	vadd.f32 v8, v12;
	v10 =	vunpack.i.u.bf16.f32 v4;
	v4 =	vunpack.i.l.bf16.f32 v4  }
0x63: {  	v5 =	vadd.f32 v6, v5;
	v6 =	vmul.bf16 v9, v15  }
0x64: {  	v3 =	vadd.s32 $0x8, v3;
	v8 =	vadd.f32 v7, v8  }
0x65: {  	v3 =	vand.u32 $0x3F, v3;
	v12 =	vunpack.i.u.bf16.f32 v6;
	v15 =	vunpack.i.l.bf16.f32 v6;
	v7 =	vld.idx.msk [tilespmem:v16+s23+$0x0], $0xffff  }
0x66: {  	v9 =	vor.u32 v0, v3;
	v18 =	vadd.f32 v10, v8;
	v6 =	vadd.s32 $0x1, v3;
	v10 =	vld.idx.msk [tilespmem:v16+s24+$0x0], $0xffff  }
.Ltmp0:
0x67: {  	v19 =	vmul.bf16 v14, v19;
	v6 =	vand.u32 $0x3F, v6;
	v20 =	vmul.bf16 v13, v11;
	v8 =	vld.idx.msk [tilespmem:v17+s23+$0x0], $0xffff;
	(pc) =	sbr.rel @p1 .LBB2_3-.Ltmp0, $4  }
0x68: {  	v5 =	vadd.f32 v4, v5;
	v6 =	vor.u32 v0, v6;
	v13 =	vadd.s32 $0x2, v3;
	v11 =	vld.idx.msk [tilespmem:v17+s24+$0x0], $0xffff  }
0x69: {  	v14 =	vunpack.i.l.bf16.f32 v19;
	v4 =	vand.u32 $0x3F, v13;
	v13 =	vadd.f32 v12, v18  }
0x6a: {  	v16 =	vadd.f32 v15, v5;
	v4 =	vor.u32 v0, v4;
	v12 =	vunpack.i.u.bf16.f32 v20  }
0x6b: {  	v18 =	vadd.s32 $0x3, v3;
	v17 =	vunpack.i.u.bf16.f32 v19;
	v15 =	vunpack.i.l.bf16.f32 v20;
	v5 =	vld.idx.msk [tilespmem:v9+s23+$0x0], $0xffff  }
0x6c: {  	_ =	sdelay $0x1  }
0x6d: {  	v18 =	vand.u32 $0x3F, v18  }
0x6e: {  	v19 =	vadd.s32 $0x4, v3;
	v7 =	vmul.bf16 v10, v7;
	v14 =	vadd.f32 v14, v16  }
0x6f: {  	v9 =	vld.idx.msk [tilespmem:v9+s24+$0x0], $0xffff;
	v13 =	vadd.f32 v17, v13;
	v17 =	vadd.s32 $0x5, v3;
	v16 =	vand.u32 $0x3F, v19  }
0x70: {  	v10 =	vor.u32 v0, v18;
	v8 =	vmul.bf16 v11, v8;
	v11 =	vor.u32 v0, v16  }
0x71: {  	v16 =	vld.idx.msk [tilespmem:v6+s23+$0x0], $0xffff;
	v14 =	vadd.f32 v15, v14;
	v12 =	vadd.f32 v12, v13;
	v13 =	vand.u32 $0x3F, v17  }
0x72: {  	v6 =	vld.idx.msk [tilespmem:v6+s24+$0x0], $0xffff;
	v15 =	vunpack.i.u.bf16.f32 v8;
	v8 =	vunpack.i.l.bf16.f32 v8;
	v13 =	vor.u32 v0, v13  }
0x73: {  	v17 =	vld.idx.msk [tilespmem:v4+s23+$0x0], $0xffff;
	v8 =	vadd.f32 v8, v14;
	v12 =	vadd.f32 v15, v12;
	v14 =	vadd.s32 $0x6, v3  }
0x74: {  	v4 =	vld.idx.msk [tilespmem:v4+s24+$0x0], $0xffff;
	v5 =	vmul.bf16 v9, v5;
	v9 =	vunpack.i.u.bf16.f32 v7;
	v7 =	vunpack.i.l.bf16.f32 v7  }
0x75: {  	v3 =	vadd.s32 $0x7, v3;
	v15 =	vld.idx.msk [tilespmem:v10+s24+$0x0], $0xffff;
	v7 =	vadd.f32 v7, v8;
	v8 =	vand.u32 $0x3F, v14  }
0x76: {  	v3 =	vand.u32 $0x3F, v3;
	v10 =	vld.idx.msk [tilespmem:v10+s23+$0x0], $0xffff;
	v9 =	vadd.f32 v9, v12;
	v8 =	vor.u32 v0, v8  }
0x77: {  	v14 =	vunpack.i.u.bf16.f32 v5;
	v5 =	vunpack.i.l.bf16.f32 v5;
	v12 =	vld.idx.msk [tilespmem:v11+s23+$0x0], $0xffff;
	v6 =	vmul.bf16 v6, v16  }
0x78: {  	v3 =	vor.u32 v0, v3;
	v5 =	vadd.f32 v5, v7;
	v7 =	vld.idx.msk [tilespmem:v11+s24+$0x0], $0xffff;
	v9 =	vadd.f32 v14, v9  }
0x79: {  	v4 =	vmul.bf16 v4, v17;
	v11 =	vld.idx.msk [tilespmem:v13+s23+$0x0], $0xffff;
	v14 =	vunpack.i.u.bf16.f32 v6;
	v6 =	vunpack.i.l.bf16.f32 v6  }
0x7a: {  	v13 =	vld.idx.msk [tilespmem:v13+s24+$0x0], $0xffff;
	v5 =	vadd.f32 v6, v5;
	v6 =	vadd.f32 v14, v9  }
0x7b: {  	v9 =	vunpack.i.u.bf16.f32 v4;
	v4 =	vunpack.i.l.bf16.f32 v4;
	v10 =	vmul.bf16 v15, v10;
	v14 =	vld.idx.msk [tilespmem:v8+s23+$0x0], $0xffff  }
0x7c: {  	v6 =	vadd.f32 v9, v6;
	v4 =	vadd.f32 v4, v5;
	v5 =	vld.idx.msk [tilespmem:v8+s24+$0x0], $0xffff  }
0x7d: {  	v8 =	vunpack.i.u.bf16.f32 v10;
	v9 =	vunpack.i.l.bf16.f32 v10;
	v10 =	vld.idx.msk [tilespmem:v3+s23+$0x0], $0xffff;
	v7 =	vmul.bf16 v7, v12  }
0x7e: {  	v3 =	vld.idx.msk [tilespmem:v3+s24+$0x0], $0xffff;
	v6 =	vadd.f32 v8, v6;
	v4 =	vadd.f32 v9, v4  }
0x7f: {  	v8 =	vmul.bf16 v13, v11;
	v9 =	vunpack.i.l.bf16.f32 v7;
	v7 =	vunpack.i.u.bf16.f32 v7  }
0x80: {  	v4 =	vadd.f32 v9, v4;
	v6 =	vadd.f32 v7, v6  }
0x81: {  	v7 =	vunpack.i.u.bf16.f32 v8;
	v8 =	vunpack.i.l.bf16.f32 v8;
	v5 =	vmul.bf16 v5, v14  }
0x82: {  	v4 =	vadd.f32 v8, v4;
	v6 =	vadd.f32 v7, v6  }
0x83: {  	v3 =	vmul.bf16 v3, v10;
	v7 =	vunpack.i.u.bf16.f32 v5;
	v5 =	vunpack.i.l.bf16.f32 v5  }
0x84: {  	v4 =	vadd.f32 v5, v4;
	v5 =	vadd.f32 v7, v6  }
0x85: {  	v6 =	vunpack.i.u.bf16.f32 v3;
	v3 =	vunpack.i.l.bf16.f32 v3  }
0x86: {  	v3 =	vadd.f32 v3, v4;
	v4 =	vadd.f32 v6, v5;
	_ =	sdelay $0x1  }
0x87: {  	v3 =	vadd.f32 v4, v3;
	_ =	sdelay $0x1  }
0x88: {  	v3 =	vsub.f32 $0.0e+00, v3;
	_ =	sdelay $0x1  }
0x89: {  	v3 =	vmul.f32 $1.442695020e+00, v3;
	_ =	sdelay $0x1  }
0x8a: {  	(erf) = vpow2.f32 v3;
	_ =	sdelay $0x8  }
0x8b: {  	v3 =	vpop (erf)  }
0x8c: {  	v3 =	vadd.f32 $1.000000000e+00, v3;
	_ =	sdelay $0x1  }
0x8d: {  	(erf) = vrcp.f32 v3;
	_ =	sdelay $0x8  }
0x8e: {  	v4 =	vlaneseq.u32;
	v3 =	vpop (erf)  }
0x8f: {  	v5 =	vor.u32 v1, v4;
	v6 =	vadd.s32 $0x1, v4;
	v3 =	vadd.f32 $1.000000010e-07, v3  }
0x90: {  	v6 =	vand.u32 $0x3F, v6  }
0x91: {  	v9 =	vadd.s32 $0x4, v4;
	v6 =	vor.u32 v1, v6;
	v3 =	vmul.f32 $9.999998210e-01, v3  }
0x92: {  	v7 =	vadd.s32 $0x2, v4;
	v9 =	vand.u32 $0x3F, v9  }
0x93: {  	v7 =	vand.u32 $0x3F, v7;
	v9 =	vor.u32 v1, v9;
	[tilespmem:s8+$0xED80] =	vst v3  }
0x94: {  	v8 =	vadd.s32 $0x3, v4;
	v3 =	vor.u32 v1, v7;
	v7 =	vld.idx.msk [tilespmem:v5+s23+$0x0], $0xffff  }
0x95: {  	v8 =	vand.u32 $0x3F, v8;
	v5 =	vld.idx.msk [tilespmem:v5+s24+$0x0], $0xffff  }
0x96: {  	v8 =	vor.u32 v1, v8;
	v10 =	vld.idx.msk [tilespmem:v6+s23+$0x0], $0xffff  }
0x97: {  	v6 =	vld.idx.msk [tilespmem:v6+s24+$0x0], $0xffff  }
0x98: {  	v17 =	vld.idx.msk [tilespmem:v9+s23+$0x0], $0xffff  }
0x99: {  	v11 =	vadd.s32 $0x5, v4;
	v12 =	vld.idx.msk [tilespmem:v3+s23+$0x0], $0xffff  }
0x9a: {  	v11 =	vand.u32 $0x3F, v11;
	v3 =	vld.idx.msk [tilespmem:v3+s24+$0x0], $0xffff  }
0x9b: {  	v11 =	vor.u32 v1, v11;
	v5 =	vmul.bf16 v5, v7;
	v7 =	vld.idx.msk [tilespmem:v8+s24+$0x0], $0xffff  }
0x9c: {  	v13 =	vimm.f32 $0.0e+00;
	v14 =	vadd.s32 $0x6, v4;
	v15 =	vadd.s32 $0x7, v4;
	v8 =	vld.idx.msk [tilespmem:v8+s23+$0x0], $0xffff  }
0x9d: {  	v14 =	vand.u32 $0x3F, v14;
	v6 =	vmul.bf16 v6, v10;
	v10 =	vld.idx.msk [tilespmem:v9+s24+$0x0], $0xffff;
	v9 =	vand.u32 $0x3F, v15  }
0x9e: {  	v18 =	vor.u32 v1, v14;
	v15 =	vor.u32 v1, v9;
	v16 =	vunpack.i.u.bf16.f32 v5  }
0x9f: {  	v5 =	vunpack.i.l.bf16.f32 v5;
	v9 =	vunpack.i.u.bf16.f32 v6;
	v3 =	vmul.bf16 v3, v12  }
0xa0: {  	v6 =	vunpack.i.l.bf16.f32 v6;
	v5 =	vadd.f32 v5, v13;
	v13 =	vadd.f32 v16, v13;
	v12 =	vld.idx.msk [tilespmem:v11+s23+$0x0], $0xffff  }
0xa1: {  	v11 =	vld.idx.msk [tilespmem:v11+s24+$0x0], $0xffff;
	v14 =	vunpack.i.u.bf16.f32 v3;
	v16 =	vunpack.i.l.bf16.f32 v3;
	v3 =	vmul.bf16 v7, v8  }
0xa2: {  	v4 =	vadd.s32 $0x8, v4;
	v5 =	vadd.f32 v6, v5;
	v6 =	vadd.f32 v9, v13  }
0xa3: {  	v13 =	vunpack.i.u.bf16.f32 v3;
	v19 =	vunpack.i.l.bf16.f32 v3;
	v3 =	vand.u32 $0x3F, v4  }
0xa4: {  	v17 =	vmul.bf16 v10, v17;
	v7 =	vld.idx.msk [tilespmem:v15+s23+$0x0], $0xffff;
	v9 =	vor.u32 v1, v3;
	v4 =	vadd.s32 $0x1, v3  }
0xa5: {  	v10 =	vld.idx.msk [tilespmem:v15+s24+$0x0], $0xffff;
	v14 =	vadd.f32 v14, v6;
	v5 =	vadd.f32 v16, v5;
	v4 =	vand.u32 $0x3F, v4  }
0xa6: {  	v8 =	vld.idx.msk [tilespmem:v18+s23+$0x0], $0xffff;
	v20 =	vmul.bf16 v11, v12;
	v6 =	vor.u32 v1, v4;
	v4 =	vadd.s32 $0x2, v3  }
0xa7: {  	v13 =	vadd.f32 v13, v14;
	v14 =	vunpack.i.l.bf16.f32 v17;
	v11 =	vld.idx.msk [tilespmem:v18+s24+$0x0], $0xffff;
	v4 =	vand.u32 $0x3F, v4  }
0xa8: {  	v16 =	vadd.f32 v19, v5;
	v18 =	vadd.s32 $0x3, v3;
	v4 =	vor.u32 v1, v4  }
0xa9: {  	s9 =	simm.s32 $0x6;
	v17 =	vunpack.i.u.bf16.f32 v17;
	v12 =	vunpack.i.u.bf16.f32 v20;
	v15 =	vunpack.i.l.bf16.f32 v20;
	v5 =	vld.idx.msk [tilespmem:v9+s23+$0x0], $0xffff  }
.LBB2_5:
0xaa: {  	p1 =	sne.s32 s9, $0x1;
	s9 =	sadd.s32 $0xFFFFFFFF, s9;
	v9 =	vld.idx.msk [tilespmem:v9+s24+$0x0], $0xffff;
	v18 =	vand.u32 $0x3F, v18;
	v19 =	vadd.s32 $0x4, v3;
	v7 =	vmul.bf16 v10, v7  }
0xab: {  	v14 =	vadd.f32 v14, v16;
	v13 =	vadd.f32 v17, v13;
	v10 =	vld.idx.msk [tilespmem:v6+s23+$0x0], $0xffff;
	v18 =	vor.u32 v1, v18  }
0xac: {  	v17 =	vadd.s32 $0x5, v3;
	v16 =	vand.u32 $0x3F, v19;
	v8 =	vmul.bf16 v11, v8;
	v6 =	vld.idx.msk [tilespmem:v6+s24+$0x0], $0xffff  }
0xad: {  	v16 =	vor.u32 v1, v16;
	v14 =	vadd.f32 v15, v14;
	v12 =	vadd.f32 v12, v13;
	v11 =	vld.idx.msk [tilespmem:v4+s23+$0x0], $0xffff  }
0xae: {  	v13 =	vand.u32 $0x3F, v17;
	v15 =	vunpack.i.u.bf16.f32 v8;
	v8 =	vunpack.i.l.bf16.f32 v8;
	v4 =	vld.idx.msk [tilespmem:v4+s24+$0x0], $0xffff  }
0xaf: {  	v13 =	vor.u32 v1, v13;
	v8 =	vadd.f32 v8, v14;
	v12 =	vadd.f32 v15, v12  }
0xb0: {  	v14 =	vunpack.i.u.bf16.f32 v7;
	v7 =	vunpack.i.l.bf16.f32 v7;
	v5 =	vmul.bf16 v9, v5;
	v9 =	vld.idx.msk [tilespmem:v18+s24+$0x0], $0xffff  }
0xb1: {  	v17 =	vadd.s32 $0x6, v3;
	v7 =	vadd.f32 v7, v8;
	v15 =	vld.idx.msk [tilespmem:v18+s23+$0x0], $0xffff;
	v18 =	vadd.s32 $0x7, v3  }
0xb2: {  	v12 =	vadd.f32 v14, v12;
	v8 =	vunpack.i.u.bf16.f32 v5;
	v5 =	vunpack.i.l.bf16.f32 v5;
	v19 =	vld.idx.msk [tilespmem:v16+s23+$0x0], $0xffff  }
0xb3: {  	v6 =	vmul.bf16 v6, v10;
	v5 =	vadd.f32 v5, v7;
	v7 =	vand.u32 $0x3F, v18;
	v14 =	vld.idx.msk [tilespmem:v16+s24+$0x0], $0xffff  }
0xb4: {  	v10 =	vand.u32 $0x3F, v17;
	v4 =	vmul.bf16 v4, v11;
	v16 =	vor.u32 v1, v7;
	v11 =	vld.idx.msk [tilespmem:v13+s23+$0x0], $0xffff  }
0xb5: {  	v17 =	vor.u32 v1, v10;
	v7 =	vunpack.i.u.bf16.f32 v6;
	v6 =	vunpack.i.l.bf16.f32 v6;
	v13 =	vld.idx.msk [tilespmem:v13+s24+$0x0], $0xffff  }
0xb6: {  	v8 =	vadd.f32 v8, v12;
	v10 =	vunpack.i.u.bf16.f32 v4;
	v4 =	vunpack.i.l.bf16.f32 v4  }
0xb7: {  	v5 =	vadd.f32 v6, v5;
	v6 =	vmul.bf16 v9, v15  }
0xb8: {  	v3 =	vadd.s32 $0x8, v3;
	v8 =	vadd.f32 v7, v8  }
0xb9: {  	v3 =	vand.u32 $0x3F, v3;
	v12 =	vunpack.i.u.bf16.f32 v6;
	v15 =	vunpack.i.l.bf16.f32 v6;
	v7 =	vld.idx.msk [tilespmem:v16+s23+$0x0], $0xffff  }
0xba: {  	v9 =	vor.u32 v1, v3;
	v18 =	vadd.f32 v10, v8;
	v6 =	vadd.s32 $0x1, v3;
	v10 =	vld.idx.msk [tilespmem:v16+s24+$0x0], $0xffff  }
.Ltmp1:
0xbb: {  	v19 =	vmul.bf16 v14, v19;
	v6 =	vand.u32 $0x3F, v6;
	v20 =	vmul.bf16 v13, v11;
	v8 =	vld.idx.msk [tilespmem:v17+s23+$0x0], $0xffff;
	(pc) =	sbr.rel @p1 .LBB2_5-.Ltmp1, $4  }
0xbc: {  	v5 =	vadd.f32 v4, v5;
	v6 =	vor.u32 v1, v6;
	v13 =	vadd.s32 $0x2, v3;
	v11 =	vld.idx.msk [tilespmem:v17+s24+$0x0], $0xffff  }
0xbd: {  	v14 =	vunpack.i.l.bf16.f32 v19;
	v4 =	vand.u32 $0x3F, v13;
	v13 =	vadd.f32 v12, v18  }
0xbe: {  	v16 =	vadd.f32 v15, v5;
	v4 =	vor.u32 v1, v4;
	v12 =	vunpack.i.u.bf16.f32 v20  }
0xbf: {  	v18 =	vadd.s32 $0x3, v3;
	v17 =	vunpack.i.u.bf16.f32 v19;
	v15 =	vunpack.i.l.bf16.f32 v20;
	v5 =	vld.idx.msk [tilespmem:v9+s23+$0x0], $0xffff  }
0xc0: {  	_ =	sdelay $0x1  }
0xc1: {  	v18 =	vand.u32 $0x3F, v18  }
0xc2: {  	v19 =	vadd.s32 $0x4, v3;
	v7 =	vmul.bf16 v10, v7;
	v14 =	vadd.f32 v14, v16  }
0xc3: {  	v9 =	vld.idx.msk [tilespmem:v9+s24+$0x0], $0xffff;
	v13 =	vadd.f32 v17, v13;
	v17 =	vadd.s32 $0x5, v3;
	v16 =	vand.u32 $0x3F, v19  }
0xc4: {  	v10 =	vor.u32 v1, v18;
	v8 =	vmul.bf16 v11, v8;
	v11 =	vor.u32 v1, v16  }
0xc5: {  	v16 =	vld.idx.msk [tilespmem:v6+s23+$0x0], $0xffff;
	v14 =	vadd.f32 v15, v14;
	v12 =	vadd.f32 v12, v13;
	v13 =	vand.u32 $0x3F, v17  }
0xc6: {  	v6 =	vld.idx.msk [tilespmem:v6+s24+$0x0], $0xffff;
	v15 =	vunpack.i.u.bf16.f32 v8;
	v8 =	vunpack.i.l.bf16.f32 v8;
	v13 =	vor.u32 v1, v13  }
0xc7: {  	v17 =	vld.idx.msk [tilespmem:v4+s23+$0x0], $0xffff;
	v8 =	vadd.f32 v8, v14;
	v12 =	vadd.f32 v15, v12;
	v14 =	vadd.s32 $0x6, v3  }
0xc8: {  	v4 =	vld.idx.msk [tilespmem:v4+s24+$0x0], $0xffff;
	v5 =	vmul.bf16 v9, v5;
	v9 =	vunpack.i.u.bf16.f32 v7;
	v7 =	vunpack.i.l.bf16.f32 v7  }
0xc9: {  	v3 =	vadd.s32 $0x7, v3;
	v15 =	vld.idx.msk [tilespmem:v10+s24+$0x0], $0xffff;
	v7 =	vadd.f32 v7, v8;
	v8 =	vand.u32 $0x3F, v14  }
0xca: {  	v3 =	vand.u32 $0x3F, v3;
	v10 =	vld.idx.msk [tilespmem:v10+s23+$0x0], $0xffff;
	v9 =	vadd.f32 v9, v12;
	v8 =	vor.u32 v1, v8  }
0xcb: {  	v14 =	vunpack.i.u.bf16.f32 v5;
	v5 =	vunpack.i.l.bf16.f32 v5;
	v12 =	vld.idx.msk [tilespmem:v11+s23+$0x0], $0xffff;
	v6 =	vmul.bf16 v6, v16  }
0xcc: {  	v3 =	vor.u32 v1, v3;
	v5 =	vadd.f32 v5, v7;
	v7 =	vld.idx.msk [tilespmem:v11+s24+$0x0], $0xffff;
	v9 =	vadd.f32 v14, v9  }
0xcd: {  	v4 =	vmul.bf16 v4, v17;
	v11 =	vld.idx.msk [tilespmem:v13+s23+$0x0], $0xffff;
	v14 =	vunpack.i.u.bf16.f32 v6;
	v6 =	vunpack.i.l.bf16.f32 v6  }
0xce: {  	v13 =	vld.idx.msk [tilespmem:v13+s24+$0x0], $0xffff;
	v5 =	vadd.f32 v6, v5;
	v6 =	vadd.f32 v14, v9  }
0xcf: {  	v9 =	vunpack.i.u.bf16.f32 v4;
	v4 =	vunpack.i.l.bf16.f32 v4;
	v10 =	vmul.bf16 v15, v10;
	v14 =	vld.idx.msk [tilespmem:v8+s23+$0x0], $0xffff  }
0xd0: {  	v6 =	vadd.f32 v9, v6;
	v4 =	vadd.f32 v4, v5;
	v5 =	vld.idx.msk [tilespmem:v8+s24+$0x0], $0xffff  }
0xd1: {  	v8 =	vunpack.i.u.bf16.f32 v10;
	v9 =	vunpack.i.l.bf16.f32 v10;
	v10 =	vld.idx.msk [tilespmem:v3+s23+$0x0], $0xffff;
	v7 =	vmul.bf16 v7, v12  }
0xd2: {  	v3 =	vld.idx.msk [tilespmem:v3+s24+$0x0], $0xffff;
	v6 =	vadd.f32 v8, v6;
	v4 =	vadd.f32 v9, v4  }
0xd3: {  	v8 =	vmul.bf16 v13, v11;
	v9 =	vunpack.i.l.bf16.f32 v7;
	v7 =	vunpack.i.u.bf16.f32 v7  }
0xd4: {  	v4 =	vadd.f32 v9, v4;
	v6 =	vadd.f32 v7, v6  }
0xd5: {  	v7 =	vunpack.i.u.bf16.f32 v8;
	v8 =	vunpack.i.l.bf16.f32 v8;
	v5 =	vmul.bf16 v5, v14  }
0xd6: {  	v4 =	vadd.f32 v8, v4;
	v6 =	vadd.f32 v7, v6  }
0xd7: {  	v3 =	vmul.bf16 v3, v10;
	v7 =	vunpack.i.u.bf16.f32 v5;
	v5 =	vunpack.i.l.bf16.f32 v5  }
0xd8: {  	v4 =	vadd.f32 v5, v4;
	v5 =	vadd.f32 v7, v6  }
0xd9: {  	v6 =	vunpack.i.u.bf16.f32 v3;
	v3 =	vunpack.i.l.bf16.f32 v3  }
0xda: {  	v3 =	vadd.f32 v3, v4;
	v4 =	vadd.f32 v6, v5;
	_ =	sdelay $0x1  }
0xdb: {  	v3 =	vadd.f32 v4, v3;
	_ =	sdelay $0x1  }
0xdc: {  	v3 =	vsub.f32 $0.0e+00, v3;
	_ =	sdelay $0x1  }
0xdd: {  	v3 =	vmul.f32 $1.442695020e+00, v3;
	_ =	sdelay $0x1  }
0xde: {  	(erf) = vpow2.f32 v3;
	_ =	sdelay $0x8  }
0xdf: {  	v3 =	vpop (erf)  }
0xe0: {  	v3 =	vadd.f32 $1.000000000e+00, v3;
	_ =	sdelay $0x1  }
0xe1: {  	(erf) = vrcp.f32 v3;
	_ =	sdelay $0x8  }
0xe2: {  	v4 =	vlaneseq.u32;
	v3 =	vpop (erf)  }
0xe3: {  	v5 =	vor.u32 v2, v4;
	v6 =	vadd.s32 $0x1, v4;
	v3 =	vadd.f32 $1.000000010e-07, v3  }
0xe4: {  	v6 =	vand.u32 $0x3F, v6  }
0xe5: {  	v9 =	vadd.s32 $0x4, v4;
	v6 =	vor.u32 v2, v6;
	v3 =	vmul.f32 $9.999998210e-01, v3  }
0xe6: {  	v7 =	vadd.s32 $0x2, v4;
	v9 =	vand.u32 $0x3F, v9  }
0xe7: {  	v7 =	vand.u32 $0x3F, v7;
	v9 =	vor.u32 v2, v9;
	[tilespmem:s8+$0xED90] =	vst v3  }
0xe8: {  	v8 =	vadd.s32 $0x3, v4;
	v3 =	vor.u32 v2, v7;
	v7 =	vld.idx.msk [tilespmem:v5+s23+$0x0], $0xffff  }
0xe9: {  	v8 =	vand.u32 $0x3F, v8;
	v5 =	vld.idx.msk [tilespmem:v5+s24+$0x0], $0xffff  }
0xea: {  	v8 =	vor.u32 v2, v8;
	v10 =	vld.idx.msk [tilespmem:v6+s23+$0x0], $0xffff  }
0xeb: {  	v6 =	vld.idx.msk [tilespmem:v6+s24+$0x0], $0xffff  }
0xec: {  	v17 =	vld.idx.msk [tilespmem:v9+s23+$0x0], $0xffff  }
0xed: {  	v11 =	vadd.s32 $0x5, v4;
	v12 =	vld.idx.msk [tilespmem:v3+s23+$0x0], $0xffff  }
0xee: {  	v11 =	vand.u32 $0x3F, v11;
	v3 =	vld.idx.msk [tilespmem:v3+s24+$0x0], $0xffff  }
0xef: {  	v11 =	vor.u32 v2, v11;
	v5 =	vmul.bf16 v5, v7;
	v7 =	vld.idx.msk [tilespmem:v8+s24+$0x0], $0xffff  }
0xf0: {  	v13 =	vimm.f32 $0.0e+00;
	v14 =	vadd.s32 $0x6, v4;
	v15 =	vadd.s32 $0x7, v4;
	v8 =	vld.idx.msk [tilespmem:v8+s23+$0x0], $0xffff  }
0xf1: {  	v14 =	vand.u32 $0x3F, v14;
	v6 =	vmul.bf16 v6, v10;
	v10 =	vld.idx.msk [tilespmem:v9+s24+$0x0], $0xffff;
	v9 =	vand.u32 $0x3F, v15  }
0xf2: {  	v18 =	vor.u32 v2, v14;
	v15 =	vor.u32 v2, v9;
	v16 =	vunpack.i.u.bf16.f32 v5  }
0xf3: {  	v5 =	vunpack.i.l.bf16.f32 v5;
	v9 =	vunpack.i.u.bf16.f32 v6;
	v3 =	vmul.bf16 v3, v12  }
0xf4: {  	v6 =	vunpack.i.l.bf16.f32 v6;
	v5 =	vadd.f32 v5, v13;
	v13 =	vadd.f32 v16, v13;
	v12 =	vld.idx.msk [tilespmem:v11+s23+$0x0], $0xffff  }
0xf5: {  	v11 =	vld.idx.msk [tilespmem:v11+s24+$0x0], $0xffff;
	v14 =	vunpack.i.u.bf16.f32 v3;
	v16 =	vunpack.i.l.bf16.f32 v3;
	v3 =	vmul.bf16 v7, v8  }
0xf6: {  	v4 =	vadd.s32 $0x8, v4;
	v5 =	vadd.f32 v6, v5;
	v6 =	vadd.f32 v9, v13  }
0xf7: {  	v13 =	vunpack.i.u.bf16.f32 v3;
	v19 =	vunpack.i.l.bf16.f32 v3;
	v3 =	vand.u32 $0x3F, v4  }
0xf8: {  	v17 =	vmul.bf16 v10, v17;
	v7 =	vld.idx.msk [tilespmem:v15+s23+$0x0], $0xffff;
	v9 =	vor.u32 v2, v3;
	v4 =	vadd.s32 $0x1, v3  }
0xf9: {  	v10 =	vld.idx.msk [tilespmem:v15+s24+$0x0], $0xffff;
	v14 =	vadd.f32 v14, v6;
	v5 =	vadd.f32 v16, v5;
	v4 =	vand.u32 $0x3F, v4  }
0xfa: {  	v8 =	vld.idx.msk [tilespmem:v18+s23+$0x0], $0xffff;
	v20 =	vmul.bf16 v11, v12;
	v6 =	vor.u32 v2, v4;
	v4 =	vadd.s32 $0x2, v3  }
0xfb: {  	v13 =	vadd.f32 v13, v14;
	v14 =	vunpack.i.l.bf16.f32 v17;
	v11 =	vld.idx.msk [tilespmem:v18+s24+$0x0], $0xffff;
	v4 =	vand.u32 $0x3F, v4  }
0xfc: {  	v16 =	vadd.f32 v19, v5;
	v18 =	vadd.s32 $0x3, v3;
	v4 =	vor.u32 v2, v4  }
0xfd: {  	s9 =	simm.s32 $0x6;
	v17 =	vunpack.i.u.bf16.f32 v17;
	v12 =	vunpack.i.u.bf16.f32 v20;
	v15 =	vunpack.i.l.bf16.f32 v20;
	v5 =	vld.idx.msk [tilespmem:v9+s23+$0x0], $0xffff  }
.LBB2_7:
0xfe: {  	p1 =	sne.s32 s9, $0x1;
	s9 =	sadd.s32 $0xFFFFFFFF, s9;
	v9 =	vld.idx.msk [tilespmem:v9+s24+$0x0], $0xffff;
	v18 =	vand.u32 $0x3F, v18;
	v19 =	vadd.s32 $0x4, v3;
	v7 =	vmul.bf16 v10, v7  }
0xff: {  	v14 =	vadd.f32 v14, v16;
	v13 =	vadd.f32 v17, v13;
	v10 =	vld.idx.msk [tilespmem:v6+s23+$0x0], $0xffff;
	v18 =	vor.u32 v2, v18  }
0x100: {  	v17 =	vadd.s32 $0x5, v3;
	v16 =	vand.u32 $0x3F, v19;
	v8 =	vmul.bf16 v11, v8;
	v6 =	vld.idx.msk [tilespmem:v6+s24+$0x0], $0xffff  }
0x101: {  	v16 =	vor.u32 v2, v16;
	v14 =	vadd.f32 v15, v14;
	v12 =	vadd.f32 v12, v13;
	v11 =	vld.idx.msk [tilespmem:v4+s23+$0x0], $0xffff  }
0x102: {  	v13 =	vand.u32 $0x3F, v17;
	v15 =	vunpack.i.u.bf16.f32 v8;
	v8 =	vunpack.i.l.bf16.f32 v8;
	v4 =	vld.idx.msk [tilespmem:v4+s24+$0x0], $0xffff  }
0x103: {  	v13 =	vor.u32 v2, v13;
	v8 =	vadd.f32 v8, v14;
	v12 =	vadd.f32 v15, v12  }
0x104: {  	v14 =	vunpack.i.u.bf16.f32 v7;
	v7 =	vunpack.i.l.bf16.f32 v7;
	v5 =	vmul.bf16 v9, v5;
	v9 =	vld.idx.msk [tilespmem:v18+s24+$0x0], $0xffff  }
0x105: {  	v17 =	vadd.s32 $0x6, v3;
	v7 =	vadd.f32 v7, v8;
	v15 =	vld.idx.msk [tilespmem:v18+s23+$0x0], $0xffff;
	v18 =	vadd.s32 $0x7, v3  }
0x106: {  	v12 =	vadd.f32 v14, v12;
	v8 =	vunpack.i.u.bf16.f32 v5;
	v5 =	vunpack.i.l.bf16.f32 v5;
	v19 =	vld.idx.msk [tilespmem:v16+s23+$0x0], $0xffff  }
0x107: {  	v6 =	vmul.bf16 v6, v10;
	v5 =	vadd.f32 v5, v7;
	v7 =	vand.u32 $0x3F, v18;
	v14 =	vld.idx.msk [tilespmem:v16+s24+$0x0], $0xffff  }
0x108: {  	v10 =	vand.u32 $0x3F, v17;
	v4 =	vmul.bf16 v4, v11;
	v16 =	vor.u32 v2, v7;
	v11 =	vld.idx.msk [tilespmem:v13+s23+$0x0], $0xffff  }
0x109: {  	v17 =	vor.u32 v2, v10;
	v7 =	vunpack.i.u.bf16.f32 v6;
	v6 =	vunpack.i.l.bf16.f32 v6;
	v13 =	vld.idx.msk [tilespmem:v13+s24+$0x0], $0xffff  }
0x10a: {  	v8 =	vadd.f32 v8, v12;
	v10 =	vunpack.i.u.bf16.f32 v4;
	v4 =	vunpack.i.l.bf16.f32 v4  }
0x10b: {  	v5 =	vadd.f32 v6, v5;
	v6 =	vmul.bf16 v9, v15  }
0x10c: {  	v3 =	vadd.s32 $0x8, v3;
	v8 =	vadd.f32 v7, v8  }
0x10d: {  	v3 =	vand.u32 $0x3F, v3;
	v12 =	vunpack.i.u.bf16.f32 v6;
	v15 =	vunpack.i.l.bf16.f32 v6;
	v7 =	vld.idx.msk [tilespmem:v16+s23+$0x0], $0xffff  }
0x10e: {  	v9 =	vor.u32 v2, v3;
	v18 =	vadd.f32 v10, v8;
	v6 =	vadd.s32 $0x1, v3;
	v10 =	vld.idx.msk [tilespmem:v16+s24+$0x0], $0xffff  }
.Ltmp2:
0x10f: {  	v19 =	vmul.bf16 v14, v19;
	v6 =	vand.u32 $0x3F, v6;
	v20 =	vmul.bf16 v13, v11;
	v8 =	vld.idx.msk [tilespmem:v17+s23+$0x0], $0xffff;
	(pc) =	sbr.rel @p1 .LBB2_7-.Ltmp2, $4  }
0x110: {  	v5 =	vadd.f32 v4, v5;
	v6 =	vor.u32 v2, v6;
	v13 =	vadd.s32 $0x2, v3;
	v11 =	vld.idx.msk [tilespmem:v17+s24+$0x0], $0xffff  }
0x111: {  	v14 =	vunpack.i.l.bf16.f32 v19;
	v4 =	vand.u32 $0x3F, v13;
	v13 =	vadd.f32 v12, v18  }
0x112: {  	v16 =	vadd.f32 v15, v5;
	v4 =	vor.u32 v2, v4;
	v12 =	vunpack.i.u.bf16.f32 v20  }
0x113: {  	v18 =	vadd.s32 $0x3, v3;
	v17 =	vunpack.i.u.bf16.f32 v19;
	v15 =	vunpack.i.l.bf16.f32 v20;
	v5 =	vld.idx.msk [tilespmem:v9+s23+$0x0], $0xffff  }
0x114: {  	_ =	sdelay $0x1  }
0x115: {  	v18 =	vand.u32 $0x3F, v18  }
0x116: {  	v19 =	vadd.s32 $0x4, v3;
	v7 =	vmul.bf16 v10, v7;
	v14 =	vadd.f32 v14, v16  }
0x117: {  	v9 =	vld.idx.msk [tilespmem:v9+s24+$0x0], $0xffff;
	v13 =	vadd.f32 v17, v13;
	v17 =	vadd.s32 $0x5, v3;
	v16 =	vand.u32 $0x3F, v19  }
0x118: {  	v10 =	vor.u32 v2, v18;
	v8 =	vmul.bf16 v11, v8;
	v11 =	vor.u32 v2, v16  }
0x119: {  	v16 =	vld.idx.msk [tilespmem:v6+s23+$0x0], $0xffff;
	v14 =	vadd.f32 v15, v14;
	v12 =	vadd.f32 v12, v13;
	v13 =	vand.u32 $0x3F, v17  }
0x11a: {  	v6 =	vld.idx.msk [tilespmem:v6+s24+$0x0], $0xffff;
	v15 =	vunpack.i.u.bf16.f32 v8;
	v8 =	vunpack.i.l.bf16.f32 v8;
	v13 =	vor.u32 v2, v13  }
0x11b: {  	v17 =	vld.idx.msk [tilespmem:v4+s23+$0x0], $0xffff;
	v8 =	vadd.f32 v8, v14;
	v12 =	vadd.f32 v15, v12;
	v14 =	vadd.s32 $0x6, v3  }
0x11c: {  	v4 =	vld.idx.msk [tilespmem:v4+s24+$0x0], $0xffff;
	v5 =	vmul.bf16 v9, v5;
	v9 =	vunpack.i.u.bf16.f32 v7;
	v7 =	vunpack.i.l.bf16.f32 v7  }
0x11d: {  	v3 =	vadd.s32 $0x7, v3;
	v15 =	vld.idx.msk [tilespmem:v10+s24+$0x0], $0xffff;
	v7 =	vadd.f32 v7, v8;
	v8 =	vand.u32 $0x3F, v14  }
0x11e: {  	v3 =	vand.u32 $0x3F, v3;
	v10 =	vld.idx.msk [tilespmem:v10+s23+$0x0], $0xffff;
	v9 =	vadd.f32 v9, v12;
	v8 =	vor.u32 v2, v8  }
0x11f: {  	v14 =	vunpack.i.u.bf16.f32 v5;
	v5 =	vunpack.i.l.bf16.f32 v5;
	v12 =	vld.idx.msk [tilespmem:v11+s23+$0x0], $0xffff;
	v6 =	vmul.bf16 v6, v16  }
0x120: {  	v3 =	vor.u32 v2, v3;
	v5 =	vadd.f32 v5, v7;
	v7 =	vld.idx.msk [tilespmem:v11+s24+$0x0], $0xffff;
	v9 =	vadd.f32 v14, v9  }
0x121: {  	v4 =	vmul.bf16 v4, v17;
	v11 =	vld.idx.msk [tilespmem:v13+s23+$0x0], $0xffff;
	v14 =	vunpack.i.u.bf16.f32 v6;
	v6 =	vunpack.i.l.bf16.f32 v6  }
0x122: {  	v13 =	vld.idx.msk [tilespmem:v13+s24+$0x0], $0xffff;
	v5 =	vadd.f32 v6, v5;
	v6 =	vadd.f32 v14, v9  }
0x123: {  	v9 =	vunpack.i.u.bf16.f32 v4;
	v4 =	vunpack.i.l.bf16.f32 v4;
	v10 =	vmul.bf16 v15, v10;
	v14 =	vld.idx.msk [tilespmem:v8+s23+$0x0], $0xffff  }
0x124: {  	v6 =	vadd.f32 v9, v6;
	v4 =	vadd.f32 v4, v5;
	v5 =	vld.idx.msk [tilespmem:v8+s24+$0x0], $0xffff  }
0x125: {  	v8 =	vunpack.i.u.bf16.f32 v10;
	v9 =	vunpack.i.l.bf16.f32 v10;
	v10 =	vld.idx.msk [tilespmem:v3+s23+$0x0], $0xffff;
	v7 =	vmul.bf16 v7, v12  }
0x126: {  	v3 =	vld.idx.msk [tilespmem:v3+s24+$0x0], $0xffff;
	v6 =	vadd.f32 v8, v6;
	v4 =	vadd.f32 v9, v4  }
0x127: {  	v8 =	vmul.bf16 v13, v11;
	v9 =	vunpack.i.l.bf16.f32 v7;
	v7 =	vunpack.i.u.bf16.f32 v7  }
0x128: {  	v4 =	vadd.f32 v9, v4;
	v6 =	vadd.f32 v7, v6  }
0x129: {  	v7 =	vunpack.i.u.bf16.f32 v8;
	v8 =	vunpack.i.l.bf16.f32 v8;
	v5 =	vmul.bf16 v5, v14  }
0x12a: {  	v4 =	vadd.f32 v8, v4;
	v6 =	vadd.f32 v7, v6  }
0x12b: {  	v3 =	vmul.bf16 v3, v10;
	v7 =	vunpack.i.u.bf16.f32 v5;
	v5 =	vunpack.i.l.bf16.f32 v5  }
0x12c: {  	v4 =	vadd.f32 v5, v4;
	v5 =	vadd.f32 v7, v6  }
0x12d: {  	v6 =	vunpack.i.u.bf16.f32 v3;
	v3 =	vunpack.i.l.bf16.f32 v3  }
0x12e: {  	v3 =	vadd.f32 v3, v4;
	v4 =	vadd.f32 v6, v5;
	_ =	sdelay $0x1  }
0x12f: {  	v3 =	vadd.f32 v4, v3;
	_ =	sdelay $0x1  }
0x130: {  	v3 =	vsub.f32 $0.0e+00, v3;
	_ =	sdelay $0x1  }
0x131: {  	v3 =	vmul.f32 $1.442695020e+00, v3;
	_ =	sdelay $0x1  }
0x132: {  	(erf) = vpow2.f32 v3;
	_ =	sdelay $0x8  }
0x133: {  	v3 =	vpop (erf)  }
0x134: {  	v3 =	vadd.f32 $1.000000000e+00, v3;
	_ =	sdelay $0x1  }
0x135: {  	(erf) = vrcp.f32 v3;
	_ =	sdelay $0x6  }
0x136: {  	v4 =	vlaneseq.u32  }
0x137: {  	v3 =	vadd.s32 $0x2, v4  }
0x138: {  	v6 =	vadd.s32 $0x3, v4;
	v7 =	vand.u32 $0x3F, v3;
	v3 =	vor.u32 $0xC00, v0;
	v5 =	vpop (erf)  }
0x139: {  	v6 =	vand.u32 $0x3F, v6;
	v7 =	vor.u32 v3, v7;
	v5 =	vadd.f32 $1.000000010e-07, v5  }
0x13a: {  	v6 =	vor.u32 v3, v6  }
0x13b: {  	v5 =	vmul.f32 $9.999998210e-01, v5  }
0x13c: {  	v10 =	vor.u32 v3, v4  }
0x13d: {  	v8 =	vadd.s32 $0x4, v4;
	[tilespmem:s8+$0xEDA0] =	vst v5  }
0x13e: {  	v9 =	vadd.s32 $0x1, v4;
	v8 =	vand.u32 $0x3F, v8;
	v17 =	vld.idx.msk [tilespmem:v7+s23+$0x0], $0xffff  }
0x13f: {  	v13 =	vadd.s32 $0x7, v4;
	v8 =	vor.u32 v3, v8;
	v5 =	vand.u32 $0x3F, v9;
	v11 =	vld.idx.msk [tilespmem:v6+s24+$0x0], $0xffff  }
0x140: {  	v13 =	vand.u32 $0x3F, v13;
	v9 =	vor.u32 v3, v5;
	v12 =	vld.idx.msk [tilespmem:v6+s23+$0x0], $0xffff  }
0x141: {  	v16 =	vimm.f32 $0.0e+00;
	v23 =	vor.u32 v3, v13;
	v5 =	vadd.s32 $0x5, v4;
	v14 =	vld.idx.msk [tilespmem:v10+s24+$0x0], $0xffff  }
0x142: {  	v6 =	vadd.s32 $0x8, v4;
	v4 =	vadd.s32 $0x6, v4;
	v19 =	vld.idx.msk [tilespmem:v10+s23+$0x0], $0xffff;
	v5 =	vand.u32 $0x3F, v5  }
0x143: {  	v7 =	vld.idx.msk [tilespmem:v7+s24+$0x0], $0xffff;
	v6 =	vand.u32 $0x3F, v6;
	v4 =	vand.u32 $0x3F, v4;
	v15 =	vor.u32 v3, v5  }
0x144: {  	v5 =	vld.idx.msk [tilespmem:v8+s24+$0x0], $0xffff;
	v18 =	vadd.s32 $0x7, v6;
	v22 =	vor.u32 v3, v4;
	v24 =	vadd.s32 $0x4, v6  }
0x145: {  	v10 =	vadd.s32 $0x3, v6;
	v13 =	vadd.s32 $0x1, v6;
	v21 =	vadd.s32 $0x2, v6;
	v20 =	vld.idx.msk [tilespmem:v9+s24+$0x0], $0xffff  }
0x146: {  	v26 =	vadd.s32 $0x5, v6;
	v4 =	vand.u32 $0x3F, v18;
	v18 =	vand.u32 $0x3F, v10;
	v9 =	vld.idx.msk [tilespmem:v9+s23+$0x0], $0xffff  }
0x147: {  	v25 =	vand.u32 $0x3F, v13;
	v27 =	vand.u32 $0x3F, v21;
	v26 =	vand.u32 $0x3F, v26;
	v21 =	vld.idx.msk [tilespmem:v8+s23+$0x0], $0xffff  }
0x148: {  	v18 =	vor.u32 v3, v18;
	v11 =	vmul.bf16 v11, v12;
	v12 =	vadd.s32 $0x6, v6;
	v10 =	vld.idx.msk [tilespmem:v15+s24+$0x0], $0xffff  }
0x149: {  	v8 =	vmul.bf16 v14, v19;
	v30 =	vand.u32 $0x3F, v12;
	v12 =	vor.u32 v3, v27;
	v19 =	vld.idx.msk [tilespmem:v22+s24+$0x0], $0xffff  }
0x14a: {  	v14 =	vor.u32 v3, v25;
	v31 =	vmul.bf16 v7, v17;
	v17 =	vor.u32 v3, v26;
	v22 =	vld.idx.msk [tilespmem:v22+s23+$0x0], $0xffff  }
0x14b: {  	v13 =	vld.idx.msk [tilespmem:v15+s23+$0x0], $0xffff;
	v15 =	vor.u32 v3, v6;
	v27 =	vmul.bf16 v20, v9;
	v9 =	vand.u32 $0x3F, v24  }
0x14c: {  	v28 =	vunpack.i.u.bf16.f32 v8;
	v29 =	vunpack.i.l.bf16.f32 v8;
	v20 =	vld.idx.msk [tilespmem:v23+s24+$0x0], $0xffff;
	v9 =	vor.u32 v3, v9  }
0x14d: {  	v7 =	vor.u32 v3, v30;
	v26 =	vunpack.i.l.bf16.f32 v31;
	v28 =	vadd.f32 v28, v16;
	v23 =	vld.idx.msk [tilespmem:v23+s23+$0x0], $0xffff  }
0x14e: {  	s9 =	simm.s32 $0x6;
	v8 =	vld.idx.msk [tilespmem:v12+s23+$0x0], $0xffff;
	v25 =	vunpack.i.u.bf16.f32 v27;
	v24 =	vunpack.i.l.bf16.f32 v27;
	v27 =	vunpack.i.u.bf16.f32 v31  }
.LBB2_9:
0x14f: {  	p1 =	sne.s32 s9, $0x1;
	s9 =	sadd.s32 $0xFFFFFFFF, s9;
	v30 =	vld.idx.msk [tilespmem:v18+s24+$0x0], $0xffff;
	v16 =	vadd.f32 v29, v16;
	v21 =	vmul.bf16 v5, v21;
	v19 =	vmul.bf16 v19, v22  }
0x150: {  	v25 =	vadd.f32 v25, v28;
	v28 =	vunpack.i.u.bf16.f32 v11;
	v13 =	vmul.bf16 v10, v13;
	v22 =	vld.idx.msk [tilespmem:v15+s24+$0x0], $0xffff  }
0x151: {  	v29 =	vor.u32 v3, v4;
	v5 =	vld.idx.msk [tilespmem:v9+s24+$0x0], $0xffff;
	v4 =	vadd.f32 v24, v16;
	v16 =	vunpack.i.l.bf16.f32 v21  }
0x152: {  	v24 =	vadd.f32 v27, v25;
	v21 =	vunpack.i.u.bf16.f32 v21;
	v20 =	vmul.bf16 v20, v23;
	v18 =	vld.idx.msk [tilespmem:v18+s23+$0x0], $0xffff  }
0x153: {  	v23 =	vunpack.i.l.bf16.f32 v13;
	v10 =	vld.idx.msk [tilespmem:v17+s24+$0x0], $0xffff;
	v4 =	vadd.f32 v26, v4  }
0x154: {  	v11 =	vunpack.i.l.bf16.f32 v11;
	v24 =	vadd.f32 v28, v24;
	v26 =	vunpack.i.u.bf16.f32 v13;
	v25 =	vld.idx.msk [tilespmem:v14+s24+$0x0], $0xffff  }
0x155: {  	v6 =	vadd.s32 $0x8, v6;
	v13 =	vld.idx.msk [tilespmem:v17+s23+$0x0], $0xffff;
	v4 =	vadd.f32 v11, v4;
	v17 =	vunpack.i.l.bf16.f32 v19  }
0x156: {  	v6 =	vand.u32 $0x3F, v6;
	v19 =	vunpack.i.u.bf16.f32 v19;
	v27 =	vld.idx.msk [tilespmem:v15+s23+$0x0], $0xffff;
	v15 =	vadd.f32 v21, v24  }
0x157: {  	v11 =	vadd.s32 $0x7, v6;
	v24 =	vld.idx.msk [tilespmem:v14+s23+$0x0], $0xffff;
	v14 =	vadd.f32 v16, v4;
	v16 =	vunpack.i.l.bf16.f32 v20  }
0x158: {  	v4 =	vand.u32 $0x3F, v11;
	v11 =	vmul.bf16 v30, v18;
	v28 =	vld.idx.msk [tilespmem:v12+s24+$0x0], $0xffff;
	v12 =	vadd.f32 v26, v15  }
0x159: {  	v26 =	vadd.s32 $0x4, v6;
	v15 =	vunpack.i.u.bf16.f32 v20;
	v14 =	vadd.f32 v23, v14  }
0x15a: {  	v18 =	vadd.s32 $0x3, v6;
	v20 =	vadd.s32 $0x6, v6;
	v12 =	vadd.f32 v19, v12  }
0x15b: {  	v18 =	vand.u32 $0x3F, v18;
	v19 =	vadd.s32 $0x1, v6;
	v14 =	vadd.f32 v17, v14  }
0x15c: {  	v17 =	vand.u32 $0x3F, v19;
	v19 =	vadd.s32 $0x2, v6;
	v30 =	vadd.f32 v15, v12  }
0x15d: {  	v12 =	vand.u32 $0x3F, v19;
	v15 =	vadd.s32 $0x5, v6;
	v21 =	vld.idx.msk [tilespmem:v9+s23+$0x0], $0xffff;
	v16 =	vadd.f32 v16, v14  }
0x15e: {  	v32 =	vand.u32 $0x3F, v20;
	v31 =	vand.u32 $0x3F, v15;
	v19 =	vld.idx.msk [tilespmem:v7+s24+$0x0], $0xffff  }
0x15f: {  	v27 =	vmul.bf16 v22, v27;
	v15 =	vor.u32 v3, v6;
	v12 =	vor.u32 v3, v12;
	v22 =	vld.idx.msk [tilespmem:v7+s23+$0x0], $0xffff  }
.Ltmp3:
0x160: {  	v18 =	vor.u32 v3, v18;
	v14 =	vor.u32 v3, v17;
	v7 =	vmul.bf16 v25, v24;
	(pc) =	sbr.rel @p1 .LBB2_9-.Ltmp3, $4  }
0x161: {  	v9 =	vand.u32 $0x3F, v26;
	v26 =	vunpack.i.u.bf16.f32 v27;
	v33 =	vmul.bf16 v28, v8;
	v20 =	vld.idx.msk [tilespmem:v29+s24+$0x0], $0xffff  }
0x162: {  	v9 =	vor.u32 v3, v9;
	v25 =	vunpack.i.u.bf16.f32 v7;
	v24 =	vunpack.i.l.bf16.f32 v7;
	v23 =	vld.idx.msk [tilespmem:v29+s23+$0x0], $0xffff  }
0x163: {  	v17 =	vor.u32 v3, v31;
	v28 =	vadd.f32 v26, v30;
	v29 =	vunpack.i.l.bf16.f32 v27  }
0x164: {  	v26 =	vunpack.i.l.bf16.f32 v33;
	v7 =	vor.u32 v3, v32;
	v27 =	vunpack.i.u.bf16.f32 v33;
	v8 =	vld.idx.msk [tilespmem:v12+s23+$0x0], $0xffff  }
0x165: {  	v6 =	vadd.f32 v29, v16;
	_ =	sdelay $0x1  }
0x166: {  	v16 =	vadd.f32 v25, v28;
	v6 =	vadd.f32 v24, v6;
	_ =	sdelay $0x1  }
0x167: {  	v16 =	vadd.f32 v27, v16;
	v6 =	vadd.f32 v26, v6  }
0x168: {  	v5 =	vmul.bf16 v5, v21;
	v21 =	vunpack.i.u.bf16.f32 v11;
	v11 =	vunpack.i.l.bf16.f32 v11  }
0x169: {  	v16 =	vadd.f32 v21, v16;
	v6 =	vadd.f32 v11, v6  }
0x16a: {  	v10 =	vmul.bf16 v10, v13;
	v13 =	vunpack.i.l.bf16.f32 v5;
	v5 =	vunpack.i.u.bf16.f32 v5;
	v11 =	vld.idx.msk [tilespmem:v15+s24+$0x0], $0xffff  }
0x16b: {  	v15 =	vld.idx.msk [tilespmem:v15+s23+$0x0], $0xffff;
	v5 =	vadd.f32 v5, v16;
	v6 =	vadd.f32 v13, v6  }
0x16c: {  	v16 =	vunpack.i.l.bf16.f32 v10;
	v10 =	vunpack.i.u.bf16.f32 v10;
	v13 =	vmul.bf16 v19, v22;
	v19 =	vld.idx.msk [tilespmem:v14+s24+$0x0], $0xffff  }
0x16d: {  	v14 =	vld.idx.msk [tilespmem:v14+s23+$0x0], $0xffff;
	v5 =	vadd.f32 v10, v5;
	v6 =	vadd.f32 v16, v6  }
0x16e: {  	v10 =	vmul.bf16 v20, v23;
	v16 =	vunpack.i.l.bf16.f32 v13;
	v13 =	vunpack.i.u.bf16.f32 v13  }
0x16f: {  	v12 =	vld.idx.msk [tilespmem:v12+s24+$0x0], $0xffff;
	v5 =	vadd.f32 v13, v5;
	v6 =	vadd.f32 v16, v6  }
0x170: {  	v13 =	vld.idx.msk [tilespmem:v18+s24+$0x0], $0xffff;
	v11 =	vmul.bf16 v11, v15;
	v16 =	vunpack.i.l.bf16.f32 v10;
	v10 =	vunpack.i.u.bf16.f32 v10  }
0x171: {  	v15 =	vld.idx.msk [tilespmem:v18+s23+$0x0], $0xffff;
	v5 =	vadd.f32 v10, v5;
	v6 =	vadd.f32 v16, v6  }
0x172: {  	v10 =	vld.idx.msk [tilespmem:v9+s24+$0x0], $0xffff;
	v14 =	vmul.bf16 v19, v14;
	v16 =	vunpack.i.u.bf16.f32 v11;
	v11 =	vunpack.i.l.bf16.f32 v11  }
0x173: {  	v4 =	vor.u32 v3, v4;
	v9 =	vld.idx.msk [tilespmem:v9+s23+$0x0], $0xffff;
	v5 =	vadd.f32 v16, v5;
	v6 =	vadd.f32 v11, v6  }
0x174: {  	v8 =	vmul.bf16 v12, v8;
	v12 =	vunpack.i.u.bf16.f32 v14;
	v14 =	vunpack.i.l.bf16.f32 v14;
	v16 =	vld.idx.msk [tilespmem:v17+s23+$0x0], $0xffff  }
0x175: {  	v11 =	vld.idx.msk [tilespmem:v17+s24+$0x0], $0xffff;
	v5 =	vadd.f32 v12, v5;
	v6 =	vadd.f32 v14, v6  }
0x176: {  	v12 =	vmul.bf16 v13, v15;
	v13 =	vld.idx.msk [tilespmem:v7+s24+$0x0], $0xffff;
	v14 =	vunpack.i.u.bf16.f32 v8;
	v8 =	vunpack.i.l.bf16.f32 v8  }
0x177: {  	v7 =	vld.idx.msk [tilespmem:v7+s23+$0x0], $0xffff;
	v5 =	vadd.f32 v14, v5;
	v6 =	vadd.f32 v8, v6  }
0x178: {  	v9 =	vmul.bf16 v10, v9;
	v10 =	vunpack.i.u.bf16.f32 v12;
	v12 =	vunpack.i.l.bf16.f32 v12;
	v8 =	vld.idx.msk [tilespmem:v4+s24+$0x0], $0xffff  }
0x179: {  	v4 =	vld.idx.msk [tilespmem:v4+s23+$0x0], $0xffff;
	v5 =	vadd.f32 v10, v5;
	v6 =	vadd.f32 v12, v6  }
0x17a: {  	v10 =	vmul.bf16 v11, v16;
	v11 =	vunpack.i.l.bf16.f32 v9;
	v9 =	vunpack.i.u.bf16.f32 v9  }
0x17b: {  	v5 =	vadd.f32 v9, v5;
	v6 =	vadd.f32 v11, v6  }
0x17c: {  	v7 =	vmul.bf16 v13, v7;
	v9 =	vunpack.i.l.bf16.f32 v10;
	v10 =	vunpack.i.u.bf16.f32 v10  }
0x17d: {  	v5 =	vadd.f32 v10, v5;
	v6 =	vadd.f32 v9, v6  }
0x17e: {  	v4 =	vmul.bf16 v8, v4;
	v8 =	vunpack.i.l.bf16.f32 v7;
	v7 =	vunpack.i.u.bf16.f32 v7  }
0x17f: {  	v5 =	vadd.f32 v7, v5;
	v6 =	vadd.f32 v8, v6  }
0x180: {  	v7 =	vunpack.i.l.bf16.f32 v4;
	v4 =	vunpack.i.u.bf16.f32 v4  }
0x181: {  	v4 =	vadd.f32 v4, v5;
	v5 =	vadd.f32 v7, v6;
	_ =	sdelay $0x1  }
0x182: {  	v4 =	vadd.f32 v4, v5;
	_ =	sdelay $0x1  }
0x183: {  	v4 =	vsub.f32 $0.0e+00, v4;
	_ =	sdelay $0x1  }
0x184: {  	v4 =	vmul.f32 $1.442695020e+00, v4;
	_ =	sdelay $0x1  }
0x185: {  	(erf) = vpow2.f32 v4;
	_ =	sdelay $0x8  }
0x186: {  	v4 =	vpop (erf)  }
0x187: {  	v4 =	vadd.f32 $1.000000000e+00, v4;
	_ =	sdelay $0x1  }
0x188: {  	(erf) = vrcp.f32 v4;
	_ =	sdelay $0x6  }
0x189: {  	v5 =	vlaneseq.u32  }
0x18a: {  	v4 =	vadd.s32 $0x2, v5  }
0x18b: {  	v7 =	vadd.s32 $0x3, v5;
	v8 =	vand.u32 $0x3F, v4;
	v4 =	vor.u32 $0x1000, v0;
	v6 =	vpop (erf)  }
0x18c: {  	v7 =	vand.u32 $0x3F, v7;
	v8 =	vor.u32 v4, v8;
	v6 =	vadd.f32 $1.000000010e-07, v6  }
0x18d: {  	v7 =	vor.u32 v4, v7  }
0x18e: {  	v6 =	vmul.f32 $9.999998210e-01, v6  }
0x18f: {  	v11 =	vor.u32 v4, v5  }
0x190: {  	v9 =	vadd.s32 $0x4, v5;
	[tilespmem:s8+$0xEDB0] =	vst v6  }
0x191: {  	v10 =	vadd.s32 $0x1, v5;
	v9 =	vand.u32 $0x3F, v9;
	v18 =	vld.idx.msk [tilespmem:v8+s23+$0x0], $0xffff  }
0x192: {  	v14 =	vadd.s32 $0x7, v5;
	v9 =	vor.u32 v4, v9;
	v6 =	vand.u32 $0x3F, v10;
	v12 =	vld.idx.msk [tilespmem:v7+s24+$0x0], $0xffff  }
0x193: {  	v14 =	vand.u32 $0x3F, v14;
	v10 =	vor.u32 v4, v6;
	v13 =	vld.idx.msk [tilespmem:v7+s23+$0x0], $0xffff  }
0x194: {  	v17 =	vimm.f32 $0.0e+00;
	v24 =	vor.u32 v4, v14;
	v6 =	vadd.s32 $0x5, v5;
	v15 =	vld.idx.msk [tilespmem:v11+s24+$0x0], $0xffff  }
0x195: {  	v7 =	vadd.s32 $0x8, v5;
	v5 =	vadd.s32 $0x6, v5;
	v20 =	vld.idx.msk [tilespmem:v11+s23+$0x0], $0xffff;
	v6 =	vand.u32 $0x3F, v6  }
0x196: {  	v8 =	vld.idx.msk [tilespmem:v8+s24+$0x0], $0xffff;
	v7 =	vand.u32 $0x3F, v7;
	v5 =	vand.u32 $0x3F, v5;
	v16 =	vor.u32 v4, v6  }
0x197: {  	v6 =	vld.idx.msk [tilespmem:v9+s24+$0x0], $0xffff;
	v19 =	vadd.s32 $0x7, v7;
	v23 =	vor.u32 v4, v5;
	v25 =	vadd.s32 $0x4, v7  }
0x198: {  	v11 =	vadd.s32 $0x3, v7;
	v14 =	vadd.s32 $0x1, v7;
	v22 =	vadd.s32 $0x2, v7;
	v21 =	vld.idx.msk [tilespmem:v10+s24+$0x0], $0xffff  }
0x199: {  	v27 =	vadd.s32 $0x5, v7;
	v5 =	vand.u32 $0x3F, v19;
	v19 =	vand.u32 $0x3F, v11;
	v10 =	vld.idx.msk [tilespmem:v10+s23+$0x0], $0xffff  }
0x19a: {  	v26 =	vand.u32 $0x3F, v14;
	v28 =	vand.u32 $0x3F, v22;
	v27 =	vand.u32 $0x3F, v27;
	v22 =	vld.idx.msk [tilespmem:v9+s23+$0x0], $0xffff  }
0x19b: {  	v19 =	vor.u32 v4, v19;
	v12 =	vmul.bf16 v12, v13;
	v13 =	vadd.s32 $0x6, v7;
	v11 =	vld.idx.msk [tilespmem:v16+s24+$0x0], $0xffff  }
0x19c: {  	v9 =	vmul.bf16 v15, v20;
	v31 =	vand.u32 $0x3F, v13;
	v13 =	vor.u32 v4, v28;
	v20 =	vld.idx.msk [tilespmem:v23+s24+$0x0], $0xffff  }
0x19d: {  	v15 =	vor.u32 v4, v26;
	v32 =	vmul.bf16 v8, v18;
	v18 =	vor.u32 v4, v27;
	v23 =	vld.idx.msk [tilespmem:v23+s23+$0x0], $0xffff  }
0x19e: {  	v14 =	vld.idx.msk [tilespmem:v16+s23+$0x0], $0xffff;
	v16 =	vor.u32 v4, v7;
	v28 =	vmul.bf16 v21, v10;
	v10 =	vand.u32 $0x3F, v25  }
0x19f: {  	v29 =	vunpack.i.u.bf16.f32 v9;
	v30 =	vunpack.i.l.bf16.f32 v9;
	v21 =	vld.idx.msk [tilespmem:v24+s24+$0x0], $0xffff;
	v10 =	vor.u32 v4, v10  }
0x1a0: {  	v8 =	vor.u32 v4, v31;
	v27 =	vunpack.i.l.bf16.f32 v32;
	v29 =	vadd.f32 v29, v17;
	v24 =	vld.idx.msk [tilespmem:v24+s23+$0x0], $0xffff  }
0x1a1: {  	s9 =	simm.s32 $0x6;
	v9 =	vld.idx.msk [tilespmem:v13+s23+$0x0], $0xffff;
	v26 =	vunpack.i.u.bf16.f32 v28;
	v25 =	vunpack.i.l.bf16.f32 v28;
	v28 =	vunpack.i.u.bf16.f32 v32  }
.LBB2_11:
0x1a2: {  	p1 =	sne.s32 s9, $0x1;
	s9 =	sadd.s32 $0xFFFFFFFF, s9;
	v31 =	vld.idx.msk [tilespmem:v19+s24+$0x0], $0xffff;
	v17 =	vadd.f32 v30, v17;
	v22 =	vmul.bf16 v6, v22;
	v20 =	vmul.bf16 v20, v23  }
0x1a3: {  	v26 =	vadd.f32 v26, v29;
	v29 =	vunpack.i.u.bf16.f32 v12;
	v14 =	vmul.bf16 v11, v14;
	v23 =	vld.idx.msk [tilespmem:v16+s24+$0x0], $0xffff  }
0x1a4: {  	v30 =	vor.u32 v4, v5;
	v6 =	vld.idx.msk [tilespmem:v10+s24+$0x0], $0xffff;
	v5 =	vadd.f32 v25, v17;
	v17 =	vunpack.i.l.bf16.f32 v22  }
0x1a5: {  	v25 =	vadd.f32 v28, v26;
	v22 =	vunpack.i.u.bf16.f32 v22;
	v21 =	vmul.bf16 v21, v24;
	v19 =	vld.idx.msk [tilespmem:v19+s23+$0x0], $0xffff  }
0x1a6: {  	v24 =	vunpack.i.l.bf16.f32 v14;
	v11 =	vld.idx.msk [tilespmem:v18+s24+$0x0], $0xffff;
	v5 =	vadd.f32 v27, v5  }
0x1a7: {  	v12 =	vunpack.i.l.bf16.f32 v12;
	v25 =	vadd.f32 v29, v25;
	v27 =	vunpack.i.u.bf16.f32 v14;
	v26 =	vld.idx.msk [tilespmem:v15+s24+$0x0], $0xffff  }
0x1a8: {  	v7 =	vadd.s32 $0x8, v7;
	v14 =	vld.idx.msk [tilespmem:v18+s23+$0x0], $0xffff;
	v5 =	vadd.f32 v12, v5;
	v18 =	vunpack.i.l.bf16.f32 v20  }
0x1a9: {  	v7 =	vand.u32 $0x3F, v7;
	v20 =	vunpack.i.u.bf16.f32 v20;
	v28 =	vld.idx.msk [tilespmem:v16+s23+$0x0], $0xffff;
	v16 =	vadd.f32 v22, v25  }
0x1aa: {  	v12 =	vadd.s32 $0x7, v7;
	v25 =	vld.idx.msk [tilespmem:v15+s23+$0x0], $0xffff;
	v15 =	vadd.f32 v17, v5;
	v17 =	vunpack.i.l.bf16.f32 v21  }
0x1ab: {  	v5 =	vand.u32 $0x3F, v12;
	v12 =	vmul.bf16 v31, v19;
	v29 =	vld.idx.msk [tilespmem:v13+s24+$0x0], $0xffff;
	v13 =	vadd.f32 v27, v16  }
0x1ac: {  	v27 =	vadd.s32 $0x4, v7;
	v16 =	vunpack.i.u.bf16.f32 v21;
	v15 =	vadd.f32 v24, v15  }
0x1ad: {  	v19 =	vadd.s32 $0x3, v7;
	v21 =	vadd.s32 $0x6, v7;
	v13 =	vadd.f32 v20, v13  }
0x1ae: {  	v19 =	vand.u32 $0x3F, v19;
	v20 =	vadd.s32 $0x1, v7;
	v15 =	vadd.f32 v18, v15  }
0x1af: {  	v18 =	vand.u32 $0x3F, v20;
	v20 =	vadd.s32 $0x2, v7;
	v31 =	vadd.f32 v16, v13  }
0x1b0: {  	v13 =	vand.u32 $0x3F, v20;
	v16 =	vadd.s32 $0x5, v7;
	v22 =	vld.idx.msk [tilespmem:v10+s23+$0x0], $0xffff;
	v17 =	vadd.f32 v17, v15  }
0x1b1: {  	v33 =	vand.u32 $0x3F, v21;
	v32 =	vand.u32 $0x3F, v16;
	v20 =	vld.idx.msk [tilespmem:v8+s24+$0x0], $0xffff  }
0x1b2: {  	v28 =	vmul.bf16 v23, v28;
	v16 =	vor.u32 v4, v7;
	v13 =	vor.u32 v4, v13;
	v23 =	vld.idx.msk [tilespmem:v8+s23+$0x0], $0xffff  }
.Ltmp4:
0x1b3: {  	v19 =	vor.u32 v4, v19;
	v15 =	vor.u32 v4, v18;
	v8 =	vmul.bf16 v26, v25;
	(pc) =	sbr.rel @p1 .LBB2_11-.Ltmp4, $4  }
0x1b4: {  	v10 =	vand.u32 $0x3F, v27;
	v27 =	vunpack.i.u.bf16.f32 v28;
	v34 =	vmul.bf16 v29, v9;
	v21 =	vld.idx.msk [tilespmem:v30+s24+$0x0], $0xffff  }
0x1b5: {  	v10 =	vor.u32 v4, v10;
	v26 =	vunpack.i.u.bf16.f32 v8;
	v25 =	vunpack.i.l.bf16.f32 v8;
	v24 =	vld.idx.msk [tilespmem:v30+s23+$0x0], $0xffff  }
0x1b6: {  	v18 =	vor.u32 v4, v32;
	v29 =	vadd.f32 v27, v31;
	v30 =	vunpack.i.l.bf16.f32 v28  }
0x1b7: {  	v27 =	vunpack.i.l.bf16.f32 v34;
	v8 =	vor.u32 v4, v33;
	v28 =	vunpack.i.u.bf16.f32 v34;
	v9 =	vld.idx.msk [tilespmem:v13+s23+$0x0], $0xffff  }
0x1b8: {  	v7 =	vadd.f32 v30, v17;
	_ =	sdelay $0x1  }
0x1b9: {  	v17 =	vadd.f32 v26, v29;
	v7 =	vadd.f32 v25, v7;
	_ =	sdelay $0x1  }
0x1ba: {  	v17 =	vadd.f32 v28, v17;
	v7 =	vadd.f32 v27, v7  }
0x1bb: {  	v6 =	vmul.bf16 v6, v22;
	v22 =	vunpack.i.u.bf16.f32 v12;
	v12 =	vunpack.i.l.bf16.f32 v12  }
0x1bc: {  	v17 =	vadd.f32 v22, v17;
	v7 =	vadd.f32 v12, v7  }
0x1bd: {  	v11 =	vmul.bf16 v11, v14;
	v14 =	vunpack.i.l.bf16.f32 v6;
	v6 =	vunpack.i.u.bf16.f32 v6;
	v12 =	vld.idx.msk [tilespmem:v16+s24+$0x0], $0xffff  }
0x1be: {  	v16 =	vld.idx.msk [tilespmem:v16+s23+$0x0], $0xffff;
	v6 =	vadd.f32 v6, v17;
	v7 =	vadd.f32 v14, v7  }
0x1bf: {  	v17 =	vunpack.i.l.bf16.f32 v11;
	v11 =	vunpack.i.u.bf16.f32 v11;
	v14 =	vmul.bf16 v20, v23;
	v20 =	vld.idx.msk [tilespmem:v15+s24+$0x0], $0xffff  }
0x1c0: {  	v15 =	vld.idx.msk [tilespmem:v15+s23+$0x0], $0xffff;
	v6 =	vadd.f32 v11, v6;
	v7 =	vadd.f32 v17, v7  }
0x1c1: {  	v11 =	vmul.bf16 v21, v24;
	v17 =	vunpack.i.l.bf16.f32 v14;
	v14 =	vunpack.i.u.bf16.f32 v14  }
0x1c2: {  	v13 =	vld.idx.msk [tilespmem:v13+s24+$0x0], $0xffff;
	v6 =	vadd.f32 v14, v6;
	v7 =	vadd.f32 v17, v7  }
0x1c3: {  	v14 =	vld.idx.msk [tilespmem:v19+s24+$0x0], $0xffff;
	v12 =	vmul.bf16 v12, v16;
	v17 =	vunpack.i.l.bf16.f32 v11;
	v11 =	vunpack.i.u.bf16.f32 v11  }
0x1c4: {  	v16 =	vld.idx.msk [tilespmem:v19+s23+$0x0], $0xffff;
	v6 =	vadd.f32 v11, v6;
	v7 =	vadd.f32 v17, v7  }
0x1c5: {  	v11 =	vld.idx.msk [tilespmem:v10+s24+$0x0], $0xffff;
	v15 =	vmul.bf16 v20, v15;
	v17 =	vunpack.i.u.bf16.f32 v12;
	v12 =	vunpack.i.l.bf16.f32 v12  }
0x1c6: {  	v5 =	vor.u32 v4, v5;
	v10 =	vld.idx.msk [tilespmem:v10+s23+$0x0], $0xffff;
	v6 =	vadd.f32 v17, v6;
	v7 =	vadd.f32 v12, v7  }
0x1c7: {  	v9 =	vmul.bf16 v13, v9;
	v13 =	vunpack.i.u.bf16.f32 v15;
	v15 =	vunpack.i.l.bf16.f32 v15;
	v17 =	vld.idx.msk [tilespmem:v18+s23+$0x0], $0xffff  }
0x1c8: {  	v12 =	vld.idx.msk [tilespmem:v18+s24+$0x0], $0xffff;
	v6 =	vadd.f32 v13, v6;
	v7 =	vadd.f32 v15, v7  }
0x1c9: {  	v13 =	vmul.bf16 v14, v16;
	v14 =	vld.idx.msk [tilespmem:v8+s24+$0x0], $0xffff;
	v15 =	vunpack.i.u.bf16.f32 v9;
	v9 =	vunpack.i.l.bf16.f32 v9  }
0x1ca: {  	v8 =	vld.idx.msk [tilespmem:v8+s23+$0x0], $0xffff;
	v6 =	vadd.f32 v15, v6;
	v7 =	vadd.f32 v9, v7  }
0x1cb: {  	v10 =	vmul.bf16 v11, v10;
	v11 =	vunpack.i.u.bf16.f32 v13;
	v13 =	vunpack.i.l.bf16.f32 v13;
	v9 =	vld.idx.msk [tilespmem:v5+s24+$0x0], $0xffff  }
0x1cc: {  	v5 =	vld.idx.msk [tilespmem:v5+s23+$0x0], $0xffff;
	v6 =	vadd.f32 v11, v6;
	v7 =	vadd.f32 v13, v7  }
0x1cd: {  	v11 =	vmul.bf16 v12, v17;
	v12 =	vunpack.i.l.bf16.f32 v10;
	v10 =	vunpack.i.u.bf16.f32 v10  }
0x1ce: {  	v6 =	vadd.f32 v10, v6;
	v7 =	vadd.f32 v12, v7  }
0x1cf: {  	v8 =	vmul.bf16 v14, v8;
	v10 =	vunpack.i.l.bf16.f32 v11;
	v11 =	vunpack.i.u.bf16.f32 v11  }
0x1d0: {  	v6 =	vadd.f32 v11, v6;
	v7 =	vadd.f32 v10, v7  }
0x1d1: {  	v5 =	vmul.bf16 v9, v5;
	v9 =	vunpack.i.l.bf16.f32 v8;
	v8 =	vunpack.i.u.bf16.f32 v8  }
0x1d2: {  	v6 =	vadd.f32 v8, v6;
	v7 =	vadd.f32 v9, v7  }
0x1d3: {  	v8 =	vunpack.i.l.bf16.f32 v5;
	v5 =	vunpack.i.u.bf16.f32 v5  }
0x1d4: {  	v5 =	vadd.f32 v5, v6;
	v6 =	vadd.f32 v8, v7;
	_ =	sdelay $0x1  }
0x1d5: {  	v5 =	vadd.f32 v5, v6;
	_ =	sdelay $0x1  }
0x1d6: {  	v5 =	vsub.f32 $0.0e+00, v5;
	_ =	sdelay $0x1  }
0x1d7: {  	v5 =	vmul.f32 $1.442695020e+00, v5;
	_ =	sdelay $0x1  }
0x1d8: {  	(erf) = vpow2.f32 v5;
	_ =	sdelay $0x8  }
0x1d9: {  	v5 =	vpop (erf)  }
0x1da: {  	v5 =	vadd.f32 $1.000000000e+00, v5;
	_ =	sdelay $0x1  }
0x1db: {  	(erf) = vrcp.f32 v5;
	_ =	sdelay $0x8  }
0x1dc: {  	v5 =	vpop (erf)  }
0x1dd: {  	v5 =	vadd.f32 $1.000000010e-07, v5;
	_ =	sdelay $0x1  }
0x1de: {  	v5 =	vmul.f32 $9.999998210e-01, v5;
	_ =	sdelay $0x1  }
0x1df: {  	[tilespmem:s8+$0xEDC0] =	vst v5  }
0x1e0: {  	_ =	swait.ge [sflag:s31], $0x1400  }
0x1e1: {  	[sflag:s31] =	ssyncset.done $0x0  }
0x1e2: {  	p1 =	seq.s32 s7, $0x3D;
	[sflag:s31] =	ssyncadd.s32 $0xFFFFEC00  }
0x1e3: {  	s9 =	sadd.s32 @!p1 s8, s12;
	_ =	swait.ge [sflag:s0], $0x1400  }
0x1e4: {  	s13 =	simm.s32 @!p1 $0x0;
	s9 =	sshrl.u32 @!p1 s9, $0x3;
	[sflag:s0] =	ssyncset.done $0x0  }
0x1e5: {  	s14 =	simm.s32 @!p1 $0x9CE0;
	s10 =	sadd.s32 @!p1 s2, s9;
	[sflag:s0] =	ssyncadd.s32 $0xFFFFEC00  }
0x1e6: {  	[tilespmem:s14], [sflag:$0x2] =	stream.linear.gather @!p1 [hbm4b:s10+s13], $0x50, $0x38;
	[tilespmem:$0x11490] =	vst v63  }
0x1e7: {  	s9 =	sadd.s32 @!p1 s5, s9;
	s10 =	simm.s32 @!p1 $0x9D30  }
0x1e8: {  	[tilespmem:s10], [sflag:$0x2] =	stream.linear.gather @!p1 [hbm4b:s9+s13], $0x50, $0x38;
	[tilespmem:$0x11490] =	vst v63  }
0x1e9: {  	_ =	swait.ge [sflag:s21], $0x50  }
0x1ea: {  	[sflag:s21] =	ssyncset.done $0x0  }
0x1eb: {  	[sflag:s21] =	ssyncadd.s32 $0xFFFFFFB0  }
0x1ec: {  	v5 =	vlaneseq.u32;
	_ =	swait.ge [sflag:s21], $0x50  }
0x1ed: {  	v6 =	vor.u32 v0, v5;
	v7 =	vadd.s32 $0x1, v5;
	[sflag:s21] =	ssyncset.done $0x0  }
0x1ee: {  	v7 =	vand.u32 $0x3F, v7;
	[sflag:s21] =	ssyncadd.s32 $0xFFFFFFB0  }
0x1ef: {  	v8 =	vadd.s32 $0x2, v5;
	v7 =	vor.u32 v0, v7;
	[tilespmem:s23], [sflag:$0x3] =	stream.indirect.gather [spmem:s3], $0x40, s17, s22, $0xb8;
	[tilespmem:$0x11490] =	vst v63  }
0x1f0: {  	v8 =	vand.u32 $0x3F, v8  }
0x1f1: {  	v8 =	vor.u32 v0, v8;
	[tilespmem:s24], [sflag:$0x4] =	stream.indirect.gather [spmem:s3], $0x40, s18, s22, $0xb8;
	[tilespmem:$0x11490] =	vst v63  }
0x1f2: {  	v11 =	vadd.s32 $0x4, v5;
	v9 =	vld.idx.msk [tilespmem:v6+s29+$0x0], $0xffff  }
0x1f3: {  	v10 =	vadd.s32 $0x3, v5;
	v11 =	vand.u32 $0x3F, v11;
	v6 =	vld.idx.msk [tilespmem:v6+s30+$0x0], $0xffff  }
0x1f4: {  	v10 =	vand.u32 $0x3F, v10;
	v11 =	vor.u32 v0, v11;
	v12 =	vld.idx.msk [tilespmem:v7+s29+$0x0], $0xffff  }
0x1f5: {  	v10 =	vor.u32 v0, v10;
	v7 =	vld.idx.msk [tilespmem:v7+s30+$0x0], $0xffff  }
0x1f6: {  	v13 =	vadd.s32 $0x5, v5;
	v14 =	vld.idx.msk [tilespmem:v8+s29+$0x0], $0xffff  }
0x1f7: {  	v13 =	vand.u32 $0x3F, v13;
	v8 =	vld.idx.msk [tilespmem:v8+s30+$0x0], $0xffff  }
0x1f8: {  	v13 =	vor.u32 v0, v13  }
0x1f9: {  	v16 =	vadd.s32 $0x6, v5;
	v19 =	vld.idx.msk [tilespmem:v11+s29+$0x0], $0xffff  }
0x1fa: {  	v17 =	vadd.s32 $0x7, v5;
	v5 =	vadd.s32 $0x8, v5;
	v6 =	vmul.bf16 v6, v9;
	v9 =	vld.idx.msk [tilespmem:v10+s30+$0x0], $0xffff  }
0x1fb: {  	v15 =	vimm.f32 $0.0e+00;
	v16 =	vand.u32 $0x3F, v16;
	v5 =	vand.u32 $0x3F, v5;
	v10 =	vld.idx.msk [tilespmem:v10+s29+$0x0], $0xffff  }
0x1fc: {  	v7 =	vmul.bf16 v7, v12;
	v12 =	vld.idx.msk [tilespmem:v11+s30+$0x0], $0xffff;
	v11 =	vand.u32 $0x3F, v17;
	v8 =	vmul.bf16 v8, v14  }
0x1fd: {  	v14 =	vld.idx.msk [tilespmem:v13+s29+$0x0], $0xffff;
	v17 =	vor.u32 v0, v11;
	v18 =	vunpack.i.u.bf16.f32 v6;
	v6 =	vunpack.i.l.bf16.f32 v6  }
0x1fe: {  	v20 =	vor.u32 v0, v16;
	v13 =	vld.idx.msk [tilespmem:v13+s30+$0x0], $0xffff;
	v11 =	vunpack.i.u.bf16.f32 v7;
	v6 =	vadd.f32 v6, v15  }
0x1ff: {  	v7 =	vunpack.i.l.bf16.f32 v7;
	v16 =	vunpack.i.u.bf16.f32 v8;
	v15 =	vadd.f32 v18, v15  }
0x200: {  	v18 =	vunpack.i.l.bf16.f32 v8;
	v8 =	vmul.bf16 v9, v10;
	v6 =	vadd.f32 v7, v6  }
0x201: {  	v7 =	vadd.f32 v11, v15;
	v11 =	vor.u32 v0, v5;
	v19 =	vmul.bf16 v12, v19  }
0x202: {  	v9 =	vld.idx.msk [tilespmem:v17+s29+$0x0], $0xffff;
	v15 =	vunpack.i.u.bf16.f32 v8;
	v21 =	vunpack.i.l.bf16.f32 v8;
	v8 =	vadd.s32 $0x1, v5  }
0x203: {  	v22 =	vmul.bf16 v13, v14;
	v13 =	vadd.s32 $0x2, v5;
	v12 =	vld.idx.msk [tilespmem:v17+s30+$0x0], $0xffff;
	v8 =	vand.u32 $0x3F, v8  }
0x204: {  	v10 =	vld.idx.msk [tilespmem:v20+s29+$0x0], $0xffff;
	v7 =	vadd.f32 v16, v7;
	v14 =	vadd.f32 v18, v6;
	v8 =	vor.u32 v0, v8  }
0x205: {  	v6 =	vand.u32 $0x3F, v13;
	v16 =	vunpack.i.l.bf16.f32 v19;
	v13 =	vld.idx.msk [tilespmem:v20+s30+$0x0], $0xffff;
	v20 =	vadd.s32 $0x3, v5  }
0x206: {  	v19 =	vunpack.i.u.bf16.f32 v19;
	v17 =	vunpack.i.l.bf16.f32 v22;
	v6 =	vor.u32 v0, v6  }
0x207: {  	s9 =	simm.s32 $0x6;
	v15 =	vadd.f32 v15, v7;
	v18 =	vadd.f32 v21, v14;
	v14 =	vunpack.i.u.bf16.f32 v22;
	v7 =	vld.idx.msk [tilespmem:v11+s29+$0x0], $0xffff  }
.LBB2_13:
0x208: {  	p1 =	sne.s32 s9, $0x1;
	s9 =	sadd.s32 $0xFFFFFFFF, s9;
	v11 =	vld.idx.msk [tilespmem:v11+s30+$0x0], $0xffff;
	v20 =	vand.u32 $0x3F, v20;
	v21 =	vadd.s32 $0x4, v5;
	v9 =	vmul.bf16 v12, v9  }
0x209: {  	v16 =	vadd.f32 v16, v18;
	v15 =	vadd.f32 v19, v15;
	v12 =	vld.idx.msk [tilespmem:v8+s29+$0x0], $0xffff;
	v20 =	vor.u32 v0, v20  }
0x20a: {  	v19 =	vadd.s32 $0x5, v5;
	v18 =	vand.u32 $0x3F, v21;
	v10 =	vmul.bf16 v13, v10;
	v8 =	vld.idx.msk [tilespmem:v8+s30+$0x0], $0xffff  }
0x20b: {  	v18 =	vor.u32 v0, v18;
	v16 =	vadd.f32 v17, v16;
	v14 =	vadd.f32 v14, v15;
	v13 =	vld.idx.msk [tilespmem:v6+s29+$0x0], $0xffff  }
0x20c: {  	v15 =	vand.u32 $0x3F, v19;
	v17 =	vunpack.i.u.bf16.f32 v10;
	v10 =	vunpack.i.l.bf16.f32 v10;
	v6 =	vld.idx.msk [tilespmem:v6+s30+$0x0], $0xffff  }
0x20d: {  	v15 =	vor.u32 v0, v15;
	v10 =	vadd.f32 v10, v16;
	v14 =	vadd.f32 v17, v14  }
0x20e: {  	v16 =	vunpack.i.u.bf16.f32 v9;
	v9 =	vunpack.i.l.bf16.f32 v9;
	v7 =	vmul.bf16 v11, v7;
	v11 =	vld.idx.msk [tilespmem:v20+s30+$0x0], $0xffff  }
0x20f: {  	v19 =	vadd.s32 $0x6, v5;
	v9 =	vadd.f32 v9, v10;
	v17 =	vld.idx.msk [tilespmem:v20+s29+$0x0], $0xffff;
	v20 =	vadd.s32 $0x7, v5  }
0x210: {  	v14 =	vadd.f32 v16, v14;
	v10 =	vunpack.i.u.bf16.f32 v7;
	v7 =	vunpack.i.l.bf16.f32 v7;
	v21 =	vld.idx.msk [tilespmem:v18+s29+$0x0], $0xffff  }
0x211: {  	v8 =	vmul.bf16 v8, v12;
	v7 =	vadd.f32 v7, v9;
	v9 =	vand.u32 $0x3F, v20;
	v16 =	vld.idx.msk [tilespmem:v18+s30+$0x0], $0xffff  }
0x212: {  	v12 =	vand.u32 $0x3F, v19;
	v6 =	vmul.bf16 v6, v13;
	v18 =	vor.u32 v0, v9;
	v13 =	vld.idx.msk [tilespmem:v15+s29+$0x0], $0xffff  }
0x213: {  	v19 =	vor.u32 v0, v12;
	v9 =	vunpack.i.u.bf16.f32 v8;
	v8 =	vunpack.i.l.bf16.f32 v8;
	v15 =	vld.idx.msk [tilespmem:v15+s30+$0x0], $0xffff  }
0x214: {  	v10 =	vadd.f32 v10, v14;
	v12 =	vunpack.i.u.bf16.f32 v6;
	v6 =	vunpack.i.l.bf16.f32 v6  }
0x215: {  	v7 =	vadd.f32 v8, v7;
	v8 =	vmul.bf16 v11, v17  }
0x216: {  	v5 =	vadd.s32 $0x8, v5;
	v10 =	vadd.f32 v9, v10  }
0x217: {  	v5 =	vand.u32 $0x3F, v5;
	v14 =	vunpack.i.u.bf16.f32 v8;
	v17 =	vunpack.i.l.bf16.f32 v8;
	v9 =	vld.idx.msk [tilespmem:v18+s29+$0x0], $0xffff  }
0x218: {  	v11 =	vor.u32 v0, v5;
	v20 =	vadd.f32 v12, v10;
	v8 =	vadd.s32 $0x1, v5;
	v12 =	vld.idx.msk [tilespmem:v18+s30+$0x0], $0xffff  }
.Ltmp5:
0x219: {  	v21 =	vmul.bf16 v16, v21;
	v8 =	vand.u32 $0x3F, v8;
	v22 =	vmul.bf16 v15, v13;
	v10 =	vld.idx.msk [tilespmem:v19+s29+$0x0], $0xffff;
	(pc) =	sbr.rel @p1 .LBB2_13-.Ltmp5, $4  }
0x21a: {  	v7 =	vadd.f32 v6, v7;
	v8 =	vor.u32 v0, v8;
	v15 =	vadd.s32 $0x2, v5;
	v13 =	vld.idx.msk [tilespmem:v19+s30+$0x0], $0xffff  }
0x21b: {  	v16 =	vunpack.i.l.bf16.f32 v21;
	v6 =	vand.u32 $0x3F, v15;
	v15 =	vadd.f32 v14, v20  }
0x21c: {  	v18 =	vadd.f32 v17, v7;
	v6 =	vor.u32 v0, v6;
	v14 =	vunpack.i.u.bf16.f32 v22  }
0x21d: {  	v20 =	vadd.s32 $0x3, v5;
	v19 =	vunpack.i.u.bf16.f32 v21;
	v17 =	vunpack.i.l.bf16.f32 v22;
	v7 =	vld.idx.msk [tilespmem:v11+s29+$0x0], $0xffff  }
0x21e: {  	_ =	sdelay $0x1  }
0x21f: {  	v20 =	vand.u32 $0x3F, v20  }
0x220: {  	v21 =	vadd.s32 $0x4, v5;
	v9 =	vmul.bf16 v12, v9;
	v16 =	vadd.f32 v16, v18  }
0x221: {  	v11 =	vld.idx.msk [tilespmem:v11+s30+$0x0], $0xffff;
	v15 =	vadd.f32 v19, v15;
	v19 =	vadd.s32 $0x5, v5;
	v18 =	vand.u32 $0x3F, v21  }
0x222: {  	v12 =	vor.u32 v0, v20;
	v10 =	vmul.bf16 v13, v10;
	v13 =	vor.u32 v0, v18  }
0x223: {  	v18 =	vld.idx.msk [tilespmem:v8+s29+$0x0], $0xffff;
	v16 =	vadd.f32 v17, v16;
	v14 =	vadd.f32 v14, v15;
	v15 =	vand.u32 $0x3F, v19  }
0x224: {  	v8 =	vld.idx.msk [tilespmem:v8+s30+$0x0], $0xffff;
	v17 =	vunpack.i.u.bf16.f32 v10;
	v10 =	vunpack.i.l.bf16.f32 v10;
	v15 =	vor.u32 v0, v15  }
0x225: {  	v19 =	vld.idx.msk [tilespmem:v6+s29+$0x0], $0xffff;
	v10 =	vadd.f32 v10, v16;
	v14 =	vadd.f32 v17, v14;
	v16 =	vadd.s32 $0x6, v5  }
0x226: {  	v6 =	vld.idx.msk [tilespmem:v6+s30+$0x0], $0xffff;
	v7 =	vmul.bf16 v11, v7;
	v11 =	vunpack.i.u.bf16.f32 v9;
	v9 =	vunpack.i.l.bf16.f32 v9  }
0x227: {  	v5 =	vadd.s32 $0x7, v5;
	v17 =	vld.idx.msk [tilespmem:v12+s30+$0x0], $0xffff;
	v9 =	vadd.f32 v9, v10;
	v10 =	vand.u32 $0x3F, v16  }
0x228: {  	v5 =	vand.u32 $0x3F, v5;
	v12 =	vld.idx.msk [tilespmem:v12+s29+$0x0], $0xffff;
	v11 =	vadd.f32 v11, v14;
	v10 =	vor.u32 v0, v10  }
0x229: {  	v16 =	vunpack.i.u.bf16.f32 v7;
	v7 =	vunpack.i.l.bf16.f32 v7;
	v14 =	vld.idx.msk [tilespmem:v13+s29+$0x0], $0xffff;
	v8 =	vmul.bf16 v8, v18  }
0x22a: {  	v5 =	vor.u32 v0, v5;
	v7 =	vadd.f32 v7, v9;
	v9 =	vld.idx.msk [tilespmem:v13+s30+$0x0], $0xffff;
	v11 =	vadd.f32 v16, v11  }
0x22b: {  	v6 =	vmul.bf16 v6, v19;
	v13 =	vld.idx.msk [tilespmem:v15+s29+$0x0], $0xffff;
	v16 =	vunpack.i.u.bf16.f32 v8;
	v8 =	vunpack.i.l.bf16.f32 v8  }
0x22c: {  	v15 =	vld.idx.msk [tilespmem:v15+s30+$0x0], $0xffff;
	v7 =	vadd.f32 v8, v7;
	v8 =	vadd.f32 v16, v11  }
0x22d: {  	v11 =	vunpack.i.u.bf16.f32 v6;
	v6 =	vunpack.i.l.bf16.f32 v6;
	v12 =	vmul.bf16 v17, v12;
	v16 =	vld.idx.msk [tilespmem:v10+s29+$0x0], $0xffff  }
0x22e: {  	v8 =	vadd.f32 v11, v8;
	v6 =	vadd.f32 v6, v7;
	v7 =	vld.idx.msk [tilespmem:v10+s30+$0x0], $0xffff  }
0x22f: {  	v10 =	vunpack.i.u.bf16.f32 v12;
	v11 =	vunpack.i.l.bf16.f32 v12;
	v12 =	vld.idx.msk [tilespmem:v5+s29+$0x0], $0xffff;
	v9 =	vmul.bf16 v9, v14  }
0x230: {  	v5 =	vld.idx.msk [tilespmem:v5+s30+$0x0], $0xffff;
	v8 =	vadd.f32 v10, v8;
	v6 =	vadd.f32 v11, v6  }
0x231: {  	v10 =	vmul.bf16 v15, v13;
	v11 =	vunpack.i.l.bf16.f32 v9;
	v9 =	vunpack.i.u.bf16.f32 v9  }
0x232: {  	v6 =	vadd.f32 v11, v6;
	v8 =	vadd.f32 v9, v8  }
0x233: {  	v9 =	vunpack.i.u.bf16.f32 v10;
	v10 =	vunpack.i.l.bf16.f32 v10;
	v7 =	vmul.bf16 v7, v16  }
0x234: {  	v6 =	vadd.f32 v10, v6;
	v8 =	vadd.f32 v9, v8  }
0x235: {  	v5 =	vmul.bf16 v5, v12;
	v9 =	vunpack.i.u.bf16.f32 v7;
	v7 =	vunpack.i.l.bf16.f32 v7  }
0x236: {  	v6 =	vadd.f32 v7, v6;
	v7 =	vadd.f32 v9, v8  }
0x237: {  	v8 =	vunpack.i.u.bf16.f32 v5;
	v5 =	vunpack.i.l.bf16.f32 v5  }
0x238: {  	v5 =	vadd.f32 v5, v6;
	v6 =	vadd.f32 v8, v7;
	_ =	sdelay $0x1  }
0x239: {  	v5 =	vadd.f32 v6, v5;
	_ =	sdelay $0x1  }
0x23a: {  	v5 =	vsub.f32 $0.0e+00, v5;
	_ =	sdelay $0x1  }
0x23b: {  	v5 =	vmul.f32 $1.442695020e+00, v5;
	_ =	sdelay $0x1  }
0x23c: {  	(erf) = vpow2.f32 v5;
	_ =	sdelay $0x8  }
0x23d: {  	v5 =	vpop (erf)  }
0x23e: {  	v5 =	vadd.f32 $1.000000000e+00, v5;
	_ =	sdelay $0x1  }
0x23f: {  	(erf) = vrcp.f32 v5;
	_ =	sdelay $0x8  }
0x240: {  	v6 =	vlaneseq.u32;
	v5 =	vpop (erf)  }
0x241: {  	v7 =	vor.u32 v1, v6;
	v8 =	vadd.s32 $0x1, v6;
	v5 =	vadd.f32 $1.000000010e-07, v5  }
0x242: {  	v8 =	vand.u32 $0x3F, v8  }
0x243: {  	v11 =	vadd.s32 $0x4, v6;
	v8 =	vor.u32 v1, v8;
	v5 =	vmul.f32 $9.999998210e-01, v5  }
0x244: {  	v9 =	vadd.s32 $0x2, v6;
	v11 =	vand.u32 $0x3F, v11  }
0x245: {  	v9 =	vand.u32 $0x3F, v9;
	v11 =	vor.u32 v1, v11;
	[tilespmem:s8+$0xEDD0] =	vst v5  }
0x246: {  	v10 =	vadd.s32 $0x3, v6;
	v5 =	vor.u32 v1, v9;
	v9 =	vld.idx.msk [tilespmem:v7+s29+$0x0], $0xffff  }
0x247: {  	v10 =	vand.u32 $0x3F, v10;
	v7 =	vld.idx.msk [tilespmem:v7+s30+$0x0], $0xffff  }
0x248: {  	v10 =	vor.u32 v1, v10;
	v12 =	vld.idx.msk [tilespmem:v8+s29+$0x0], $0xffff  }
0x249: {  	v8 =	vld.idx.msk [tilespmem:v8+s30+$0x0], $0xffff  }
0x24a: {  	v19 =	vld.idx.msk [tilespmem:v11+s29+$0x0], $0xffff  }
0x24b: {  	v13 =	vadd.s32 $0x5, v6;
	v14 =	vld.idx.msk [tilespmem:v5+s29+$0x0], $0xffff  }
0x24c: {  	v13 =	vand.u32 $0x3F, v13;
	v5 =	vld.idx.msk [tilespmem:v5+s30+$0x0], $0xffff  }
0x24d: {  	v13 =	vor.u32 v1, v13;
	v7 =	vmul.bf16 v7, v9;
	v9 =	vld.idx.msk [tilespmem:v10+s30+$0x0], $0xffff  }
0x24e: {  	v15 =	vimm.f32 $0.0e+00;
	v16 =	vadd.s32 $0x6, v6;
	v17 =	vadd.s32 $0x7, v6;
	v10 =	vld.idx.msk [tilespmem:v10+s29+$0x0], $0xffff  }
0x24f: {  	v16 =	vand.u32 $0x3F, v16;
	v8 =	vmul.bf16 v8, v12;
	v12 =	vld.idx.msk [tilespmem:v11+s30+$0x0], $0xffff;
	v11 =	vand.u32 $0x3F, v17  }
0x250: {  	v20 =	vor.u32 v1, v16;
	v17 =	vor.u32 v1, v11;
	v18 =	vunpack.i.u.bf16.f32 v7  }
0x251: {  	v7 =	vunpack.i.l.bf16.f32 v7;
	v11 =	vunpack.i.u.bf16.f32 v8;
	v5 =	vmul.bf16 v5, v14  }
0x252: {  	v8 =	vunpack.i.l.bf16.f32 v8;
	v7 =	vadd.f32 v7, v15;
	v15 =	vadd.f32 v18, v15;
	v14 =	vld.idx.msk [tilespmem:v13+s29+$0x0], $0xffff  }
0x253: {  	v13 =	vld.idx.msk [tilespmem:v13+s30+$0x0], $0xffff;
	v16 =	vunpack.i.u.bf16.f32 v5;
	v18 =	vunpack.i.l.bf16.f32 v5;
	v5 =	vmul.bf16 v9, v10  }
0x254: {  	v6 =	vadd.s32 $0x8, v6;
	v7 =	vadd.f32 v8, v7;
	v8 =	vadd.f32 v11, v15  }
0x255: {  	v15 =	vunpack.i.u.bf16.f32 v5;
	v21 =	vunpack.i.l.bf16.f32 v5;
	v5 =	vand.u32 $0x3F, v6  }
0x256: {  	v19 =	vmul.bf16 v12, v19;
	v9 =	vld.idx.msk [tilespmem:v17+s29+$0x0], $0xffff;
	v11 =	vor.u32 v1, v5;
	v6 =	vadd.s32 $0x1, v5  }
0x257: {  	v12 =	vld.idx.msk [tilespmem:v17+s30+$0x0], $0xffff;
	v16 =	vadd.f32 v16, v8;
	v7 =	vadd.f32 v18, v7;
	v6 =	vand.u32 $0x3F, v6  }
0x258: {  	v10 =	vld.idx.msk [tilespmem:v20+s29+$0x0], $0xffff;
	v22 =	vmul.bf16 v13, v14;
	v8 =	vor.u32 v1, v6;
	v6 =	vadd.s32 $0x2, v5  }
0x259: {  	v15 =	vadd.f32 v15, v16;
	v16 =	vunpack.i.l.bf16.f32 v19;
	v13 =	vld.idx.msk [tilespmem:v20+s30+$0x0], $0xffff;
	v6 =	vand.u32 $0x3F, v6  }
0x25a: {  	v18 =	vadd.f32 v21, v7;
	v20 =	vadd.s32 $0x3, v5;
	v6 =	vor.u32 v1, v6  }
0x25b: {  	s9 =	simm.s32 $0x6;
	v19 =	vunpack.i.u.bf16.f32 v19;
	v14 =	vunpack.i.u.bf16.f32 v22;
	v17 =	vunpack.i.l.bf16.f32 v22;
	v7 =	vld.idx.msk [tilespmem:v11+s29+$0x0], $0xffff  }
.LBB2_15:
0x25c: {  	p1 =	sne.s32 s9, $0x1;
	s9 =	sadd.s32 $0xFFFFFFFF, s9;
	v11 =	vld.idx.msk [tilespmem:v11+s30+$0x0], $0xffff;
	v20 =	vand.u32 $0x3F, v20;
	v21 =	vadd.s32 $0x4, v5;
	v9 =	vmul.bf16 v12, v9  }
0x25d: {  	v16 =	vadd.f32 v16, v18;
	v15 =	vadd.f32 v19, v15;
	v12 =	vld.idx.msk [tilespmem:v8+s29+$0x0], $0xffff;
	v20 =	vor.u32 v1, v20  }
0x25e: {  	v19 =	vadd.s32 $0x5, v5;
	v18 =	vand.u32 $0x3F, v21;
	v10 =	vmul.bf16 v13, v10;
	v8 =	vld.idx.msk [tilespmem:v8+s30+$0x0], $0xffff  }
0x25f: {  	v18 =	vor.u32 v1, v18;
	v16 =	vadd.f32 v17, v16;
	v14 =	vadd.f32 v14, v15;
	v13 =	vld.idx.msk [tilespmem:v6+s29+$0x0], $0xffff  }
0x260: {  	v15 =	vand.u32 $0x3F, v19;
	v17 =	vunpack.i.u.bf16.f32 v10;
	v10 =	vunpack.i.l.bf16.f32 v10;
	v6 =	vld.idx.msk [tilespmem:v6+s30+$0x0], $0xffff  }
0x261: {  	v15 =	vor.u32 v1, v15;
	v10 =	vadd.f32 v10, v16;
	v14 =	vadd.f32 v17, v14  }
0x262: {  	v16 =	vunpack.i.u.bf16.f32 v9;
	v9 =	vunpack.i.l.bf16.f32 v9;
	v7 =	vmul.bf16 v11, v7;
	v11 =	vld.idx.msk [tilespmem:v20+s30+$0x0], $0xffff  }
0x263: {  	v19 =	vadd.s32 $0x6, v5;
	v9 =	vadd.f32 v9, v10;
	v17 =	vld.idx.msk [tilespmem:v20+s29+$0x0], $0xffff;
	v20 =	vadd.s32 $0x7, v5  }
0x264: {  	v14 =	vadd.f32 v16, v14;
	v10 =	vunpack.i.u.bf16.f32 v7;
	v7 =	vunpack.i.l.bf16.f32 v7;
	v21 =	vld.idx.msk [tilespmem:v18+s29+$0x0], $0xffff  }
0x265: {  	v8 =	vmul.bf16 v8, v12;
	v7 =	vadd.f32 v7, v9;
	v9 =	vand.u32 $0x3F, v20;
	v16 =	vld.idx.msk [tilespmem:v18+s30+$0x0], $0xffff  }
0x266: {  	v12 =	vand.u32 $0x3F, v19;
	v6 =	vmul.bf16 v6, v13;
	v18 =	vor.u32 v1, v9;
	v13 =	vld.idx.msk [tilespmem:v15+s29+$0x0], $0xffff  }
0x267: {  	v19 =	vor.u32 v1, v12;
	v9 =	vunpack.i.u.bf16.f32 v8;
	v8 =	vunpack.i.l.bf16.f32 v8;
	v15 =	vld.idx.msk [tilespmem:v15+s30+$0x0], $0xffff  }
0x268: {  	v10 =	vadd.f32 v10, v14;
	v12 =	vunpack.i.u.bf16.f32 v6;
	v6 =	vunpack.i.l.bf16.f32 v6  }
0x269: {  	v7 =	vadd.f32 v8, v7;
	v8 =	vmul.bf16 v11, v17  }
0x26a: {  	v5 =	vadd.s32 $0x8, v5;
	v10 =	vadd.f32 v9, v10  }
0x26b: {  	v5 =	vand.u32 $0x3F, v5;
	v14 =	vunpack.i.u.bf16.f32 v8;
	v17 =	vunpack.i.l.bf16.f32 v8;
	v9 =	vld.idx.msk [tilespmem:v18+s29+$0x0], $0xffff  }
0x26c: {  	v11 =	vor.u32 v1, v5;
	v20 =	vadd.f32 v12, v10;
	v8 =	vadd.s32 $0x1, v5;
	v12 =	vld.idx.msk [tilespmem:v18+s30+$0x0], $0xffff  }
.Ltmp6:
0x26d: {  	v21 =	vmul.bf16 v16, v21;
	v8 =	vand.u32 $0x3F, v8;
	v22 =	vmul.bf16 v15, v13;
	v10 =	vld.idx.msk [tilespmem:v19+s29+$0x0], $0xffff;
	(pc) =	sbr.rel @p1 .LBB2_15-.Ltmp6, $4  }
0x26e: {  	v7 =	vadd.f32 v6, v7;
	v8 =	vor.u32 v1, v8;
	v15 =	vadd.s32 $0x2, v5;
	v13 =	vld.idx.msk [tilespmem:v19+s30+$0x0], $0xffff  }
0x26f: {  	v16 =	vunpack.i.l.bf16.f32 v21;
	v6 =	vand.u32 $0x3F, v15;
	v15 =	vadd.f32 v14, v20  }
0x270: {  	v18 =	vadd.f32 v17, v7;
	v6 =	vor.u32 v1, v6;
	v14 =	vunpack.i.u.bf16.f32 v22  }
0x271: {  	v20 =	vadd.s32 $0x3, v5;
	v19 =	vunpack.i.u.bf16.f32 v21;
	v17 =	vunpack.i.l.bf16.f32 v22;
	v7 =	vld.idx.msk [tilespmem:v11+s29+$0x0], $0xffff  }
0x272: {  	_ =	sdelay $0x1  }
0x273: {  	v20 =	vand.u32 $0x3F, v20  }
0x274: {  	v21 =	vadd.s32 $0x4, v5;
	v9 =	vmul.bf16 v12, v9;
	v16 =	vadd.f32 v16, v18  }
0x275: {  	v11 =	vld.idx.msk [tilespmem:v11+s30+$0x0], $0xffff;
	v15 =	vadd.f32 v19, v15;
	v19 =	vadd.s32 $0x5, v5;
	v18 =	vand.u32 $0x3F, v21  }
0x276: {  	v12 =	vor.u32 v1, v20;
	v10 =	vmul.bf16 v13, v10;
	v13 =	vor.u32 v1, v18  }
0x277: {  	v18 =	vld.idx.msk [tilespmem:v8+s29+$0x0], $0xffff;
	v16 =	vadd.f32 v17, v16;
	v14 =	vadd.f32 v14, v15;
	v15 =	vand.u32 $0x3F, v19  }
0x278: {  	v8 =	vld.idx.msk [tilespmem:v8+s30+$0x0], $0xffff;
	v17 =	vunpack.i.u.bf16.f32 v10;
	v10 =	vunpack.i.l.bf16.f32 v10;
	v15 =	vor.u32 v1, v15  }
0x279: {  	v19 =	vld.idx.msk [tilespmem:v6+s29+$0x0], $0xffff;
	v10 =	vadd.f32 v10, v16;
	v14 =	vadd.f32 v17, v14;
	v16 =	vadd.s32 $0x6, v5  }
0x27a: {  	v6 =	vld.idx.msk [tilespmem:v6+s30+$0x0], $0xffff;
	v7 =	vmul.bf16 v11, v7;
	v11 =	vunpack.i.u.bf16.f32 v9;
	v9 =	vunpack.i.l.bf16.f32 v9  }
0x27b: {  	v5 =	vadd.s32 $0x7, v5;
	v17 =	vld.idx.msk [tilespmem:v12+s30+$0x0], $0xffff;
	v9 =	vadd.f32 v9, v10;
	v10 =	vand.u32 $0x3F, v16  }
0x27c: {  	v5 =	vand.u32 $0x3F, v5;
	v12 =	vld.idx.msk [tilespmem:v12+s29+$0x0], $0xffff;
	v11 =	vadd.f32 v11, v14;
	v10 =	vor.u32 v1, v10  }
0x27d: {  	v16 =	vunpack.i.u.bf16.f32 v7;
	v7 =	vunpack.i.l.bf16.f32 v7;
	v14 =	vld.idx.msk [tilespmem:v13+s29+$0x0], $0xffff;
	v8 =	vmul.bf16 v8, v18  }
0x27e: {  	v5 =	vor.u32 v1, v5;
	v7 =	vadd.f32 v7, v9;
	v9 =	vld.idx.msk [tilespmem:v13+s30+$0x0], $0xffff;
	v11 =	vadd.f32 v16, v11  }
0x27f: {  	v6 =	vmul.bf16 v6, v19;
	v13 =	vld.idx.msk [tilespmem:v15+s29+$0x0], $0xffff;
	v16 =	vunpack.i.u.bf16.f32 v8;
	v8 =	vunpack.i.l.bf16.f32 v8  }
0x280: {  	v15 =	vld.idx.msk [tilespmem:v15+s30+$0x0], $0xffff;
	v7 =	vadd.f32 v8, v7;
	v8 =	vadd.f32 v16, v11  }
0x281: {  	v11 =	vunpack.i.u.bf16.f32 v6;
	v6 =	vunpack.i.l.bf16.f32 v6;
	v12 =	vmul.bf16 v17, v12;
	v16 =	vld.idx.msk [tilespmem:v10+s29+$0x0], $0xffff  }
0x282: {  	v8 =	vadd.f32 v11, v8;
	v6 =	vadd.f32 v6, v7;
	v7 =	vld.idx.msk [tilespmem:v10+s30+$0x0], $0xffff  }
0x283: {  	v10 =	vunpack.i.u.bf16.f32 v12;
	v11 =	vunpack.i.l.bf16.f32 v12;
	v12 =	vld.idx.msk [tilespmem:v5+s29+$0x0], $0xffff;
	v9 =	vmul.bf16 v9, v14  }
0x284: {  	v5 =	vld.idx.msk [tilespmem:v5+s30+$0x0], $0xffff;
	v8 =	vadd.f32 v10, v8;
	v6 =	vadd.f32 v11, v6  }
0x285: {  	v10 =	vmul.bf16 v15, v13;
	v11 =	vunpack.i.l.bf16.f32 v9;
	v9 =	vunpack.i.u.bf16.f32 v9  }
0x286: {  	v6 =	vadd.f32 v11, v6;
	v8 =	vadd.f32 v9, v8  }
0x287: {  	v9 =	vunpack.i.u.bf16.f32 v10;
	v10 =	vunpack.i.l.bf16.f32 v10;
	v7 =	vmul.bf16 v7, v16  }
0x288: {  	v6 =	vadd.f32 v10, v6;
	v8 =	vadd.f32 v9, v8  }
0x289: {  	v5 =	vmul.bf16 v5, v12;
	v9 =	vunpack.i.u.bf16.f32 v7;
	v7 =	vunpack.i.l.bf16.f32 v7  }
0x28a: {  	v6 =	vadd.f32 v7, v6;
	v7 =	vadd.f32 v9, v8  }
0x28b: {  	v8 =	vunpack.i.u.bf16.f32 v5;
	v5 =	vunpack.i.l.bf16.f32 v5  }
0x28c: {  	v5 =	vadd.f32 v5, v6;
	v6 =	vadd.f32 v8, v7;
	_ =	sdelay $0x1  }
0x28d: {  	v5 =	vadd.f32 v6, v5;
	_ =	sdelay $0x1  }
0x28e: {  	v5 =	vsub.f32 $0.0e+00, v5;
	_ =	sdelay $0x1  }
0x28f: {  	v5 =	vmul.f32 $1.442695020e+00, v5;
	_ =	sdelay $0x1  }
0x290: {  	(erf) = vpow2.f32 v5;
	_ =	sdelay $0x8  }
0x291: {  	v5 =	vpop (erf)  }
0x292: {  	v5 =	vadd.f32 $1.000000000e+00, v5;
	_ =	sdelay $0x1  }
0x293: {  	(erf) = vrcp.f32 v5;
	_ =	sdelay $0x8  }
0x294: {  	v6 =	vlaneseq.u32;
	v5 =	vpop (erf)  }
0x295: {  	v7 =	vor.u32 v2, v6;
	v8 =	vadd.s32 $0x1, v6;
	v5 =	vadd.f32 $1.000000010e-07, v5  }
0x296: {  	v8 =	vand.u32 $0x3F, v8  }
0x297: {  	v11 =	vadd.s32 $0x4, v6;
	v8 =	vor.u32 v2, v8;
	v5 =	vmul.f32 $9.999998210e-01, v5  }
0x298: {  	v9 =	vadd.s32 $0x2, v6;
	v11 =	vand.u32 $0x3F, v11  }
0x299: {  	v9 =	vand.u32 $0x3F, v9;
	v11 =	vor.u32 v2, v11;
	[tilespmem:s8+$0xEDE0] =	vst v5  }
0x29a: {  	v10 =	vadd.s32 $0x3, v6;
	v5 =	vor.u32 v2, v9;
	v9 =	vld.idx.msk [tilespmem:v7+s29+$0x0], $0xffff  }
0x29b: {  	v10 =	vand.u32 $0x3F, v10;
	v7 =	vld.idx.msk [tilespmem:v7+s30+$0x0], $0xffff  }
0x29c: {  	v10 =	vor.u32 v2, v10;
	v12 =	vld.idx.msk [tilespmem:v8+s29+$0x0], $0xffff  }
0x29d: {  	v8 =	vld.idx.msk [tilespmem:v8+s30+$0x0], $0xffff  }
0x29e: {  	v19 =	vld.idx.msk [tilespmem:v11+s29+$0x0], $0xffff  }
0x29f: {  	v13 =	vadd.s32 $0x5, v6;
	v14 =	vld.idx.msk [tilespmem:v5+s29+$0x0], $0xffff  }
0x2a0: {  	v13 =	vand.u32 $0x3F, v13;
	v5 =	vld.idx.msk [tilespmem:v5+s30+$0x0], $0xffff  }
0x2a1: {  	v13 =	vor.u32 v2, v13;
	v7 =	vmul.bf16 v7, v9;
	v9 =	vld.idx.msk [tilespmem:v10+s30+$0x0], $0xffff  }
0x2a2: {  	v15 =	vimm.f32 $0.0e+00;
	v16 =	vadd.s32 $0x6, v6;
	v17 =	vadd.s32 $0x7, v6;
	v10 =	vld.idx.msk [tilespmem:v10+s29+$0x0], $0xffff  }
0x2a3: {  	v16 =	vand.u32 $0x3F, v16;
	v8 =	vmul.bf16 v8, v12;
	v12 =	vld.idx.msk [tilespmem:v11+s30+$0x0], $0xffff;
	v11 =	vand.u32 $0x3F, v17  }
0x2a4: {  	v20 =	vor.u32 v2, v16;
	v17 =	vor.u32 v2, v11;
	v18 =	vunpack.i.u.bf16.f32 v7  }
0x2a5: {  	v7 =	vunpack.i.l.bf16.f32 v7;
	v11 =	vunpack.i.u.bf16.f32 v8;
	v5 =	vmul.bf16 v5, v14  }
0x2a6: {  	v8 =	vunpack.i.l.bf16.f32 v8;
	v7 =	vadd.f32 v7, v15;
	v15 =	vadd.f32 v18, v15;
	v14 =	vld.idx.msk [tilespmem:v13+s29+$0x0], $0xffff  }
0x2a7: {  	v13 =	vld.idx.msk [tilespmem:v13+s30+$0x0], $0xffff;
	v16 =	vunpack.i.u.bf16.f32 v5;
	v18 =	vunpack.i.l.bf16.f32 v5;
	v5 =	vmul.bf16 v9, v10  }
0x2a8: {  	v6 =	vadd.s32 $0x8, v6;
	v7 =	vadd.f32 v8, v7;
	v8 =	vadd.f32 v11, v15  }
0x2a9: {  	v15 =	vunpack.i.u.bf16.f32 v5;
	v21 =	vunpack.i.l.bf16.f32 v5;
	v5 =	vand.u32 $0x3F, v6  }
0x2aa: {  	v19 =	vmul.bf16 v12, v19;
	v9 =	vld.idx.msk [tilespmem:v17+s29+$0x0], $0xffff;
	v11 =	vor.u32 v2, v5;
	v6 =	vadd.s32 $0x1, v5  }
0x2ab: {  	v12 =	vld.idx.msk [tilespmem:v17+s30+$0x0], $0xffff;
	v16 =	vadd.f32 v16, v8;
	v7 =	vadd.f32 v18, v7;
	v6 =	vand.u32 $0x3F, v6  }
0x2ac: {  	v10 =	vld.idx.msk [tilespmem:v20+s29+$0x0], $0xffff;
	v22 =	vmul.bf16 v13, v14;
	v8 =	vor.u32 v2, v6;
	v6 =	vadd.s32 $0x2, v5  }
0x2ad: {  	v15 =	vadd.f32 v15, v16;
	v16 =	vunpack.i.l.bf16.f32 v19;
	v13 =	vld.idx.msk [tilespmem:v20+s30+$0x0], $0xffff;
	v6 =	vand.u32 $0x3F, v6  }
0x2ae: {  	v18 =	vadd.f32 v21, v7;
	v20 =	vadd.s32 $0x3, v5;
	v6 =	vor.u32 v2, v6  }
0x2af: {  	s9 =	simm.s32 $0x6;
	v19 =	vunpack.i.u.bf16.f32 v19;
	v14 =	vunpack.i.u.bf16.f32 v22;
	v17 =	vunpack.i.l.bf16.f32 v22;
	v7 =	vld.idx.msk [tilespmem:v11+s29+$0x0], $0xffff  }
.LBB2_17:
0x2b0: {  	p1 =	sne.s32 s9, $0x1;
	s9 =	sadd.s32 $0xFFFFFFFF, s9;
	v11 =	vld.idx.msk [tilespmem:v11+s30+$0x0], $0xffff;
	v20 =	vand.u32 $0x3F, v20;
	v21 =	vadd.s32 $0x4, v5;
	v9 =	vmul.bf16 v12, v9  }
0x2b1: {  	v16 =	vadd.f32 v16, v18;
	v15 =	vadd.f32 v19, v15;
	v12 =	vld.idx.msk [tilespmem:v8+s29+$0x0], $0xffff;
	v20 =	vor.u32 v2, v20  }
0x2b2: {  	v19 =	vadd.s32 $0x5, v5;
	v18 =	vand.u32 $0x3F, v21;
	v10 =	vmul.bf16 v13, v10;
	v8 =	vld.idx.msk [tilespmem:v8+s30+$0x0], $0xffff  }
0x2b3: {  	v18 =	vor.u32 v2, v18;
	v16 =	vadd.f32 v17, v16;
	v14 =	vadd.f32 v14, v15;
	v13 =	vld.idx.msk [tilespmem:v6+s29+$0x0], $0xffff  }
0x2b4: {  	v15 =	vand.u32 $0x3F, v19;
	v17 =	vunpack.i.u.bf16.f32 v10;
	v10 =	vunpack.i.l.bf16.f32 v10;
	v6 =	vld.idx.msk [tilespmem:v6+s30+$0x0], $0xffff  }
0x2b5: {  	v15 =	vor.u32 v2, v15;
	v10 =	vadd.f32 v10, v16;
	v14 =	vadd.f32 v17, v14  }
0x2b6: {  	v16 =	vunpack.i.u.bf16.f32 v9;
	v9 =	vunpack.i.l.bf16.f32 v9;
	v7 =	vmul.bf16 v11, v7;
	v11 =	vld.idx.msk [tilespmem:v20+s30+$0x0], $0xffff  }
0x2b7: {  	v19 =	vadd.s32 $0x6, v5;
	v9 =	vadd.f32 v9, v10;
	v17 =	vld.idx.msk [tilespmem:v20+s29+$0x0], $0xffff;
	v20 =	vadd.s32 $0x7, v5  }
0x2b8: {  	v14 =	vadd.f32 v16, v14;
	v10 =	vunpack.i.u.bf16.f32 v7;
	v7 =	vunpack.i.l.bf16.f32 v7;
	v21 =	vld.idx.msk [tilespmem:v18+s29+$0x0], $0xffff  }
0x2b9: {  	v8 =	vmul.bf16 v8, v12;
	v7 =	vadd.f32 v7, v9;
	v9 =	vand.u32 $0x3F, v20;
	v16 =	vld.idx.msk [tilespmem:v18+s30+$0x0], $0xffff  }
0x2ba: {  	v12 =	vand.u32 $0x3F, v19;
	v6 =	vmul.bf16 v6, v13;
	v18 =	vor.u32 v2, v9;
	v13 =	vld.idx.msk [tilespmem:v15+s29+$0x0], $0xffff  }
0x2bb: {  	v19 =	vor.u32 v2, v12;
	v9 =	vunpack.i.u.bf16.f32 v8;
	v8 =	vunpack.i.l.bf16.f32 v8;
	v15 =	vld.idx.msk [tilespmem:v15+s30+$0x0], $0xffff  }
0x2bc: {  	v10 =	vadd.f32 v10, v14;
	v12 =	vunpack.i.u.bf16.f32 v6;
	v6 =	vunpack.i.l.bf16.f32 v6  }
0x2bd: {  	v7 =	vadd.f32 v8, v7;
	v8 =	vmul.bf16 v11, v17  }
0x2be: {  	v5 =	vadd.s32 $0x8, v5;
	v10 =	vadd.f32 v9, v10  }
0x2bf: {  	v5 =	vand.u32 $0x3F, v5;
	v14 =	vunpack.i.u.bf16.f32 v8;
	v17 =	vunpack.i.l.bf16.f32 v8;
	v9 =	vld.idx.msk [tilespmem:v18+s29+$0x0], $0xffff  }
0x2c0: {  	v11 =	vor.u32 v2, v5;
	v20 =	vadd.f32 v12, v10;
	v8 =	vadd.s32 $0x1, v5;
	v12 =	vld.idx.msk [tilespmem:v18+s30+$0x0], $0xffff  }
.Ltmp7:
0x2c1: {  	v21 =	vmul.bf16 v16, v21;
	v8 =	vand.u32 $0x3F, v8;
	v22 =	vmul.bf16 v15, v13;
	v10 =	vld.idx.msk [tilespmem:v19+s29+$0x0], $0xffff;
	(pc) =	sbr.rel @p1 .LBB2_17-.Ltmp7, $4  }
0x2c2: {  	v7 =	vadd.f32 v6, v7;
	v8 =	vor.u32 v2, v8;
	v15 =	vadd.s32 $0x2, v5;
	v13 =	vld.idx.msk [tilespmem:v19+s30+$0x0], $0xffff  }
0x2c3: {  	v16 =	vunpack.i.l.bf16.f32 v21;
	v6 =	vand.u32 $0x3F, v15;
	v15 =	vadd.f32 v14, v20  }
0x2c4: {  	v18 =	vadd.f32 v17, v7;
	v6 =	vor.u32 v2, v6;
	v14 =	vunpack.i.u.bf16.f32 v22  }
0x2c5: {  	v20 =	vadd.s32 $0x3, v5;
	v19 =	vunpack.i.u.bf16.f32 v21;
	v17 =	vunpack.i.l.bf16.f32 v22;
	v7 =	vld.idx.msk [tilespmem:v11+s29+$0x0], $0xffff  }
0x2c6: {  	_ =	sdelay $0x1  }
0x2c7: {  	v20 =	vand.u32 $0x3F, v20  }
0x2c8: {  	v21 =	vadd.s32 $0x4, v5;
	v9 =	vmul.bf16 v12, v9;
	v16 =	vadd.f32 v16, v18  }
0x2c9: {  	v11 =	vld.idx.msk [tilespmem:v11+s30+$0x0], $0xffff;
	v15 =	vadd.f32 v19, v15;
	v19 =	vadd.s32 $0x5, v5;
	v18 =	vand.u32 $0x3F, v21  }
0x2ca: {  	v12 =	vor.u32 v2, v20;
	v10 =	vmul.bf16 v13, v10;
	v13 =	vor.u32 v2, v18  }
0x2cb: {  	v18 =	vld.idx.msk [tilespmem:v8+s29+$0x0], $0xffff;
	v16 =	vadd.f32 v17, v16;
	v14 =	vadd.f32 v14, v15;
	v15 =	vand.u32 $0x3F, v19  }
0x2cc: {  	v8 =	vld.idx.msk [tilespmem:v8+s30+$0x0], $0xffff;
	v17 =	vunpack.i.u.bf16.f32 v10;
	v10 =	vunpack.i.l.bf16.f32 v10;
	v15 =	vor.u32 v2, v15  }
0x2cd: {  	v19 =	vld.idx.msk [tilespmem:v6+s29+$0x0], $0xffff;
	v10 =	vadd.f32 v10, v16;
	v14 =	vadd.f32 v17, v14;
	v16 =	vadd.s32 $0x6, v5  }
0x2ce: {  	v6 =	vld.idx.msk [tilespmem:v6+s30+$0x0], $0xffff;
	v7 =	vmul.bf16 v11, v7;
	v11 =	vunpack.i.u.bf16.f32 v9;
	v9 =	vunpack.i.l.bf16.f32 v9  }
0x2cf: {  	v5 =	vadd.s32 $0x7, v5;
	v17 =	vld.idx.msk [tilespmem:v12+s30+$0x0], $0xffff;
	v9 =	vadd.f32 v9, v10;
	v10 =	vand.u32 $0x3F, v16  }
0x2d0: {  	v5 =	vand.u32 $0x3F, v5;
	v12 =	vld.idx.msk [tilespmem:v12+s29+$0x0], $0xffff;
	v11 =	vadd.f32 v11, v14;
	v10 =	vor.u32 v2, v10  }
0x2d1: {  	v16 =	vunpack.i.u.bf16.f32 v7;
	v7 =	vunpack.i.l.bf16.f32 v7;
	v14 =	vld.idx.msk [tilespmem:v13+s29+$0x0], $0xffff;
	v8 =	vmul.bf16 v8, v18  }
0x2d2: {  	v5 =	vor.u32 v2, v5;
	v7 =	vadd.f32 v7, v9;
	v9 =	vld.idx.msk [tilespmem:v13+s30+$0x0], $0xffff;
	v11 =	vadd.f32 v16, v11  }
0x2d3: {  	v6 =	vmul.bf16 v6, v19;
	v13 =	vld.idx.msk [tilespmem:v15+s29+$0x0], $0xffff;
	v16 =	vunpack.i.u.bf16.f32 v8;
	v8 =	vunpack.i.l.bf16.f32 v8  }
0x2d4: {  	v15 =	vld.idx.msk [tilespmem:v15+s30+$0x0], $0xffff;
	v7 =	vadd.f32 v8, v7;
	v8 =	vadd.f32 v16, v11  }
0x2d5: {  	v11 =	vunpack.i.u.bf16.f32 v6;
	v6 =	vunpack.i.l.bf16.f32 v6;
	v12 =	vmul.bf16 v17, v12;
	v16 =	vld.idx.msk [tilespmem:v10+s29+$0x0], $0xffff  }
0x2d6: {  	v8 =	vadd.f32 v11, v8;
	v6 =	vadd.f32 v6, v7;
	v7 =	vld.idx.msk [tilespmem:v10+s30+$0x0], $0xffff  }
0x2d7: {  	v10 =	vunpack.i.u.bf16.f32 v12;
	v11 =	vunpack.i.l.bf16.f32 v12;
	v12 =	vld.idx.msk [tilespmem:v5+s29+$0x0], $0xffff;
	v9 =	vmul.bf16 v9, v14  }
0x2d8: {  	v5 =	vld.idx.msk [tilespmem:v5+s30+$0x0], $0xffff;
	v8 =	vadd.f32 v10, v8;
	v6 =	vadd.f32 v11, v6  }
0x2d9: {  	v10 =	vmul.bf16 v15, v13;
	v11 =	vunpack.i.l.bf16.f32 v9;
	v9 =	vunpack.i.u.bf16.f32 v9  }
0x2da: {  	v6 =	vadd.f32 v11, v6;
	v8 =	vadd.f32 v9, v8  }
0x2db: {  	v9 =	vunpack.i.u.bf16.f32 v10;
	v10 =	vunpack.i.l.bf16.f32 v10;
	v7 =	vmul.bf16 v7, v16  }
0x2dc: {  	v6 =	vadd.f32 v10, v6;
	v8 =	vadd.f32 v9, v8  }
0x2dd: {  	v5 =	vmul.bf16 v5, v12;
	v9 =	vunpack.i.u.bf16.f32 v7;
	v7 =	vunpack.i.l.bf16.f32 v7  }
0x2de: {  	v6 =	vadd.f32 v7, v6;
	v7 =	vadd.f32 v9, v8  }
0x2df: {  	v8 =	vunpack.i.u.bf16.f32 v5;
	v5 =	vunpack.i.l.bf16.f32 v5  }
0x2e0: {  	v5 =	vadd.f32 v5, v6;
	v6 =	vadd.f32 v8, v7;
	_ =	sdelay $0x1  }
0x2e1: {  	v5 =	vadd.f32 v6, v5;
	_ =	sdelay $0x1  }
0x2e2: {  	v5 =	vsub.f32 $0.0e+00, v5;
	_ =	sdelay $0x1  }
0x2e3: {  	v5 =	vmul.f32 $1.442695020e+00, v5;
	_ =	sdelay $0x1  }
0x2e4: {  	(erf) = vpow2.f32 v5;
	_ =	sdelay $0x8  }
0x2e5: {  	v5 =	vpop (erf)  }
0x2e6: {  	v5 =	vadd.f32 $1.000000000e+00, v5;
	_ =	sdelay $0x1  }
0x2e7: {  	(erf) = vrcp.f32 v5;
	_ =	sdelay $0x8  }
0x2e8: {  	v6 =	vlaneseq.u32;
	v5 =	vpop (erf)  }
0x2e9: {  	v7 =	vor.u32 v3, v6;
	v8 =	vadd.s32 $0x1, v6;
	v5 =	vadd.f32 $1.000000010e-07, v5  }
0x2ea: {  	v8 =	vand.u32 $0x3F, v8  }
0x2eb: {  	v11 =	vadd.s32 $0x4, v6;
	v8 =	vor.u32 v3, v8;
	v5 =	vmul.f32 $9.999998210e-01, v5  }
0x2ec: {  	v9 =	vadd.s32 $0x2, v6;
	v11 =	vand.u32 $0x3F, v11  }
0x2ed: {  	v9 =	vand.u32 $0x3F, v9;
	v11 =	vor.u32 v3, v11;
	[tilespmem:s8+$0xEDF0] =	vst v5  }
0x2ee: {  	v10 =	vadd.s32 $0x3, v6;
	v5 =	vor.u32 v3, v9;
	v9 =	vld.idx.msk [tilespmem:v7+s29+$0x0], $0xffff  }
0x2ef: {  	v10 =	vand.u32 $0x3F, v10;
	v7 =	vld.idx.msk [tilespmem:v7+s30+$0x0], $0xffff  }
0x2f0: {  	v10 =	vor.u32 v3, v10;
	v12 =	vld.idx.msk [tilespmem:v8+s29+$0x0], $0xffff  }
0x2f1: {  	v8 =	vld.idx.msk [tilespmem:v8+s30+$0x0], $0xffff  }
0x2f2: {  	v19 =	vld.idx.msk [tilespmem:v11+s29+$0x0], $0xffff  }
0x2f3: {  	v13 =	vadd.s32 $0x5, v6;
	v14 =	vld.idx.msk [tilespmem:v5+s29+$0x0], $0xffff  }
0x2f4: {  	v13 =	vand.u32 $0x3F, v13;
	v5 =	vld.idx.msk [tilespmem:v5+s30+$0x0], $0xffff  }
0x2f5: {  	v13 =	vor.u32 v3, v13;
	v7 =	vmul.bf16 v7, v9;
	v9 =	vld.idx.msk [tilespmem:v10+s30+$0x0], $0xffff  }
0x2f6: {  	v15 =	vimm.f32 $0.0e+00;
	v16 =	vadd.s32 $0x6, v6;
	v17 =	vadd.s32 $0x7, v6;
	v10 =	vld.idx.msk [tilespmem:v10+s29+$0x0], $0xffff  }
0x2f7: {  	v16 =	vand.u32 $0x3F, v16;
	v8 =	vmul.bf16 v8, v12;
	v12 =	vld.idx.msk [tilespmem:v11+s30+$0x0], $0xffff;
	v11 =	vand.u32 $0x3F, v17  }
0x2f8: {  	v20 =	vor.u32 v3, v16;
	v17 =	vor.u32 v3, v11;
	v18 =	vunpack.i.u.bf16.f32 v7  }
0x2f9: {  	v7 =	vunpack.i.l.bf16.f32 v7;
	v11 =	vunpack.i.u.bf16.f32 v8;
	v5 =	vmul.bf16 v5, v14  }
0x2fa: {  	v8 =	vunpack.i.l.bf16.f32 v8;
	v7 =	vadd.f32 v7, v15;
	v15 =	vadd.f32 v18, v15;
	v14 =	vld.idx.msk [tilespmem:v13+s29+$0x0], $0xffff  }
0x2fb: {  	v13 =	vld.idx.msk [tilespmem:v13+s30+$0x0], $0xffff;
	v16 =	vunpack.i.u.bf16.f32 v5;
	v18 =	vunpack.i.l.bf16.f32 v5;
	v5 =	vmul.bf16 v9, v10  }
0x2fc: {  	v6 =	vadd.s32 $0x8, v6;
	v7 =	vadd.f32 v8, v7;
	v8 =	vadd.f32 v11, v15  }
0x2fd: {  	v15 =	vunpack.i.u.bf16.f32 v5;
	v21 =	vunpack.i.l.bf16.f32 v5;
	v5 =	vand.u32 $0x3F, v6  }
0x2fe: {  	v19 =	vmul.bf16 v12, v19;
	v9 =	vld.idx.msk [tilespmem:v17+s29+$0x0], $0xffff;
	v11 =	vor.u32 v3, v5;
	v6 =	vadd.s32 $0x1, v5  }
0x2ff: {  	v12 =	vld.idx.msk [tilespmem:v17+s30+$0x0], $0xffff;
	v16 =	vadd.f32 v16, v8;
	v7 =	vadd.f32 v18, v7;
	v6 =	vand.u32 $0x3F, v6  }
0x300: {  	v10 =	vld.idx.msk [tilespmem:v20+s29+$0x0], $0xffff;
	v22 =	vmul.bf16 v13, v14;
	v8 =	vor.u32 v3, v6;
	v6 =	vadd.s32 $0x2, v5  }
0x301: {  	v15 =	vadd.f32 v15, v16;
	v16 =	vunpack.i.l.bf16.f32 v19;
	v13 =	vld.idx.msk [tilespmem:v20+s30+$0x0], $0xffff;
	v6 =	vand.u32 $0x3F, v6  }
0x302: {  	v18 =	vadd.f32 v21, v7;
	v20 =	vadd.s32 $0x3, v5;
	v6 =	vor.u32 v3, v6  }
0x303: {  	s9 =	simm.s32 $0x6;
	v19 =	vunpack.i.u.bf16.f32 v19;
	v14 =	vunpack.i.u.bf16.f32 v22;
	v17 =	vunpack.i.l.bf16.f32 v22;
	v7 =	vld.idx.msk [tilespmem:v11+s29+$0x0], $0xffff  }
.LBB2_19:
0x304: {  	p1 =	sne.s32 s9, $0x1;
	s9 =	sadd.s32 $0xFFFFFFFF, s9;
	v11 =	vld.idx.msk [tilespmem:v11+s30+$0x0], $0xffff;
	v20 =	vand.u32 $0x3F, v20;
	v21 =	vadd.s32 $0x4, v5;
	v9 =	vmul.bf16 v12, v9  }
0x305: {  	v16 =	vadd.f32 v16, v18;
	v15 =	vadd.f32 v19, v15;
	v12 =	vld.idx.msk [tilespmem:v8+s29+$0x0], $0xffff;
	v20 =	vor.u32 v3, v20  }
0x306: {  	v19 =	vadd.s32 $0x5, v5;
	v18 =	vand.u32 $0x3F, v21;
	v10 =	vmul.bf16 v13, v10;
	v8 =	vld.idx.msk [tilespmem:v8+s30+$0x0], $0xffff  }
0x307: {  	v18 =	vor.u32 v3, v18;
	v16 =	vadd.f32 v17, v16;
	v14 =	vadd.f32 v14, v15;
	v13 =	vld.idx.msk [tilespmem:v6+s29+$0x0], $0xffff  }
0x308: {  	v15 =	vand.u32 $0x3F, v19;
	v17 =	vunpack.i.u.bf16.f32 v10;
	v10 =	vunpack.i.l.bf16.f32 v10;
	v6 =	vld.idx.msk [tilespmem:v6+s30+$0x0], $0xffff  }
0x309: {  	v15 =	vor.u32 v3, v15;
	v10 =	vadd.f32 v10, v16;
	v14 =	vadd.f32 v17, v14  }
0x30a: {  	v16 =	vunpack.i.u.bf16.f32 v9;
	v9 =	vunpack.i.l.bf16.f32 v9;
	v7 =	vmul.bf16 v11, v7;
	v11 =	vld.idx.msk [tilespmem:v20+s30+$0x0], $0xffff  }
0x30b: {  	v19 =	vadd.s32 $0x6, v5;
	v9 =	vadd.f32 v9, v10;
	v17 =	vld.idx.msk [tilespmem:v20+s29+$0x0], $0xffff;
	v20 =	vadd.s32 $0x7, v5  }
0x30c: {  	v14 =	vadd.f32 v16, v14;
	v10 =	vunpack.i.u.bf16.f32 v7;
	v7 =	vunpack.i.l.bf16.f32 v7;
	v21 =	vld.idx.msk [tilespmem:v18+s29+$0x0], $0xffff  }
0x30d: {  	v8 =	vmul.bf16 v8, v12;
	v7 =	vadd.f32 v7, v9;
	v9 =	vand.u32 $0x3F, v20;
	v16 =	vld.idx.msk [tilespmem:v18+s30+$0x0], $0xffff  }
0x30e: {  	v12 =	vand.u32 $0x3F, v19;
	v6 =	vmul.bf16 v6, v13;
	v18 =	vor.u32 v3, v9;
	v13 =	vld.idx.msk [tilespmem:v15+s29+$0x0], $0xffff  }
0x30f: {  	v19 =	vor.u32 v3, v12;
	v9 =	vunpack.i.u.bf16.f32 v8;
	v8 =	vunpack.i.l.bf16.f32 v8;
	v15 =	vld.idx.msk [tilespmem:v15+s30+$0x0], $0xffff  }
0x310: {  	v10 =	vadd.f32 v10, v14;
	v12 =	vunpack.i.u.bf16.f32 v6;
	v6 =	vunpack.i.l.bf16.f32 v6  }
0x311: {  	v7 =	vadd.f32 v8, v7;
	v8 =	vmul.bf16 v11, v17  }
0x312: {  	v5 =	vadd.s32 $0x8, v5;
	v10 =	vadd.f32 v9, v10  }
0x313: {  	v5 =	vand.u32 $0x3F, v5;
	v14 =	vunpack.i.u.bf16.f32 v8;
	v17 =	vunpack.i.l.bf16.f32 v8;
	v9 =	vld.idx.msk [tilespmem:v18+s29+$0x0], $0xffff  }
0x314: {  	v11 =	vor.u32 v3, v5;
	v20 =	vadd.f32 v12, v10;
	v8 =	vadd.s32 $0x1, v5;
	v12 =	vld.idx.msk [tilespmem:v18+s30+$0x0], $0xffff  }
.Ltmp8:
0x315: {  	v21 =	vmul.bf16 v16, v21;
	v8 =	vand.u32 $0x3F, v8;
	v22 =	vmul.bf16 v15, v13;
	v10 =	vld.idx.msk [tilespmem:v19+s29+$0x0], $0xffff;
	(pc) =	sbr.rel @p1 .LBB2_19-.Ltmp8, $4  }
0x316: {  	v7 =	vadd.f32 v6, v7;
	v8 =	vor.u32 v3, v8;
	v15 =	vadd.s32 $0x2, v5;
	v13 =	vld.idx.msk [tilespmem:v19+s30+$0x0], $0xffff  }
0x317: {  	v16 =	vunpack.i.l.bf16.f32 v21;
	v6 =	vand.u32 $0x3F, v15;
	v15 =	vadd.f32 v14, v20  }
0x318: {  	v18 =	vadd.f32 v17, v7;
	v6 =	vor.u32 v3, v6;
	v14 =	vunpack.i.u.bf16.f32 v22  }
0x319: {  	v20 =	vadd.s32 $0x3, v5;
	v19 =	vunpack.i.u.bf16.f32 v21;
	v17 =	vunpack.i.l.bf16.f32 v22;
	v7 =	vld.idx.msk [tilespmem:v11+s29+$0x0], $0xffff  }
0x31a: {  	_ =	sdelay $0x1  }
0x31b: {  	v20 =	vand.u32 $0x3F, v20  }
0x31c: {  	v21 =	vadd.s32 $0x4, v5;
	v9 =	vmul.bf16 v12, v9;
	v16 =	vadd.f32 v16, v18  }
0x31d: {  	v11 =	vld.idx.msk [tilespmem:v11+s30+$0x0], $0xffff;
	v15 =	vadd.f32 v19, v15;
	v19 =	vadd.s32 $0x5, v5;
	v18 =	vand.u32 $0x3F, v21  }
0x31e: {  	v12 =	vor.u32 v3, v20;
	v10 =	vmul.bf16 v13, v10;
	v13 =	vor.u32 v3, v18  }
0x31f: {  	v18 =	vld.idx.msk [tilespmem:v8+s29+$0x0], $0xffff;
	v16 =	vadd.f32 v17, v16;
	v14 =	vadd.f32 v14, v15;
	v15 =	vand.u32 $0x3F, v19  }
0x320: {  	v8 =	vld.idx.msk [tilespmem:v8+s30+$0x0], $0xffff;
	v17 =	vunpack.i.u.bf16.f32 v10;
	v10 =	vunpack.i.l.bf16.f32 v10;
	v15 =	vor.u32 v3, v15  }
0x321: {  	v19 =	vld.idx.msk [tilespmem:v6+s29+$0x0], $0xffff;
	v10 =	vadd.f32 v10, v16;
	v14 =	vadd.f32 v17, v14;
	v16 =	vadd.s32 $0x6, v5  }
0x322: {  	v6 =	vld.idx.msk [tilespmem:v6+s30+$0x0], $0xffff;
	v7 =	vmul.bf16 v11, v7;
	v11 =	vunpack.i.u.bf16.f32 v9;
	v9 =	vunpack.i.l.bf16.f32 v9  }
0x323: {  	v5 =	vadd.s32 $0x7, v5;
	v17 =	vld.idx.msk [tilespmem:v12+s30+$0x0], $0xffff;
	v9 =	vadd.f32 v9, v10;
	v10 =	vand.u32 $0x3F, v16  }
0x324: {  	v5 =	vand.u32 $0x3F, v5;
	v12 =	vld.idx.msk [tilespmem:v12+s29+$0x0], $0xffff;
	v11 =	vadd.f32 v11, v14;
	v10 =	vor.u32 v3, v10  }
0x325: {  	v16 =	vunpack.i.u.bf16.f32 v7;
	v7 =	vunpack.i.l.bf16.f32 v7;
	v14 =	vld.idx.msk [tilespmem:v13+s29+$0x0], $0xffff;
	v8 =	vmul.bf16 v8, v18  }
0x326: {  	v5 =	vor.u32 v3, v5;
	v7 =	vadd.f32 v7, v9;
	v9 =	vld.idx.msk [tilespmem:v13+s30+$0x0], $0xffff;
	v11 =	vadd.f32 v16, v11  }
0x327: {  	v6 =	vmul.bf16 v6, v19;
	v13 =	vld.idx.msk [tilespmem:v15+s29+$0x0], $0xffff;
	v16 =	vunpack.i.u.bf16.f32 v8;
	v8 =	vunpack.i.l.bf16.f32 v8  }
0x328: {  	v15 =	vld.idx.msk [tilespmem:v15+s30+$0x0], $0xffff;
	v7 =	vadd.f32 v8, v7;
	v8 =	vadd.f32 v16, v11  }
0x329: {  	v11 =	vunpack.i.u.bf16.f32 v6;
	v6 =	vunpack.i.l.bf16.f32 v6;
	v12 =	vmul.bf16 v17, v12;
	v16 =	vld.idx.msk [tilespmem:v10+s29+$0x0], $0xffff  }
0x32a: {  	v8 =	vadd.f32 v11, v8;
	v6 =	vadd.f32 v6, v7;
	v7 =	vld.idx.msk [tilespmem:v10+s30+$0x0], $0xffff  }
0x32b: {  	v10 =	vunpack.i.u.bf16.f32 v12;
	v11 =	vunpack.i.l.bf16.f32 v12;
	v12 =	vld.idx.msk [tilespmem:v5+s29+$0x0], $0xffff;
	v9 =	vmul.bf16 v9, v14  }
0x32c: {  	v5 =	vld.idx.msk [tilespmem:v5+s30+$0x0], $0xffff;
	v8 =	vadd.f32 v10, v8;
	v6 =	vadd.f32 v11, v6  }
0x32d: {  	v10 =	vmul.bf16 v15, v13;
	v11 =	vunpack.i.l.bf16.f32 v9;
	v9 =	vunpack.i.u.bf16.f32 v9  }
0x32e: {  	v6 =	vadd.f32 v11, v6;
	v8 =	vadd.f32 v9, v8  }
0x32f: {  	v9 =	vunpack.i.u.bf16.f32 v10;
	v10 =	vunpack.i.l.bf16.f32 v10;
	v7 =	vmul.bf16 v7, v16  }
0x330: {  	v6 =	vadd.f32 v10, v6;
	v8 =	vadd.f32 v9, v8  }
0x331: {  	v5 =	vmul.bf16 v5, v12;
	v9 =	vunpack.i.u.bf16.f32 v7;
	v7 =	vunpack.i.l.bf16.f32 v7  }
0x332: {  	v6 =	vadd.f32 v7, v6;
	v7 =	vadd.f32 v9, v8  }
0x333: {  	v8 =	vunpack.i.u.bf16.f32 v5;
	v5 =	vunpack.i.l.bf16.f32 v5  }
0x334: {  	v5 =	vadd.f32 v5, v6;
	v6 =	vadd.f32 v8, v7;
	_ =	sdelay $0x1  }
0x335: {  	v5 =	vadd.f32 v6, v5;
	_ =	sdelay $0x1  }
0x336: {  	v5 =	vsub.f32 $0.0e+00, v5;
	_ =	sdelay $0x1  }
0x337: {  	v5 =	vmul.f32 $1.442695020e+00, v5;
	_ =	sdelay $0x1  }
0x338: {  	(erf) = vpow2.f32 v5;
	_ =	sdelay $0x8  }
0x339: {  	v5 =	vpop (erf)  }
0x33a: {  	v5 =	vadd.f32 $1.000000000e+00, v5;
	_ =	sdelay $0x1  }
0x33b: {  	(erf) = vrcp.f32 v5;
	_ =	sdelay $0x8  }
0x33c: {  	v6 =	vlaneseq.u32;
	v5 =	vpop (erf)  }
0x33d: {  	v7 =	vor.u32 v4, v6;
	v8 =	vadd.s32 $0x1, v6;
	v5 =	vadd.f32 $1.000000010e-07, v5  }
0x33e: {  	v8 =	vand.u32 $0x3F, v8  }
0x33f: {  	v11 =	vadd.s32 $0x4, v6;
	v8 =	vor.u32 v4, v8;
	v5 =	vmul.f32 $9.999998210e-01, v5  }
0x340: {  	v9 =	vadd.s32 $0x2, v6;
	v11 =	vand.u32 $0x3F, v11  }
0x341: {  	v9 =	vand.u32 $0x3F, v9;
	v11 =	vor.u32 v4, v11;
	[tilespmem:s8+$0xEE00] =	vst v5  }
0x342: {  	v10 =	vadd.s32 $0x3, v6;
	v5 =	vor.u32 v4, v9;
	v9 =	vld.idx.msk [tilespmem:v7+s29+$0x0], $0xffff  }
0x343: {  	v10 =	vand.u32 $0x3F, v10;
	v7 =	vld.idx.msk [tilespmem:v7+s30+$0x0], $0xffff  }
0x344: {  	v10 =	vor.u32 v4, v10;
	v12 =	vld.idx.msk [tilespmem:v8+s29+$0x0], $0xffff  }
0x345: {  	v8 =	vld.idx.msk [tilespmem:v8+s30+$0x0], $0xffff  }
0x346: {  	v19 =	vld.idx.msk [tilespmem:v11+s29+$0x0], $0xffff  }
0x347: {  	v13 =	vadd.s32 $0x5, v6;
	v14 =	vld.idx.msk [tilespmem:v5+s29+$0x0], $0xffff  }
0x348: {  	v13 =	vand.u32 $0x3F, v13;
	v5 =	vld.idx.msk [tilespmem:v5+s30+$0x0], $0xffff  }
0x349: {  	v13 =	vor.u32 v4, v13;
	v7 =	vmul.bf16 v7, v9;
	v9 =	vld.idx.msk [tilespmem:v10+s30+$0x0], $0xffff  }
0x34a: {  	v15 =	vimm.f32 $0.0e+00;
	v16 =	vadd.s32 $0x6, v6;
	v17 =	vadd.s32 $0x7, v6;
	v10 =	vld.idx.msk [tilespmem:v10+s29+$0x0], $0xffff  }
0x34b: {  	v16 =	vand.u32 $0x3F, v16;
	v8 =	vmul.bf16 v8, v12;
	v12 =	vld.idx.msk [tilespmem:v11+s30+$0x0], $0xffff;
	v11 =	vand.u32 $0x3F, v17  }
0x34c: {  	v20 =	vor.u32 v4, v16;
	v17 =	vor.u32 v4, v11;
	v18 =	vunpack.i.u.bf16.f32 v7  }
0x34d: {  	v7 =	vunpack.i.l.bf16.f32 v7;
	v11 =	vunpack.i.u.bf16.f32 v8;
	v5 =	vmul.bf16 v5, v14  }
0x34e: {  	v8 =	vunpack.i.l.bf16.f32 v8;
	v7 =	vadd.f32 v7, v15;
	v15 =	vadd.f32 v18, v15;
	v14 =	vld.idx.msk [tilespmem:v13+s29+$0x0], $0xffff  }
0x34f: {  	v13 =	vld.idx.msk [tilespmem:v13+s30+$0x0], $0xffff;
	v16 =	vunpack.i.u.bf16.f32 v5;
	v18 =	vunpack.i.l.bf16.f32 v5;
	v5 =	vmul.bf16 v9, v10  }
0x350: {  	v6 =	vadd.s32 $0x8, v6;
	v7 =	vadd.f32 v8, v7;
	v8 =	vadd.f32 v11, v15  }
0x351: {  	v15 =	vunpack.i.u.bf16.f32 v5;
	v21 =	vunpack.i.l.bf16.f32 v5;
	v5 =	vand.u32 $0x3F, v6  }
0x352: {  	v19 =	vmul.bf16 v12, v19;
	v9 =	vld.idx.msk [tilespmem:v17+s29+$0x0], $0xffff;
	v11 =	vor.u32 v4, v5;
	v6 =	vadd.s32 $0x1, v5  }
0x353: {  	v12 =	vld.idx.msk [tilespmem:v17+s30+$0x0], $0xffff;
	v16 =	vadd.f32 v16, v8;
	v7 =	vadd.f32 v18, v7;
	v6 =	vand.u32 $0x3F, v6  }
0x354: {  	v10 =	vld.idx.msk [tilespmem:v20+s29+$0x0], $0xffff;
	v22 =	vmul.bf16 v13, v14;
	v8 =	vor.u32 v4, v6;
	v6 =	vadd.s32 $0x2, v5  }
0x355: {  	v15 =	vadd.f32 v15, v16;
	v16 =	vunpack.i.l.bf16.f32 v19;
	v13 =	vld.idx.msk [tilespmem:v20+s30+$0x0], $0xffff;
	v6 =	vand.u32 $0x3F, v6  }
0x356: {  	v18 =	vadd.f32 v21, v7;
	v20 =	vadd.s32 $0x3, v5;
	v6 =	vor.u32 v4, v6  }
0x357: {  	s9 =	simm.s32 $0x6;
	v19 =	vunpack.i.u.bf16.f32 v19;
	v14 =	vunpack.i.u.bf16.f32 v22;
	v17 =	vunpack.i.l.bf16.f32 v22;
	v7 =	vld.idx.msk [tilespmem:v11+s29+$0x0], $0xffff  }
.LBB2_21:
0x358: {  	p1 =	sne.s32 s9, $0x1;
	s9 =	sadd.s32 $0xFFFFFFFF, s9;
	v11 =	vld.idx.msk [tilespmem:v11+s30+$0x0], $0xffff;
	v20 =	vand.u32 $0x3F, v20;
	v21 =	vadd.s32 $0x4, v5;
	v9 =	vmul.bf16 v12, v9  }
0x359: {  	v16 =	vadd.f32 v16, v18;
	v15 =	vadd.f32 v19, v15;
	v12 =	vld.idx.msk [tilespmem:v8+s29+$0x0], $0xffff;
	v20 =	vor.u32 v4, v20  }
0x35a: {  	v19 =	vadd.s32 $0x5, v5;
	v18 =	vand.u32 $0x3F, v21;
	v10 =	vmul.bf16 v13, v10;
	v8 =	vld.idx.msk [tilespmem:v8+s30+$0x0], $0xffff  }
0x35b: {  	v18 =	vor.u32 v4, v18;
	v16 =	vadd.f32 v17, v16;
	v14 =	vadd.f32 v14, v15;
	v13 =	vld.idx.msk [tilespmem:v6+s29+$0x0], $0xffff  }
0x35c: {  	v15 =	vand.u32 $0x3F, v19;
	v17 =	vunpack.i.u.bf16.f32 v10;
	v10 =	vunpack.i.l.bf16.f32 v10;
	v6 =	vld.idx.msk [tilespmem:v6+s30+$0x0], $0xffff  }
0x35d: {  	v15 =	vor.u32 v4, v15;
	v10 =	vadd.f32 v10, v16;
	v14 =	vadd.f32 v17, v14  }
0x35e: {  	v16 =	vunpack.i.u.bf16.f32 v9;
	v9 =	vunpack.i.l.bf16.f32 v9;
	v7 =	vmul.bf16 v11, v7;
	v11 =	vld.idx.msk [tilespmem:v20+s30+$0x0], $0xffff  }
0x35f: {  	v19 =	vadd.s32 $0x6, v5;
	v9 =	vadd.f32 v9, v10;
	v17 =	vld.idx.msk [tilespmem:v20+s29+$0x0], $0xffff;
	v20 =	vadd.s32 $0x7, v5  }
0x360: {  	v14 =	vadd.f32 v16, v14;
	v10 =	vunpack.i.u.bf16.f32 v7;
	v7 =	vunpack.i.l.bf16.f32 v7;
	v21 =	vld.idx.msk [tilespmem:v18+s29+$0x0], $0xffff  }
0x361: {  	v8 =	vmul.bf16 v8, v12;
	v7 =	vadd.f32 v7, v9;
	v9 =	vand.u32 $0x3F, v20;
	v16 =	vld.idx.msk [tilespmem:v18+s30+$0x0], $0xffff  }
0x362: {  	v12 =	vand.u32 $0x3F, v19;
	v6 =	vmul.bf16 v6, v13;
	v18 =	vor.u32 v4, v9;
	v13 =	vld.idx.msk [tilespmem:v15+s29+$0x0], $0xffff  }
0x363: {  	v19 =	vor.u32 v4, v12;
	v9 =	vunpack.i.u.bf16.f32 v8;
	v8 =	vunpack.i.l.bf16.f32 v8;
	v15 =	vld.idx.msk [tilespmem:v15+s30+$0x0], $0xffff  }
0x364: {  	v10 =	vadd.f32 v10, v14;
	v12 =	vunpack.i.u.bf16.f32 v6;
	v6 =	vunpack.i.l.bf16.f32 v6  }
0x365: {  	v7 =	vadd.f32 v8, v7;
	v8 =	vmul.bf16 v11, v17  }
0x366: {  	v5 =	vadd.s32 $0x8, v5;
	v10 =	vadd.f32 v9, v10  }
0x367: {  	v5 =	vand.u32 $0x3F, v5;
	v14 =	vunpack.i.u.bf16.f32 v8;
	v17 =	vunpack.i.l.bf16.f32 v8;
	v9 =	vld.idx.msk [tilespmem:v18+s29+$0x0], $0xffff  }
0x368: {  	v11 =	vor.u32 v4, v5;
	v20 =	vadd.f32 v12, v10;
	v8 =	vadd.s32 $0x1, v5;
	v12 =	vld.idx.msk [tilespmem:v18+s30+$0x0], $0xffff  }
.Ltmp9:
0x369: {  	v21 =	vmul.bf16 v16, v21;
	v8 =	vand.u32 $0x3F, v8;
	v22 =	vmul.bf16 v15, v13;
	v10 =	vld.idx.msk [tilespmem:v19+s29+$0x0], $0xffff;
	(pc) =	sbr.rel @p1 .LBB2_21-.Ltmp9, $4  }
0x36a: {  	v7 =	vadd.f32 v6, v7;
	v8 =	vor.u32 v4, v8;
	v15 =	vadd.s32 $0x2, v5;
	v13 =	vld.idx.msk [tilespmem:v19+s30+$0x0], $0xffff  }
0x36b: {  	v16 =	vunpack.i.l.bf16.f32 v21;
	v6 =	vand.u32 $0x3F, v15;
	v15 =	vadd.f32 v14, v20  }
0x36c: {  	v18 =	vadd.f32 v17, v7;
	v6 =	vor.u32 v4, v6;
	v14 =	vunpack.i.u.bf16.f32 v22  }
0x36d: {  	v20 =	vadd.s32 $0x3, v5;
	v19 =	vunpack.i.u.bf16.f32 v21;
	v17 =	vunpack.i.l.bf16.f32 v22;
	v7 =	vld.idx.msk [tilespmem:v11+s29+$0x0], $0xffff  }
0x36e: {  	_ = 	snop  }
0x36f: {  	v20 =	vand.u32 $0x3F, v20  }
0x370: {  	v21 =	vadd.s32 $0x4, v5;
	v9 =	vmul.bf16 v12, v9;
	v16 =	vadd.f32 v16, v18  }
0x371: {  	v15 =	vadd.f32 v19, v15;
	v37 =	vadd.s32 $0x5, v5;
	v45 =	vadd.s32 $0x6, v5  }
0x372: {  	v11 =	vld.idx.msk [tilespmem:v11+s30+$0x0], $0xffff;
	v5 =	vadd.s32 $0x7, v5;
	v35 =	vor.u32 v4, v20;
	v36 =	vand.u32 $0x3F, v21  }
0x373: {  	v39 =	vld.idx.msk [tilespmem:v8+s29+$0x0], $0xffff;
	v10 =	vmul.bf16 v13, v10;
	v40 =	vand.u32 $0x3F, v37;
	v47 =	vand.u32 $0x3F, v45  }
0x374: {  	v41 =	vld.idx.msk [tilespmem:v8+s30+$0x0], $0xffff;
	v38 =	vor.u32 v4, v36;
	v16 =	vadd.f32 v17, v16;
	v14 =	vadd.f32 v14, v15  }
0x375: {  	v43 =	vld.idx.msk [tilespmem:v6+s29+$0x0], $0xffff;
	v5 =	vand.u32 $0x3F, v5;
	v42 =	vunpack.i.u.bf16.f32 v10;
	v10 =	vunpack.i.l.bf16.f32 v10  }
0x376: {  	v6 =	vld.idx.msk [tilespmem:v6+s30+$0x0], $0xffff;
	v15 =	vor.u32 v4, v40;
	v10 =	vadd.f32 v10, v16;
	v14 =	vadd.f32 v42, v14  }
0x377: {  	v44 =	vunpack.i.u.bf16.f32 v9;
	v9 =	vunpack.i.l.bf16.f32 v9;
	v7 =	vmul.bf16 v11, v7;
	v46 =	vld.idx.msk [tilespmem:v35+s30+$0x0], $0xffff  }
0x378: {  	v9 =	vadd.f32 v9, v10;
	v12 =	vld.idx.msk [tilespmem:v35+s29+$0x0], $0xffff;
	v11 =	vadd.f32 v44, v14;
	v10 =	vor.u32 v4, v47  }
0x379: {  	v8 =	vmul.bf16 v41, v39;
	v48 =	vunpack.i.u.bf16.f32 v7;
	v7 =	vunpack.i.l.bf16.f32 v7;
	v49 =	vld.idx.msk [tilespmem:v38+s29+$0x0], $0xffff  }
0x37a: {  	v5 =	vor.u32 v4, v5;
	v50 =	vld.idx.msk [tilespmem:v38+s30+$0x0], $0xffff;
	v7 =	vadd.f32 v7, v9;
	v11 =	vadd.f32 v48, v11  }
0x37b: {  	v6 =	vmul.bf16 v6, v43;
	v51 =	vld.idx.msk [tilespmem:v15+s29+$0x0], $0xffff;
	v52 =	vunpack.i.u.bf16.f32 v8;
	v8 =	vunpack.i.l.bf16.f32 v8  }
0x37c: {  	v15 =	vld.idx.msk [tilespmem:v15+s30+$0x0], $0xffff;
	v7 =	vadd.f32 v8, v7;
	v53 =	vadd.f32 v52, v11  }
0x37d: {  	v54 =	vunpack.i.u.bf16.f32 v6;
	v6 =	vunpack.i.l.bf16.f32 v6;
	v12 =	vmul.bf16 v46, v12;
	v55 =	vld.idx.msk [tilespmem:v10+s29+$0x0], $0xffff  }
0x37e: {  	v8 =	vadd.f32 v54, v53;
	v6 =	vadd.f32 v6, v7;
	v7 =	vld.idx.msk [tilespmem:v10+s30+$0x0], $0xffff  }
0x37f: {  	v58 =	vld.idx.msk [tilespmem:v5+s29+$0x0], $0xffff;
	v9 =	vmul.bf16 v50, v49;
	v56 =	vunpack.i.u.bf16.f32 v12;
	v57 =	vunpack.i.l.bf16.f32 v12  }
0x380: {  	v5 =	vld.idx.msk [tilespmem:v5+s30+$0x0], $0xffff;
	v8 =	vadd.f32 v56, v8;
	v6 =	vadd.f32 v57, v6  }
0x381: {  	v59 =	vmul.bf16 v15, v51;
	v60 =	vunpack.i.l.bf16.f32 v9;
	v9 =	vunpack.i.u.bf16.f32 v9  }
0x382: {  	v6 =	vadd.f32 v60, v6;
	v8 =	vadd.f32 v9, v8  }
0x383: {  	v61 =	vunpack.i.u.bf16.f32 v59;
	v10 =	vunpack.i.l.bf16.f32 v59;
	v7 =	vmul.bf16 v7, v55  }
0x384: {  	v6 =	vadd.f32 v10, v6;
	v8 =	vadd.f32 v61, v8  }
0x385: {  	v5 =	vmul.bf16 v5, v58;
	v62 =	vunpack.i.u.bf16.f32 v7;
	v7 =	vunpack.i.l.bf16.f32 v7  }
0x386: {  	v6 =	vadd.f32 v7, v6;
	v7 =	vadd.f32 v62, v8  }
0x387: {  	v63 =	vunpack.i.u.bf16.f32 v5;
	v5 =	vunpack.i.l.bf16.f32 v5  }
0x388: {  	v5 =	vadd.f32 v5, v6;
	v6 =	vadd.f32 v63, v7;
	_ =	sdelay $0x1  }
0x389: {  	v5 =	vadd.f32 v6, v5;
	_ =	sdelay $0x1  }
0x38a: {  	v5 =	vsub.f32 $0.0e+00, v5;
	_ =	sdelay $0x1  }
0x38b: {  	v5 =	vmul.f32 $1.442695020e+00, v5;
	_ =	sdelay $0x1  }
0x38c: {  	(erf) = vpow2.f32 v5;
	_ =	sdelay $0x8  }
0x38d: {  	v5 =	vpop (erf)  }
0x38e: {  	v5 =	vadd.f32 $1.000000000e+00, v5;
	_ =	sdelay $0x1  }
0x38f: {  	(erf) = vrcp.f32 v5;
	_ =	sdelay $0x7  }
0x390: {  	s7 =	sadd.s32 $0x1, s7  }
0x391: {  	p1 =	sne.s32 s7, $0x3E;
	v5 =	vpop (erf)  }
.Ltmp10:
0x392: {  	v5 =	vadd.f32 $1.000000010e-07, v5;
	(pc) =	sbr.rel @p1 .LBB2_2-.Ltmp10, $3  }
0x393: {  	_ = 	snop  }
0x394: {  	v5 =	vmul.f32 $9.999998210e-01, v5;
	_ =	sdelay $0x1  }
0x395: {  	[tilespmem:s8+$0xEE10] =	vst v5  }
0x396: {  	_ =	swait.ge [sflag:s25], $0x1400;
	v5 =	vlaneseq.u32  }
0x397: {  	[sflag:s25] =	ssyncset.done $0x0;
	v6 =	vor.u32 v0, v5;
	v7 =	vadd.s32 $0x1, v5  }
0x398: {  	[sflag:s25] =	ssyncadd.s32 $0xFFFFEC00;
	v7 =	vand.u32 $0x3F, v7  }
0x399: {  	v8 =	vadd.s32 $0x2, v5;
	_ =	swait.ge [sflag:s26], $0x1400;
	v7 =	vor.u32 v0, v7  }
0x39a: {  	v8 =	vand.u32 $0x3F, v8;
	[sflag:s26] =	ssyncset.done $0x0  }
0x39b: {  	v10 =	vadd.s32 $0x3, v5;
	v8 =	vor.u32 v0, v8;
	[sflag:s26] =	ssyncadd.s32 $0xFFFFEC00  }
0x39c: {  	v10 =	vand.u32 $0x3F, v10;
	v9 =	vld.idx.msk [tilespmem:v6+s23+$0x0], $0xffff  }
0x39d: {  	v11 =	vadd.s32 $0x4, v5;
	v10 =	vor.u32 v0, v10;
	v6 =	vld.idx.msk [tilespmem:v6+s24+$0x0], $0xffff  }
0x39e: {  	v11 =	vand.u32 $0x3F, v11;
	v12 =	vld.idx.msk [tilespmem:v7+s23+$0x0], $0xffff  }
0x39f: {  	v13 =	vadd.s32 $0x5, v5;
	v11 =	vor.u32 v0, v11;
	v7 =	vld.idx.msk [tilespmem:v7+s24+$0x0], $0xffff  }
0x3a0: {  	v13 =	vand.u32 $0x3F, v13;
	v14 =	vld.idx.msk [tilespmem:v8+s23+$0x0], $0xffff  }
0x3a1: {  	v13 =	vor.u32 v0, v13;
	v8 =	vld.idx.msk [tilespmem:v8+s24+$0x0], $0xffff  }
0x3a2: {  	v16 =	vadd.s32 $0x6, v5;
	v6 =	vmul.bf16 v6, v9;
	v9 =	vld.idx.msk [tilespmem:v10+s24+$0x0], $0xffff  }
0x3a3: {  	v15 =	vimm.f32 $0.0e+00;
	v17 =	vadd.s32 $0x7, v5;
	v16 =	vand.u32 $0x3F, v16;
	v10 =	vld.idx.msk [tilespmem:v10+s23+$0x0], $0xffff  }
0x3a4: {  	v5 =	vadd.s32 $0x8, v5;
	v20 =	vor.u32 v0, v16;
	v19 =	vld.idx.msk [tilespmem:v11+s23+$0x0], $0xffff;
	v18 =	vunpack.i.u.bf16.f32 v6  }
0x3a5: {  	v6 =	vunpack.i.l.bf16.f32 v6;
	v7 =	vmul.bf16 v7, v12;
	v12 =	vld.idx.msk [tilespmem:v11+s24+$0x0], $0xffff;
	v11 =	vand.u32 $0x3F, v17  }
0x3a6: {  	v8 =	vmul.bf16 v8, v14;
	v14 =	vld.idx.msk [tilespmem:v13+s23+$0x0], $0xffff;
	v6 =	vadd.f32 v6, v15;
	v17 =	vor.u32 v0, v11  }
0x3a7: {  	v13 =	vld.idx.msk [tilespmem:v13+s24+$0x0], $0xffff;
	v15 =	vadd.f32 v18, v15;
	v11 =	vunpack.i.u.bf16.f32 v7;
	v7 =	vunpack.i.l.bf16.f32 v7  }
0x3a8: {  	v16 =	vunpack.i.u.bf16.f32 v8;
	v18 =	vunpack.i.l.bf16.f32 v8;
	v8 =	vmul.bf16 v9, v10  }
0x3a9: {  	v5 =	vand.u32 $0x3F, v5;
	v6 =	vadd.f32 v7, v6;
	v7 =	vadd.f32 v11, v15  }
0x3aa: {  	v11 =	vor.u32 v0, v5;
	v15 =	vunpack.i.u.bf16.f32 v8  }
0x3ab: {  	v21 =	vunpack.i.l.bf16.f32 v8;
	v8 =	vadd.s32 $0x1, v5;
	v7 =	vadd.f32 v16, v7;
	v9 =	vld.idx.msk [tilespmem:v17+s23+$0x0], $0xffff  }
0x3ac: {  	v19 =	vmul.bf16 v12, v19;
	v22 =	vmul.bf16 v13, v14;
	v8 =	vand.u32 $0x3F, v8;
	v12 =	vld.idx.msk [tilespmem:v17+s24+$0x0], $0xffff  }
0x3ad: {  	v10 =	vld.idx.msk [tilespmem:v20+s23+$0x0], $0xffff;
	v13 =	vadd.s32 $0x2, v5;
	v14 =	vadd.f32 v18, v6;
	v8 =	vor.u32 v0, v8  }
0x3ae: {  	v6 =	vand.u32 $0x3F, v13;
	v13 =	vld.idx.msk [tilespmem:v20+s24+$0x0], $0xffff;
	v20 =	vadd.s32 $0x3, v5;
	v15 =	vadd.f32 v15, v7  }
0x3af: {  	v16 =	vunpack.i.l.bf16.f32 v19;
	v6 =	vor.u32 v0, v6;
	v18 =	vadd.f32 v21, v14  }
0x3b0: {  	s7 =	simm.s32 $0x6;
	v14 =	vunpack.i.u.bf16.f32 v22;
	v19 =	vunpack.i.u.bf16.f32 v19;
	v17 =	vunpack.i.l.bf16.f32 v22;
	v7 =	vld.idx.msk [tilespmem:v11+s23+$0x0], $0xffff  }
.LBB2_24:
0x3b1: {  	p1 =	sne.s32 s7, $0x1;
	s7 =	sadd.s32 $0xFFFFFFFF, s7;
	v11 =	vld.idx.msk [tilespmem:v11+s24+$0x0], $0xffff;
	v20 =	vand.u32 $0x3F, v20;
	v21 =	vadd.s32 $0x4, v5;
	v9 =	vmul.bf16 v12, v9  }
0x3b2: {  	v16 =	vadd.f32 v16, v18;
	v15 =	vadd.f32 v19, v15;
	v12 =	vld.idx.msk [tilespmem:v8+s23+$0x0], $0xffff;
	v20 =	vor.u32 v0, v20  }
0x3b3: {  	v19 =	vadd.s32 $0x5, v5;
	v18 =	vand.u32 $0x3F, v21;
	v10 =	vmul.bf16 v13, v10;
	v8 =	vld.idx.msk [tilespmem:v8+s24+$0x0], $0xffff  }
0x3b4: {  	v18 =	vor.u32 v0, v18;
	v16 =	vadd.f32 v17, v16;
	v14 =	vadd.f32 v14, v15;
	v13 =	vld.idx.msk [tilespmem:v6+s23+$0x0], $0xffff  }
0x3b5: {  	v15 =	vand.u32 $0x3F, v19;
	v17 =	vunpack.i.u.bf16.f32 v10;
	v10 =	vunpack.i.l.bf16.f32 v10;
	v6 =	vld.idx.msk [tilespmem:v6+s24+$0x0], $0xffff  }
0x3b6: {  	v15 =	vor.u32 v0, v15;
	v10 =	vadd.f32 v10, v16;
	v14 =	vadd.f32 v17, v14  }
0x3b7: {  	v16 =	vunpack.i.u.bf16.f32 v9;
	v9 =	vunpack.i.l.bf16.f32 v9;
	v7 =	vmul.bf16 v11, v7;
	v11 =	vld.idx.msk [tilespmem:v20+s24+$0x0], $0xffff  }
0x3b8: {  	v19 =	vadd.s32 $0x6, v5;
	v9 =	vadd.f32 v9, v10;
	v17 =	vld.idx.msk [tilespmem:v20+s23+$0x0], $0xffff;
	v20 =	vadd.s32 $0x7, v5  }
0x3b9: {  	v14 =	vadd.f32 v16, v14;
	v10 =	vunpack.i.u.bf16.f32 v7;
	v7 =	vunpack.i.l.bf16.f32 v7;
	v21 =	vld.idx.msk [tilespmem:v18+s23+$0x0], $0xffff  }
0x3ba: {  	v8 =	vmul.bf16 v8, v12;
	v7 =	vadd.f32 v7, v9;
	v9 =	vand.u32 $0x3F, v20;
	v16 =	vld.idx.msk [tilespmem:v18+s24+$0x0], $0xffff  }
0x3bb: {  	v12 =	vand.u32 $0x3F, v19;
	v6 =	vmul.bf16 v6, v13;
	v18 =	vor.u32 v0, v9;
	v13 =	vld.idx.msk [tilespmem:v15+s23+$0x0], $0xffff  }
0x3bc: {  	v19 =	vor.u32 v0, v12;
	v9 =	vunpack.i.u.bf16.f32 v8;
	v8 =	vunpack.i.l.bf16.f32 v8;
	v15 =	vld.idx.msk [tilespmem:v15+s24+$0x0], $0xffff  }
0x3bd: {  	v10 =	vadd.f32 v10, v14;
	v12 =	vunpack.i.u.bf16.f32 v6;
	v6 =	vunpack.i.l.bf16.f32 v6  }
0x3be: {  	v7 =	vadd.f32 v8, v7;
	v8 =	vmul.bf16 v11, v17  }
0x3bf: {  	v5 =	vadd.s32 $0x8, v5;
	v10 =	vadd.f32 v9, v10  }
0x3c0: {  	v5 =	vand.u32 $0x3F, v5;
	v14 =	vunpack.i.u.bf16.f32 v8;
	v17 =	vunpack.i.l.bf16.f32 v8;
	v9 =	vld.idx.msk [tilespmem:v18+s23+$0x0], $0xffff  }
0x3c1: {  	v11 =	vor.u32 v0, v5;
	v20 =	vadd.f32 v12, v10;
	v8 =	vadd.s32 $0x1, v5;
	v12 =	vld.idx.msk [tilespmem:v18+s24+$0x0], $0xffff  }
.Ltmp11:
0x3c2: {  	v21 =	vmul.bf16 v16, v21;
	v8 =	vand.u32 $0x3F, v8;
	v22 =	vmul.bf16 v15, v13;
	v10 =	vld.idx.msk [tilespmem:v19+s23+$0x0], $0xffff;
	(pc) =	sbr.rel @p1 .LBB2_24-.Ltmp11, $4  }
0x3c3: {  	v7 =	vadd.f32 v6, v7;
	v8 =	vor.u32 v0, v8;
	v15 =	vadd.s32 $0x2, v5;
	v13 =	vld.idx.msk [tilespmem:v19+s24+$0x0], $0xffff  }
0x3c4: {  	v16 =	vunpack.i.l.bf16.f32 v21;
	v6 =	vand.u32 $0x3F, v15;
	v15 =	vadd.f32 v14, v20  }
0x3c5: {  	v18 =	vadd.f32 v17, v7;
	v6 =	vor.u32 v0, v6;
	v14 =	vunpack.i.u.bf16.f32 v22  }
0x3c6: {  	v20 =	vadd.s32 $0x3, v5;
	v19 =	vunpack.i.u.bf16.f32 v21;
	v17 =	vunpack.i.l.bf16.f32 v22;
	v7 =	vld.idx.msk [tilespmem:v11+s23+$0x0], $0xffff  }
0x3c7: {  	_ =	sdelay $0x1  }
0x3c8: {  	v20 =	vand.u32 $0x3F, v20  }
0x3c9: {  	v21 =	vadd.s32 $0x4, v5;
	v9 =	vmul.bf16 v12, v9;
	v16 =	vadd.f32 v16, v18  }
0x3ca: {  	v11 =	vld.idx.msk [tilespmem:v11+s24+$0x0], $0xffff;
	v15 =	vadd.f32 v19, v15;
	v19 =	vadd.s32 $0x5, v5;
	v18 =	vand.u32 $0x3F, v21  }
0x3cb: {  	v12 =	vor.u32 v0, v20;
	v10 =	vmul.bf16 v13, v10;
	v13 =	vor.u32 v0, v18  }
0x3cc: {  	v18 =	vld.idx.msk [tilespmem:v8+s23+$0x0], $0xffff;
	v16 =	vadd.f32 v17, v16;
	v14 =	vadd.f32 v14, v15;
	v15 =	vand.u32 $0x3F, v19  }
0x3cd: {  	v8 =	vld.idx.msk [tilespmem:v8+s24+$0x0], $0xffff;
	v17 =	vunpack.i.u.bf16.f32 v10;
	v10 =	vunpack.i.l.bf16.f32 v10;
	v15 =	vor.u32 v0, v15  }
0x3ce: {  	v19 =	vld.idx.msk [tilespmem:v6+s23+$0x0], $0xffff;
	v10 =	vadd.f32 v10, v16;
	v14 =	vadd.f32 v17, v14;
	v16 =	vadd.s32 $0x6, v5  }
0x3cf: {  	v6 =	vld.idx.msk [tilespmem:v6+s24+$0x0], $0xffff;
	v7 =	vmul.bf16 v11, v7;
	v11 =	vunpack.i.u.bf16.f32 v9;
	v9 =	vunpack.i.l.bf16.f32 v9  }
0x3d0: {  	v5 =	vadd.s32 $0x7, v5;
	v17 =	vld.idx.msk [tilespmem:v12+s24+$0x0], $0xffff;
	v9 =	vadd.f32 v9, v10;
	v10 =	vand.u32 $0x3F, v16  }
0x3d1: {  	v5 =	vand.u32 $0x3F, v5;
	v12 =	vld.idx.msk [tilespmem:v12+s23+$0x0], $0xffff;
	v11 =	vadd.f32 v11, v14;
	v10 =	vor.u32 v0, v10  }
0x3d2: {  	v16 =	vunpack.i.u.bf16.f32 v7;
	v7 =	vunpack.i.l.bf16.f32 v7;
	v14 =	vld.idx.msk [tilespmem:v13+s23+$0x0], $0xffff;
	v8 =	vmul.bf16 v8, v18  }
0x3d3: {  	v5 =	vor.u32 v0, v5;
	v7 =	vadd.f32 v7, v9;
	v9 =	vld.idx.msk [tilespmem:v13+s24+$0x0], $0xffff;
	v11 =	vadd.f32 v16, v11  }
0x3d4: {  	v6 =	vmul.bf16 v6, v19;
	v13 =	vld.idx.msk [tilespmem:v15+s23+$0x0], $0xffff;
	v16 =	vunpack.i.u.bf16.f32 v8;
	v8 =	vunpack.i.l.bf16.f32 v8  }
0x3d5: {  	v15 =	vld.idx.msk [tilespmem:v15+s24+$0x0], $0xffff;
	v7 =	vadd.f32 v8, v7;
	v8 =	vadd.f32 v16, v11  }
0x3d6: {  	v11 =	vunpack.i.u.bf16.f32 v6;
	v6 =	vunpack.i.l.bf16.f32 v6;
	v12 =	vmul.bf16 v17, v12;
	v16 =	vld.idx.msk [tilespmem:v10+s23+$0x0], $0xffff  }
0x3d7: {  	v8 =	vadd.f32 v11, v8;
	v6 =	vadd.f32 v6, v7;
	v7 =	vld.idx.msk [tilespmem:v10+s24+$0x0], $0xffff  }
0x3d8: {  	v10 =	vunpack.i.u.bf16.f32 v12;
	v11 =	vunpack.i.l.bf16.f32 v12;
	v12 =	vld.idx.msk [tilespmem:v5+s23+$0x0], $0xffff;
	v9 =	vmul.bf16 v9, v14  }
0x3d9: {  	v5 =	vld.idx.msk [tilespmem:v5+s24+$0x0], $0xffff;
	v8 =	vadd.f32 v10, v8;
	v6 =	vadd.f32 v11, v6  }
0x3da: {  	v10 =	vmul.bf16 v15, v13;
	v11 =	vunpack.i.l.bf16.f32 v9;
	v9 =	vunpack.i.u.bf16.f32 v9  }
0x3db: {  	v6 =	vadd.f32 v11, v6;
	v8 =	vadd.f32 v9, v8  }
0x3dc: {  	v9 =	vunpack.i.u.bf16.f32 v10;
	v10 =	vunpack.i.l.bf16.f32 v10;
	v7 =	vmul.bf16 v7, v16  }
0x3dd: {  	v6 =	vadd.f32 v10, v6;
	v8 =	vadd.f32 v9, v8  }
0x3de: {  	v5 =	vmul.bf16 v5, v12;
	v9 =	vunpack.i.u.bf16.f32 v7;
	v7 =	vunpack.i.l.bf16.f32 v7  }
0x3df: {  	v6 =	vadd.f32 v7, v6;
	v7 =	vadd.f32 v9, v8  }
0x3e0: {  	v8 =	vunpack.i.u.bf16.f32 v5;
	v5 =	vunpack.i.l.bf16.f32 v5  }
0x3e1: {  	v5 =	vadd.f32 v5, v6;
	v6 =	vadd.f32 v8, v7;
	_ =	sdelay $0x1  }
0x3e2: {  	v5 =	vadd.f32 v6, v5;
	_ =	sdelay $0x1  }
0x3e3: {  	v5 =	vsub.f32 $0.0e+00, v5;
	_ =	sdelay $0x1  }
0x3e4: {  	v5 =	vmul.f32 $1.442695020e+00, v5;
	_ =	sdelay $0x1  }
0x3e5: {  	(erf) = vpow2.f32 v5;
	_ =	sdelay $0x8  }
0x3e6: {  	v5 =	vpop (erf)  }
0x3e7: {  	v5 =	vadd.f32 $1.000000000e+00, v5;
	_ =	sdelay $0x1  }
0x3e8: {  	(erf) = vrcp.f32 v5;
	_ =	sdelay $0x8  }
0x3e9: {  	v6 =	vlaneseq.u32;
	v5 =	vpop (erf)  }
0x3ea: {  	v7 =	vor.u32 v1, v6;
	v8 =	vadd.s32 $0x1, v6;
	v5 =	vadd.f32 $1.000000010e-07, v5  }
0x3eb: {  	v8 =	vand.u32 $0x3F, v8  }
0x3ec: {  	v11 =	vadd.s32 $0x4, v6;
	v8 =	vor.u32 v1, v8;
	v5 =	vmul.f32 $9.999998210e-01, v5  }
0x3ed: {  	v9 =	vadd.s32 $0x2, v6;
	v11 =	vand.u32 $0x3F, v11  }
0x3ee: {  	v9 =	vand.u32 $0x3F, v9;
	v11 =	vor.u32 v1, v11;
	[tilespmem:$0x11440] =	vst v5  }
0x3ef: {  	v10 =	vadd.s32 $0x3, v6;
	v5 =	vor.u32 v1, v9;
	v9 =	vld.idx.msk [tilespmem:v7+s23+$0x0], $0xffff  }
0x3f0: {  	v10 =	vand.u32 $0x3F, v10;
	v7 =	vld.idx.msk [tilespmem:v7+s24+$0x0], $0xffff  }
0x3f1: {  	v10 =	vor.u32 v1, v10;
	v12 =	vld.idx.msk [tilespmem:v8+s23+$0x0], $0xffff  }
0x3f2: {  	v8 =	vld.idx.msk [tilespmem:v8+s24+$0x0], $0xffff  }
0x3f3: {  	v19 =	vld.idx.msk [tilespmem:v11+s23+$0x0], $0xffff  }
0x3f4: {  	v13 =	vadd.s32 $0x5, v6;
	v14 =	vld.idx.msk [tilespmem:v5+s23+$0x0], $0xffff  }
0x3f5: {  	v13 =	vand.u32 $0x3F, v13;
	v5 =	vld.idx.msk [tilespmem:v5+s24+$0x0], $0xffff  }
0x3f6: {  	v13 =	vor.u32 v1, v13;
	v7 =	vmul.bf16 v7, v9;
	v9 =	vld.idx.msk [tilespmem:v10+s24+$0x0], $0xffff  }
0x3f7: {  	v15 =	vimm.f32 $0.0e+00;
	v16 =	vadd.s32 $0x6, v6;
	v17 =	vadd.s32 $0x7, v6;
	v10 =	vld.idx.msk [tilespmem:v10+s23+$0x0], $0xffff  }
0x3f8: {  	v16 =	vand.u32 $0x3F, v16;
	v8 =	vmul.bf16 v8, v12;
	v12 =	vld.idx.msk [tilespmem:v11+s24+$0x0], $0xffff;
	v11 =	vand.u32 $0x3F, v17  }
0x3f9: {  	v20 =	vor.u32 v1, v16;
	v17 =	vor.u32 v1, v11;
	v18 =	vunpack.i.u.bf16.f32 v7  }
0x3fa: {  	v7 =	vunpack.i.l.bf16.f32 v7;
	v11 =	vunpack.i.u.bf16.f32 v8;
	v5 =	vmul.bf16 v5, v14  }
0x3fb: {  	v8 =	vunpack.i.l.bf16.f32 v8;
	v7 =	vadd.f32 v7, v15;
	v15 =	vadd.f32 v18, v15;
	v14 =	vld.idx.msk [tilespmem:v13+s23+$0x0], $0xffff  }
0x3fc: {  	v13 =	vld.idx.msk [tilespmem:v13+s24+$0x0], $0xffff;
	v16 =	vunpack.i.u.bf16.f32 v5;
	v18 =	vunpack.i.l.bf16.f32 v5;
	v5 =	vmul.bf16 v9, v10  }
0x3fd: {  	v6 =	vadd.s32 $0x8, v6;
	v7 =	vadd.f32 v8, v7;
	v8 =	vadd.f32 v11, v15  }
0x3fe: {  	v15 =	vunpack.i.u.bf16.f32 v5;
	v21 =	vunpack.i.l.bf16.f32 v5;
	v5 =	vand.u32 $0x3F, v6  }
0x3ff: {  	v19 =	vmul.bf16 v12, v19;
	v9 =	vld.idx.msk [tilespmem:v17+s23+$0x0], $0xffff;
	v11 =	vor.u32 v1, v5;
	v6 =	vadd.s32 $0x1, v5  }
0x400: {  	v12 =	vld.idx.msk [tilespmem:v17+s24+$0x0], $0xffff;
	v16 =	vadd.f32 v16, v8;
	v7 =	vadd.f32 v18, v7;
	v6 =	vand.u32 $0x3F, v6  }
0x401: {  	v10 =	vld.idx.msk [tilespmem:v20+s23+$0x0], $0xffff;
	v22 =	vmul.bf16 v13, v14;
	v8 =	vor.u32 v1, v6;
	v6 =	vadd.s32 $0x2, v5  }
0x402: {  	v15 =	vadd.f32 v15, v16;
	v16 =	vunpack.i.l.bf16.f32 v19;
	v13 =	vld.idx.msk [tilespmem:v20+s24+$0x0], $0xffff;
	v6 =	vand.u32 $0x3F, v6  }
0x403: {  	v18 =	vadd.f32 v21, v7;
	v20 =	vadd.s32 $0x3, v5;
	v6 =	vor.u32 v1, v6  }
0x404: {  	s7 =	simm.s32 $0x6;
	v19 =	vunpack.i.u.bf16.f32 v19;
	v14 =	vunpack.i.u.bf16.f32 v22;
	v17 =	vunpack.i.l.bf16.f32 v22;
	v7 =	vld.idx.msk [tilespmem:v11+s23+$0x0], $0xffff  }
.LBB2_26:
0x405: {  	p1 =	sne.s32 s7, $0x1;
	s7 =	sadd.s32 $0xFFFFFFFF, s7;
	v11 =	vld.idx.msk [tilespmem:v11+s24+$0x0], $0xffff;
	v20 =	vand.u32 $0x3F, v20;
	v21 =	vadd.s32 $0x4, v5;
	v9 =	vmul.bf16 v12, v9  }
0x406: {  	v16 =	vadd.f32 v16, v18;
	v15 =	vadd.f32 v19, v15;
	v12 =	vld.idx.msk [tilespmem:v8+s23+$0x0], $0xffff;
	v20 =	vor.u32 v1, v20  }
0x407: {  	v19 =	vadd.s32 $0x5, v5;
	v18 =	vand.u32 $0x3F, v21;
	v10 =	vmul.bf16 v13, v10;
	v8 =	vld.idx.msk [tilespmem:v8+s24+$0x0], $0xffff  }
0x408: {  	v18 =	vor.u32 v1, v18;
	v16 =	vadd.f32 v17, v16;
	v14 =	vadd.f32 v14, v15;
	v13 =	vld.idx.msk [tilespmem:v6+s23+$0x0], $0xffff  }
0x409: {  	v15 =	vand.u32 $0x3F, v19;
	v17 =	vunpack.i.u.bf16.f32 v10;
	v10 =	vunpack.i.l.bf16.f32 v10;
	v6 =	vld.idx.msk [tilespmem:v6+s24+$0x0], $0xffff  }
0x40a: {  	v15 =	vor.u32 v1, v15;
	v10 =	vadd.f32 v10, v16;
	v14 =	vadd.f32 v17, v14  }
0x40b: {  	v16 =	vunpack.i.u.bf16.f32 v9;
	v9 =	vunpack.i.l.bf16.f32 v9;
	v7 =	vmul.bf16 v11, v7;
	v11 =	vld.idx.msk [tilespmem:v20+s24+$0x0], $0xffff  }
0x40c: {  	v19 =	vadd.s32 $0x6, v5;
	v9 =	vadd.f32 v9, v10;
	v17 =	vld.idx.msk [tilespmem:v20+s23+$0x0], $0xffff;
	v20 =	vadd.s32 $0x7, v5  }
0x40d: {  	v14 =	vadd.f32 v16, v14;
	v10 =	vunpack.i.u.bf16.f32 v7;
	v7 =	vunpack.i.l.bf16.f32 v7;
	v21 =	vld.idx.msk [tilespmem:v18+s23+$0x0], $0xffff  }
0x40e: {  	v8 =	vmul.bf16 v8, v12;
	v7 =	vadd.f32 v7, v9;
	v9 =	vand.u32 $0x3F, v20;
	v16 =	vld.idx.msk [tilespmem:v18+s24+$0x0], $0xffff  }
0x40f: {  	v12 =	vand.u32 $0x3F, v19;
	v6 =	vmul.bf16 v6, v13;
	v18 =	vor.u32 v1, v9;
	v13 =	vld.idx.msk [tilespmem:v15+s23+$0x0], $0xffff  }
0x410: {  	v19 =	vor.u32 v1, v12;
	v9 =	vunpack.i.u.bf16.f32 v8;
	v8 =	vunpack.i.l.bf16.f32 v8;
	v15 =	vld.idx.msk [tilespmem:v15+s24+$0x0], $0xffff  }
0x411: {  	v10 =	vadd.f32 v10, v14;
	v12 =	vunpack.i.u.bf16.f32 v6;
	v6 =	vunpack.i.l.bf16.f32 v6  }
0x412: {  	v7 =	vadd.f32 v8, v7;
	v8 =	vmul.bf16 v11, v17  }
0x413: {  	v5 =	vadd.s32 $0x8, v5;
	v10 =	vadd.f32 v9, v10  }
0x414: {  	v5 =	vand.u32 $0x3F, v5;
	v14 =	vunpack.i.u.bf16.f32 v8;
	v17 =	vunpack.i.l.bf16.f32 v8;
	v9 =	vld.idx.msk [tilespmem:v18+s23+$0x0], $0xffff  }
0x415: {  	v11 =	vor.u32 v1, v5;
	v20 =	vadd.f32 v12, v10;
	v8 =	vadd.s32 $0x1, v5;
	v12 =	vld.idx.msk [tilespmem:v18+s24+$0x0], $0xffff  }
.Ltmp12:
0x416: {  	v21 =	vmul.bf16 v16, v21;
	v8 =	vand.u32 $0x3F, v8;
	v22 =	vmul.bf16 v15, v13;
	v10 =	vld.idx.msk [tilespmem:v19+s23+$0x0], $0xffff;
	(pc) =	sbr.rel @p1 .LBB2_26-.Ltmp12, $4  }
0x417: {  	v7 =	vadd.f32 v6, v7;
	v8 =	vor.u32 v1, v8;
	v15 =	vadd.s32 $0x2, v5;
	v13 =	vld.idx.msk [tilespmem:v19+s24+$0x0], $0xffff  }
0x418: {  	v16 =	vunpack.i.l.bf16.f32 v21;
	v6 =	vand.u32 $0x3F, v15;
	v15 =	vadd.f32 v14, v20  }
0x419: {  	v18 =	vadd.f32 v17, v7;
	v6 =	vor.u32 v1, v6;
	v14 =	vunpack.i.u.bf16.f32 v22  }
0x41a: {  	v20 =	vadd.s32 $0x3, v5;
	v19 =	vunpack.i.u.bf16.f32 v21;
	v17 =	vunpack.i.l.bf16.f32 v22;
	v7 =	vld.idx.msk [tilespmem:v11+s23+$0x0], $0xffff  }
0x41b: {  	_ =	sdelay $0x1  }
0x41c: {  	v20 =	vand.u32 $0x3F, v20  }
0x41d: {  	v21 =	vadd.s32 $0x4, v5;
	v9 =	vmul.bf16 v12, v9;
	v16 =	vadd.f32 v16, v18  }
0x41e: {  	v11 =	vld.idx.msk [tilespmem:v11+s24+$0x0], $0xffff;
	v15 =	vadd.f32 v19, v15;
	v19 =	vadd.s32 $0x5, v5;
	v18 =	vand.u32 $0x3F, v21  }
0x41f: {  	v12 =	vor.u32 v1, v20;
	v10 =	vmul.bf16 v13, v10;
	v13 =	vor.u32 v1, v18  }
0x420: {  	v18 =	vld.idx.msk [tilespmem:v8+s23+$0x0], $0xffff;
	v16 =	vadd.f32 v17, v16;
	v14 =	vadd.f32 v14, v15;
	v15 =	vand.u32 $0x3F, v19  }
0x421: {  	v8 =	vld.idx.msk [tilespmem:v8+s24+$0x0], $0xffff;
	v17 =	vunpack.i.u.bf16.f32 v10;
	v10 =	vunpack.i.l.bf16.f32 v10;
	v15 =	vor.u32 v1, v15  }
0x422: {  	v19 =	vld.idx.msk [tilespmem:v6+s23+$0x0], $0xffff;
	v10 =	vadd.f32 v10, v16;
	v14 =	vadd.f32 v17, v14;
	v16 =	vadd.s32 $0x6, v5  }
0x423: {  	v6 =	vld.idx.msk [tilespmem:v6+s24+$0x0], $0xffff;
	v7 =	vmul.bf16 v11, v7;
	v11 =	vunpack.i.u.bf16.f32 v9;
	v9 =	vunpack.i.l.bf16.f32 v9  }
0x424: {  	v5 =	vadd.s32 $0x7, v5;
	v17 =	vld.idx.msk [tilespmem:v12+s24+$0x0], $0xffff;
	v9 =	vadd.f32 v9, v10;
	v10 =	vand.u32 $0x3F, v16  }
0x425: {  	v5 =	vand.u32 $0x3F, v5;
	v12 =	vld.idx.msk [tilespmem:v12+s23+$0x0], $0xffff;
	v11 =	vadd.f32 v11, v14;
	v10 =	vor.u32 v1, v10  }
0x426: {  	v16 =	vunpack.i.u.bf16.f32 v7;
	v7 =	vunpack.i.l.bf16.f32 v7;
	v14 =	vld.idx.msk [tilespmem:v13+s23+$0x0], $0xffff;
	v8 =	vmul.bf16 v8, v18  }
0x427: {  	v5 =	vor.u32 v1, v5;
	v7 =	vadd.f32 v7, v9;
	v9 =	vld.idx.msk [tilespmem:v13+s24+$0x0], $0xffff;
	v11 =	vadd.f32 v16, v11  }
0x428: {  	v6 =	vmul.bf16 v6, v19;
	v13 =	vld.idx.msk [tilespmem:v15+s23+$0x0], $0xffff;
	v16 =	vunpack.i.u.bf16.f32 v8;
	v8 =	vunpack.i.l.bf16.f32 v8  }
0x429: {  	v15 =	vld.idx.msk [tilespmem:v15+s24+$0x0], $0xffff;
	v7 =	vadd.f32 v8, v7;
	v8 =	vadd.f32 v16, v11  }
0x42a: {  	v11 =	vunpack.i.u.bf16.f32 v6;
	v6 =	vunpack.i.l.bf16.f32 v6;
	v12 =	vmul.bf16 v17, v12;
	v16 =	vld.idx.msk [tilespmem:v10+s23+$0x0], $0xffff  }
0x42b: {  	v8 =	vadd.f32 v11, v8;
	v6 =	vadd.f32 v6, v7;
	v7 =	vld.idx.msk [tilespmem:v10+s24+$0x0], $0xffff  }
0x42c: {  	v10 =	vunpack.i.u.bf16.f32 v12;
	v11 =	vunpack.i.l.bf16.f32 v12;
	v12 =	vld.idx.msk [tilespmem:v5+s23+$0x0], $0xffff;
	v9 =	vmul.bf16 v9, v14  }
0x42d: {  	v5 =	vld.idx.msk [tilespmem:v5+s24+$0x0], $0xffff;
	v8 =	vadd.f32 v10, v8;
	v6 =	vadd.f32 v11, v6  }
0x42e: {  	v10 =	vmul.bf16 v15, v13;
	v11 =	vunpack.i.l.bf16.f32 v9;
	v9 =	vunpack.i.u.bf16.f32 v9  }
0x42f: {  	v6 =	vadd.f32 v11, v6;
	v8 =	vadd.f32 v9, v8  }
0x430: {  	v9 =	vunpack.i.u.bf16.f32 v10;
	v10 =	vunpack.i.l.bf16.f32 v10;
	v7 =	vmul.bf16 v7, v16  }
0x431: {  	v6 =	vadd.f32 v10, v6;
	v8 =	vadd.f32 v9, v8  }
0x432: {  	v5 =	vmul.bf16 v5, v12;
	v9 =	vunpack.i.u.bf16.f32 v7;
	v7 =	vunpack.i.l.bf16.f32 v7  }
0x433: {  	v6 =	vadd.f32 v7, v6;
	v7 =	vadd.f32 v9, v8  }
0x434: {  	v8 =	vunpack.i.u.bf16.f32 v5;
	v5 =	vunpack.i.l.bf16.f32 v5  }
0x435: {  	v5 =	vadd.f32 v5, v6;
	v6 =	vadd.f32 v8, v7;
	_ =	sdelay $0x1  }
0x436: {  	v5 =	vadd.f32 v6, v5;
	_ =	sdelay $0x1  }
0x437: {  	v5 =	vsub.f32 $0.0e+00, v5;
	_ =	sdelay $0x1  }
0x438: {  	v5 =	vmul.f32 $1.442695020e+00, v5;
	_ =	sdelay $0x1  }
0x439: {  	(erf) = vpow2.f32 v5;
	_ =	sdelay $0x8  }
0x43a: {  	v5 =	vpop (erf)  }
0x43b: {  	v5 =	vadd.f32 $1.000000000e+00, v5;
	_ =	sdelay $0x1  }
0x43c: {  	(erf) = vrcp.f32 v5;
	_ =	sdelay $0x8  }
0x43d: {  	v6 =	vlaneseq.u32;
	v5 =	vpop (erf)  }
0x43e: {  	v7 =	vor.u32 v2, v6;
	v8 =	vadd.s32 $0x1, v6;
	v5 =	vadd.f32 $1.000000010e-07, v5  }
0x43f: {  	v8 =	vand.u32 $0x3F, v8  }
0x440: {  	v11 =	vadd.s32 $0x4, v6;
	v8 =	vor.u32 v2, v8;
	v5 =	vmul.f32 $9.999998210e-01, v5  }
0x441: {  	v9 =	vadd.s32 $0x2, v6;
	v11 =	vand.u32 $0x3F, v11  }
0x442: {  	v9 =	vand.u32 $0x3F, v9;
	v11 =	vor.u32 v2, v11;
	[tilespmem:$0x11450] =	vst v5  }
0x443: {  	v10 =	vadd.s32 $0x3, v6;
	v5 =	vor.u32 v2, v9;
	v9 =	vld.idx.msk [tilespmem:v7+s23+$0x0], $0xffff  }
0x444: {  	v10 =	vand.u32 $0x3F, v10;
	v7 =	vld.idx.msk [tilespmem:v7+s24+$0x0], $0xffff  }
0x445: {  	v10 =	vor.u32 v2, v10;
	v12 =	vld.idx.msk [tilespmem:v8+s23+$0x0], $0xffff  }
0x446: {  	v8 =	vld.idx.msk [tilespmem:v8+s24+$0x0], $0xffff  }
0x447: {  	v19 =	vld.idx.msk [tilespmem:v11+s23+$0x0], $0xffff  }
0x448: {  	v13 =	vadd.s32 $0x5, v6;
	v14 =	vld.idx.msk [tilespmem:v5+s23+$0x0], $0xffff  }
0x449: {  	v13 =	vand.u32 $0x3F, v13;
	v5 =	vld.idx.msk [tilespmem:v5+s24+$0x0], $0xffff  }
0x44a: {  	v13 =	vor.u32 v2, v13;
	v7 =	vmul.bf16 v7, v9;
	v9 =	vld.idx.msk [tilespmem:v10+s24+$0x0], $0xffff  }
0x44b: {  	v15 =	vimm.f32 $0.0e+00;
	v16 =	vadd.s32 $0x6, v6;
	v17 =	vadd.s32 $0x7, v6;
	v10 =	vld.idx.msk [tilespmem:v10+s23+$0x0], $0xffff  }
0x44c: {  	v16 =	vand.u32 $0x3F, v16;
	v8 =	vmul.bf16 v8, v12;
	v12 =	vld.idx.msk [tilespmem:v11+s24+$0x0], $0xffff;
	v11 =	vand.u32 $0x3F, v17  }
0x44d: {  	v20 =	vor.u32 v2, v16;
	v17 =	vor.u32 v2, v11;
	v18 =	vunpack.i.u.bf16.f32 v7  }
0x44e: {  	v7 =	vunpack.i.l.bf16.f32 v7;
	v11 =	vunpack.i.u.bf16.f32 v8;
	v5 =	vmul.bf16 v5, v14  }
0x44f: {  	v8 =	vunpack.i.l.bf16.f32 v8;
	v7 =	vadd.f32 v7, v15;
	v15 =	vadd.f32 v18, v15;
	v14 =	vld.idx.msk [tilespmem:v13+s23+$0x0], $0xffff  }
0x450: {  	v13 =	vld.idx.msk [tilespmem:v13+s24+$0x0], $0xffff;
	v16 =	vunpack.i.u.bf16.f32 v5;
	v18 =	vunpack.i.l.bf16.f32 v5;
	v5 =	vmul.bf16 v9, v10  }
0x451: {  	v6 =	vadd.s32 $0x8, v6;
	v7 =	vadd.f32 v8, v7;
	v8 =	vadd.f32 v11, v15  }
0x452: {  	v15 =	vunpack.i.u.bf16.f32 v5;
	v21 =	vunpack.i.l.bf16.f32 v5;
	v5 =	vand.u32 $0x3F, v6  }
0x453: {  	v19 =	vmul.bf16 v12, v19;
	v9 =	vld.idx.msk [tilespmem:v17+s23+$0x0], $0xffff;
	v11 =	vor.u32 v2, v5;
	v6 =	vadd.s32 $0x1, v5  }
0x454: {  	v12 =	vld.idx.msk [tilespmem:v17+s24+$0x0], $0xffff;
	v16 =	vadd.f32 v16, v8;
	v7 =	vadd.f32 v18, v7;
	v6 =	vand.u32 $0x3F, v6  }
0x455: {  	v10 =	vld.idx.msk [tilespmem:v20+s23+$0x0], $0xffff;
	v22 =	vmul.bf16 v13, v14;
	v8 =	vor.u32 v2, v6;
	v6 =	vadd.s32 $0x2, v5  }
0x456: {  	v15 =	vadd.f32 v15, v16;
	v16 =	vunpack.i.l.bf16.f32 v19;
	v13 =	vld.idx.msk [tilespmem:v20+s24+$0x0], $0xffff;
	v6 =	vand.u32 $0x3F, v6  }
0x457: {  	v18 =	vadd.f32 v21, v7;
	v20 =	vadd.s32 $0x3, v5;
	v6 =	vor.u32 v2, v6  }
0x458: {  	s7 =	simm.s32 $0x6;
	v19 =	vunpack.i.u.bf16.f32 v19;
	v14 =	vunpack.i.u.bf16.f32 v22;
	v17 =	vunpack.i.l.bf16.f32 v22;
	v7 =	vld.idx.msk [tilespmem:v11+s23+$0x0], $0xffff  }
.LBB2_28:
0x459: {  	p1 =	sne.s32 s7, $0x1;
	s7 =	sadd.s32 $0xFFFFFFFF, s7;
	v11 =	vld.idx.msk [tilespmem:v11+s24+$0x0], $0xffff;
	v20 =	vand.u32 $0x3F, v20;
	v21 =	vadd.s32 $0x4, v5;
	v9 =	vmul.bf16 v12, v9  }
0x45a: {  	v16 =	vadd.f32 v16, v18;
	v15 =	vadd.f32 v19, v15;
	v12 =	vld.idx.msk [tilespmem:v8+s23+$0x0], $0xffff;
	v20 =	vor.u32 v2, v20  }
0x45b: {  	v19 =	vadd.s32 $0x5, v5;
	v18 =	vand.u32 $0x3F, v21;
	v10 =	vmul.bf16 v13, v10;
	v8 =	vld.idx.msk [tilespmem:v8+s24+$0x0], $0xffff  }
0x45c: {  	v18 =	vor.u32 v2, v18;
	v16 =	vadd.f32 v17, v16;
	v14 =	vadd.f32 v14, v15;
	v13 =	vld.idx.msk [tilespmem:v6+s23+$0x0], $0xffff  }
0x45d: {  	v15 =	vand.u32 $0x3F, v19;
	v17 =	vunpack.i.u.bf16.f32 v10;
	v10 =	vunpack.i.l.bf16.f32 v10;
	v6 =	vld.idx.msk [tilespmem:v6+s24+$0x0], $0xffff  }
0x45e: {  	v15 =	vor.u32 v2, v15;
	v10 =	vadd.f32 v10, v16;
	v14 =	vadd.f32 v17, v14  }
0x45f: {  	v16 =	vunpack.i.u.bf16.f32 v9;
	v9 =	vunpack.i.l.bf16.f32 v9;
	v7 =	vmul.bf16 v11, v7;
	v11 =	vld.idx.msk [tilespmem:v20+s24+$0x0], $0xffff  }
0x460: {  	v19 =	vadd.s32 $0x6, v5;
	v9 =	vadd.f32 v9, v10;
	v17 =	vld.idx.msk [tilespmem:v20+s23+$0x0], $0xffff;
	v20 =	vadd.s32 $0x7, v5  }
0x461: {  	v14 =	vadd.f32 v16, v14;
	v10 =	vunpack.i.u.bf16.f32 v7;
	v7 =	vunpack.i.l.bf16.f32 v7;
	v21 =	vld.idx.msk [tilespmem:v18+s23+$0x0], $0xffff  }
0x462: {  	v8 =	vmul.bf16 v8, v12;
	v7 =	vadd.f32 v7, v9;
	v9 =	vand.u32 $0x3F, v20;
	v16 =	vld.idx.msk [tilespmem:v18+s24+$0x0], $0xffff  }
0x463: {  	v12 =	vand.u32 $0x3F, v19;
	v6 =	vmul.bf16 v6, v13;
	v18 =	vor.u32 v2, v9;
	v13 =	vld.idx.msk [tilespmem:v15+s23+$0x0], $0xffff  }
0x464: {  	v19 =	vor.u32 v2, v12;
	v9 =	vunpack.i.u.bf16.f32 v8;
	v8 =	vunpack.i.l.bf16.f32 v8;
	v15 =	vld.idx.msk [tilespmem:v15+s24+$0x0], $0xffff  }
0x465: {  	v10 =	vadd.f32 v10, v14;
	v12 =	vunpack.i.u.bf16.f32 v6;
	v6 =	vunpack.i.l.bf16.f32 v6  }
0x466: {  	v7 =	vadd.f32 v8, v7;
	v8 =	vmul.bf16 v11, v17  }
0x467: {  	v5 =	vadd.s32 $0x8, v5;
	v10 =	vadd.f32 v9, v10  }
0x468: {  	v5 =	vand.u32 $0x3F, v5;
	v14 =	vunpack.i.u.bf16.f32 v8;
	v17 =	vunpack.i.l.bf16.f32 v8;
	v9 =	vld.idx.msk [tilespmem:v18+s23+$0x0], $0xffff  }
0x469: {  	v11 =	vor.u32 v2, v5;
	v20 =	vadd.f32 v12, v10;
	v8 =	vadd.s32 $0x1, v5;
	v12 =	vld.idx.msk [tilespmem:v18+s24+$0x0], $0xffff  }
.Ltmp13:
0x46a: {  	v21 =	vmul.bf16 v16, v21;
	v8 =	vand.u32 $0x3F, v8;
	v22 =	vmul.bf16 v15, v13;
	v10 =	vld.idx.msk [tilespmem:v19+s23+$0x0], $0xffff;
	(pc) =	sbr.rel @p1 .LBB2_28-.Ltmp13, $4  }
0x46b: {  	v7 =	vadd.f32 v6, v7;
	v8 =	vor.u32 v2, v8;
	v15 =	vadd.s32 $0x2, v5;
	v13 =	vld.idx.msk [tilespmem:v19+s24+$0x0], $0xffff  }
0x46c: {  	v16 =	vunpack.i.l.bf16.f32 v21;
	v6 =	vand.u32 $0x3F, v15;
	v15 =	vadd.f32 v14, v20  }
0x46d: {  	v18 =	vadd.f32 v17, v7;
	v6 =	vor.u32 v2, v6;
	v14 =	vunpack.i.u.bf16.f32 v22  }
0x46e: {  	v20 =	vadd.s32 $0x3, v5;
	v19 =	vunpack.i.u.bf16.f32 v21;
	v17 =	vunpack.i.l.bf16.f32 v22;
	v7 =	vld.idx.msk [tilespmem:v11+s23+$0x0], $0xffff  }
0x46f: {  	_ =	sdelay $0x1  }
0x470: {  	v20 =	vand.u32 $0x3F, v20  }
0x471: {  	v21 =	vadd.s32 $0x4, v5;
	v9 =	vmul.bf16 v12, v9;
	v16 =	vadd.f32 v16, v18  }
0x472: {  	v11 =	vld.idx.msk [tilespmem:v11+s24+$0x0], $0xffff;
	v15 =	vadd.f32 v19, v15;
	v19 =	vadd.s32 $0x5, v5;
	v18 =	vand.u32 $0x3F, v21  }
0x473: {  	v12 =	vor.u32 v2, v20;
	v10 =	vmul.bf16 v13, v10;
	v13 =	vor.u32 v2, v18  }
0x474: {  	v18 =	vld.idx.msk [tilespmem:v8+s23+$0x0], $0xffff;
	v16 =	vadd.f32 v17, v16;
	v14 =	vadd.f32 v14, v15;
	v15 =	vand.u32 $0x3F, v19  }
0x475: {  	v8 =	vld.idx.msk [tilespmem:v8+s24+$0x0], $0xffff;
	v17 =	vunpack.i.u.bf16.f32 v10;
	v10 =	vunpack.i.l.bf16.f32 v10;
	v15 =	vor.u32 v2, v15  }
0x476: {  	v19 =	vld.idx.msk [tilespmem:v6+s23+$0x0], $0xffff;
	v10 =	vadd.f32 v10, v16;
	v14 =	vadd.f32 v17, v14;
	v16 =	vadd.s32 $0x6, v5  }
0x477: {  	v6 =	vld.idx.msk [tilespmem:v6+s24+$0x0], $0xffff;
	v7 =	vmul.bf16 v11, v7;
	v11 =	vunpack.i.u.bf16.f32 v9;
	v9 =	vunpack.i.l.bf16.f32 v9  }
0x478: {  	v5 =	vadd.s32 $0x7, v5;
	v17 =	vld.idx.msk [tilespmem:v12+s24+$0x0], $0xffff;
	v9 =	vadd.f32 v9, v10;
	v10 =	vand.u32 $0x3F, v16  }
0x479: {  	v5 =	vand.u32 $0x3F, v5;
	v12 =	vld.idx.msk [tilespmem:v12+s23+$0x0], $0xffff;
	v11 =	vadd.f32 v11, v14;
	v10 =	vor.u32 v2, v10  }
0x47a: {  	v16 =	vunpack.i.u.bf16.f32 v7;
	v7 =	vunpack.i.l.bf16.f32 v7;
	v14 =	vld.idx.msk [tilespmem:v13+s23+$0x0], $0xffff;
	v8 =	vmul.bf16 v8, v18  }
0x47b: {  	v5 =	vor.u32 v2, v5;
	v7 =	vadd.f32 v7, v9;
	v9 =	vld.idx.msk [tilespmem:v13+s24+$0x0], $0xffff;
	v11 =	vadd.f32 v16, v11  }
0x47c: {  	v6 =	vmul.bf16 v6, v19;
	v13 =	vld.idx.msk [tilespmem:v15+s23+$0x0], $0xffff;
	v16 =	vunpack.i.u.bf16.f32 v8;
	v8 =	vunpack.i.l.bf16.f32 v8  }
0x47d: {  	v15 =	vld.idx.msk [tilespmem:v15+s24+$0x0], $0xffff;
	v7 =	vadd.f32 v8, v7;
	v8 =	vadd.f32 v16, v11  }
0x47e: {  	v11 =	vunpack.i.u.bf16.f32 v6;
	v6 =	vunpack.i.l.bf16.f32 v6;
	v12 =	vmul.bf16 v17, v12;
	v16 =	vld.idx.msk [tilespmem:v10+s23+$0x0], $0xffff  }
0x47f: {  	v8 =	vadd.f32 v11, v8;
	v6 =	vadd.f32 v6, v7;
	v7 =	vld.idx.msk [tilespmem:v10+s24+$0x0], $0xffff  }
0x480: {  	v10 =	vunpack.i.u.bf16.f32 v12;
	v11 =	vunpack.i.l.bf16.f32 v12;
	v12 =	vld.idx.msk [tilespmem:v5+s23+$0x0], $0xffff;
	v9 =	vmul.bf16 v9, v14  }
0x481: {  	v5 =	vld.idx.msk [tilespmem:v5+s24+$0x0], $0xffff;
	v8 =	vadd.f32 v10, v8;
	v6 =	vadd.f32 v11, v6  }
0x482: {  	v10 =	vmul.bf16 v15, v13;
	v11 =	vunpack.i.l.bf16.f32 v9;
	v9 =	vunpack.i.u.bf16.f32 v9  }
0x483: {  	v6 =	vadd.f32 v11, v6;
	v8 =	vadd.f32 v9, v8  }
0x484: {  	v9 =	vunpack.i.u.bf16.f32 v10;
	v10 =	vunpack.i.l.bf16.f32 v10;
	v7 =	vmul.bf16 v7, v16  }
0x485: {  	v6 =	vadd.f32 v10, v6;
	v8 =	vadd.f32 v9, v8  }
0x486: {  	v5 =	vmul.bf16 v5, v12;
	v9 =	vunpack.i.u.bf16.f32 v7;
	v7 =	vunpack.i.l.bf16.f32 v7  }
0x487: {  	v6 =	vadd.f32 v7, v6;
	v7 =	vadd.f32 v9, v8  }
0x488: {  	v8 =	vunpack.i.u.bf16.f32 v5;
	v5 =	vunpack.i.l.bf16.f32 v5  }
0x489: {  	v5 =	vadd.f32 v5, v6;
	v6 =	vadd.f32 v8, v7;
	_ =	sdelay $0x1  }
0x48a: {  	v5 =	vadd.f32 v6, v5;
	_ =	sdelay $0x1  }
0x48b: {  	v5 =	vsub.f32 $0.0e+00, v5;
	_ =	sdelay $0x1  }
0x48c: {  	v5 =	vmul.f32 $1.442695020e+00, v5;
	_ =	sdelay $0x1  }
0x48d: {  	(erf) = vpow2.f32 v5;
	_ =	sdelay $0x8  }
0x48e: {  	v5 =	vpop (erf)  }
0x48f: {  	v5 =	vadd.f32 $1.000000000e+00, v5;
	_ =	sdelay $0x1  }
0x490: {  	(erf) = vrcp.f32 v5;
	_ =	sdelay $0x8  }
0x491: {  	v6 =	vlaneseq.u32;
	v5 =	vpop (erf)  }
0x492: {  	v7 =	vor.u32 v3, v6;
	v8 =	vadd.s32 $0x1, v6;
	v5 =	vadd.f32 $1.000000010e-07, v5  }
0x493: {  	v8 =	vand.u32 $0x3F, v8  }
0x494: {  	v11 =	vadd.s32 $0x4, v6;
	v8 =	vor.u32 v3, v8;
	v5 =	vmul.f32 $9.999998210e-01, v5  }
0x495: {  	v9 =	vadd.s32 $0x2, v6;
	v11 =	vand.u32 $0x3F, v11  }
0x496: {  	v9 =	vand.u32 $0x3F, v9;
	v11 =	vor.u32 v3, v11;
	[tilespmem:$0x11460] =	vst v5  }
0x497: {  	v10 =	vadd.s32 $0x3, v6;
	v5 =	vor.u32 v3, v9;
	v9 =	vld.idx.msk [tilespmem:v7+s23+$0x0], $0xffff  }
0x498: {  	v10 =	vand.u32 $0x3F, v10;
	v7 =	vld.idx.msk [tilespmem:v7+s24+$0x0], $0xffff  }
0x499: {  	v10 =	vor.u32 v3, v10;
	v12 =	vld.idx.msk [tilespmem:v8+s23+$0x0], $0xffff  }
0x49a: {  	v8 =	vld.idx.msk [tilespmem:v8+s24+$0x0], $0xffff  }
0x49b: {  	v19 =	vld.idx.msk [tilespmem:v11+s23+$0x0], $0xffff  }
0x49c: {  	v13 =	vadd.s32 $0x5, v6;
	v14 =	vld.idx.msk [tilespmem:v5+s23+$0x0], $0xffff  }
0x49d: {  	v13 =	vand.u32 $0x3F, v13;
	v5 =	vld.idx.msk [tilespmem:v5+s24+$0x0], $0xffff  }
0x49e: {  	v13 =	vor.u32 v3, v13;
	v7 =	vmul.bf16 v7, v9;
	v9 =	vld.idx.msk [tilespmem:v10+s24+$0x0], $0xffff  }
0x49f: {  	v15 =	vimm.f32 $0.0e+00;
	v16 =	vadd.s32 $0x6, v6;
	v17 =	vadd.s32 $0x7, v6;
	v10 =	vld.idx.msk [tilespmem:v10+s23+$0x0], $0xffff  }
0x4a0: {  	v16 =	vand.u32 $0x3F, v16;
	v8 =	vmul.bf16 v8, v12;
	v12 =	vld.idx.msk [tilespmem:v11+s24+$0x0], $0xffff;
	v11 =	vand.u32 $0x3F, v17  }
0x4a1: {  	v20 =	vor.u32 v3, v16;
	v17 =	vor.u32 v3, v11;
	v18 =	vunpack.i.u.bf16.f32 v7  }
0x4a2: {  	v7 =	vunpack.i.l.bf16.f32 v7;
	v11 =	vunpack.i.u.bf16.f32 v8;
	v5 =	vmul.bf16 v5, v14  }
0x4a3: {  	v8 =	vunpack.i.l.bf16.f32 v8;
	v7 =	vadd.f32 v7, v15;
	v15 =	vadd.f32 v18, v15;
	v14 =	vld.idx.msk [tilespmem:v13+s23+$0x0], $0xffff  }
0x4a4: {  	v13 =	vld.idx.msk [tilespmem:v13+s24+$0x0], $0xffff;
	v16 =	vunpack.i.u.bf16.f32 v5;
	v18 =	vunpack.i.l.bf16.f32 v5;
	v5 =	vmul.bf16 v9, v10  }
0x4a5: {  	v6 =	vadd.s32 $0x8, v6;
	v7 =	vadd.f32 v8, v7;
	v8 =	vadd.f32 v11, v15  }
0x4a6: {  	v15 =	vunpack.i.u.bf16.f32 v5;
	v21 =	vunpack.i.l.bf16.f32 v5;
	v5 =	vand.u32 $0x3F, v6  }
0x4a7: {  	v19 =	vmul.bf16 v12, v19;
	v9 =	vld.idx.msk [tilespmem:v17+s23+$0x0], $0xffff;
	v11 =	vor.u32 v3, v5;
	v6 =	vadd.s32 $0x1, v5  }
0x4a8: {  	v12 =	vld.idx.msk [tilespmem:v17+s24+$0x0], $0xffff;
	v16 =	vadd.f32 v16, v8;
	v7 =	vadd.f32 v18, v7;
	v6 =	vand.u32 $0x3F, v6  }
0x4a9: {  	v10 =	vld.idx.msk [tilespmem:v20+s23+$0x0], $0xffff;
	v22 =	vmul.bf16 v13, v14;
	v8 =	vor.u32 v3, v6;
	v6 =	vadd.s32 $0x2, v5  }
0x4aa: {  	v15 =	vadd.f32 v15, v16;
	v16 =	vunpack.i.l.bf16.f32 v19;
	v13 =	vld.idx.msk [tilespmem:v20+s24+$0x0], $0xffff;
	v6 =	vand.u32 $0x3F, v6  }
0x4ab: {  	v18 =	vadd.f32 v21, v7;
	v20 =	vadd.s32 $0x3, v5;
	v6 =	vor.u32 v3, v6  }
0x4ac: {  	s7 =	simm.s32 $0x6;
	v19 =	vunpack.i.u.bf16.f32 v19;
	v14 =	vunpack.i.u.bf16.f32 v22;
	v17 =	vunpack.i.l.bf16.f32 v22;
	v7 =	vld.idx.msk [tilespmem:v11+s23+$0x0], $0xffff  }
.LBB2_30:
0x4ad: {  	p1 =	sne.s32 s7, $0x1;
	s7 =	sadd.s32 $0xFFFFFFFF, s7;
	v11 =	vld.idx.msk [tilespmem:v11+s24+$0x0], $0xffff;
	v20 =	vand.u32 $0x3F, v20;
	v21 =	vadd.s32 $0x4, v5;
	v9 =	vmul.bf16 v12, v9  }
0x4ae: {  	v16 =	vadd.f32 v16, v18;
	v15 =	vadd.f32 v19, v15;
	v12 =	vld.idx.msk [tilespmem:v8+s23+$0x0], $0xffff;
	v20 =	vor.u32 v3, v20  }
0x4af: {  	v19 =	vadd.s32 $0x5, v5;
	v18 =	vand.u32 $0x3F, v21;
	v10 =	vmul.bf16 v13, v10;
	v8 =	vld.idx.msk [tilespmem:v8+s24+$0x0], $0xffff  }
0x4b0: {  	v18 =	vor.u32 v3, v18;
	v16 =	vadd.f32 v17, v16;
	v14 =	vadd.f32 v14, v15;
	v13 =	vld.idx.msk [tilespmem:v6+s23+$0x0], $0xffff  }
0x4b1: {  	v15 =	vand.u32 $0x3F, v19;
	v17 =	vunpack.i.u.bf16.f32 v10;
	v10 =	vunpack.i.l.bf16.f32 v10;
	v6 =	vld.idx.msk [tilespmem:v6+s24+$0x0], $0xffff  }
0x4b2: {  	v15 =	vor.u32 v3, v15;
	v10 =	vadd.f32 v10, v16;
	v14 =	vadd.f32 v17, v14  }
0x4b3: {  	v16 =	vunpack.i.u.bf16.f32 v9;
	v9 =	vunpack.i.l.bf16.f32 v9;
	v7 =	vmul.bf16 v11, v7;
	v11 =	vld.idx.msk [tilespmem:v20+s24+$0x0], $0xffff  }
0x4b4: {  	v19 =	vadd.s32 $0x6, v5;
	v9 =	vadd.f32 v9, v10;
	v17 =	vld.idx.msk [tilespmem:v20+s23+$0x0], $0xffff;
	v20 =	vadd.s32 $0x7, v5  }
0x4b5: {  	v14 =	vadd.f32 v16, v14;
	v10 =	vunpack.i.u.bf16.f32 v7;
	v7 =	vunpack.i.l.bf16.f32 v7;
	v21 =	vld.idx.msk [tilespmem:v18+s23+$0x0], $0xffff  }
0x4b6: {  	v8 =	vmul.bf16 v8, v12;
	v7 =	vadd.f32 v7, v9;
	v9 =	vand.u32 $0x3F, v20;
	v16 =	vld.idx.msk [tilespmem:v18+s24+$0x0], $0xffff  }
0x4b7: {  	v12 =	vand.u32 $0x3F, v19;
	v6 =	vmul.bf16 v6, v13;
	v18 =	vor.u32 v3, v9;
	v13 =	vld.idx.msk [tilespmem:v15+s23+$0x0], $0xffff  }
0x4b8: {  	v19 =	vor.u32 v3, v12;
	v9 =	vunpack.i.u.bf16.f32 v8;
	v8 =	vunpack.i.l.bf16.f32 v8;
	v15 =	vld.idx.msk [tilespmem:v15+s24+$0x0], $0xffff  }
0x4b9: {  	v10 =	vadd.f32 v10, v14;
	v12 =	vunpack.i.u.bf16.f32 v6;
	v6 =	vunpack.i.l.bf16.f32 v6  }
0x4ba: {  	v7 =	vadd.f32 v8, v7;
	v8 =	vmul.bf16 v11, v17  }
0x4bb: {  	v5 =	vadd.s32 $0x8, v5;
	v10 =	vadd.f32 v9, v10  }
0x4bc: {  	v5 =	vand.u32 $0x3F, v5;
	v14 =	vunpack.i.u.bf16.f32 v8;
	v17 =	vunpack.i.l.bf16.f32 v8;
	v9 =	vld.idx.msk [tilespmem:v18+s23+$0x0], $0xffff  }
0x4bd: {  	v11 =	vor.u32 v3, v5;
	v20 =	vadd.f32 v12, v10;
	v8 =	vadd.s32 $0x1, v5;
	v12 =	vld.idx.msk [tilespmem:v18+s24+$0x0], $0xffff  }
.Ltmp14:
0x4be: {  	v21 =	vmul.bf16 v16, v21;
	v8 =	vand.u32 $0x3F, v8;
	v22 =	vmul.bf16 v15, v13;
	v10 =	vld.idx.msk [tilespmem:v19+s23+$0x0], $0xffff;
	(pc) =	sbr.rel @p1 .LBB2_30-.Ltmp14, $4  }
0x4bf: {  	v7 =	vadd.f32 v6, v7;
	v8 =	vor.u32 v3, v8;
	v15 =	vadd.s32 $0x2, v5;
	v13 =	vld.idx.msk [tilespmem:v19+s24+$0x0], $0xffff  }
0x4c0: {  	v16 =	vunpack.i.l.bf16.f32 v21;
	v6 =	vand.u32 $0x3F, v15;
	v15 =	vadd.f32 v14, v20  }
0x4c1: {  	v18 =	vadd.f32 v17, v7;
	v6 =	vor.u32 v3, v6;
	v14 =	vunpack.i.u.bf16.f32 v22  }
0x4c2: {  	v20 =	vadd.s32 $0x3, v5;
	v19 =	vunpack.i.u.bf16.f32 v21;
	v17 =	vunpack.i.l.bf16.f32 v22;
	v7 =	vld.idx.msk [tilespmem:v11+s23+$0x0], $0xffff  }
0x4c3: {  	_ =	sdelay $0x1  }
0x4c4: {  	v20 =	vand.u32 $0x3F, v20  }
0x4c5: {  	v21 =	vadd.s32 $0x4, v5;
	v9 =	vmul.bf16 v12, v9;
	v16 =	vadd.f32 v16, v18  }
0x4c6: {  	v11 =	vld.idx.msk [tilespmem:v11+s24+$0x0], $0xffff;
	v15 =	vadd.f32 v19, v15;
	v19 =	vadd.s32 $0x5, v5;
	v18 =	vand.u32 $0x3F, v21  }
0x4c7: {  	v12 =	vor.u32 v3, v20;
	v10 =	vmul.bf16 v13, v10;
	v13 =	vor.u32 v3, v18  }
0x4c8: {  	v18 =	vld.idx.msk [tilespmem:v8+s23+$0x0], $0xffff;
	v16 =	vadd.f32 v17, v16;
	v14 =	vadd.f32 v14, v15;
	v15 =	vand.u32 $0x3F, v19  }
0x4c9: {  	v8 =	vld.idx.msk [tilespmem:v8+s24+$0x0], $0xffff;
	v17 =	vunpack.i.u.bf16.f32 v10;
	v10 =	vunpack.i.l.bf16.f32 v10;
	v15 =	vor.u32 v3, v15  }
0x4ca: {  	v19 =	vld.idx.msk [tilespmem:v6+s23+$0x0], $0xffff;
	v10 =	vadd.f32 v10, v16;
	v14 =	vadd.f32 v17, v14;
	v16 =	vadd.s32 $0x6, v5  }
0x4cb: {  	v6 =	vld.idx.msk [tilespmem:v6+s24+$0x0], $0xffff;
	v7 =	vmul.bf16 v11, v7;
	v11 =	vunpack.i.u.bf16.f32 v9;
	v9 =	vunpack.i.l.bf16.f32 v9  }
0x4cc: {  	v5 =	vadd.s32 $0x7, v5;
	v17 =	vld.idx.msk [tilespmem:v12+s24+$0x0], $0xffff;
	v9 =	vadd.f32 v9, v10;
	v10 =	vand.u32 $0x3F, v16  }
0x4cd: {  	v5 =	vand.u32 $0x3F, v5;
	v12 =	vld.idx.msk [tilespmem:v12+s23+$0x0], $0xffff;
	v11 =	vadd.f32 v11, v14;
	v10 =	vor.u32 v3, v10  }
0x4ce: {  	v16 =	vunpack.i.u.bf16.f32 v7;
	v7 =	vunpack.i.l.bf16.f32 v7;
	v14 =	vld.idx.msk [tilespmem:v13+s23+$0x0], $0xffff;
	v8 =	vmul.bf16 v8, v18  }
0x4cf: {  	v3 =	vor.u32 v3, v5;
	v7 =	vadd.f32 v7, v9;
	v9 =	vld.idx.msk [tilespmem:v13+s24+$0x0], $0xffff;
	v5 =	vadd.f32 v16, v11  }
0x4d0: {  	v6 =	vmul.bf16 v6, v19;
	v11 =	vld.idx.msk [tilespmem:v15+s23+$0x0], $0xffff;
	v13 =	vunpack.i.u.bf16.f32 v8;
	v8 =	vunpack.i.l.bf16.f32 v8  }
0x4d1: {  	v15 =	vld.idx.msk [tilespmem:v15+s24+$0x0], $0xffff;
	v7 =	vadd.f32 v8, v7;
	v5 =	vadd.f32 v13, v5  }
0x4d2: {  	v8 =	vunpack.i.u.bf16.f32 v6;
	v6 =	vunpack.i.l.bf16.f32 v6;
	v12 =	vmul.bf16 v17, v12;
	v13 =	vld.idx.msk [tilespmem:v10+s23+$0x0], $0xffff  }
0x4d3: {  	v5 =	vadd.f32 v8, v5;
	v6 =	vadd.f32 v6, v7;
	v7 =	vld.idx.msk [tilespmem:v10+s24+$0x0], $0xffff  }
0x4d4: {  	v8 =	vunpack.i.u.bf16.f32 v12;
	v10 =	vunpack.i.l.bf16.f32 v12;
	v12 =	vld.idx.msk [tilespmem:v3+s23+$0x0], $0xffff;
	v9 =	vmul.bf16 v9, v14  }
0x4d5: {  	v3 =	vld.idx.msk [tilespmem:v3+s24+$0x0], $0xffff;
	v5 =	vadd.f32 v8, v5;
	v6 =	vadd.f32 v10, v6  }
0x4d6: {  	v8 =	vmul.bf16 v15, v11;
	v10 =	vunpack.i.l.bf16.f32 v9;
	v9 =	vunpack.i.u.bf16.f32 v9  }
0x4d7: {  	v6 =	vadd.f32 v10, v6;
	v5 =	vadd.f32 v9, v5  }
0x4d8: {  	v9 =	vunpack.i.u.bf16.f32 v8;
	v8 =	vunpack.i.l.bf16.f32 v8;
	v7 =	vmul.bf16 v7, v13  }
0x4d9: {  	v6 =	vadd.f32 v8, v6;
	v5 =	vadd.f32 v9, v5  }
0x4da: {  	v3 =	vmul.bf16 v3, v12;
	v8 =	vunpack.i.u.bf16.f32 v7;
	v7 =	vunpack.i.l.bf16.f32 v7  }
0x4db: {  	v6 =	vadd.f32 v7, v6;
	v5 =	vadd.f32 v8, v5  }
0x4dc: {  	v7 =	vunpack.i.u.bf16.f32 v3;
	v3 =	vunpack.i.l.bf16.f32 v3  }
0x4dd: {  	v3 =	vadd.f32 v3, v6;
	v5 =	vadd.f32 v7, v5;
	_ =	sdelay $0x1  }
0x4de: {  	v3 =	vadd.f32 v5, v3;
	_ =	sdelay $0x1  }
0x4df: {  	v3 =	vsub.f32 $0.0e+00, v3;
	_ =	sdelay $0x1  }
0x4e0: {  	v3 =	vmul.f32 $1.442695020e+00, v3;
	_ =	sdelay $0x1  }
0x4e1: {  	(erf) = vpow2.f32 v3;
	_ =	sdelay $0x8  }
0x4e2: {  	v3 =	vpop (erf)  }
0x4e3: {  	v3 =	vadd.f32 $1.000000000e+00, v3;
	_ =	sdelay $0x1  }
0x4e4: {  	(erf) = vrcp.f32 v3;
	_ =	sdelay $0x8  }
0x4e5: {  	v5 =	vlaneseq.u32;
	v3 =	vpop (erf)  }
0x4e6: {  	v6 =	vor.u32 v4, v5;
	v7 =	vadd.s32 $0x1, v5;
	v3 =	vadd.f32 $1.000000010e-07, v3  }
0x4e7: {  	v7 =	vand.u32 $0x3F, v7  }
0x4e8: {  	v10 =	vadd.s32 $0x4, v5;
	v7 =	vor.u32 v4, v7;
	v3 =	vmul.f32 $9.999998210e-01, v3  }
0x4e9: {  	v8 =	vadd.s32 $0x2, v5;
	v10 =	vand.u32 $0x3F, v10  }
0x4ea: {  	v8 =	vand.u32 $0x3F, v8;
	v10 =	vor.u32 v4, v10;
	[tilespmem:$0x11470] =	vst v3  }
0x4eb: {  	v9 =	vadd.s32 $0x3, v5;
	v3 =	vor.u32 v4, v8;
	v8 =	vld.idx.msk [tilespmem:v6+s23+$0x0], $0xffff  }
0x4ec: {  	v9 =	vand.u32 $0x3F, v9;
	v6 =	vld.idx.msk [tilespmem:v6+s24+$0x0], $0xffff  }
0x4ed: {  	v9 =	vor.u32 v4, v9;
	v11 =	vld.idx.msk [tilespmem:v7+s23+$0x0], $0xffff  }
0x4ee: {  	v7 =	vld.idx.msk [tilespmem:v7+s24+$0x0], $0xffff  }
0x4ef: {  	v18 =	vld.idx.msk [tilespmem:v10+s23+$0x0], $0xffff  }
0x4f0: {  	v12 =	vadd.s32 $0x5, v5;
	v13 =	vld.idx.msk [tilespmem:v3+s23+$0x0], $0xffff  }
0x4f1: {  	v12 =	vand.u32 $0x3F, v12;
	v3 =	vld.idx.msk [tilespmem:v3+s24+$0x0], $0xffff  }
0x4f2: {  	v12 =	vor.u32 v4, v12;
	v6 =	vmul.bf16 v6, v8;
	v8 =	vld.idx.msk [tilespmem:v9+s24+$0x0], $0xffff  }
0x4f3: {  	v14 =	vimm.f32 $0.0e+00;
	v15 =	vadd.s32 $0x6, v5;
	v16 =	vadd.s32 $0x7, v5;
	v9 =	vld.idx.msk [tilespmem:v9+s23+$0x0], $0xffff  }
0x4f4: {  	v15 =	vand.u32 $0x3F, v15;
	v7 =	vmul.bf16 v7, v11;
	v11 =	vld.idx.msk [tilespmem:v10+s24+$0x0], $0xffff;
	v10 =	vand.u32 $0x3F, v16  }
0x4f5: {  	v19 =	vor.u32 v4, v15;
	v16 =	vor.u32 v4, v10;
	v17 =	vunpack.i.u.bf16.f32 v6  }
0x4f6: {  	v6 =	vunpack.i.l.bf16.f32 v6;
	v10 =	vunpack.i.u.bf16.f32 v7;
	v3 =	vmul.bf16 v3, v13  }
0x4f7: {  	v7 =	vunpack.i.l.bf16.f32 v7;
	v6 =	vadd.f32 v6, v14;
	v14 =	vadd.f32 v17, v14;
	v13 =	vld.idx.msk [tilespmem:v12+s23+$0x0], $0xffff  }
0x4f8: {  	v12 =	vld.idx.msk [tilespmem:v12+s24+$0x0], $0xffff;
	v15 =	vunpack.i.u.bf16.f32 v3;
	v17 =	vunpack.i.l.bf16.f32 v3;
	v3 =	vmul.bf16 v8, v9  }
0x4f9: {  	v5 =	vadd.s32 $0x8, v5;
	v6 =	vadd.f32 v7, v6;
	v7 =	vadd.f32 v10, v14  }
0x4fa: {  	v14 =	vunpack.i.u.bf16.f32 v3;
	v20 =	vunpack.i.l.bf16.f32 v3;
	v3 =	vand.u32 $0x3F, v5  }
0x4fb: {  	v18 =	vmul.bf16 v11, v18;
	v8 =	vld.idx.msk [tilespmem:v16+s23+$0x0], $0xffff;
	v10 =	vor.u32 v4, v3;
	v5 =	vadd.s32 $0x1, v3  }
0x4fc: {  	v11 =	vld.idx.msk [tilespmem:v16+s24+$0x0], $0xffff;
	v15 =	vadd.f32 v15, v7;
	v6 =	vadd.f32 v17, v6;
	v5 =	vand.u32 $0x3F, v5  }
0x4fd: {  	v9 =	vld.idx.msk [tilespmem:v19+s23+$0x0], $0xffff;
	v63 =	vmul.bf16 v12, v13;
	v7 =	vor.u32 v4, v5;
	v5 =	vadd.s32 $0x2, v3  }
0x4fe: {  	v14 =	vadd.f32 v14, v15;
	v15 =	vunpack.i.l.bf16.f32 v18;
	v12 =	vld.idx.msk [tilespmem:v19+s24+$0x0], $0xffff;
	v5 =	vand.u32 $0x3F, v5  }
0x4ff: {  	v17 =	vadd.f32 v20, v6;
	v19 =	vadd.s32 $0x3, v3;
	v5 =	vor.u32 v4, v5  }
0x500: {  	s7 =	simm.s32 $0x6;
	v18 =	vunpack.i.u.bf16.f32 v18;
	v13 =	vunpack.i.u.bf16.f32 v63;
	v16 =	vunpack.i.l.bf16.f32 v63;
	v6 =	vld.idx.msk [tilespmem:v10+s23+$0x0], $0xffff  }
.LBB2_32:
0x501: {  	p1 =	sne.s32 s7, $0x1;
	s7 =	sadd.s32 $0xFFFFFFFF, s7;
	v10 =	vld.idx.msk [tilespmem:v10+s24+$0x0], $0xffff;
	v19 =	vand.u32 $0x3F, v19;
	v20 =	vadd.s32 $0x4, v3;
	v8 =	vmul.bf16 v11, v8  }
0x502: {  	v15 =	vadd.f32 v15, v17;
	v14 =	vadd.f32 v18, v14;
	v11 =	vld.idx.msk [tilespmem:v7+s23+$0x0], $0xffff;
	v19 =	vor.u32 v4, v19  }
0x503: {  	v18 =	vadd.s32 $0x5, v3;
	v17 =	vand.u32 $0x3F, v20;
	v9 =	vmul.bf16 v12, v9;
	v7 =	vld.idx.msk [tilespmem:v7+s24+$0x0], $0xffff  }
0x504: {  	v17 =	vor.u32 v4, v17;
	v15 =	vadd.f32 v16, v15;
	v13 =	vadd.f32 v13, v14;
	v12 =	vld.idx.msk [tilespmem:v5+s23+$0x0], $0xffff  }
0x505: {  	v14 =	vand.u32 $0x3F, v18;
	v16 =	vunpack.i.u.bf16.f32 v9;
	v9 =	vunpack.i.l.bf16.f32 v9;
	v5 =	vld.idx.msk [tilespmem:v5+s24+$0x0], $0xffff  }
0x506: {  	v14 =	vor.u32 v4, v14;
	v9 =	vadd.f32 v9, v15;
	v13 =	vadd.f32 v16, v13  }
0x507: {  	v15 =	vunpack.i.u.bf16.f32 v8;
	v8 =	vunpack.i.l.bf16.f32 v8;
	v6 =	vmul.bf16 v10, v6;
	v10 =	vld.idx.msk [tilespmem:v19+s24+$0x0], $0xffff  }
0x508: {  	v18 =	vadd.s32 $0x6, v3;
	v8 =	vadd.f32 v8, v9;
	v16 =	vld.idx.msk [tilespmem:v19+s23+$0x0], $0xffff;
	v19 =	vadd.s32 $0x7, v3  }
0x509: {  	v13 =	vadd.f32 v15, v13;
	v9 =	vunpack.i.u.bf16.f32 v6;
	v6 =	vunpack.i.l.bf16.f32 v6;
	v20 =	vld.idx.msk [tilespmem:v17+s23+$0x0], $0xffff  }
0x50a: {  	v7 =	vmul.bf16 v7, v11;
	v6 =	vadd.f32 v6, v8;
	v8 =	vand.u32 $0x3F, v19;
	v15 =	vld.idx.msk [tilespmem:v17+s24+$0x0], $0xffff  }
0x50b: {  	v11 =	vand.u32 $0x3F, v18;
	v5 =	vmul.bf16 v5, v12;
	v17 =	vor.u32 v4, v8;
	v12 =	vld.idx.msk [tilespmem:v14+s23+$0x0], $0xffff  }
0x50c: {  	v18 =	vor.u32 v4, v11;
	v8 =	vunpack.i.u.bf16.f32 v7;
	v7 =	vunpack.i.l.bf16.f32 v7;
	v14 =	vld.idx.msk [tilespmem:v14+s24+$0x0], $0xffff  }
0x50d: {  	v9 =	vadd.f32 v9, v13;
	v11 =	vunpack.i.u.bf16.f32 v5;
	v5 =	vunpack.i.l.bf16.f32 v5  }
0x50e: {  	v6 =	vadd.f32 v7, v6;
	v7 =	vmul.bf16 v10, v16  }
0x50f: {  	v3 =	vadd.s32 $0x8, v3;
	v9 =	vadd.f32 v8, v9  }
0x510: {  	v3 =	vand.u32 $0x3F, v3;
	v13 =	vunpack.i.u.bf16.f32 v7;
	v16 =	vunpack.i.l.bf16.f32 v7;
	v8 =	vld.idx.msk [tilespmem:v17+s23+$0x0], $0xffff  }
0x511: {  	v10 =	vor.u32 v4, v3;
	v19 =	vadd.f32 v11, v9;
	v7 =	vadd.s32 $0x1, v3;
	v11 =	vld.idx.msk [tilespmem:v17+s24+$0x0], $0xffff  }
.Ltmp15:
0x512: {  	v20 =	vmul.bf16 v15, v20;
	v7 =	vand.u32 $0x3F, v7;
	v21 =	vmul.bf16 v14, v12;
	v9 =	vld.idx.msk [tilespmem:v18+s23+$0x0], $0xffff;
	(pc) =	sbr.rel @p1 .LBB2_32-.Ltmp15, $4  }
0x513: {  	v6 =	vadd.f32 v5, v6;
	v7 =	vor.u32 v4, v7;
	v14 =	vadd.s32 $0x2, v3;
	v12 =	vld.idx.msk [tilespmem:v18+s24+$0x0], $0xffff  }
0x514: {  	v15 =	vunpack.i.l.bf16.f32 v20;
	v5 =	vand.u32 $0x3F, v14;
	v14 =	vadd.f32 v13, v19  }
0x515: {  	v17 =	vadd.f32 v16, v6;
	v5 =	vor.u32 v4, v5;
	v13 =	vunpack.i.u.bf16.f32 v21  }
0x516: {  	v19 =	vadd.s32 $0x3, v3;
	v18 =	vunpack.i.u.bf16.f32 v20;
	v16 =	vunpack.i.l.bf16.f32 v21;
	v6 =	vld.idx.msk [tilespmem:v10+s23+$0x0], $0xffff  }
0x517: {  	_ = 	snop  }
0x518: {  	v19 =	vand.u32 $0x3F, v19  }
0x519: {  	v20 =	vadd.s32 $0x4, v3;
	v8 =	vmul.bf16 v11, v8;
	v15 =	vadd.f32 v15, v17  }
0x51a: {  	v14 =	vadd.f32 v18, v14;
	v35 =	vadd.s32 $0x5, v3;
	v44 =	vadd.s32 $0x6, v3  }
0x51b: {  	v10 =	vld.idx.msk [tilespmem:v10+s24+$0x0], $0xffff;
	v3 =	vadd.s32 $0x7, v3;
	v33 =	vor.u32 v4, v19;
	v34 =	vand.u32 $0x3F, v20  }
0x51c: {  	v37 =	vld.idx.msk [tilespmem:v7+s23+$0x0], $0xffff;
	v9 =	vmul.bf16 v12, v9;
	v38 =	vand.u32 $0x3F, v35;
	v46 =	vand.u32 $0x3F, v44  }
0x51d: {  	v39 =	vld.idx.msk [tilespmem:v7+s24+$0x0], $0xffff;
	v36 =	vor.u32 v4, v34;
	v15 =	vadd.f32 v16, v15;
	v13 =	vadd.f32 v13, v14  }
0x51e: {  	v41 =	vld.idx.msk [tilespmem:v5+s23+$0x0], $0xffff;
	v3 =	vand.u32 $0x3F, v3;
	v40 =	vunpack.i.u.bf16.f32 v9;
	v9 =	vunpack.i.l.bf16.f32 v9  }
0x51f: {  	v42 =	vld.idx.msk [tilespmem:v5+s24+$0x0], $0xffff;
	v14 =	vor.u32 v4, v38;
	v9 =	vadd.f32 v9, v15;
	v13 =	vadd.f32 v40, v13  }
0x520: {  	v43 =	vunpack.i.u.bf16.f32 v8;
	v8 =	vunpack.i.l.bf16.f32 v8;
	v6 =	vmul.bf16 v10, v6;
	v45 =	vld.idx.msk [tilespmem:v33+s24+$0x0], $0xffff  }
0x521: {  	v8 =	vadd.f32 v8, v9;
	v11 =	vld.idx.msk [tilespmem:v33+s23+$0x0], $0xffff;
	v10 =	vadd.f32 v43, v13;
	v9 =	vor.u32 v4, v46  }
0x522: {  	v7 =	vmul.bf16 v39, v37;
	v47 =	vunpack.i.u.bf16.f32 v6;
	v6 =	vunpack.i.l.bf16.f32 v6;
	v48 =	vld.idx.msk [tilespmem:v36+s23+$0x0], $0xffff  }
0x523: {  	v3 =	vor.u32 v4, v3;
	v49 =	vld.idx.msk [tilespmem:v36+s24+$0x0], $0xffff;
	v6 =	vadd.f32 v6, v8;
	v50 =	vadd.f32 v47, v10  }
0x524: {  	v5 =	vmul.bf16 v42, v41;
	v51 =	vld.idx.msk [tilespmem:v14+s23+$0x0], $0xffff;
	v52 =	vunpack.i.u.bf16.f32 v7;
	v7 =	vunpack.i.l.bf16.f32 v7  }
0x525: {  	v14 =	vld.idx.msk [tilespmem:v14+s24+$0x0], $0xffff;
	v6 =	vadd.f32 v7, v6;
	v4 =	vadd.f32 v52, v50  }
0x526: {  	v53 =	vunpack.i.u.bf16.f32 v5;
	v5 =	vunpack.i.l.bf16.f32 v5;
	v11 =	vmul.bf16 v45, v11;
	v54 =	vld.idx.msk [tilespmem:v9+s23+$0x0], $0xffff  }
0x527: {  	v55 =	vld.idx.msk [tilespmem:v9+s24+$0x0], $0xffff;
	v4 =	vadd.f32 v53, v4;
	v5 =	vadd.f32 v5, v6  }
0x528: {  	v58 =	vld.idx.msk [tilespmem:v3+s23+$0x0], $0xffff;
	v8 =	vmul.bf16 v49, v48;
	v56 =	vunpack.i.u.bf16.f32 v11;
	v57 =	vunpack.i.l.bf16.f32 v11  }
0x529: {  	v3 =	vld.idx.msk [tilespmem:v3+s24+$0x0], $0xffff;
	v4 =	vadd.f32 v56, v4;
	v5 =	vadd.f32 v57, v5  }
0x52a: {  	v59 =	vmul.bf16 v14, v51;
	v60 =	vunpack.i.l.bf16.f32 v8;
	v8 =	vunpack.i.u.bf16.f32 v8  }
0x52b: {  	v5 =	vadd.f32 v60, v5;
	v4 =	vadd.f32 v8, v4  }
0x52c: {  	v61 =	vunpack.i.u.bf16.f32 v59;
	v7 =	vunpack.i.l.bf16.f32 v59;
	v6 =	vmul.bf16 v55, v54  }
0x52d: {  	v5 =	vadd.f32 v7, v5;
	v4 =	vadd.f32 v61, v4  }
0x52e: {  	v3 =	vmul.bf16 v3, v58;
	v62 =	vunpack.i.u.bf16.f32 v6;
	v6 =	vunpack.i.l.bf16.f32 v6  }
0x52f: {  	v5 =	vadd.f32 v6, v5;
	v4 =	vadd.f32 v62, v4  }
0x530: {  	v63 =	vunpack.i.u.bf16.f32 v3;
	v3 =	vunpack.i.l.bf16.f32 v3  }
0x531: {  	v3 =	vadd.f32 v3, v5;
	v4 =	vadd.f32 v63, v4;
	_ =	sdelay $0x1  }
0x532: {  	v3 =	vadd.f32 v4, v3;
	_ =	sdelay $0x1  }
0x533: {  	v3 =	vsub.f32 $0.0e+00, v3;
	_ =	sdelay $0x1  }
0x534: {  	v3 =	vmul.f32 $1.442695020e+00, v3;
	_ =	sdelay $0x1  }
0x535: {  	(erf) = vpow2.f32 v3;
	_ =	sdelay $0x8  }
0x536: {  	v3 =	vpop (erf)  }
0x537: {  	v3 =	vadd.f32 $1.000000000e+00, v3;
	_ =	sdelay $0x1  }
0x538: {  	(erf) = vrcp.f32 v3;
	_ =	sdelay $0x8  }
0x539: {  	v3 =	vpop (erf)  }
0x53a: {  	v3 =	vadd.f32 $1.000000010e-07, v3;
	_ =	sdelay $0x1  }
0x53b: {  	v3 =	vmul.f32 $9.999998210e-01, v3;
	_ =	sdelay $0x1  }
0x53c: {  	s7 =	rddreg [dreg:$0x9];
	s8 =	simm.s32 $0xED80;
	[tilespmem:$0x11480] =	vst v3  }
0x53d: {  	[hbm4b:s7+s4] =	stream.linear.scatter [tilespmem:s8], [sflag:$0x7], $0x2710, $0x38;
	[tilespmem:$0x11490] =	vst v63  }
0x53e: {  	_ =	swait.ge [sflag:s1], $0x2710  }
0x53f: {  	s6 =	sadd.s32 $0x1, s6;
	s14 =	rddreg [dreg:$0xa]  }
0x540: {  	p1 =	sne.s32 s6, s14  }
.Ltmp16:
0x541: {  	_ = 	snop;
	(pc) =	sbr.rel @p1 .LBB2_1-.Ltmp16, $3  }
0x542: {  	_ =	sdelay $0x1  }
0x543: {  	[sflag:s1] =	ssyncset.done $0x0  }
0x544: {  	[sflag:s1] =	ssyncadd.s32 $0xFFFFD8F0  }
0x545: {  	_ =	sfence.sel $0x180000  }
0x546: {  	[bflag:$0x0] =	sbarrier.arrive $0xFFFF  }
0x547: {  	_ =	strace $0x90000047  }
0x548: {  	s0 =	stileid.u32;
	[bflag:$0x2] =	sbarrier.arrive $0xFFFF  }
0x549: {  	p0 =	sne.s32 s0, $0x0;
	s0 =	rddreg [dreg:$0x3]  }
0x54a: {  	s0 =	sadd.s32 @!p0 $0x100000, s0  }
0x54b: {  	[sflag:s0] =	ssyncadd.tile.s32 @!p0 $0x1;
	_ =	shalt  }
.Lfunc_end2:
_tile_overlayer_lowered:
.L_overlay_start_2:
0x54c: {  	(tag) =	ssettag $0x2  }
0x54d: {  	s0 =	rddreg [dreg:$0x0];
	s2 =	stileid.u32  }
0x54e: {  	s1 =	rddreg [dreg:$0x1];
	p0 =	sne.s32 s2, $0x0  }
0x54f: {  	s3 =	rddreg [dreg:$0x2];
	[bflag:$0x3] =	sbarrier.arrive $0xFFFF;
	s2 =	simm.s32 @!p0 $0x1C07  }
0x550: {  	[timem:s3], [sflag:s2] =	dma.local @!p0 [hbm:s0], s1  }
0x551: {  	s0 =	simm.s32 @!p0 $0x7  }
0x552: {  	_ =	swait.ge @!p0 [sflag:s0], s1  }
0x553: {  	s1 =	ssub.s32 @!p0 $0x0, s1;
	[sflag:s0] =	ssyncset.done @!p0 $0x0  }
0x554: {  	[sflag:s0] =	ssyncadd.s32 @!p0 s1  }
0x555: {  	[bflag:$0x3] =	sbarrier.arrive $0xFFFF  }
0x556: {  	_ =	shalt  }

</sc_bundles>
